<compile_context>
chip_gen: v7x
topology: tpu7x:2x2x1
jax: 0.10.2.dev20260603
libtpu: 0.0.44.dev20260713+nightly
codegen_flags: <defaults>
</compile_context>

<pallas_src>
import functools

import jax
import jax.numpy as jnp
from jax import lax
from jax.experimental import pallas as pl
from jax.experimental.pallas import tpu as pltpu
from jax.experimental.pallas import tpu_sc as plsc

_NC = 2
_NS = 16
_NW = _NC * _NS
_IDX_CHUNK = 128
_DP = 128


@functools.cache
def _sc_mesh():
    return plsc.VectorSubcoreMesh(
        core_axis_name="c", subcore_axis_name="s", num_cores=_NC, num_subcores=_NS
    )


def _sc_gather(table, idx, idx_off, e):
    n, d = table.shape
    epw = e // _NW

    @functools.partial(
        pl.kernel,
        out_type=jax.ShapeDtypeStruct((e, d), jnp.float32),
        mesh=_sc_mesh(),
        scratch_types=[
            pltpu.VMEM((epw,), jnp.int32),
            pltpu.VMEM((epw, d), jnp.float32),
            pltpu.SemaphoreType.DMA,
        ],
    )
    def gk(table_hbm, idx_hbm, out_hbm, idx_v, rows_v, sem):
        wid = lax.axis_index("s") * _NC + lax.axis_index("c")
        base = wid * epw
        pltpu.sync_copy(idx_hbm.at[pl.ds(idx_off + base, epw)], idx_v)
        descs = []
        for j in range(epw // _IDX_CHUNK):
            sl = pl.ds(j * _IDX_CHUNK, _IDX_CHUNK)
            descs.append(
                pltpu.async_copy(table_hbm.at[idx_v.at[sl]], rows_v.at[sl], sem))
        for dsc in descs:
            dsc.wait()
        pltpu.sync_copy(rows_v, out_hbm.at[pl.ds(base, epw)])

    return gk(table, idx)


def _sc_scatter_add(msg, dst, zeros_nd):
    e, d = msg.shape
    n = zeros_nd.shape[0]
    epw = e // _NW
    rows_pw = n // _NS
    chunks = epw // _IDX_CHUNK

    @functools.partial(
        pl.kernel,
        out_type=jax.ShapeDtypeStruct((_NC, n, d), jnp.float32),
        mesh=_sc_mesh(),
        scratch_types=[
            pltpu.VMEM((chunks, _IDX_CHUNK), jnp.int32),
            pltpu.VMEM((epw, d), jnp.float32),
            pltpu.VMEM_SHARED((n, d), jnp.float32),
            pltpu.SemaphoreType.DMA,
        ],
    )
    def sk(msg_hbm, dst_hbm, z_hbm, out_hbm, idx_v, rows_v, shared, sem):
        c = lax.axis_index("c")
        s = lax.axis_index("s")
        wid = s * _NC + c
        base = wid * epw
        nsl = pl.ds(s * rows_pw, rows_pw)
        descs = [
            pltpu.async_copy(z_hbm.at[nsl], shared.at[nsl], sem),
            pltpu.async_copy(msg_hbm.at[pl.ds(base, epw)], rows_v, sem),
        ]
        for j in range(chunks):
            descs.append(
                pltpu.async_copy(dst_hbm.at[pl.ds(base + j * _IDX_CHUNK,
                                                  _IDX_CHUNK)], idx_v.at[j], sem))
        for dsc in descs:
            dsc.wait()
        plsc.subcore_barrier()
        descs = []
        for j in range(chunks):
            descs.append(pltpu.async_copy(
                rows_v.at[pl.ds(j * _IDX_CHUNK, _IDX_CHUNK)],
                shared.at[idx_v.at[j]],
                sem,
                add=True,
            ))
        for dsc in descs:
            dsc.wait()
        plsc.subcore_barrier()
        pltpu.sync_copy(shared.at[nsl], out_hbm.at[c, nsl])

    return sk(msg, dst, zeros_nd)


def _msg_body(ea_ref, hs_ref, w1_ref, b1_ref, w2_ref, b2_ref, rep_ref,
              out_ref, *, cin, cout):
    g = jnp.maximum(
        jnp.dot(ea_ref[...], w1_ref[...], preferred_element_type=jnp.float32)
        + b1_ref[...],
        0.0,
    )
    w = jnp.dot(g.astype(jnp.bfloat16), w2_ref[...],
                preferred_element_type=jnp.float32) + b2_ref[...]
    w = w.astype(jnp.bfloat16).astype(jnp.float32)
    hs_rep = jnp.dot(hs_ref[:, 0:cin].astype(jnp.bfloat16), rep_ref[...],
                     preferred_element_type=jnp.float32)
    p = hs_rep * w
    while p.shape[1] > cout:
        half = p.shape[1] // 2
        p = p[:, :half] + p[:, half:]
    out_ref[...] = p


def _edge_messages(ea, hs, w1, b1, w2, b2, cin, cout, off, ne, block_e=1024):
    de = ea.shape[1]
    hid = w1.shape[1]
    blk_off = off // block_e
    return pl.pallas_call(
        functools.partial(_msg_body, cin=cin, cout=cout),
        grid=(ne // block_e,),
        in_specs=[
            pl.BlockSpec((block_e, de), lambda i: (i + blk_off, 0)),
            pl.BlockSpec((block_e, _DP), lambda i: (i, 0)),
            pl.BlockSpec((de, hid), lambda i: (0, 0)),
            pl.BlockSpec((1, hid), lambda i: (0, 0)),
            pl.BlockSpec((hid, cin * cout), lambda i: (0, 0)),
            pl.BlockSpec((1, cin * cout), lambda i: (0, 0)),
            pl.BlockSpec((cin, cin * cout), lambda i: (0, 0)),
        ],
        out_specs=pl.BlockSpec((block_e, cout), lambda i: (i, 0)),
        out_shape=jax.ShapeDtypeStruct((ne, cout), jnp.float32),
    )(ea.astype(jnp.bfloat16), hs, w1.astype(jnp.bfloat16),
      b1.reshape(1, -1), w2.astype(jnp.bfloat16), b2.reshape(1, -1),
      jnp.repeat(jnp.eye(cin, dtype=jnp.bfloat16), cout, axis=1))


def _epi_body(part_ref, h_ref, root_ref, bias_ref, gamma_ref, beta_ref,
              hn_ref, xl_ref, *, n_graphs, npg, d):
    t = (
        part_ref[0]
        + part_ref[1]
        + jnp.dot(h_ref[:, 0:d].astype(jnp.bfloat16), root_ref[...],
                  preferred_element_type=jnp.float32)
        + bias_ref[...]
    )
    mu = jnp.mean(t, axis=0, keepdims=True)
    var = jnp.mean(jnp.square(t - mu), axis=0, keepdims=True)
    hn = (t - mu) * lax.rsqrt(var + 1e-5) * gamma_ref[...] + beta_ref[...]
    hn_ref[:, 0:d] = hn
    hn_ref[:, d:] = jnp.zeros((hn.shape[0], _DP - d), jnp.float32)
    for g in range(n_graphs):
        blk = hn[g * npg : (g + 1) * npg, :]
        xl_ref[g : g + 1, 0:d] = jnp.max(blk, axis=0, keepdims=True)
        xl_ref[g : g + 1, d : 2 * d] = jnp.mean(blk, axis=0, keepdims=True)


def _epilogue(parts, h, root, bias, gamma, beta, n_graphs):
    n = h.shape[0]
    d = root.shape[1]
    npg = n // n_graphs
    return pl.pallas_call(
        functools.partial(_epi_body, n_graphs=n_graphs, npg=npg, d=d),
        out_shape=(
            jax.ShapeDtypeStruct((n, _DP), jnp.float32),
            jax.ShapeDtypeStruct((n_graphs, 2 * d), jnp.float32),
        ),
    )(parts, h, root.astype(jnp.bfloat16), bias.reshape(1, -1),
      gamma.reshape(1, -1), beta.reshape(1, -1))


def _head_body(x1, x2, x3, w4, b4, g4, be4, w5, b5, g5, be5, w6, b6, out_ref):
    def bn(t, gamma, beta):
        mu = jnp.mean(t, axis=0, keepdims=True)
        var = jnp.mean(jnp.square(t - mu), axis=0, keepdims=True)
        return (t - mu) * lax.rsqrt(var + 1e-5) * gamma[...] + beta[...]

    z = x1[...] + x2[...] + x3[...]
    z = bn(jnp.dot(z.astype(jnp.bfloat16), w4[...],
                   preferred_element_type=jnp.float32) + b4[...], g4, be4)
    z = bn(jnp.dot(z.astype(jnp.bfloat16), w5[...],
                   preferred_element_type=jnp.float32) + b5[...], g5, be5)
    z = jnp.dot(z.astype(jnp.bfloat16), w6[...],
                preferred_element_type=jnp.float32) + b6[...]
    out_ref[...] = jnp.maximum(z, 0.0)


def _head(x1, x2, x3, lin1, bn4, lin2, bn5, lin3):
    ng = x1.shape[0]
    dout = lin3["W"].shape[1]
    return pl.pallas_call(
        _head_body,
        out_shape=jax.ShapeDtypeStruct((ng, dout), jnp.float32),
    )(x1, x2, x3,
      lin1["W"].astype(jnp.bfloat16), lin1["b"].reshape(1, -1),
      bn4["gamma"].reshape(1, -1), bn4["beta"].reshape(1, -1),
      lin2["W"].astype(jnp.bfloat16), lin2["b"].reshape(1, -1),
      bn5["gamma"].reshape(1, -1), bn5["beta"].reshape(1, -1),
      lin3["W"].astype(jnp.bfloat16), lin3["b"].reshape(1, -1))


def kernel(x, edge_attr, params, edge_index, batch):
    src = edge_index[0]
    dst = edge_index[1]
    n, d = x.shape
    n_graphs = 32
    p = params

    zeros_nd = jnp.zeros((n, d), jnp.float32)
    xp = jnp.pad(x, ((0, 0), (0, _DP - d)))

    e = edge_attr.shape[0]

    def layer(hp, pn, pc, pb):
        hs = _sc_gather(hp, src, 0, e)
        msg = _edge_messages(
            edge_attr, hs,
            pn["l1"]["W"], pn["l1"]["b"], pn["l2"]["W"], pn["l2"]["b"],
            cin=d, cout=pc["root"].shape[1], off=0, ne=e,
        )
        parts = _sc_scatter_add(msg, dst, zeros_nd)
        return _epilogue(parts, hp, pc["root"], pc["bias"],
                         pb["gamma"], pb["beta"], n_graphs)

    h1, x1 = layer(xp, p["nn1"], p["conv1"], p["bn1"])
    h2, x2 = layer(h1, p["nn2"], p["conv2"], p["bn2"])
    h3, x3 = layer(h2, p["nn3"], p["conv3"], p["bn3"])
    return _head(x1, x2, x3, p["lin1"], p["bn4"], p["lin2"], p["bn5"],
                 p["lin3"])

# --- scband reference (transcript-rebuilt; emitter-appended) ---
"""Pipeline reference for scband-net-50783693308232 (READ-ONLY COPY).

The authoritative reference and input builder live on the scoring server;
editing this copy changes nothing except your own understanding.
"""

import jax, jax.numpy as jnp
import numpy as np

N_GRAPHS = 32
NODES_PER_GRAPH = 64
N = N_GRAPHS * NODES_PER_GRAPH  # 2048 total nodes
E = 8192                        # total edges
D_EDGE = 256                    # num_edges init param == edge-attr dim fed to Understanding MLP
HID = 256                       # hidden_size_nn
OUT_CH = 64                     # out_channel
NUM_NODES = 64                  # num_nodes init param == conv1 in_channels (num_nodes * num_node_feature)


def _lin(key, fan_in, fan_out):
    kw, kb = jax.random.split(key)
    w = jax.random.normal(kw, (fan_in, fan_out), dtype=jnp.float32) / np.sqrt(fan_in)
    b = jnp.zeros((fan_out,), dtype=jnp.float32)
    return {"W": w, "b": b}


def _bn(d):
    return {"gamma": jnp.ones((d,), jnp.float32), "beta": jnp.zeros((d,), jnp.float32)}


def setup_inputs(seed: int = 0) -> dict:
    key = jax.random.key(seed)
    ks = jax.random.split(key, 20)
    x = jax.random.normal(ks[0], (N, NUM_NODES), dtype=jnp.float32)
    edge_index = jax.random.randint(ks[1], (2, E), 0, N, dtype=jnp.int32)
    batch = jnp.repeat(jnp.arange(N_GRAPHS, dtype=jnp.int32), NODES_PER_GRAPH)
    edge_attr = jax.random.uniform(ks[2], (E, D_EDGE), dtype=jnp.float32)
    params = {
        "nn1": {"l1": _lin(ks[3], D_EDGE, HID), "l2": _lin(ks[4], HID, NUM_NODES * OUT_CH)},
        "conv1": {"root": jax.random.normal(ks[5], (NUM_NODES, OUT_CH), dtype=jnp.float32) / np.sqrt(NUM_NODES),
                  "bias": jnp.zeros((OUT_CH,), jnp.float32)},
        "bn1": _bn(OUT_CH),
        "nn2": {"l1": _lin(ks[6], D_EDGE, HID), "l2": _lin(ks[7], HID, OUT_CH * OUT_CH)},
        "conv2": {"root": jax.random.normal(ks[8], (OUT_CH, OUT_CH), dtype=jnp.float32) / np.sqrt(OUT_CH),
                  "bias": jnp.zeros((OUT_CH,), jnp.float32)},
        "bn2": _bn(OUT_CH),
        "nn3": {"l1": _lin(ks[9], D_EDGE, HID), "l2": _lin(ks[10], HID, OUT_CH * OUT_CH)},
        "conv3": {"root": jax.random.normal(ks[11], (OUT_CH, OUT_CH), dtype=jnp.float32) / np.sqrt(OUT_CH),
                  "bias": jnp.zeros((OUT_CH,), jnp.float32)},
        "bn3": _bn(OUT_CH),
        "lin1": _lin(ks[12], 2 * OUT_CH, 512), "bn4": _bn(512),
        "lin2": _lin(ks[13], 512, 256), "bn5": _bn(256),
        "lin3": _lin(ks[14], 256, NUM_NODES * NUM_NODES),
    }
    return {"x": x, "edge_attr": edge_attr, "params": params, "edge_index": edge_index, "batch": batch}


def _forward(x, edge_attr, params, edge_index, batch):
    src = edge_index[0]
    dst = edge_index[1]

    def mlp(p, e):
        # Understanding: Linear -> ReLU -> (dropout off in eval) -> Linear
        h = jax.nn.relu(e @ p["l1"]["W"] + p["l1"]["b"])
        return h @ p["l2"]["W"] + p["l2"]["b"]

    def nnconv(pn, pc, h, in_ch, out_ch):
        # PyG NNConv: out_i = h_i @ root + bias + sum_{j->i} h_j @ W(e_ij)
        w = mlp(pn, edge_attr).reshape(E, in_ch, out_ch)
        msg = jnp.einsum("ei,eio->eo", jnp.take(h, src, axis=0), w)
        agg = jax.ops.segment_sum(msg, dst, num_segments=N)
        return agg + h @ pc["root"] + pc["bias"]

    def bn(p, h):
        # BatchnormDropout: BatchNorm1d with batch statistics, dropout disabled (eval)
        mu = jnp.mean(h, axis=0)
        var = jnp.var(h, axis=0)
        return (h - mu) / jnp.sqrt(var + 1e-5) * p["gamma"] + p["beta"]

    def readout(h):
        # gmp = global_max_pool, gap = global_mean_pool over the batch vector
        mx = jax.ops.segment_max(h, batch, num_segments=N_GRAPHS)
        s = jax.ops.segment_sum(h, batch, num_segments=N_GRAPHS)
        cnt = jax.ops.segment_sum(jnp.ones((h.shape[0], 1), h.dtype), batch, num_segments=N_GRAPHS)
        return jnp.concatenate([mx, s / jnp.maximum(cnt, 1.0)], axis=1)

    h = bn(params["bn1"], nnconv(params["nn1"], params["conv1"], x, NUM_NODES, OUT_CH))
    x1 = readout(h)
    h = bn(params["bn2"], nnconv(params["nn2"], params["conv2"], h, OUT_CH, OUT_CH))
    x2 = readout(h)
    h = bn(params["bn3"], nnconv(params["nn3"], params["conv3"], h, OUT_CH, OUT_CH))
    x3 = readout(h)
    z = x1 + x2 + x3
    z = bn(params["bn4"], z @ params["lin1"]["W"] + params["lin1"]["b"])
    z = bn(params["bn5"], z @ params["lin2"]["W"] + params["lin2"]["b"])
    z = jax.nn.relu(z @ params["lin3"]["W"] + params["lin3"]["b"])
    return z


def reference(x, edge_attr, params, edge_index, batch):
    return _forward(x, edge_attr, params, edge_index, batch)

if __name__ == "__main__":
    import jax
    _d = setup_inputs()
    print(jax.jit(kernel)(*tuple(_d.values())))

</pallas_src>

<mosaic_0001>
#map = affine_map<(d0, d1) -> (0, 0)>
#map1 = affine_map<(d0, d1) -> (0)>
#map2 = affine_map<(d0, d1) -> (0, 0, 0)>
module attributes {stable_mosaic.version = 14 : i64} {
  func.func @sk(%arg0: i32, %arg1: i32, %arg2: memref<8192x64xf32, #tpu.memory_space<hbm>>, %arg3: memref<8192xi32, #tpu.memory_space<hbm>>, %arg4: memref<2048x64xf32, #tpu.memory_space<hbm>>, %arg5: memref<2x2048x64xf32, #tpu.memory_space<hbm>>, %arg6: memref<2x128xi32, #tpu.memory_space<vmem>>, %arg7: memref<256x64xf32, #tpu.memory_space<vmem>>, %arg8: memref<2048x64xf32, #tpu.memory_space<vmem_shared>>, %arg9: memref<!tpu.dma_semaphore, #tpu.memory_space<semaphore_mem>>) attributes {dimension_semantics = [#tpu.dimension_semantics<core_parallel>, #tpu.dimension_semantics<subcore_parallel>], iteration_bounds = array<i64: 2, 16>, scalar_prefetch = 0 : i64, scratch_operands = 4 : i64, tpu.core_type = #tpu.core_type<sc_vector_subcore>, window_params = [{transform_indices = #map}, {transform_indices = #map1}, {transform_indices = #map}, {transform_indices = #map2}]} {
    %mul3A = arith.constant 2 : i32
    %mul3A_0 = arith.muli %arg1, %mul3A : i32
    %add3A = arith.addi %mul3A_0, %arg0 : i32
    %mul3A_1 = arith.constant 256 : i32
    %mul3A_2 = arith.muli %add3A, %mul3A_1 : i32
    %mul3A_3 = arith.constant 128 : i32
    %mul3A_4 = arith.muli %arg1, %mul3A_3 : i32
    %dma_start3A = arith.constant 0 : i32
    %dma_start3A_5 = tpu.memref_slice %arg8[%mul3A_4, %dma_start3A] : memref<2048x64xf32, #tpu.memory_space<vmem_shared>> -> memref<128x64xf32, #tpu.memory_space<vmem_shared>>
    %dma_start3A_6 = arith.constant 0 : i32
    %dma_start3A_7 = tpu.memref_slice %arg4[%mul3A_4, %dma_start3A_6] : memref<2048x64xf32, #tpu.memory_space<hbm>> -> memref<128x64xf32, #tpu.memory_space<hbm>>
    tpu.enqueue_dma source(%dma_start3A_7 : memref<128x64xf32, #tpu.memory_space<hbm>>) target(%dma_start3A_5 : memref<128x64xf32, #tpu.memory_space<vmem_shared>>) target_semaphore(%arg9 : memref<!tpu.dma_semaphore, #tpu.memory_space<semaphore_mem>>)
    %dma_start3A_8 = arith.constant 0 : i32
    %dma_start3A_9 = tpu.memref_slice %arg2[%mul3A_2, %dma_start3A_8] : memref<8192x64xf32, #tpu.memory_space<hbm>> -> memref<256x64xf32, #tpu.memory_space<hbm>>
    %dma_start3A_10 = arith.constant 0 : i32
    %dma_start3A_11 = tpu.memref_slice %arg2[%mul3A_2, %dma_start3A_10] : memref<8192x64xf32, #tpu.memory_space<hbm>> -> memref<256x64xf32, #tpu.memory_space<hbm>>
    tpu.enqueue_dma source(%dma_start3A_11 : memref<256x64xf32, #tpu.memory_space<hbm>>) target(%arg7 : memref<256x64xf32, #tpu.memory_space<vmem>>) target_semaphore(%arg9 : memref<!tpu.dma_semaphore, #tpu.memory_space<semaphore_mem>>)
    %add3A_12 = arith.constant 0 : i32
    %add3A_13 = arith.addi %mul3A_2, %add3A_12 : i32
    %dma_start3A_14 = arith.constant 0 : i32
    %dma_start3A_15 = arith.constant 0 : i32
    %dma_start3A_16 = tpu.memref_slice %arg6[%dma_start3A_14, %dma_start3A_15] : memref<2x128xi32, #tpu.memory_space<vmem>> -> memref<1x128xi32, #tpu.memory_space<vmem>>
    %dma_start3A_17 = tpu.memref_squeeze %dma_start3A_16 : memref<1x128xi32, #tpu.memory_space<vmem>> -> memref<128xi32, #tpu.memory_space<vmem>>
    %dma_start3A_18 = tpu.memref_slice %arg3[%add3A_13] : memref<8192xi32, #tpu.memory_space<hbm>> -> memref<128xi32, #tpu.memory_space<hbm>>
    %dma_start3A_19 = arith.constant 0 : i32
    %dma_start3A_20 = tpu.memref_slice %arg6[%dma_start3A_14, %dma_start3A_19] : memref<2x128xi32, #tpu.memory_space<vmem>> -> memref<1x128xi32, #tpu.memory_space<vmem>>
    %dma_start3A_21 = tpu.memref_squeeze %dma_start3A_20 : memref<1x128xi32, #tpu.memory_space<vmem>> -> memref<128xi32, #tpu.memory_space<vmem>>
    %dma_start3A_22 = tpu.memref_slice %arg3[%add3A_13] : memref<8192xi32, #tpu.memory_space<hbm>> -> memref<128xi32, #tpu.memory_space<hbm>>
    tpu.enqueue_dma source(%dma_start3A_22 : memref<128xi32, #tpu.memory_space<hbm>>) target(%dma_start3A_21 : memref<128xi32, #tpu.memory_space<vmem>>) target_semaphore(%arg9 : memref<!tpu.dma_semaphore, #tpu.memory_space<semaphore_mem>>)
    %add3A_23 = arith.constant 128 : i32
    %add3A_24 = arith.addi %mul3A_2, %add3A_23 : i32
    %dma_start3A_25 = arith.constant 1 : i32
    %dma_start3A_26 = arith.constant 0 : i32
    %dma_start3A_27 = tpu.memref_slice %arg6[%dma_start3A_25, %dma_start3A_26] : memref<2x128xi32, #tpu.memory_space<vmem>> -> memref<1x128xi32, #tpu.memory_space<vmem>>
    %dma_start3A_28 = tpu.memref_squeeze %dma_start3A_27 : memref<1x128xi32, #tpu.memory_space<vmem>> -> memref<128xi32, #tpu.memory_space<vmem>>
    %dma_start3A_29 = tpu.memref_slice %arg3[%add3A_24] : memref<8192xi32, #tpu.memory_space<hbm>> -> memref<128xi32, #tpu.memory_space<hbm>>
    %dma_start3A_30 = arith.constant 0 : i32
    %dma_start3A_31 = tpu.memref_slice %arg6[%dma_start3A_25, %dma_start3A_30] : memref<2x128xi32, #tpu.memory_space<vmem>> -> memref<1x128xi32, #tpu.memory_space<vmem>>
    %dma_start3A_32 = tpu.memref_squeeze %dma_start3A_31 : memref<1x128xi32, #tpu.memory_space<vmem>> -> memref<128xi32, #tpu.memory_space<vmem>>
    %dma_start3A_33 = tpu.memref_slice %arg3[%add3A_24] : memref<8192xi32, #tpu.memory_space<hbm>> -> memref<128xi32, #tpu.memory_space<hbm>>
    tpu.enqueue_dma source(%dma_start3A_33 : memref<128xi32, #tpu.memory_space<hbm>>) target(%dma_start3A_32 : memref<128xi32, #tpu.memory_space<vmem>>) target_semaphore(%arg9 : memref<!tpu.dma_semaphore, #tpu.memory_space<semaphore_mem>>)
    %dma_wait3A = arith.constant 0 : i32
    %dma_wait3A_34 = tpu.memref_slice %arg8[%mul3A_4, %dma_wait3A] : memref<2048x64xf32, #tpu.memory_space<vmem_shared>> -> memref<128x64xf32, #tpu.memory_space<vmem_shared>>
    %dma_wait3A_35 = arith.constant 0 : i32
    %dma_wait3A_36 = tpu.memref_slice %arg4[%mul3A_4, %dma_wait3A_35] : memref<2048x64xf32, #tpu.memory_space<hbm>> -> memref<128x64xf32, #tpu.memory_space<hbm>>
    tpu.wait_dma2 semaphore(%arg9 : memref<!tpu.dma_semaphore, #tpu.memory_space<semaphore_mem>>) src(%dma_wait3A_36 : memref<128x64xf32, #tpu.memory_space<hbm>>) dst(%dma_wait3A_34 : memref<128x64xf32, #tpu.memory_space<vmem_shared>>)
    %dma_wait3A_37 = arith.constant 0 : i32
    %dma_wait3A_38 = tpu.memref_slice %arg2[%mul3A_2, %dma_wait3A_37] : memref<8192x64xf32, #tpu.memory_space<hbm>> -> memref<256x64xf32, #tpu.memory_space<hbm>>
    %dma_wait3A_39 = arith.constant 0 : i32
    %dma_wait3A_40 = tpu.memref_slice %arg2[%mul3A_2, %dma_wait3A_39] : memref<8192x64xf32, #tpu.memory_space<hbm>> -> memref<256x64xf32, #tpu.memory_space<hbm>>
    tpu.wait_dma2 semaphore(%arg9 : memref<!tpu.dma_semaphore, #tpu.memory_space<semaphore_mem>>) src(%dma_wait3A_40 : memref<256x64xf32, #tpu.memory_space<hbm>>) dst(%arg7 : memref<256x64xf32, #tpu.memory_space<vmem>>)
    %dma_wait3A_41 = arith.constant 0 : i32
    %dma_wait3A_42 = arith.constant 0 : i32
    %dma_wait3A_43 = tpu.memref_slice %arg6[%dma_wait3A_41, %dma_wait3A_42] : memref<2x128xi32, #tpu.memory_space<vmem>> -> memref<1x128xi32, #tpu.memory_space<vmem>>
    %dma_wait3A_44 = tpu.memref_squeeze %dma_wait3A_43 : memref<1x128xi32, #tpu.memory_space<vmem>> -> memref<128xi32, #tpu.memory_space<vmem>>
    %dma_wait3A_45 = tpu.memref_slice %arg3[%add3A_13] : memref<8192xi32, #tpu.memory_space<hbm>> -> memref<128xi32, #tpu.memory_space<hbm>>
    %dma_wait3A_46 = arith.constant 0 : i32
    %dma_wait3A_47 = tpu.memref_slice %arg6[%dma_wait3A_41, %dma_wait3A_46] : memref<2x128xi32, #tpu.memory_space<vmem>> -> memref<1x128xi32, #tpu.memory_space<vmem>>
    %dma_wait3A_48 = tpu.memref_squeeze %dma_wait3A_47 : memref<1x128xi32, #tpu.memory_space<vmem>> -> memref<128xi32, #tpu.memory_space<vmem>>
    %dma_wait3A_49 = tpu.memref_slice %arg3[%add3A_13] : memref<8192xi32, #tpu.memory_space<hbm>> -> memref<128xi32, #tpu.memory_space<hbm>>
    tpu.wait_dma2 semaphore(%arg9 : memref<!tpu.dma_semaphore, #tpu.memory_space<semaphore_mem>>) src(%dma_wait3A_49 : memref<128xi32, #tpu.memory_space<hbm>>) dst(%dma_wait3A_48 : memref<128xi32, #tpu.memory_space<vmem>>)
    %dma_wait3A_50 = arith.constant 1 : i32
    %dma_wait3A_51 = arith.constant 0 : i32
    %dma_wait3A_52 = tpu.memref_slice %arg6[%dma_wait3A_50, %dma_wait3A_51] : memref<2x128xi32, #tpu.memory_space<vmem>> -> memref<1x128xi32, #tpu.memory_space<vmem>>
    %dma_wait3A_53 = tpu.memref_squeeze %dma_wait3A_52 : memref<1x128xi32, #tpu.memory_space<vmem>> -> memref<128xi32, #tpu.memory_space<vmem>>
    %dma_wait3A_54 = tpu.memref_slice %arg3[%add3A_24] : memref<8192xi32, #tpu.memory_space<hbm>> -> memref<128xi32, #tpu.memory_space<hbm>>
    %dma_wait3A_55 = arith.constant 0 : i32
    %dma_wait3A_56 = tpu.memref_slice %arg6[%dma_wait3A_50, %dma_wait3A_55] : memref<2x128xi32, #tpu.memory_space<vmem>> -> memref<1x128xi32, #tpu.memory_space<vmem>>
    %dma_wait3A_57 = tpu.memref_squeeze %dma_wait3A_56 : memref<1x128xi32, #tpu.memory_space<vmem>> -> memref<128xi32, #tpu.memory_space<vmem>>
    %dma_wait3A_58 = tpu.memref_slice %arg3[%add3A_24] : memref<8192xi32, #tpu.memory_space<hbm>> -> memref<128xi32, #tpu.memory_space<hbm>>
    tpu.wait_dma2 semaphore(%arg9 : memref<!tpu.dma_semaphore, #tpu.memory_space<semaphore_mem>>) src(%dma_wait3A_58 : memref<128xi32, #tpu.memory_space<hbm>>) dst(%dma_wait3A_57 : memref<128xi32, #tpu.memory_space<vmem>>)
    %barrier3A = arith.constant 0 : index
    tpu.barrier barrier_id(%barrier3A)
    %dma_start3A_59 = arith.constant 0 : i32
    %dma_start3A_60 = arith.constant 0 : i32
    %dma_start3A_61 = arith.constant 0 : i32
    %dma_start3A_62 = tpu.memref_slice %arg7[%dma_start3A_60, %dma_start3A_61] : memref<256x64xf32, #tpu.memory_space<vmem>> -> memref<128x64xf32, #tpu.memory_space<vmem>>
    %dma_start3A_63 = arith.constant 0 : i32
    %dma_start3A_64 = tpu.memref_slice %arg6[%dma_start3A_59, %dma_start3A_63] : memref<2x128xi32, #tpu.memory_space<vmem>> -> memref<1x128xi32, #tpu.memory_space<vmem>>
    %dma_start3A_65 = tpu.memref_squeeze %dma_start3A_64 : memref<1x128xi32, #tpu.memory_space<vmem>> -> memref<128xi32, #tpu.memory_space<vmem>>
    %dma_start3A_66 = arith.constant 0 : i32
    %dma_start3A_67 = arith.constant 0 : i32
    %dma_start3A_68 = tpu.memref_slice %arg8[%dma_start3A_66, %dma_start3A_67] : memref<2048x64xf32, #tpu.memory_space<vmem_shared>> -> memref<2048x64xf32, #tpu.memory_space<vmem_shared>>
    tpu.enqueue_indirect_dma source(%dma_start3A_62 : memref<128x64xf32, #tpu.memory_space<vmem>>) target(%dma_start3A_68 : memref<2048x64xf32, #tpu.memory_space<vmem_shared>>) offsets(%dma_start3A_65 : memref<128xi32, #tpu.memory_space<vmem>>) semaphore(%arg9 : memref<!tpu.dma_semaphore, #tpu.memory_space<semaphore_mem>>) {add = true}
    %dma_start3A_69 = arith.constant 1 : i32
    %dma_start3A_70 = arith.constant 128 : i32
    %dma_start3A_71 = arith.constant 0 : i32
    %dma_start3A_72 = tpu.memref_slice %arg7[%dma_start3A_70, %dma_start3A_71] : memref<256x64xf32, #tpu.memory_space<vmem>> -> memref<128x64xf32, #tpu.memory_space<vmem>>
    %dma_start3A_73 = arith.constant 0 : i32
    %dma_start3A_74 = tpu.memref_slice %arg6[%dma_start3A_69, %dma_start3A_73] : memref<2x128xi32, #tpu.memory_space<vmem>> -> memref<1x128xi32, #tpu.memory_space<vmem>>
    %dma_start3A_75 = tpu.memref_squeeze %dma_start3A_74 : memref<1x128xi32, #tpu.memory_space<vmem>> -> memref<128xi32, #tpu.memory_space<vmem>>
    %dma_start3A_76 = arith.constant 0 : i32
    %dma_start3A_77 = arith.constant 0 : i32
    %dma_start3A_78 = tpu.memref_slice %arg8[%dma_start3A_76, %dma_start3A_77] : memref<2048x64xf32, #tpu.memory_space<vmem_shared>> -> memref<2048x64xf32, #tpu.memory_space<vmem_shared>>
    tpu.enqueue_indirect_dma source(%dma_start3A_72 : memref<128x64xf32, #tpu.memory_space<vmem>>) target(%dma_start3A_78 : memref<2048x64xf32, #tpu.memory_space<vmem_shared>>) offsets(%dma_start3A_75 : memref<128xi32, #tpu.memory_space<vmem>>) semaphore(%arg9 : memref<!tpu.dma_semaphore, #tpu.memory_space<semaphore_mem>>) {add = true}
    %dma_wait3A_79 = arith.constant 0 : i32
    %dma_wait3A_80 = arith.constant 0 : i32
    %dma_wait3A_81 = arith.constant 0 : i32
    %dma_wait3A_82 = tpu.memref_slice %arg7[%dma_wait3A_80, %dma_wait3A_81] : memref<256x64xf32, #tpu.memory_space<vmem>> -> memref<128x64xf32, #tpu.memory_space<vmem>>
    %dma_wait3A_83 = arith.constant 0 : i32
    %dma_wait3A_84 = tpu.memref_slice %arg6[%dma_wait3A_79, %dma_wait3A_83] : memref<2x128xi32, #tpu.memory_space<vmem>> -> memref<1x128xi32, #tpu.memory_space<vmem>>
    %dma_wait3A_85 = tpu.memref_squeeze %dma_wait3A_84 : memref<1x128xi32, #tpu.memory_space<vmem>> -> memref<128xi32, #tpu.memory_space<vmem>>
    %dma_wait3A_86 = arith.constant 0 : i32
    %dma_wait3A_87 = arith.constant 0 : i32
    %dma_wait3A_88 = tpu.memref_slice %arg8[%dma_wait3A_86, %dma_wait3A_87] : memref<2048x64xf32, #tpu.memory_space<vmem_shared>> -> memref<2048x64xf32, #tpu.memory_space<vmem_shared>>
    tpu.wait_indirect_dma semaphore(%arg9 : memref<!tpu.dma_semaphore, #tpu.memory_space<semaphore_mem>>) src(%dma_wait3A_82 : memref<128x64xf32, #tpu.memory_space<vmem>>) dst(%dma_wait3A_88 : memref<2048x64xf32, #tpu.memory_space<vmem_shared>>)
    %dma_wait3A_89 = arith.constant 1 : i32
    %dma_wait3A_90 = arith.constant 128 : i32
    %dma_wait3A_91 = arith.constant 0 : i32
    %dma_wait3A_92 = tpu.memref_slice %arg7[%dma_wait3A_90, %dma_wait3A_91] : memref<256x64xf32, #tpu.memory_space<vmem>> -> memref<128x64xf32, #tpu.memory_space<vmem>>
    %dma_wait3A_93 = arith.constant 0 : i32
    %dma_wait3A_94 = tpu.memref_slice %arg6[%dma_wait3A_89, %dma_wait3A_93] : memref<2x128xi32, #tpu.memory_space<vmem>> -> memref<1x128xi32, #tpu.memory_space<vmem>>
    %dma_wait3A_95 = tpu.memref_squeeze %dma_wait3A_94 : memref<1x128xi32, #tpu.memory_space<vmem>> -> memref<128xi32, #tpu.memory_space<vmem>>
    %dma_wait3A_96 = arith.constant 0 : i32
    %dma_wait3A_97 = arith.constant 0 : i32
    %dma_wait3A_98 = tpu.memref_slice %arg8[%dma_wait3A_96, %dma_wait3A_97] : memref<2048x64xf32, #tpu.memory_space<vmem_shared>> -> memref<2048x64xf32, #tpu.memory_space<vmem_shared>>
    tpu.wait_indirect_dma semaphore(%arg9 : memref<!tpu.dma_semaphore, #tpu.memory_space<semaphore_mem>>) src(%dma_wait3A_92 : memref<128x64xf32, #tpu.memory_space<vmem>>) dst(%dma_wait3A_98 : memref<2048x64xf32, #tpu.memory_space<vmem_shared>>)
    %barrier3A_99 = arith.constant 0 : index
    tpu.barrier barrier_id(%barrier3A_99)
    "tpu.region"() ({
      %run_scoped3A = tpu.sem_alloc : memref<!tpu.dma_semaphore, #tpu.memory_space<semaphore_mem>>
      %dma_start3A_100 = arith.constant 0 : i32
      %dma_start3A_101 = tpu.memref_slice %arg5[%arg0, %mul3A_4, %dma_start3A_100] : memref<2x2048x64xf32, #tpu.memory_space<hbm>> -> memref<1x128x64xf32, #tpu.memory_space<hbm>>
      %dma_start3A_102 = tpu.memref_squeeze %dma_start3A_101 : memref<1x128x64xf32, #tpu.memory_space<hbm>> -> memref<128x64xf32, #tpu.memory_space<hbm>>
      %dma_start3A_103 = arith.constant 0 : i32
      %dma_start3A_104 = tpu.memref_slice %arg8[%mul3A_4, %dma_start3A_103] : memref<2048x64xf32, #tpu.memory_space<vmem_shared>> -> memref<128x64xf32, #tpu.memory_space<vmem_shared>>
      tpu.enqueue_dma source(%dma_start3A_104 : memref<128x64xf32, #tpu.memory_space<vmem_shared>>) target(%dma_start3A_102 : memref<128x64xf32, #tpu.memory_space<hbm>>) target_semaphore(%run_scoped3A : memref<!tpu.dma_semaphore, #tpu.memory_space<semaphore_mem>>)
      %dma_wait3A_105 = arith.constant 0 : i32
      %dma_wait3A_106 = tpu.memref_slice %arg5[%arg0, %mul3A_4, %dma_wait3A_105] : memref<2x2048x64xf32, #tpu.memory_space<hbm>> -> memref<1x128x64xf32, #tpu.memory_space<hbm>>
      %dma_wait3A_107 = tpu.memref_squeeze %dma_wait3A_106 : memref<1x128x64xf32, #tpu.memory_space<hbm>> -> memref<128x64xf32, #tpu.memory_space<hbm>>
      %dma_wait3A_108 = arith.constant 0 : i32
      %dma_wait3A_109 = tpu.memref_slice %arg8[%mul3A_4, %dma_wait3A_108] : memref<2048x64xf32, #tpu.memory_space<vmem_shared>> -> memref<128x64xf32, #tpu.memory_space<vmem_shared>>
      tpu.wait_dma2 semaphore(%run_scoped3A : memref<!tpu.dma_semaphore, #tpu.memory_space<semaphore_mem>>) src(%dma_wait3A_109 : memref<128x64xf32, #tpu.memory_space<vmem_shared>>) dst(%dma_wait3A_107 : memref<128x64xf32, #tpu.memory_space<hbm>>)
      tpu.yield
    }) : () -> ()
    return
  }
}

#map = affine_map<(d0, d1) -> (0, 0)>
#map1 = affine_map<(d0, d1) -> (0)>
#map2 = affine_map<(d0, d1) -> (0, 0, 0)>
module attributes {stable_mosaic.version = 14 : i64} {
  func.func @sk(%arg0: i32, %arg1: i32, %arg2: memref<8192x64xf32, #tpu.memory_space<hbm>>, %arg3: memref<8192xi32, #tpu.memory_space<hbm>>, %arg4: memref<2048x64xf32, #tpu.memory_space<hbm>>, %arg5: memref<2x2048x64xf32, #tpu.memory_space<hbm>>, %arg6: memref<2x128xi32, #tpu.memory_space<vmem>>, %arg7: memref<256x64xf32, #tpu.memory_space<vmem>>, %arg8: memref<2048x64xf32, #tpu.memory_space<vmem_shared>>, %arg9: memref<!tpu.dma_semaphore, #tpu.memory_space<semaphore_mem>>) attributes {dimension_semantics = [#tpu.dimension_semantics<core_parallel>, #tpu.dimension_semantics<subcore_parallel>], iteration_bounds = array<i64: 2, 16>, scalar_prefetch = 0 : i64, scratch_operands = 4 : i64, tpu.core_type = #tpu.core_type<sc_vector_subcore>, window_params = [{transform_indices = #map}, {transform_indices = #map1}, {transform_indices = #map}, {transform_indices = #map2}]} {
    %mul3A = arith.constant 2 : i32
    %mul3A_0 = arith.muli %arg1, %mul3A : i32
    %add3A = arith.addi %mul3A_0, %arg0 : i32
    %mul3A_1 = arith.constant 256 : i32
    %mul3A_2 = arith.muli %add3A, %mul3A_1 : i32
    %mul3A_3 = arith.constant 128 : i32
    %mul3A_4 = arith.muli %arg1, %mul3A_3 : i32
    %dma_start3A = arith.constant 0 : i32
    %dma_start3A_5 = tpu.memref_slice %arg8[%mul3A_4, %dma_start3A] : memref<2048x64xf32, #tpu.memory_space<vmem_shared>> -> memref<128x64xf32, #tpu.memory_space<vmem_shared>>
    %dma_start3A_6 = arith.constant 0 : i32
    %dma_start3A_7 = tpu.memref_slice %arg4[%mul3A_4, %dma_start3A_6] : memref<2048x64xf32, #tpu.memory_space<hbm>> -> memref<128x64xf32, #tpu.memory_space<hbm>>
    tpu.enqueue_dma source(%dma_start3A_7 : memref<128x64xf32, #tpu.memory_space<hbm>>) target(%dma_start3A_5 : memref<128x64xf32, #tpu.memory_space<vmem_shared>>) target_semaphore(%arg9 : memref<!tpu.dma_semaphore, #tpu.memory_space<semaphore_mem>>)
    %dma_start3A_8 = arith.constant 0 : i32
    %dma_start3A_9 = tpu.memref_slice %arg2[%mul3A_2, %dma_start3A_8] : memref<8192x64xf32, #tpu.memory_space<hbm>> -> memref<256x64xf32, #tpu.memory_space<hbm>>
    %dma_start3A_10 = arith.constant 0 : i32
    %dma_start3A_11 = tpu.memref_slice %arg2[%mul3A_2, %dma_start3A_10] : memref<8192x64xf32, #tpu.memory_space<hbm>> -> memref<256x64xf32, #tpu.memory_space<hbm>>
    tpu.enqueue_dma source(%dma_start3A_11 : memref<256x64xf32, #tpu.memory_space<hbm>>) target(%arg7 : memref<256x64xf32, #tpu.memory_space<vmem>>) target_semaphore(%arg9 : memref<!tpu.dma_semaphore, #tpu.memory_space<semaphore_mem>>)
    %add3A_12 = arith.constant 0 : i32
    %add3A_13 = arith.addi %mul3A_2, %add3A_12 : i32
    %dma_start3A_14 = arith.constant 0 : i32
    %dma_start3A_15 = arith.constant 0 : i32
    %dma_start3A_16 = tpu.memref_slice %arg6[%dma_start3A_14, %dma_start3A_15] : memref<2x128xi32, #tpu.memory_space<vmem>> -> memref<1x128xi32, #tpu.memory_space<vmem>>
    %dma_start3A_17 = tpu.memref_squeeze %dma_start3A_16 : memref<1x128xi32, #tpu.memory_space<vmem>> -> memref<128xi32, #tpu.memory_space<vmem>>
    %dma_start3A_18 = tpu.memref_slice %arg3[%add3A_13] : memref<8192xi32, #tpu.memory_space<hbm>> -> memref<128xi32, #tpu.memory_space<hbm>>
    %dma_start3A_19 = arith.constant 0 : i32
    %dma_start3A_20 = tpu.memref_slice %arg6[%dma_start3A_14, %dma_start3A_19] : memref<2x128xi32, #tpu.memory_space<vmem>> -> memref<1x128xi32, #tpu.memory_space<vmem>>
    %dma_start3A_21 = tpu.memref_squeeze %dma_start3A_20 : memref<1x128xi32, #tpu.memory_space<vmem>> -> memref<128xi32, #tpu.memory_space<vmem>>
    %dma_start3A_22 = tpu.memref_slice %arg3[%add3A_13] : memref<8192xi32, #tpu.memory_space<hbm>> -> memref<128xi32, #tpu.memory_space<hbm>>
    tpu.enqueue_dma source(%dma_start3A_22 : memref<128xi32, #tpu.memory_space<hbm>>) target(%dma_start3A_21 : memref<128xi32, #tpu.memory_space<vmem>>) target_semaphore(%arg9 : memref<!tpu.dma_semaphore, #tpu.memory_space<semaphore_mem>>)
    %add3A_23 = arith.constant 128 : i32
    %add3A_24 = arith.addi %mul3A_2, %add3A_23 : i32
    %dma_start3A_25 = arith.constant 1 : i32
    %dma_start3A_26 = arith.constant 0 : i32
    %dma_start3A_27 = tpu.memref_slice %arg6[%dma_start3A_25, %dma_start3A_26] : memref<2x128xi32, #tpu.memory_space<vmem>> -> memref<1x128xi32, #tpu.memory_space<vmem>>
    %dma_start3A_28 = tpu.memref_squeeze %dma_start3A_27 : memref<1x128xi32, #tpu.memory_space<vmem>> -> memref<128xi32, #tpu.memory_space<vmem>>
    %dma_start3A_29 = tpu.memref_slice %arg3[%add3A_24] : memref<8192xi32, #tpu.memory_space<hbm>> -> memref<128xi32, #tpu.memory_space<hbm>>
    %dma_start3A_30 = arith.constant 0 : i32
    %dma_start3A_31 = tpu.memref_slice %arg6[%dma_start3A_25, %dma_start3A_30] : memref<2x128xi32, #tpu.memory_space<vmem>> -> memref<1x128xi32, #tpu.memory_space<vmem>>
    %dma_start3A_32 = tpu.memref_squeeze %dma_start3A_31 : memref<1x128xi32, #tpu.memory_space<vmem>> -> memref<128xi32, #tpu.memory_space<vmem>>
    %dma_start3A_33 = tpu.memref_slice %arg3[%add3A_24] : memref<8192xi32, #tpu.memory_space<hbm>> -> memref<128xi32, #tpu.memory_space<hbm>>
    tpu.enqueue_dma source(%dma_start3A_33 : memref<128xi32, #tpu.memory_space<hbm>>) target(%dma_start3A_32 : memref<128xi32, #tpu.memory_space<vmem>>) target_semaphore(%arg9 : memref<!tpu.dma_semaphore, #tpu.memory_space<semaphore_mem>>)
    %dma_wait3A = arith.constant 0 : i32
    %dma_wait3A_34 = tpu.memref_slice %arg8[%mul3A_4, %dma_wait3A] : memref<2048x64xf32, #tpu.memory_space<vmem_shared>> -> memref<128x64xf32, #tpu.memory_space<vmem_shared>>
    %dma_wait3A_35 = arith.constant 0 : i32
    %dma_wait3A_36 = tpu.memref_slice %arg4[%mul3A_4, %dma_wait3A_35] : memref<2048x64xf32, #tpu.memory_space<hbm>> -> memref<128x64xf32, #tpu.memory_space<hbm>>
    tpu.wait_dma2 semaphore(%arg9 : memref<!tpu.dma_semaphore, #tpu.memory_space<semaphore_mem>>) src(%dma_wait3A_36 : memref<128x64xf32, #tpu.memory_space<hbm>>) dst(%dma_wait3A_34 : memref<128x64xf32, #tpu.memory_space<vmem_shared>>)
    %dma_wait3A_37 = arith.constant 0 : i32
    %dma_wait3A_38 = tpu.memref_slice %arg2[%mul3A_2, %dma_wait3A_37] : memref<8192x64xf32, #tpu.memory_space<hbm>> -> memref<256x64xf32, #tpu.memory_space<hbm>>
    %dma_wait3A_39 = arith.constant 0 : i32
    %dma_wait3A_40 = tpu.memref_slice %arg2[%mul3A_2, %dma_wait3A_39] : memref<8192x64xf32, #tpu.memory_space<hbm>> -> memref<256x64xf32, #tpu.memory_space<hbm>>
    tpu.wait_dma2 semaphore(%arg9 : memref<!tpu.dma_semaphore, #tpu.memory_space<semaphore_mem>>) src(%dma_wait3A_40 : memref<256x64xf32, #tpu.memory_space<hbm>>) dst(%arg7 : memref<256x64xf32, #tpu.memory_space<vmem>>)
    %dma_wait3A_41 = arith.constant 0 : i32
    %dma_wait3A_42 = arith.constant 0 : i32
    %dma_wait3A_43 = tpu.memref_slice %arg6[%dma_wait3A_41, %dma_wait3A_42] : memref<2x128xi32, #tpu.memory_space<vmem>> -> memref<1x128xi32, #tpu.memory_space<vmem>>
    %dma_wait3A_44 = tpu.memref_squeeze %dma_wait3A_43 : memref<1x128xi32, #tpu.memory_space<vmem>> -> memref<128xi32, #tpu.memory_space<vmem>>
    %dma_wait3A_45 = tpu.memref_slice %arg3[%add3A_13] : memref<8192xi32, #tpu.memory_space<hbm>> -> memref<128xi32, #tpu.memory_space<hbm>>
    %dma_wait3A_46 = arith.constant 0 : i32
    %dma_wait3A_47 = tpu.memref_slice %arg6[%dma_wait3A_41, %dma_wait3A_46] : memref<2x128xi32, #tpu.memory_space<vmem>> -> memref<1x128xi32, #tpu.memory_space<vmem>>
    %dma_wait3A_48 = tpu.memref_squeeze %dma_wait3A_47 : memref<1x128xi32, #tpu.memory_space<vmem>> -> memref<128xi32, #tpu.memory_space<vmem>>
    %dma_wait3A_49 = tpu.memref_slice %arg3[%add3A_13] : memref<8192xi32, #tpu.memory_space<hbm>> -> memref<128xi32, #tpu.memory_space<hbm>>
    tpu.wait_dma2 semaphore(%arg9 : memref<!tpu.dma_semaphore, #tpu.memory_space<semaphore_mem>>) src(%dma_wait3A_49 : memref<128xi32, #tpu.memory_space<hbm>>) dst(%dma_wait3A_48 : memref<128xi32, #tpu.memory_space<vmem>>)
    %dma_wait3A_50 = arith.constant 1 : i32
    %dma_wait3A_51 = arith.constant 0 : i32
    %dma_wait3A_52 = tpu.memref_slice %arg6[%dma_wait3A_50, %dma_wait3A_51] : memref<2x128xi32, #tpu.memory_space<vmem>> -> memref<1x128xi32, #tpu.memory_space<vmem>>
    %dma_wait3A_53 = tpu.memref_squeeze %dma_wait3A_52 : memref<1x128xi32, #tpu.memory_space<vmem>> -> memref<128xi32, #tpu.memory_space<vmem>>
    %dma_wait3A_54 = tpu.memref_slice %arg3[%add3A_24] : memref<8192xi32, #tpu.memory_space<hbm>> -> memref<128xi32, #tpu.memory_space<hbm>>
    %dma_wait3A_55 = arith.constant 0 : i32
    %dma_wait3A_56 = tpu.memref_slice %arg6[%dma_wait3A_50, %dma_wait3A_55] : memref<2x128xi32, #tpu.memory_space<vmem>> -> memref<1x128xi32, #tpu.memory_space<vmem>>
    %dma_wait3A_57 = tpu.memref_squeeze %dma_wait3A_56 : memref<1x128xi32, #tpu.memory_space<vmem>> -> memref<128xi32, #tpu.memory_space<vmem>>
    %dma_wait3A_58 = tpu.memref_slice %arg3[%add3A_24] : memref<8192xi32, #tpu.memory_space<hbm>> -> memref<128xi32, #tpu.memory_space<hbm>>
    tpu.wait_dma2 semaphore(%arg9 : memref<!tpu.dma_semaphore, #tpu.memory_space<semaphore_mem>>) src(%dma_wait3A_58 : memref<128xi32, #tpu.memory_space<hbm>>) dst(%dma_wait3A_57 : memref<128xi32, #tpu.memory_space<vmem>>)
    %barrier3A = arith.constant 0 : index
    tpu.barrier barrier_id(%barrier3A)
    %dma_start3A_59 = arith.constant 0 : i32
    %dma_start3A_60 = arith.constant 0 : i32
    %dma_start3A_61 = arith.constant 0 : i32
    %dma_start3A_62 = tpu.memref_slice %arg7[%dma_start3A_60, %dma_start3A_61] : memref<256x64xf32, #tpu.memory_space<vmem>> -> memref<128x64xf32, #tpu.memory_space<vmem>>
    %dma_start3A_63 = arith.constant 0 : i32
    %dma_start3A_64 = tpu.memref_slice %arg6[%dma_start3A_59, %dma_start3A_63] : memref<2x128xi32, #tpu.memory_space<vmem>> -> memref<1x128xi32, #tpu.memory_space<vmem>>
    %dma_start3A_65 = tpu.memref_squeeze %dma_start3A_64 : memref<1x128xi32, #tpu.memory_space<vmem>> -> memref<128xi32, #tpu.memory_space<vmem>>
    %dma_start3A_66 = arith.constant 0 : i32
    %dma_start3A_67 = arith.constant 0 : i32
    %dma_start3A_68 = tpu.memref_slice %arg8[%dma_start3A_66, %dma_start3A_67] : memref<2048x64xf32, #tpu.memory_space<vmem_shared>> -> memref<2048x64xf32, #tpu.memory_space<vmem_shared>>
    tpu.enqueue_indirect_dma source(%dma_start3A_62 : memref<128x64xf32, #tpu.memory_space<vmem>>) target(%dma_start3A_68 : memref<2048x64xf32, #tpu.memory_space<vmem_shared>>) offsets(%dma_start3A_65 : memref<128xi32, #tpu.memory_space<vmem>>) semaphore(%arg9 : memref<!tpu.dma_semaphore, #tpu.memory_space<semaphore_mem>>) {add = true}
    %dma_start3A_69 = arith.constant 1 : i32
    %dma_start3A_70 = arith.constant 128 : i32
    %dma_start3A_71 = arith.constant 0 : i32
    %dma_start3A_72 = tpu.memref_slice %arg7[%dma_start3A_70, %dma_start3A_71] : memref<256x64xf32, #tpu.memory_space<vmem>> -> memref<128x64xf32, #tpu.memory_space<vmem>>
    %dma_start3A_73 = arith.constant 0 : i32
    %dma_start3A_74 = tpu.memref_slice %arg6[%dma_start3A_69, %dma_start3A_73] : memref<2x128xi32, #tpu.memory_space<vmem>> -> memref<1x128xi32, #tpu.memory_space<vmem>>
    %dma_start3A_75 = tpu.memref_squeeze %dma_start3A_74 : memref<1x128xi32, #tpu.memory_space<vmem>> -> memref<128xi32, #tpu.memory_space<vmem>>
    %dma_start3A_76 = arith.constant 0 : i32
    %dma_start3A_77 = arith.constant 0 : i32
    %dma_start3A_78 = tpu.memref_slice %arg8[%dma_start3A_76, %dma_start3A_77] : memref<2048x64xf32, #tpu.memory_space<vmem_shared>> -> memref<2048x64xf32, #tpu.memory_space<vmem_shared>>
    tpu.enqueue_indirect_dma source(%dma_start3A_72 : memref<128x64xf32, #tpu.memory_space<vmem>>) target(%dma_start3A_78 : memref<2048x64xf32, #tpu.memory_space<vmem_shared>>) offsets(%dma_start3A_75 : memref<128xi32, #tpu.memory_space<vmem>>) semaphore(%arg9 : memref<!tpu.dma_semaphore, #tpu.memory_space<semaphore_mem>>) {add = true}
    %dma_wait3A_79 = arith.constant 0 : i32
    %dma_wait3A_80 = arith.constant 0 : i32
    %dma_wait3A_81 = arith.constant 0 : i32
    %dma_wait3A_82 = tpu.memref_slice %arg7[%dma_wait3A_80, %dma_wait3A_81] : memref<256x64xf32, #tpu.memory_space<vmem>> -> memref<128x64xf32, #tpu.memory_space<vmem>>
    %dma_wait3A_83 = arith.constant 0 : i32
    %dma_wait3A_84 = tpu.memref_slice %arg6[%dma_wait3A_79, %dma_wait3A_83] : memref<2x128xi32, #tpu.memory_space<vmem>> -> memref<1x128xi32, #tpu.memory_space<vmem>>
    %dma_wait3A_85 = tpu.memref_squeeze %dma_wait3A_84 : memref<1x128xi32, #tpu.memory_space<vmem>> -> memref<128xi32, #tpu.memory_space<vmem>>
    %dma_wait3A_86 = arith.constant 0 : i32
    %dma_wait3A_87 = arith.constant 0 : i32
    %dma_wait3A_88 = tpu.memref_slice %arg8[%dma_wait3A_86, %dma_wait3A_87] : memref<2048x64xf32, #tpu.memory_space<vmem_shared>> -> memref<2048x64xf32, #tpu.memory_space<vmem_shared>>
    tpu.wait_indirect_dma semaphore(%arg9 : memref<!tpu.dma_semaphore, #tpu.memory_space<semaphore_mem>>) src(%dma_wait3A_82 : memref<128x64xf32, #tpu.memory_space<vmem>>) dst(%dma_wait3A_88 : memref<2048x64xf32, #tpu.memory_space<vmem_shared>>)
    %dma_wait3A_89 = arith.constant 1 : i32
    %dma_wait3A_90 = arith.constant 128 : i32
    %dma_wait3A_91 = arith.constant 0 : i32
    %dma_wait3A_92 = tpu.memref_slice %arg7[%dma_wait3A_90, %dma_wait3A_91] : memref<256x64xf32, #tpu.memory_space<vmem>> -> memref<128x64xf32, #tpu.memory_space<vmem>>
    %dma_wait3A_93 = arith.constant 0 : i32
    %dma_wait3A_94 = tpu.memref_slice %arg6[%dma_wait3A_89, %dma_wait3A_93] : memref<2x128xi32, #tpu.memory_space<vmem>> -> memref<1x128xi32, #tpu.memory_space<vmem>>
    %dma_wait3A_95 = tpu.memref_squeeze %dma_wait3A_94 : memref<1x128xi32, #tpu.memory_space<vmem>> -> memref<128xi32, #tpu.memory_space<vmem>>
    %dma_wait3A_96 = arith.constant 0 : i32
    %dma_wait3A_97 = arith.constant 0 : i32
    %dma_wait3A_98 = tpu.memref_slice %arg8[%dma_wait3A_96, %dma_wait3A_97] : memref<2048x64xf32, #tpu.memory_space<vmem_shared>> -> memref<2048x64xf32, #tpu.memory_space<vmem_shared>>
    tpu.wait_indirect_dma semaphore(%arg9 : memref<!tpu.dma_semaphore, #tpu.memory_space<semaphore_mem>>) src(%dma_wait3A_92 : memref<128x64xf32, #tpu.memory_space<vmem>>) dst(%dma_wait3A_98 : memref<2048x64xf32, #tpu.memory_space<vmem_shared>>)
    %barrier3A_99 = arith.constant 0 : index
    tpu.barrier barrier_id(%barrier3A_99)
    "tpu.region"() ({
      %run_scoped3A = tpu.sem_alloc : memref<!tpu.dma_semaphore, #tpu.memory_space<semaphore_mem>>
      %dma_start3A_100 = arith.constant 0 : i32
      %dma_start3A_101 = tpu.memref_slice %arg5[%arg0, %mul3A_4, %dma_start3A_100] : memref<2x2048x64xf32, #tpu.memory_space<hbm>> -> memref<1x128x64xf32, #tpu.memory_space<hbm>>
      %dma_start3A_102 = tpu.memref_squeeze %dma_start3A_101 : memref<1x128x64xf32, #tpu.memory_space<hbm>> -> memref<128x64xf32, #tpu.memory_space<hbm>>
      %dma_start3A_103 = arith.constant 0 : i32
      %dma_start3A_104 = tpu.memref_slice %arg8[%mul3A_4, %dma_start3A_103] : memref<2048x64xf32, #tpu.memory_space<vmem_shared>> -> memref<128x64xf32, #tpu.memory_space<vmem_shared>>
      tpu.enqueue_dma source(%dma_start3A_104 : memref<128x64xf32, #tpu.memory_space<vmem_shared>>) target(%dma_start3A_102 : memref<128x64xf32, #tpu.memory_space<hbm>>) target_semaphore(%run_scoped3A : memref<!tpu.dma_semaphore, #tpu.memory_space<semaphore_mem>>)
      %dma_wait3A_105 = arith.constant 0 : i32
      %dma_wait3A_106 = tpu.memref_slice %arg5[%arg0, %mul3A_4, %dma_wait3A_105] : memref<2x2048x64xf32, #tpu.memory_space<hbm>> -> memref<1x128x64xf32, #tpu.memory_space<hbm>>
      %dma_wait3A_107 = tpu.memref_squeeze %dma_wait3A_106 : memref<1x128x64xf32, #tpu.memory_space<hbm>> -> memref<128x64xf32, #tpu.memory_space<hbm>>
      %dma_wait3A_108 = arith.constant 0 : i32
      %dma_wait3A_109 = tpu.memref_slice %arg8[%mul3A_4, %dma_wait3A_108] : memref<2048x64xf32, #tpu.memory_space<vmem_shared>> -> memref<128x64xf32, #tpu.memory_space<vmem_shared>>
      tpu.wait_dma2 semaphore(%run_scoped3A : memref<!tpu.dma_semaphore, #tpu.memory_space<semaphore_mem>>) src(%dma_wait3A_109 : memref<128x64xf32, #tpu.memory_space<vmem_shared>>) dst(%dma_wait3A_107 : memref<128x64xf32, #tpu.memory_space<hbm>>)
      tpu.yield
    }) : () -> ()
    return
  }
}

#map = affine_map<(d0, d1) -> (0, 0)>
#map1 = affine_map<(d0, d1) -> (0)>
module attributes {stable_mosaic.version = 14 : i64} {
  func.func @gk(%arg0: i32, %arg1: i32, %arg2: memref<2048x128xf32, #tpu.memory_space<hbm>>, %arg3: memref<8192xi32, #tpu.memory_space<hbm>>, %arg4: memref<8192x128xf32, #tpu.memory_space<hbm>>, %arg5: memref<256xi32, #tpu.memory_space<vmem>>, %arg6: memref<256x128xf32, #tpu.memory_space<vmem>>, %arg7: memref<!tpu.dma_semaphore, #tpu.memory_space<semaphore_mem>>) attributes {dimension_semantics = [#tpu.dimension_semantics<core_parallel>, #tpu.dimension_semantics<subcore_parallel>], iteration_bounds = array<i64: 2, 16>, scalar_prefetch = 0 : i64, scratch_operands = 3 : i64, tpu.core_type = #tpu.core_type<sc_vector_subcore>, window_params = [{transform_indices = #map}, {transform_indices = #map1}, {transform_indices = #map}]} {
    %mul3A = arith.constant 2 : i32
    %mul3A_0 = arith.muli %arg1, %mul3A : i32
    %add3A = arith.addi %mul3A_0, %arg0 : i32
    %mul3A_1 = arith.constant 256 : i32
    %mul3A_2 = arith.muli %add3A, %mul3A_1 : i32
    %add3A_3 = arith.constant 0 : i32
    %add3A_4 = arith.addi %add3A_3, %mul3A_2 : i32
    "tpu.region"() ({
      %run_scoped3A = tpu.sem_alloc : memref<!tpu.dma_semaphore, #tpu.memory_space<semaphore_mem>>
      %dma_start3A_35 = tpu.memref_slice %arg3[%add3A_4] : memref<8192xi32, #tpu.memory_space<hbm>> -> memref<256xi32, #tpu.memory_space<hbm>>
      %dma_start3A_36 = tpu.memref_slice %arg3[%add3A_4] : memref<8192xi32, #tpu.memory_space<hbm>> -> memref<256xi32, #tpu.memory_space<hbm>>
      tpu.enqueue_dma source(%dma_start3A_36 : memref<256xi32, #tpu.memory_space<hbm>>) target(%arg5 : memref<256xi32, #tpu.memory_space<vmem>>) target_semaphore(%run_scoped3A : memref<!tpu.dma_semaphore, #tpu.memory_space<semaphore_mem>>)
      %dma_wait3A_37 = tpu.memref_slice %arg3[%add3A_4] : memref<8192xi32, #tpu.memory_space<hbm>> -> memref<256xi32, #tpu.memory_space<hbm>>
      %dma_wait3A_38 = tpu.memref_slice %arg3[%add3A_4] : memref<8192xi32, #tpu.memory_space<hbm>> -> memref<256xi32, #tpu.memory_space<hbm>>
      tpu.wait_dma2 semaphore(%run_scoped3A : memref<!tpu.dma_semaphore, #tpu.memory_space<semaphore_mem>>) src(%dma_wait3A_38 : memref<256xi32, #tpu.memory_space<hbm>>) dst(%arg5 : memref<256xi32, #tpu.memory_space<vmem>>)
      tpu.yield
    }) : () -> ()
    %dma_start3A = arith.constant 0 : i32
    %dma_start3A_5 = arith.constant 0 : i32
    %dma_start3A_6 = tpu.memref_slice %arg6[%dma_start3A, %dma_start3A_5] : memref<256x128xf32, #tpu.memory_space<vmem>> -> memref<128x128xf32, #tpu.memory_space<vmem>>
    %dma_start3A_7 = arith.constant 0 : i32
    %dma_start3A_8 = tpu.memref_slice %arg5[%dma_start3A_7] : memref<256xi32, #tpu.memory_space<vmem>> -> memref<128xi32, #tpu.memory_space<vmem>>
    %dma_start3A_9 = arith.constant 0 : i32
    %dma_start3A_10 = arith.constant 0 : i32
    %dma_start3A_11 = tpu.memref_slice %arg2[%dma_start3A_9, %dma_start3A_10] : memref<2048x128xf32, #tpu.memory_space<hbm>> -> memref<2048x128xf32, #tpu.memory_space<hbm>>
    tpu.enqueue_indirect_dma source(%dma_start3A_11 : memref<2048x128xf32, #tpu.memory_space<hbm>>) target(%dma_start3A_6 : memref<128x128xf32, #tpu.memory_space<vmem>>) offsets(%dma_start3A_8 : memref<128xi32, #tpu.memory_space<vmem>>) semaphore(%arg7 : memref<!tpu.dma_semaphore, #tpu.memory_space<semaphore_mem>>)
    %dma_start3A_12 = arith.constant 128 : i32
    %dma_start3A_13 = arith.constant 0 : i32
    %dma_start3A_14 = tpu.memref_slice %arg6[%dma_start3A_12, %dma_start3A_13] : memref<256x128xf32, #tpu.memory_space<vmem>> -> memref<128x128xf32, #tpu.memory_space<vmem>>
    %dma_start3A_15 = arith.constant 128 : i32
    %dma_start3A_16 = tpu.memref_slice %arg5[%dma_start3A_15] : memref<256xi32, #tpu.memory_space<vmem>> -> memref<128xi32, #tpu.memory_space<vmem>>
    %dma_start3A_17 = arith.constant 0 : i32
    %dma_start3A_18 = arith.constant 0 : i32
    %dma_start3A_19 = tpu.memref_slice %arg2[%dma_start3A_17, %dma_start3A_18] : memref<2048x128xf32, #tpu.memory_space<hbm>> -> memref<2048x128xf32, #tpu.memory_space<hbm>>
    tpu.enqueue_indirect_dma source(%dma_start3A_19 : memref<2048x128xf32, #tpu.memory_space<hbm>>) target(%dma_start3A_14 : memref<128x128xf32, #tpu.memory_space<vmem>>) offsets(%dma_start3A_16 : memref<128xi32, #tpu.memory_space<vmem>>) semaphore(%arg7 : memref<!tpu.dma_semaphore, #tpu.memory_space<semaphore_mem>>)
    %dma_wait3A = arith.constant 0 : i32
    %dma_wait3A_20 = arith.constant 0 : i32
    %dma_wait3A_21 = tpu.memref_slice %arg6[%dma_wait3A, %dma_wait3A_20] : memref<256x128xf32, #tpu.memory_space<vmem>> -> memref<128x128xf32, #tpu.memory_space<vmem>>
    %dma_wait3A_22 = arith.constant 0 : i32
    %dma_wait3A_23 = tpu.memref_slice %arg5[%dma_wait3A_22] : memref<256xi32, #tpu.memory_space<vmem>> -> memref<128xi32, #tpu.memory_space<vmem>>
    %dma_wait3A_24 = arith.constant 0 : i32
    %dma_wait3A_25 = arith.constant 0 : i32
    %dma_wait3A_26 = tpu.memref_slice %arg2[%dma_wait3A_24, %dma_wait3A_25] : memref<2048x128xf32, #tpu.memory_space<hbm>> -> memref<2048x128xf32, #tpu.memory_space<hbm>>
    tpu.wait_indirect_dma semaphore(%arg7 : memref<!tpu.dma_semaphore, #tpu.memory_space<semaphore_mem>>) src(%dma_wait3A_26 : memref<2048x128xf32, #tpu.memory_space<hbm>>) dst(%dma_wait3A_21 : memref<128x128xf32, #tpu.memory_space<vmem>>)
    %dma_wait3A_27 = arith.constant 128 : i32
    %dma_wait3A_28 = arith.constant 0 : i32
    %dma_wait3A_29 = tpu.memref_slice %arg6[%dma_wait3A_27, %dma_wait3A_28] : memref<256x128xf32, #tpu.memory_space<vmem>> -> memref<128x128xf32, #tpu.memory_space<vmem>>
    %dma_wait3A_30 = arith.constant 128 : i32
    %dma_wait3A_31 = tpu.memref_slice %arg5[%dma_wait3A_30] : memref<256xi32, #tpu.memory_space<vmem>> -> memref<128xi32, #tpu.memory_space<vmem>>
    %dma_wait3A_32 = arith.constant 0 : i32
    %dma_wait3A_33 = arith.constant 0 : i32
    %dma_wait3A_34 = tpu.memref_slice %arg2[%dma_wait3A_32, %dma_wait3A_33] : memref<2048x128xf32, #tpu.memory_space<hbm>> -> memref<2048x128xf32, #tpu.memory_space<hbm>>
    tpu.wait_indirect_dma semaphore(%arg7 : memref<!tpu.dma_semaphore, #tpu.memory_space<semaphore_mem>>) src(%dma_wait3A_34 : memref<2048x128xf32, #tpu.memory_space<hbm>>) dst(%dma_wait3A_29 : memref<128x128xf32, #tpu.memory_space<vmem>>)
    "tpu.region"() ({
      %run_scoped3A = tpu.sem_alloc : memref<!tpu.dma_semaphore, #tpu.memory_space<semaphore_mem>>
      %dma_start3A_35 = arith.constant 0 : i32
      %dma_start3A_36 = tpu.memref_slice %arg4[%mul3A_2, %dma_start3A_35] : memref<8192x128xf32, #tpu.memory_space<hbm>> -> memref<256x128xf32, #tpu.memory_space<hbm>>
      %dma_start3A_37 = arith.constant 0 : i32
      %dma_start3A_38 = tpu.memref_slice %arg4[%mul3A_2, %dma_start3A_37] : memref<8192x128xf32, #tpu.memory_space<hbm>> -> memref<256x128xf32, #tpu.memory_space<hbm>>
      tpu.enqueue_dma source(%arg6 : memref<256x128xf32, #tpu.memory_space<vmem>>) target(%dma_start3A_38 : memref<256x128xf32, #tpu.memory_space<hbm>>) target_semaphore(%run_scoped3A : memref<!tpu.dma_semaphore, #tpu.memory_space<semaphore_mem>>)
      %dma_wait3A_39 = arith.constant 0 : i32
      %dma_wait3A_40 = tpu.memref_slice %arg4[%mul3A_2, %dma_wait3A_39] : memref<8192x128xf32, #tpu.memory_space<hbm>> -> memref<256x128xf32, #tpu.memory_space<hbm>>
      %dma_wait3A_41 = arith.constant 0 : i32
      %dma_wait3A_42 = tpu.memref_slice %arg4[%mul3A_2, %dma_wait3A_41] : memref<8192x128xf32, #tpu.memory_space<hbm>> -> memref<256x128xf32, #tpu.memory_space<hbm>>
      tpu.wait_dma2 semaphore(%run_scoped3A : memref<!tpu.dma_semaphore, #tpu.memory_space<semaphore_mem>>) src(%arg6 : memref<256x128xf32, #tpu.memory_space<vmem>>) dst(%dma_wait3A_42 : memref<256x128xf32, #tpu.memory_space<hbm>>)
      tpu.yield
    }) : () -> ()
    return
  }
}

#map = affine_map<(d0, d1) -> (0, 0)>
#map1 = affine_map<(d0, d1) -> (0)>
module attributes {stable_mosaic.version = 14 : i64} {
  func.func @gk(%arg0: i32, %arg1: i32, %arg2: memref<2048x128xf32, #tpu.memory_space<hbm>>, %arg3: memref<8192xi32, #tpu.memory_space<hbm>>, %arg4: memref<8192x128xf32, #tpu.memory_space<hbm>>, %arg5: memref<256xi32, #tpu.memory_space<vmem>>, %arg6: memref<256x128xf32, #tpu.memory_space<vmem>>, %arg7: memref<!tpu.dma_semaphore, #tpu.memory_space<semaphore_mem>>) attributes {dimension_semantics = [#tpu.dimension_semantics<core_parallel>, #tpu.dimension_semantics<subcore_parallel>], iteration_bounds = array<i64: 2, 16>, scalar_prefetch = 0 : i64, scratch_operands = 3 : i64, tpu.core_type = #tpu.core_type<sc_vector_subcore>, window_params = [{transform_indices = #map}, {transform_indices = #map1}, {transform_indices = #map}]} {
    %mul3A = arith.constant 2 : i32
    %mul3A_0 = arith.muli %arg1, %mul3A : i32
    %add3A = arith.addi %mul3A_0, %arg0 : i32
    %mul3A_1 = arith.constant 256 : i32
    %mul3A_2 = arith.muli %add3A, %mul3A_1 : i32
    %add3A_3 = arith.constant 0 : i32
    %add3A_4 = arith.addi %add3A_3, %mul3A_2 : i32
    "tpu.region"() ({
      %run_scoped3A = tpu.sem_alloc : memref<!tpu.dma_semaphore, #tpu.memory_space<semaphore_mem>>
      %dma_start3A_35 = tpu.memref_slice %arg3[%add3A_4] : memref<8192xi32, #tpu.memory_space<hbm>> -> memref<256xi32, #tpu.memory_space<hbm>>
      %dma_start3A_36 = tpu.memref_slice %arg3[%add3A_4] : memref<8192xi32, #tpu.memory_space<hbm>> -> memref<256xi32, #tpu.memory_space<hbm>>
      tpu.enqueue_dma source(%dma_start3A_36 : memref<256xi32, #tpu.memory_space<hbm>>) target(%arg5 : memref<256xi32, #tpu.memory_space<vmem>>) target_semaphore(%run_scoped3A : memref<!tpu.dma_semaphore, #tpu.memory_space<semaphore_mem>>)
      %dma_wait3A_37 = tpu.memref_slice %arg3[%add3A_4] : memref<8192xi32, #tpu.memory_space<hbm>> -> memref<256xi32, #tpu.memory_space<hbm>>
      %dma_wait3A_38 = tpu.memref_slice %arg3[%add3A_4] : memref<8192xi32, #tpu.memory_space<hbm>> -> memref<256xi32, #tpu.memory_space<hbm>>
      tpu.wait_dma2 semaphore(%run_scoped3A : memref<!tpu.dma_semaphore, #tpu.memory_space<semaphore_mem>>) src(%dma_wait3A_38 : memref<256xi32, #tpu.memory_space<hbm>>) dst(%arg5 : memref<256xi32, #tpu.memory_space<vmem>>)
      tpu.yield
    }) : () -> ()
    %dma_start3A = arith.constant 0 : i32
    %dma_start3A_5 = arith.constant 0 : i32
    %dma_start3A_6 = tpu.memref_slice %arg6[%dma_start3A, %dma_start3A_5] : memref<256x128xf32, #tpu.memory_space<vmem>> -> memref<128x128xf32, #tpu.memory_space<vmem>>
    %dma_start3A_7 = arith.constant 0 : i32
    %dma_start3A_8 = tpu.memref_slice %arg5[%dma_start3A_7] : memref<256xi32, #tpu.memory_space<vmem>> -> memref<128xi32, #tpu.memory_space<vmem>>
    %dma_start3A_9 = arith.constant 0 : i32
    %dma_start3A_10 = arith.constant 0 : i32
    %dma_start3A_11 = tpu.memref_slice %arg2[%dma_start3A_9, %dma_start3A_10] : memref<2048x128xf32, #tpu.memory_space<hbm>> -> memref<2048x128xf32, #tpu.memory_space<hbm>>
    tpu.enqueue_indirect_dma source(%dma_start3A_11 : memref<2048x128xf32, #tpu.memory_space<hbm>>) target(%dma_start3A_6 : memref<128x128xf32, #tpu.memory_space<vmem>>) offsets(%dma_start3A_8 : memref<128xi32, #tpu.memory_space<vmem>>) semaphore(%arg7 : memref<!tpu.dma_semaphore, #tpu.memory_space<semaphore_mem>>)
    %dma_start3A_12 = arith.constant 128 : i32
    %dma_start3A_13 = arith.constant 0 : i32
    %dma_start3A_14 = tpu.memref_slice %arg6[%dma_start3A_12, %dma_start3A_13] : memref<256x128xf32, #tpu.memory_space<vmem>> -> memref<128x128xf32, #tpu.memory_space<vmem>>
    %dma_start3A_15 = arith.constant 128 : i32
    %dma_start3A_16 = tpu.memref_slice %arg5[%dma_start3A_15] : memref<256xi32, #tpu.memory_space<vmem>> -> memref<128xi32, #tpu.memory_space<vmem>>
    %dma_start3A_17 = arith.constant 0 : i32
    %dma_start3A_18 = arith.constant 0 : i32
    %dma_start3A_19 = tpu.memref_slice %arg2[%dma_start3A_17, %dma_start3A_18] : memref<2048x128xf32, #tpu.memory_space<hbm>> -> memref<2048x128xf32, #tpu.memory_space<hbm>>
    tpu.enqueue_indirect_dma source(%dma_start3A_19 : memref<2048x128xf32, #tpu.memory_space<hbm>>) target(%dma_start3A_14 : memref<128x128xf32, #tpu.memory_space<vmem>>) offsets(%dma_start3A_16 : memref<128xi32, #tpu.memory_space<vmem>>) semaphore(%arg7 : memref<!tpu.dma_semaphore, #tpu.memory_space<semaphore_mem>>)
    %dma_wait3A = arith.constant 0 : i32
    %dma_wait3A_20 = arith.constant 0 : i32
    %dma_wait3A_21 = tpu.memref_slice %arg6[%dma_wait3A, %dma_wait3A_20] : memref<256x128xf32, #tpu.memory_space<vmem>> -> memref<128x128xf32, #tpu.memory_space<vmem>>
    %dma_wait3A_22 = arith.constant 0 : i32
    %dma_wait3A_23 = tpu.memref_slice %arg5[%dma_wait3A_22] : memref<256xi32, #tpu.memory_space<vmem>> -> memref<128xi32, #tpu.memory_space<vmem>>
    %dma_wait3A_24 = arith.constant 0 : i32
    %dma_wait3A_25 = arith.constant 0 : i32
    %dma_wait3A_26 = tpu.memref_slice %arg2[%dma_wait3A_24, %dma_wait3A_25] : memref<2048x128xf32, #tpu.memory_space<hbm>> -> memref<2048x128xf32, #tpu.memory_space<hbm>>
    tpu.wait_indirect_dma semaphore(%arg7 : memref<!tpu.dma_semaphore, #tpu.memory_space<semaphore_mem>>) src(%dma_wait3A_26 : memref<2048x128xf32, #tpu.memory_space<hbm>>) dst(%dma_wait3A_21 : memref<128x128xf32, #tpu.memory_space<vmem>>)
    %dma_wait3A_27 = arith.constant 128 : i32
    %dma_wait3A_28 = arith.constant 0 : i32
    %dma_wait3A_29 = tpu.memref_slice %arg6[%dma_wait3A_27, %dma_wait3A_28] : memref<256x128xf32, #tpu.memory_space<vmem>> -> memref<128x128xf32, #tpu.memory_space<vmem>>
    %dma_wait3A_30 = arith.constant 128 : i32
    %dma_wait3A_31 = tpu.memref_slice %arg5[%dma_wait3A_30] : memref<256xi32, #tpu.memory_space<vmem>> -> memref<128xi32, #tpu.memory_space<vmem>>
    %dma_wait3A_32 = arith.constant 0 : i32
    %dma_wait3A_33 = arith.constant 0 : i32
    %dma_wait3A_34 = tpu.memref_slice %arg2[%dma_wait3A_32, %dma_wait3A_33] : memref<2048x128xf32, #tpu.memory_space<hbm>> -> memref<2048x128xf32, #tpu.memory_space<hbm>>
    tpu.wait_indirect_dma semaphore(%arg7 : memref<!tpu.dma_semaphore, #tpu.memory_space<semaphore_mem>>) src(%dma_wait3A_34 : memref<2048x128xf32, #tpu.memory_space<hbm>>) dst(%dma_wait3A_29 : memref<128x128xf32, #tpu.memory_space<vmem>>)
    "tpu.region"() ({
      %run_scoped3A = tpu.sem_alloc : memref<!tpu.dma_semaphore, #tpu.memory_space<semaphore_mem>>
      %dma_start3A_35 = arith.constant 0 : i32
      %dma_start3A_36 = tpu.memref_slice %arg4[%mul3A_2, %dma_start3A_35] : memref<8192x128xf32, #tpu.memory_space<hbm>> -> memref<256x128xf32, #tpu.memory_space<hbm>>
      %dma_start3A_37 = arith.constant 0 : i32
      %dma_start3A_38 = tpu.memref_slice %arg4[%mul3A_2, %dma_start3A_37] : memref<8192x128xf32, #tpu.memory_space<hbm>> -> memref<256x128xf32, #tpu.memory_space<hbm>>
      tpu.enqueue_dma source(%arg6 : memref<256x128xf32, #tpu.memory_space<vmem>>) target(%dma_start3A_38 : memref<256x128xf32, #tpu.memory_space<hbm>>) target_semaphore(%run_scoped3A : memref<!tpu.dma_semaphore, #tpu.memory_space<semaphore_mem>>)
      %dma_wait3A_39 = arith.constant 0 : i32
      %dma_wait3A_40 = tpu.memref_slice %arg4[%mul3A_2, %dma_wait3A_39] : memref<8192x128xf32, #tpu.memory_space<hbm>> -> memref<256x128xf32, #tpu.memory_space<hbm>>
      %dma_wait3A_41 = arith.constant 0 : i32
      %dma_wait3A_42 = tpu.memref_slice %arg4[%mul3A_2, %dma_wait3A_41] : memref<8192x128xf32, #tpu.memory_space<hbm>> -> memref<256x128xf32, #tpu.memory_space<hbm>>
      tpu.wait_dma2 semaphore(%run_scoped3A : memref<!tpu.dma_semaphore, #tpu.memory_space<semaphore_mem>>) src(%arg6 : memref<256x128xf32, #tpu.memory_space<vmem>>) dst(%dma_wait3A_42 : memref<256x128xf32, #tpu.memory_space<hbm>>)
      tpu.yield
    }) : () -> ()
    return
  }
}

#map = affine_map<(d0, d1) -> (0, 0)>
#map1 = affine_map<(d0, d1) -> (0)>
module attributes {stable_mosaic.version = 14 : i64} {
  func.func @gk(%arg0: i32, %arg1: i32, %arg2: memref<2048x128xf32, #tpu.memory_space<hbm>>, %arg3: memref<8192xi32, #tpu.memory_space<hbm>>, %arg4: memref<8192x128xf32, #tpu.memory_space<hbm>>, %arg5: memref<256xi32, #tpu.memory_space<vmem>>, %arg6: memref<256x128xf32, #tpu.memory_space<vmem>>, %arg7: memref<!tpu.dma_semaphore, #tpu.memory_space<semaphore_mem>>) attributes {dimension_semantics = [#tpu.dimension_semantics<core_parallel>, #tpu.dimension_semantics<subcore_parallel>], iteration_bounds = array<i64: 2, 16>, scalar_prefetch = 0 : i64, scratch_operands = 3 : i64, tpu.core_type = #tpu.core_type<sc_vector_subcore>, window_params = [{transform_indices = #map}, {transform_indices = #map1}, {transform_indices = #map}]} {
    %mul3A = arith.constant 2 : i32
    %mul3A_0 = arith.muli %arg1, %mul3A : i32
    %add3A = arith.addi %mul3A_0, %arg0 : i32
    %mul3A_1 = arith.constant 256 : i32
    %mul3A_2 = arith.muli %add3A, %mul3A_1 : i32
    %add3A_3 = arith.constant 0 : i32
    %add3A_4 = arith.addi %add3A_3, %mul3A_2 : i32
    "tpu.region"() ({
      %run_scoped3A = tpu.sem_alloc : memref<!tpu.dma_semaphore, #tpu.memory_space<semaphore_mem>>
      %dma_start3A_35 = tpu.memref_slice %arg3[%add3A_4] : memref<8192xi32, #tpu.memory_space<hbm>> -> memref<256xi32, #tpu.memory_space<hbm>>
      %dma_start3A_36 = tpu.memref_slice %arg3[%add3A_4] : memref<8192xi32, #tpu.memory_space<hbm>> -> memref<256xi32, #tpu.memory_space<hbm>>
      tpu.enqueue_dma source(%dma_start3A_36 : memref<256xi32, #tpu.memory_space<hbm>>) target(%arg5 : memref<256xi32, #tpu.memory_space<vmem>>) target_semaphore(%run_scoped3A : memref<!tpu.dma_semaphore, #tpu.memory_space<semaphore_mem>>)
      %dma_wait3A_37 = tpu.memref_slice %arg3[%add3A_4] : memref<8192xi32, #tpu.memory_space<hbm>> -> memref<256xi32, #tpu.memory_space<hbm>>
      %dma_wait3A_38 = tpu.memref_slice %arg3[%add3A_4] : memref<8192xi32, #tpu.memory_space<hbm>> -> memref<256xi32, #tpu.memory_space<hbm>>
      tpu.wait_dma2 semaphore(%run_scoped3A : memref<!tpu.dma_semaphore, #tpu.memory_space<semaphore_mem>>) src(%dma_wait3A_38 : memref<256xi32, #tpu.memory_space<hbm>>) dst(%arg5 : memref<256xi32, #tpu.memory_space<vmem>>)
      tpu.yield
    }) : () -> ()
    %dma_start3A = arith.constant 0 : i32
    %dma_start3A_5 = arith.constant 0 : i32
    %dma_start3A_6 = tpu.memref_slice %arg6[%dma_start3A, %dma_start3A_5] : memref<256x128xf32, #tpu.memory_space<vmem>> -> memref<128x128xf32, #tpu.memory_space<vmem>>
    %dma_start3A_7 = arith.constant 0 : i32
    %dma_start3A_8 = tpu.memref_slice %arg5[%dma_start3A_7] : memref<256xi32, #tpu.memory_space<vmem>> -> memref<128xi32, #tpu.memory_space<vmem>>
    %dma_start3A_9 = arith.constant 0 : i32
    %dma_start3A_10 = arith.constant 0 : i32
    %dma_start3A_11 = tpu.memref_slice %arg2[%dma_start3A_9, %dma_start3A_10] : memref<2048x128xf32, #tpu.memory_space<hbm>> -> memref<2048x128xf32, #tpu.memory_space<hbm>>
    tpu.enqueue_indirect_dma source(%dma_start3A_11 : memref<2048x128xf32, #tpu.memory_space<hbm>>) target(%dma_start3A_6 : memref<128x128xf32, #tpu.memory_space<vmem>>) offsets(%dma_start3A_8 : memref<128xi32, #tpu.memory_space<vmem>>) semaphore(%arg7 : memref<!tpu.dma_semaphore, #tpu.memory_space<semaphore_mem>>)
    %dma_start3A_12 = arith.constant 128 : i32
    %dma_start3A_13 = arith.constant 0 : i32
    %dma_start3A_14 = tpu.memref_slice %arg6[%dma_start3A_12, %dma_start3A_13] : memref<256x128xf32, #tpu.memory_space<vmem>> -> memref<128x128xf32, #tpu.memory_space<vmem>>
    %dma_start3A_15 = arith.constant 128 : i32
    %dma_start3A_16 = tpu.memref_slice %arg5[%dma_start3A_15] : memref<256xi32, #tpu.memory_space<vmem>> -> memref<128xi32, #tpu.memory_space<vmem>>
    %dma_start3A_17 = arith.constant 0 : i32
    %dma_start3A_18 = arith.constant 0 : i32
    %dma_start3A_19 = tpu.memref_slice %arg2[%dma_start3A_17, %dma_start3A_18] : memref<2048x128xf32, #tpu.memory_space<hbm>> -> memref<2048x128xf32, #tpu.memory_space<hbm>>
    tpu.enqueue_indirect_dma source(%dma_start3A_19 : memref<2048x128xf32, #tpu.memory_space<hbm>>) target(%dma_start3A_14 : memref<128x128xf32, #tpu.memory_space<vmem>>) offsets(%dma_start3A_16 : memref<128xi32, #tpu.memory_space<vmem>>) semaphore(%arg7 : memref<!tpu.dma_semaphore, #tpu.memory_space<semaphore_mem>>)
    %dma_wait3A = arith.constant 0 : i32
    %dma_wait3A_20 = arith.constant 0 : i32
    %dma_wait3A_21 = tpu.memref_slice %arg6[%dma_wait3A, %dma_wait3A_20] : memref<256x128xf32, #tpu.memory_space<vmem>> -> memref<128x128xf32, #tpu.memory_space<vmem>>
    %dma_wait3A_22 = arith.constant 0 : i32
    %dma_wait3A_23 = tpu.memref_slice %arg5[%dma_wait3A_22] : memref<256xi32, #tpu.memory_space<vmem>> -> memref<128xi32, #tpu.memory_space<vmem>>
    %dma_wait3A_24 = arith.constant 0 : i32
    %dma_wait3A_25 = arith.constant 0 : i32
    %dma_wait3A_26 = tpu.memref_slice %arg2[%dma_wait3A_24, %dma_wait3A_25] : memref<2048x128xf32, #tpu.memory_space<hbm>> -> memref<2048x128xf32, #tpu.memory_space<hbm>>
    tpu.wait_indirect_dma semaphore(%arg7 : memref<!tpu.dma_semaphore, #tpu.memory_space<semaphore_mem>>) src(%dma_wait3A_26 : memref<2048x128xf32, #tpu.memory_space<hbm>>) dst(%dma_wait3A_21 : memref<128x128xf32, #tpu.memory_space<vmem>>)
    %dma_wait3A_27 = arith.constant 128 : i32
    %dma_wait3A_28 = arith.constant 0 : i32
    %dma_wait3A_29 = tpu.memref_slice %arg6[%dma_wait3A_27, %dma_wait3A_28] : memref<256x128xf32, #tpu.memory_space<vmem>> -> memref<128x128xf32, #tpu.memory_space<vmem>>
    %dma_wait3A_30 = arith.constant 128 : i32
    %dma_wait3A_31 = tpu.memref_slice %arg5[%dma_wait3A_30] : memref<256xi32, #tpu.memory_space<vmem>> -> memref<128xi32, #tpu.memory_space<vmem>>
    %dma_wait3A_32 = arith.constant 0 : i32
    %dma_wait3A_33 = arith.constant 0 : i32
    %dma_wait3A_34 = tpu.memref_slice %arg2[%dma_wait3A_32, %dma_wait3A_33] : memref<2048x128xf32, #tpu.memory_space<hbm>> -> memref<2048x128xf32, #tpu.memory_space<hbm>>
    tpu.wait_indirect_dma semaphore(%arg7 : memref<!tpu.dma_semaphore, #tpu.memory_space<semaphore_mem>>) src(%dma_wait3A_34 : memref<2048x128xf32, #tpu.memory_space<hbm>>) dst(%dma_wait3A_29 : memref<128x128xf32, #tpu.memory_space<vmem>>)
    "tpu.region"() ({
      %run_scoped3A = tpu.sem_alloc : memref<!tpu.dma_semaphore, #tpu.memory_space<semaphore_mem>>
      %dma_start3A_35 = arith.constant 0 : i32
      %dma_start3A_36 = tpu.memref_slice %arg4[%mul3A_2, %dma_start3A_35] : memref<8192x128xf32, #tpu.memory_space<hbm>> -> memref<256x128xf32, #tpu.memory_space<hbm>>
      %dma_start3A_37 = arith.constant 0 : i32
      %dma_start3A_38 = tpu.memref_slice %arg4[%mul3A_2, %dma_start3A_37] : memref<8192x128xf32, #tpu.memory_space<hbm>> -> memref<256x128xf32, #tpu.memory_space<hbm>>
      tpu.enqueue_dma source(%arg6 : memref<256x128xf32, #tpu.memory_space<vmem>>) target(%dma_start3A_38 : memref<256x128xf32, #tpu.memory_space<hbm>>) target_semaphore(%run_scoped3A : memref<!tpu.dma_semaphore, #tpu.memory_space<semaphore_mem>>)
      %dma_wait3A_39 = arith.constant 0 : i32
      %dma_wait3A_40 = tpu.memref_slice %arg4[%mul3A_2, %dma_wait3A_39] : memref<8192x128xf32, #tpu.memory_space<hbm>> -> memref<256x128xf32, #tpu.memory_space<hbm>>
      %dma_wait3A_41 = arith.constant 0 : i32
      %dma_wait3A_42 = tpu.memref_slice %arg4[%mul3A_2, %dma_wait3A_41] : memref<8192x128xf32, #tpu.memory_space<hbm>> -> memref<256x128xf32, #tpu.memory_space<hbm>>
      tpu.wait_dma2 semaphore(%run_scoped3A : memref<!tpu.dma_semaphore, #tpu.memory_space<semaphore_mem>>) src(%arg6 : memref<256x128xf32, #tpu.memory_space<vmem>>) dst(%dma_wait3A_42 : memref<256x128xf32, #tpu.memory_space<hbm>>)
      tpu.yield
    }) : () -> ()
    return
  }
}

#map = affine_map<(d0, d1) -> (0, 0)>
#map1 = affine_map<(d0, d1) -> (0)>
#map2 = affine_map<(d0, d1) -> (0, 0, 0)>
module attributes {stable_mosaic.version = 14 : i64} {
  func.func @sk(%arg0: i32, %arg1: i32, %arg2: memref<8192x64xf32, #tpu.memory_space<hbm>>, %arg3: memref<8192xi32, #tpu.memory_space<hbm>>, %arg4: memref<2048x64xf32, #tpu.memory_space<hbm>>, %arg5: memref<2x2048x64xf32, #tpu.memory_space<hbm>>, %arg6: memref<2x128xi32, #tpu.memory_space<vmem>>, %arg7: memref<256x64xf32, #tpu.memory_space<vmem>>, %arg8: memref<2048x64xf32, #tpu.memory_space<vmem_shared>>, %arg9: memref<!tpu.dma_semaphore, #tpu.memory_space<semaphore_mem>>) attributes {dimension_semantics = [#tpu.dimension_semantics<core_parallel>, #tpu.dimension_semantics<subcore_parallel>], iteration_bounds = array<i64: 2, 16>, scalar_prefetch = 0 : i64, scratch_operands = 4 : i64, tpu.core_type = #tpu.core_type<sc_vector_subcore>, window_params = [{transform_indices = #map}, {transform_indices = #map1}, {transform_indices = #map}, {transform_indices = #map2}]} {
    %mul3A = arith.constant 2 : i32
    %mul3A_0 = arith.muli %arg1, %mul3A : i32
    %add3A = arith.addi %mul3A_0, %arg0 : i32
    %mul3A_1 = arith.constant 256 : i32
    %mul3A_2 = arith.muli %add3A, %mul3A_1 : i32
    %mul3A_3 = arith.constant 128 : i32
    %mul3A_4 = arith.muli %arg1, %mul3A_3 : i32
    %dma_start3A = arith.constant 0 : i32
    %dma_start3A_5 = tpu.memref_slice %arg8[%mul3A_4, %dma_start3A] : memref<2048x64xf32, #tpu.memory_space<vmem_shared>> -> memref<128x64xf32, #tpu.memory_space<vmem_shared>>
    %dma_start3A_6 = arith.constant 0 : i32
    %dma_start3A_7 = tpu.memref_slice %arg4[%mul3A_4, %dma_start3A_6] : memref<2048x64xf32, #tpu.memory_space<hbm>> -> memref<128x64xf32, #tpu.memory_space<hbm>>
    tpu.enqueue_dma source(%dma_start3A_7 : memref<128x64xf32, #tpu.memory_space<hbm>>) target(%dma_start3A_5 : memref<128x64xf32, #tpu.memory_space<vmem_shared>>) target_semaphore(%arg9 : memref<!tpu.dma_semaphore, #tpu.memory_space<semaphore_mem>>)
    %dma_start3A_8 = arith.constant 0 : i32
    %dma_start3A_9 = tpu.memref_slice %arg2[%mul3A_2, %dma_start3A_8] : memref<8192x64xf32, #tpu.memory_space<hbm>> -> memref<256x64xf32, #tpu.memory_space<hbm>>
    %dma_start3A_10 = arith.constant 0 : i32
    %dma_start3A_11 = tpu.memref_slice %arg2[%mul3A_2, %dma_start3A_10] : memref<8192x64xf32, #tpu.memory_space<hbm>> -> memref<256x64xf32, #tpu.memory_space<hbm>>
    tpu.enqueue_dma source(%dma_start3A_11 : memref<256x64xf32, #tpu.memory_space<hbm>>) target(%arg7 : memref<256x64xf32, #tpu.memory_space<vmem>>) target_semaphore(%arg9 : memref<!tpu.dma_semaphore, #tpu.memory_space<semaphore_mem>>)
    %add3A_12 = arith.constant 0 : i32
    %add3A_13 = arith.addi %mul3A_2, %add3A_12 : i32
    %dma_start3A_14 = arith.constant 0 : i32
    %dma_start3A_15 = arith.constant 0 : i32
    %dma_start3A_16 = tpu.memref_slice %arg6[%dma_start3A_14, %dma_start3A_15] : memref<2x128xi32, #tpu.memory_space<vmem>> -> memref<1x128xi32, #tpu.memory_space<vmem>>
    %dma_start3A_17 = tpu.memref_squeeze %dma_start3A_16 : memref<1x128xi32, #tpu.memory_space<vmem>> -> memref<128xi32, #tpu.memory_space<vmem>>
    %dma_start3A_18 = tpu.memref_slice %arg3[%add3A_13] : memref<8192xi32, #tpu.memory_space<hbm>> -> memref<128xi32, #tpu.memory_space<hbm>>
    %dma_start3A_19 = arith.constant 0 : i32
    %dma_start3A_20 = tpu.memref_slice %arg6[%dma_start3A_14, %dma_start3A_19] : memref<2x128xi32, #tpu.memory_space<vmem>> -> memref<1x128xi32, #tpu.memory_space<vmem>>
    %dma_start3A_21 = tpu.memref_squeeze %dma_start3A_20 : memref<1x128xi32, #tpu.memory_space<vmem>> -> memref<128xi32, #tpu.memory_space<vmem>>
    %dma_start3A_22 = tpu.memref_slice %arg3[%add3A_13] : memref<8192xi32, #tpu.memory_space<hbm>> -> memref<128xi32, #tpu.memory_space<hbm>>
    tpu.enqueue_dma source(%dma_start3A_22 : memref<128xi32, #tpu.memory_space<hbm>>) target(%dma_start3A_21 : memref<128xi32, #tpu.memory_space<vmem>>) target_semaphore(%arg9 : memref<!tpu.dma_semaphore, #tpu.memory_space<semaphore_mem>>)
    %add3A_23 = arith.constant 128 : i32
    %add3A_24 = arith.addi %mul3A_2, %add3A_23 : i32
    %dma_start3A_25 = arith.constant 1 : i32
    %dma_start3A_26 = arith.constant 0 : i32
    %dma_start3A_27 = tpu.memref_slice %arg6[%dma_start3A_25, %dma_start3A_26] : memref<2x128xi32, #tpu.memory_space<vmem>> -> memref<1x128xi32, #tpu.memory_space<vmem>>
    %dma_start3A_28 = tpu.memref_squeeze %dma_start3A_27 : memref<1x128xi32, #tpu.memory_space<vmem>> -> memref<128xi32, #tpu.memory_space<vmem>>
    %dma_start3A_29 = tpu.memref_slice %arg3[%add3A_24] : memref<8192xi32, #tpu.memory_space<hbm>> -> memref<128xi32, #tpu.memory_space<hbm>>
    %dma_start3A_30 = arith.constant 0 : i32
    %dma_start3A_31 = tpu.memref_slice %arg6[%dma_start3A_25, %dma_start3A_30] : memref<2x128xi32, #tpu.memory_space<vmem>> -> memref<1x128xi32, #tpu.memory_space<vmem>>
    %dma_start3A_32 = tpu.memref_squeeze %dma_start3A_31 : memref<1x128xi32, #tpu.memory_space<vmem>> -> memref<128xi32, #tpu.memory_space<vmem>>
    %dma_start3A_33 = tpu.memref_slice %arg3[%add3A_24] : memref<8192xi32, #tpu.memory_space<hbm>> -> memref<128xi32, #tpu.memory_space<hbm>>
    tpu.enqueue_dma source(%dma_start3A_33 : memref<128xi32, #tpu.memory_space<hbm>>) target(%dma_start3A_32 : memref<128xi32, #tpu.memory_space<vmem>>) target_semaphore(%arg9 : memref<!tpu.dma_semaphore, #tpu.memory_space<semaphore_mem>>)
    %dma_wait3A = arith.constant 0 : i32
    %dma_wait3A_34 = tpu.memref_slice %arg8[%mul3A_4, %dma_wait3A] : memref<2048x64xf32, #tpu.memory_space<vmem_shared>> -> memref<128x64xf32, #tpu.memory_space<vmem_shared>>
    %dma_wait3A_35 = arith.constant 0 : i32
    %dma_wait3A_36 = tpu.memref_slice %arg4[%mul3A_4, %dma_wait3A_35] : memref<2048x64xf32, #tpu.memory_space<hbm>> -> memref<128x64xf32, #tpu.memory_space<hbm>>
    tpu.wait_dma2 semaphore(%arg9 : memref<!tpu.dma_semaphore, #tpu.memory_space<semaphore_mem>>) src(%dma_wait3A_36 : memref<128x64xf32, #tpu.memory_space<hbm>>) dst(%dma_wait3A_34 : memref<128x64xf32, #tpu.memory_space<vmem_shared>>)
    %dma_wait3A_37 = arith.constant 0 : i32
    %dma_wait3A_38 = tpu.memref_slice %arg2[%mul3A_2, %dma_wait3A_37] : memref<8192x64xf32, #tpu.memory_space<hbm>> -> memref<256x64xf32, #tpu.memory_space<hbm>>
    %dma_wait3A_39 = arith.constant 0 : i32
    %dma_wait3A_40 = tpu.memref_slice %arg2[%mul3A_2, %dma_wait3A_39] : memref<8192x64xf32, #tpu.memory_space<hbm>> -> memref<256x64xf32, #tpu.memory_space<hbm>>
    tpu.wait_dma2 semaphore(%arg9 : memref<!tpu.dma_semaphore, #tpu.memory_space<semaphore_mem>>) src(%dma_wait3A_40 : memref<256x64xf32, #tpu.memory_space<hbm>>) dst(%arg7 : memref<256x64xf32, #tpu.memory_space<vmem>>)
    %dma_wait3A_41 = arith.constant 0 : i32
    %dma_wait3A_42 = arith.constant 0 : i32
    %dma_wait3A_43 = tpu.memref_slice %arg6[%dma_wait3A_41, %dma_wait3A_42] : memref<2x128xi32, #tpu.memory_space<vmem>> -> memref<1x128xi32, #tpu.memory_space<vmem>>
    %dma_wait3A_44 = tpu.memref_squeeze %dma_wait3A_43 : memref<1x128xi32, #tpu.memory_space<vmem>> -> memref<128xi32, #tpu.memory_space<vmem>>
    %dma_wait3A_45 = tpu.memref_slice %arg3[%add3A_13] : memref<8192xi32, #tpu.memory_space<hbm>> -> memref<128xi32, #tpu.memory_space<hbm>>
    %dma_wait3A_46 = arith.constant 0 : i32
    %dma_wait3A_47 = tpu.memref_slice %arg6[%dma_wait3A_41, %dma_wait3A_46] : memref<2x128xi32, #tpu.memory_space<vmem>> -> memref<1x128xi32, #tpu.memory_space<vmem>>
    %dma_wait3A_48 = tpu.memref_squeeze %dma_wait3A_47 : memref<1x128xi32, #tpu.memory_space<vmem>> -> memref<128xi32, #tpu.memory_space<vmem>>
    %dma_wait3A_49 = tpu.memref_slice %arg3[%add3A_13] : memref<8192xi32, #tpu.memory_space<hbm>> -> memref<128xi32, #tpu.memory_space<hbm>>
    tpu.wait_dma2 semaphore(%arg9 : memref<!tpu.dma_semaphore, #tpu.memory_space<semaphore_mem>>) src(%dma_wait3A_49 : memref<128xi32, #tpu.memory_space<hbm>>) dst(%dma_wait3A_48 : memref<128xi32, #tpu.memory_space<vmem>>)
    %dma_wait3A_50 = arith.constant 1 : i32
    %dma_wait3A_51 = arith.constant 0 : i32
    %dma_wait3A_52 = tpu.memref_slice %arg6[%dma_wait3A_50, %dma_wait3A_51] : memref<2x128xi32, #tpu.memory_space<vmem>> -> memref<1x128xi32, #tpu.memory_space<vmem>>
    %dma_wait3A_53 = tpu.memref_squeeze %dma_wait3A_52 : memref<1x128xi32, #tpu.memory_space<vmem>> -> memref<128xi32, #tpu.memory_space<vmem>>
    %dma_wait3A_54 = tpu.memref_slice %arg3[%add3A_24] : memref<8192xi32, #tpu.memory_space<hbm>> -> memref<128xi32, #tpu.memory_space<hbm>>
    %dma_wait3A_55 = arith.constant 0 : i32
    %dma_wait3A_56 = tpu.memref_slice %arg6[%dma_wait3A_50, %dma_wait3A_55] : memref<2x128xi32, #tpu.memory_space<vmem>> -> memref<1x128xi32, #tpu.memory_space<vmem>>
    %dma_wait3A_57 = tpu.memref_squeeze %dma_wait3A_56 : memref<1x128xi32, #tpu.memory_space<vmem>> -> memref<128xi32, #tpu.memory_space<vmem>>
    %dma_wait3A_58 = tpu.memref_slice %arg3[%add3A_24] : memref<8192xi32, #tpu.memory_space<hbm>> -> memref<128xi32, #tpu.memory_space<hbm>>
    tpu.wait_dma2 semaphore(%arg9 : memref<!tpu.dma_semaphore, #tpu.memory_space<semaphore_mem>>) src(%dma_wait3A_58 : memref<128xi32, #tpu.memory_space<hbm>>) dst(%dma_wait3A_57 : memref<128xi32, #tpu.memory_space<vmem>>)
    %barrier3A = arith.constant 0 : index
    tpu.barrier barrier_id(%barrier3A)
    %dma_start3A_59 = arith.constant 0 : i32
    %dma_start3A_60 = arith.constant 0 : i32
    %dma_start3A_61 = arith.constant 0 : i32
    %dma_start3A_62 = tpu.memref_slice %arg7[%dma_start3A_60, %dma_start3A_61] : memref<256x64xf32, #tpu.memory_space<vmem>> -> memref<128x64xf32, #tpu.memory_space<vmem>>
    %dma_start3A_63 = arith.constant 0 : i32
    %dma_start3A_64 = tpu.memref_slice %arg6[%dma_start3A_59, %dma_start3A_63] : memref<2x128xi32, #tpu.memory_space<vmem>> -> memref<1x128xi32, #tpu.memory_space<vmem>>
    %dma_start3A_65 = tpu.memref_squeeze %dma_start3A_64 : memref<1x128xi32, #tpu.memory_space<vmem>> -> memref<128xi32, #tpu.memory_space<vmem>>
    %dma_start3A_66 = arith.constant 0 : i32
    %dma_start3A_67 = arith.constant 0 : i32
    %dma_start3A_68 = tpu.memref_slice %arg8[%dma_start3A_66, %dma_start3A_67] : memref<2048x64xf32, #tpu.memory_space<vmem_shared>> -> memref<2048x64xf32, #tpu.memory_space<vmem_shared>>
    tpu.enqueue_indirect_dma source(%dma_start3A_62 : memref<128x64xf32, #tpu.memory_space<vmem>>) target(%dma_start3A_68 : memref<2048x64xf32, #tpu.memory_space<vmem_shared>>) offsets(%dma_start3A_65 : memref<128xi32, #tpu.memory_space<vmem>>) semaphore(%arg9 : memref<!tpu.dma_semaphore, #tpu.memory_space<semaphore_mem>>) {add = true}
    %dma_start3A_69 = arith.constant 1 : i32
    %dma_start3A_70 = arith.constant 128 : i32
    %dma_start3A_71 = arith.constant 0 : i32
    %dma_start3A_72 = tpu.memref_slice %arg7[%dma_start3A_70, %dma_start3A_71] : memref<256x64xf32, #tpu.memory_space<vmem>> -> memref<128x64xf32, #tpu.memory_space<vmem>>
    %dma_start3A_73 = arith.constant 0 : i32
    %dma_start3A_74 = tpu.memref_slice %arg6[%dma_start3A_69, %dma_start3A_73] : memref<2x128xi32, #tpu.memory_space<vmem>> -> memref<1x128xi32, #tpu.memory_space<vmem>>
    %dma_start3A_75 = tpu.memref_squeeze %dma_start3A_74 : memref<1x128xi32, #tpu.memory_space<vmem>> -> memref<128xi32, #tpu.memory_space<vmem>>
    %dma_start3A_76 = arith.constant 0 : i32
    %dma_start3A_77 = arith.constant 0 : i32
    %dma_start3A_78 = tpu.memref_slice %arg8[%dma_start3A_76, %dma_start3A_77] : memref<2048x64xf32, #tpu.memory_space<vmem_shared>> -> memref<2048x64xf32, #tpu.memory_space<vmem_shared>>
    tpu.enqueue_indirect_dma source(%dma_start3A_72 : memref<128x64xf32, #tpu.memory_space<vmem>>) target(%dma_start3A_78 : memref<2048x64xf32, #tpu.memory_space<vmem_shared>>) offsets(%dma_start3A_75 : memref<128xi32, #tpu.memory_space<vmem>>) semaphore(%arg9 : memref<!tpu.dma_semaphore, #tpu.memory_space<semaphore_mem>>) {add = true}
    %dma_wait3A_79 = arith.constant 0 : i32
    %dma_wait3A_80 = arith.constant 0 : i32
    %dma_wait3A_81 = arith.constant 0 : i32
    %dma_wait3A_82 = tpu.memref_slice %arg7[%dma_wait3A_80, %dma_wait3A_81] : memref<256x64xf32, #tpu.memory_space<vmem>> -> memref<128x64xf32, #tpu.memory_space<vmem>>
    %dma_wait3A_83 = arith.constant 0 : i32
    %dma_wait3A_84 = tpu.memref_slice %arg6[%dma_wait3A_79, %dma_wait3A_83] : memref<2x128xi32, #tpu.memory_space<vmem>> -> memref<1x128xi32, #tpu.memory_space<vmem>>
    %dma_wait3A_85 = tpu.memref_squeeze %dma_wait3A_84 : memref<1x128xi32, #tpu.memory_space<vmem>> -> memref<128xi32, #tpu.memory_space<vmem>>
    %dma_wait3A_86 = arith.constant 0 : i32
    %dma_wait3A_87 = arith.constant 0 : i32
    %dma_wait3A_88 = tpu.memref_slice %arg8[%dma_wait3A_86, %dma_wait3A_87] : memref<2048x64xf32, #tpu.memory_space<vmem_shared>> -> memref<2048x64xf32, #tpu.memory_space<vmem_shared>>
    tpu.wait_indirect_dma semaphore(%arg9 : memref<!tpu.dma_semaphore, #tpu.memory_space<semaphore_mem>>) src(%dma_wait3A_82 : memref<128x64xf32, #tpu.memory_space<vmem>>) dst(%dma_wait3A_88 : memref<2048x64xf32, #tpu.memory_space<vmem_shared>>)
    %dma_wait3A_89 = arith.constant 1 : i32
    %dma_wait3A_90 = arith.constant 128 : i32
    %dma_wait3A_91 = arith.constant 0 : i32
    %dma_wait3A_92 = tpu.memref_slice %arg7[%dma_wait3A_90, %dma_wait3A_91] : memref<256x64xf32, #tpu.memory_space<vmem>> -> memref<128x64xf32, #tpu.memory_space<vmem>>
    %dma_wait3A_93 = arith.constant 0 : i32
    %dma_wait3A_94 = tpu.memref_slice %arg6[%dma_wait3A_89, %dma_wait3A_93] : memref<2x128xi32, #tpu.memory_space<vmem>> -> memref<1x128xi32, #tpu.memory_space<vmem>>
    %dma_wait3A_95 = tpu.memref_squeeze %dma_wait3A_94 : memref<1x128xi32, #tpu.memory_space<vmem>> -> memref<128xi32, #tpu.memory_space<vmem>>
    %dma_wait3A_96 = arith.constant 0 : i32
    %dma_wait3A_97 = arith.constant 0 : i32
    %dma_wait3A_98 = tpu.memref_slice %arg8[%dma_wait3A_96, %dma_wait3A_97] : memref<2048x64xf32, #tpu.memory_space<vmem_shared>> -> memref<2048x64xf32, #tpu.memory_space<vmem_shared>>
    tpu.wait_indirect_dma semaphore(%arg9 : memref<!tpu.dma_semaphore, #tpu.memory_space<semaphore_mem>>) src(%dma_wait3A_92 : memref<128x64xf32, #tpu.memory_space<vmem>>) dst(%dma_wait3A_98 : memref<2048x64xf32, #tpu.memory_space<vmem_shared>>)
    %barrier3A_99 = arith.constant 0 : index
    tpu.barrier barrier_id(%barrier3A_99)
    "tpu.region"() ({
      %run_scoped3A = tpu.sem_alloc : memref<!tpu.dma_semaphore, #tpu.memory_space<semaphore_mem>>
      %dma_start3A_100 = arith.constant 0 : i32
      %dma_start3A_101 = tpu.memref_slice %arg5[%arg0, %mul3A_4, %dma_start3A_100] : memref<2x2048x64xf32, #tpu.memory_space<hbm>> -> memref<1x128x64xf32, #tpu.memory_space<hbm>>
      %dma_start3A_102 = tpu.memref_squeeze %dma_start3A_101 : memref<1x128x64xf32, #tpu.memory_space<hbm>> -> memref<128x64xf32, #tpu.memory_space<hbm>>
      %dma_start3A_103 = arith.constant 0 : i32
      %dma_start3A_104 = tpu.memref_slice %arg8[%mul3A_4, %dma_start3A_103] : memref<2048x64xf32, #tpu.memory_space<vmem_shared>> -> memref<128x64xf32, #tpu.memory_space<vmem_shared>>
      tpu.enqueue_dma source(%dma_start3A_104 : memref<128x64xf32, #tpu.memory_space<vmem_shared>>) target(%dma_start3A_102 : memref<128x64xf32, #tpu.memory_space<hbm>>) target_semaphore(%run_scoped3A : memref<!tpu.dma_semaphore, #tpu.memory_space<semaphore_mem>>)
      %dma_wait3A_105 = arith.constant 0 : i32
      %dma_wait3A_106 = tpu.memref_slice %arg5[%arg0, %mul3A_4, %dma_wait3A_105] : memref<2x2048x64xf32, #tpu.memory_space<hbm>> -> memref<1x128x64xf32, #tpu.memory_space<hbm>>
      %dma_wait3A_107 = tpu.memref_squeeze %dma_wait3A_106 : memref<1x128x64xf32, #tpu.memory_space<hbm>> -> memref<128x64xf32, #tpu.memory_space<hbm>>
      %dma_wait3A_108 = arith.constant 0 : i32
      %dma_wait3A_109 = tpu.memref_slice %arg8[%mul3A_4, %dma_wait3A_108] : memref<2048x64xf32, #tpu.memory_space<vmem_shared>> -> memref<128x64xf32, #tpu.memory_space<vmem_shared>>
      tpu.wait_dma2 semaphore(%run_scoped3A : memref<!tpu.dma_semaphore, #tpu.memory_space<semaphore_mem>>) src(%dma_wait3A_109 : memref<128x64xf32, #tpu.memory_space<vmem_shared>>) dst(%dma_wait3A_107 : memref<128x64xf32, #tpu.memory_space<hbm>>)
      tpu.yield
    }) : () -> ()
    return
  }
}

module attributes {stable_mosaic.version = 14 : i64} {
  func.func @_msg_body(%arg0: i32, %arg1: memref<1024x256xbf16, #tpu.memory_space<vmem>>, %arg2: memref<1024x128xf32, #tpu.memory_space<vmem>>, %arg3: memref<256x256xbf16, #tpu.memory_space<vmem>>, %arg4: memref<1x256xf32, #tpu.memory_space<vmem>>, %arg5: memref<256x4096xbf16, #tpu.memory_space<vmem>>, %arg6: memref<1x4096xf32, #tpu.memory_space<vmem>>, %arg7: memref<64x4096xbf16, #tpu.memory_space<vmem>>, %arg8: memref<1024x64xf32, #tpu.memory_space<vmem>>) attributes {dimension_semantics = [#tpu.dimension_semantics<arbitrary>], iteration_bounds = array<i64: 8>, scalar_prefetch = 0 : i64, scratch_operands = 0 : i64, tpu.core_type = #tpu.core_type<tc>, window_params = [{transform_indices = @transform_0, window_bounds = array<i64: 1024, 256>}, {transform_indices = @transform_1, window_bounds = array<i64: 1024, 128>}, {pipeline_mode = #tpu.pipeline_mode<synchronous>, transform_indices = @transform_2, window_bounds = array<i64: 256, 256>}, {pipeline_mode = #tpu.pipeline_mode<synchronous>, transform_indices = @transform_3, window_bounds = array<i64: 1, 256>}, {pipeline_mode = #tpu.pipeline_mode<synchronous>, transform_indices = @transform_4, window_bounds = array<i64: 256, 4096>}, {pipeline_mode = #tpu.pipeline_mode<synchronous>, transform_indices = @transform_5, window_bounds = array<i64: 1, 4096>}, {pipeline_mode = #tpu.pipeline_mode<synchronous>, transform_indices = @transform_6, window_bounds = array<i64: 64, 4096>}, {transform_indices = @transform_7, window_bounds = array<i64: 1024, 64>}]} {
    %get3A = arith.constant 0 : index
    %get3A_0 = arith.constant 0 : index
    %get3A_1 = vector.load %arg1[%get3A, %get3A_0] : memref<1024x256xbf16, #tpu.memory_space<vmem>>, vector<1024x256xbf16>
    %get3A_2 = arith.constant 0 : index
    %get3A_3 = arith.constant 0 : index
    %get3A_4 = vector.load %arg3[%get3A_2, %get3A_3] : memref<256x256xbf16, #tpu.memory_space<vmem>>, vector<256x256xbf16>
    %dot_general3A = arith.constant dense<0.000000e+00> : vector<1024x256xf32>
    %dot_general3A_5 = tpu.matmul %get3A_1, %get3A_4, %dot_general3A {dimension_numbers = #tpu.dot_dimension_numbers<[1], [0], [0], [1], [0, 0, 1, 1], [], []>, transpose_lhs_hint = false} : vector<1024x256xbf16>, vector<256x256xbf16>, vector<1024x256xf32> -> vector<1024x256xf32>
    %get3A_6 = arith.constant 0 : index
    %get3A_7 = arith.constant 0 : index
    %get3A_8 = vector.load %arg4[%get3A_6, %get3A_7] : memref<1x256xf32, #tpu.memory_space<vmem>>, vector<1x256xf32>
    %add3A = vector.broadcast %get3A_8 : vector<1x256xf32> to vector<1024x256xf32>
    %add3A_9 = arith.addf %dot_general3A_5, %add3A : vector<1024x256xf32>
    %max3A = arith.constant 0.000000e+00 : f32
    %max3A_10 = vector.broadcast %max3A : f32 to vector<1024x256xf32>
    %max3A_11 = arith.maximumf %add3A_9, %max3A_10 : vector<1024x256xf32>
    %convert_element_type3A = arith.truncf %max3A_11 : vector<1024x256xf32> to vector<1024x256xbf16>
    %get3A_12 = arith.constant 0 : index
    %get3A_13 = arith.constant 0 : index
    %get3A_14 = vector.load %arg5[%get3A_12, %get3A_13] : memref<256x4096xbf16, #tpu.memory_space<vmem>>, vector<256x4096xbf16>
    %dot_general3A_15 = arith.constant dense<0.000000e+00> : vector<1024x4096xf32>
    %dot_general3A_16 = tpu.matmul %convert_element_type3A, %get3A_14, %dot_general3A_15 {dimension_numbers = #tpu.dot_dimension_numbers<[1], [0], [0], [1], [0, 0, 1, 1], [], []>, transpose_lhs_hint = false} : vector<1024x256xbf16>, vector<256x4096xbf16>, vector<1024x4096xf32> -> vector<1024x4096xf32>
    %get3A_17 = arith.constant 0 : index
    %get3A_18 = arith.constant 0 : index
    %get3A_19 = vector.load %arg6[%get3A_17, %get3A_18] : memref<1x4096xf32, #tpu.memory_space<vmem>>, vector<1x4096xf32>
    %add3A_20 = vector.broadcast %get3A_19 : vector<1x4096xf32> to vector<1024x4096xf32>
    %add3A_21 = arith.addf %dot_general3A_16, %add3A_20 : vector<1024x4096xf32>
    %convert_element_type3A_22 = arith.truncf %add3A_21 : vector<1024x4096xf32> to vector<1024x4096xbf16>
    %convert_element_type3A_23 = arith.extf %convert_element_type3A_22 : vector<1024x4096xbf16> to vector<1024x4096xf32>
    %get3A_24 = arith.constant 0 : index
    %get3A_25 = arith.constant 0 : index
    %get3A_26 = vector.load %arg2[%get3A_24, %get3A_25] : memref<1024x128xf32, #tpu.memory_space<vmem>>, vector<1024x64xf32>
    %convert_element_type3A_27 = arith.truncf %get3A_26 : vector<1024x64xf32> to vector<1024x64xbf16>
    %get3A_28 = arith.constant 0 : index
    %get3A_29 = arith.constant 0 : index
    %get3A_30 = vector.load %arg7[%get3A_28, %get3A_29] : memref<64x4096xbf16, #tpu.memory_space<vmem>>, vector<64x4096xbf16>
    %dot_general3A_31 = arith.constant dense<0.000000e+00> : vector<1024x4096xf32>
    %dot_general3A_32 = tpu.matmul %convert_element_type3A_27, %get3A_30, %dot_general3A_31 {dimension_numbers = #tpu.dot_dimension_numbers<[1], [0], [0], [1], [0, 0, 1, 1], [], []>, transpose_lhs_hint = false} : vector<1024x64xbf16>, vector<64x4096xbf16>, vector<1024x4096xf32> -> vector<1024x4096xf32>
    %mul3A = arith.mulf %dot_general3A_32, %convert_element_type3A_23 : vector<1024x4096xf32>
    %slice3A = vector.extract_strided_slice %mul3A {offsets = [0, 0], sizes = [1024, 2048], strides = [1, 1]} : vector<1024x4096xf32> to vector<1024x2048xf32>
    %slice3A_33 = vector.extract_strided_slice %mul3A {offsets = [0, 2048], sizes = [1024, 2048], strides = [1, 1]} : vector<1024x4096xf32> to vector<1024x2048xf32>
    %add3A_34 = arith.addf %slice3A, %slice3A_33 : vector<1024x2048xf32>
    %slice3A_35 = vector.extract_strided_slice %add3A_34 {offsets = [0, 0], sizes = [1024, 1024], strides = [1, 1]} : vector<1024x2048xf32> to vector<1024x1024xf32>
    %slice3A_36 = vector.extract_strided_slice %add3A_34 {offsets = [0, 1024], sizes = [1024, 1024], strides = [1, 1]} : vector<1024x2048xf32> to vector<1024x1024xf32>
    %add3A_37 = arith.addf %slice3A_35, %slice3A_36 : vector<1024x1024xf32>
    %slice3A_38 = vector.extract_strided_slice %add3A_37 {offsets = [0, 0], sizes = [1024, 512], strides = [1, 1]} : vector<1024x1024xf32> to vector<1024x512xf32>
    %slice3A_39 = vector.extract_strided_slice %add3A_37 {offsets = [0, 512], sizes = [1024, 512], strides = [1, 1]} : vector<1024x1024xf32> to vector<1024x512xf32>
    %add3A_40 = arith.addf %slice3A_38, %slice3A_39 : vector<1024x512xf32>
    %slice3A_41 = vector.extract_strided_slice %add3A_40 {offsets = [0, 0], sizes = [1024, 256], strides = [1, 1]} : vector<1024x512xf32> to vector<1024x256xf32>
    %slice3A_42 = vector.extract_strided_slice %add3A_40 {offsets = [0, 256], sizes = [1024, 256], strides = [1, 1]} : vector<1024x512xf32> to vector<1024x256xf32>
    %add3A_43 = arith.addf %slice3A_41, %slice3A_42 : vector<1024x256xf32>
    %slice3A_44 = vector.extract_strided_slice %add3A_43 {offsets = [0, 0], sizes = [1024, 128], strides = [1, 1]} : vector<1024x256xf32> to vector<1024x128xf32>
    %slice3A_45 = vector.extract_strided_slice %add3A_43 {offsets = [0, 128], sizes = [1024, 128], strides = [1, 1]} : vector<1024x256xf32> to vector<1024x128xf32>
    %add3A_46 = arith.addf %slice3A_44, %slice3A_45 : vector<1024x128xf32>
    %slice3A_47 = vector.extract_strided_slice %add3A_46 {offsets = [0, 0], sizes = [1024, 64], strides = [1, 1]} : vector<1024x128xf32> to vector<1024x64xf32>
    %slice3A_48 = vector.extract_strided_slice %add3A_46 {offsets = [0, 64], sizes = [1024, 64], strides = [1, 1]} : vector<1024x128xf32> to vector<1024x64xf32>
    %add3A_49 = arith.addf %slice3A_47, %slice3A_48 : vector<1024x64xf32>
    %swap3A = arith.constant 0 : index
    %swap3A_50 = arith.constant 0 : index
    %swap3A_51 = vector.load %arg8[%swap3A, %swap3A_50] : memref<1024x64xf32, #tpu.memory_space<vmem>>, vector<1024x64xf32>
    tpu.vector_store %arg8[%swap3A, %swap3A_50], %add3A_49 {strides = array<i32>} : memref<1024x64xf32, #tpu.memory_space<vmem>>, vector<1024x64xf32>,
    return
  }
  func.func @transform_0(%arg0: i32) -> (i32, i32) {
    %add3A = arith.constant 0 : i32
    %add3A_0 = arith.addi %arg0, %add3A : i32
    %c0_i32 = arith.constant 0 : i32
    %c0_i32_1 = arith.constant 0 : i32
    return %add3A_0, %c0_i32 : i32, i32
  }
  func.func @transform_1(%arg0: i32) -> (i32, i32) {
    %c0_i32 = arith.constant 0 : i32
    %c0_i32_0 = arith.constant 0 : i32
    return %arg0, %c0_i32 : i32, i32
  }
  func.func @transform_2(%arg0: i32) -> (i32, i32) {
    %c0_i32 = arith.constant 0 : i32
    %c0_i32_0 = arith.constant 0 : i32
    %c0_i32_1 = arith.constant 0 : i32
    return %c0_i32, %c0_i32_0 : i32, i32
  }
  func.func @transform_3(%arg0: i32) -> (i32, i32) {
    %c0_i32 = arith.constant 0 : i32
    %c0_i32_0 = arith.constant 0 : i32
    %c0_i32_1 = arith.constant 0 : i32
    return %c0_i32, %c0_i32_0 : i32, i32
  }
  func.func @transform_4(%arg0: i32) -> (i32, i32) {
    %c0_i32 = arith.constant 0 : i32
    %c0_i32_0 = arith.constant 0 : i32
    %c0_i32_1 = arith.constant 0 : i32
    return %c0_i32, %c0_i32_0 : i32, i32
  }
  func.func @transform_5(%arg0: i32) -> (i32, i32) {
    %c0_i32 = arith.constant 0 : i32
    %c0_i32_0 = arith.constant 0 : i32
    %c0_i32_1 = arith.constant 0 : i32
    return %c0_i32, %c0_i32_0 : i32, i32
  }
  func.func @transform_6(%arg0: i32) -> (i32, i32) {
    %c0_i32 = arith.constant 0 : i32
    %c0_i32_0 = arith.constant 0 : i32
    %c0_i32_1 = arith.constant 0 : i32
    return %c0_i32, %c0_i32_0 : i32, i32
  }
  func.func @transform_7(%arg0: i32) -> (i32, i32) {
    %c0_i32 = arith.constant 0 : i32
    %c0_i32_0 = arith.constant 0 : i32
    return %arg0, %c0_i32 : i32, i32
  }
}

module attributes {stable_mosaic.version = 14 : i64} {
  func.func @_epi_body(%arg0: memref<2x2048x64xf32, #tpu.memory_space<vmem>>, %arg1: memref<2048x128xf32, #tpu.memory_space<vmem>>, %arg2: memref<64x64xbf16, #tpu.memory_space<vmem>>, %arg3: memref<1x64xf32, #tpu.memory_space<vmem>>, %arg4: memref<1x64xf32, #tpu.memory_space<vmem>>, %arg5: memref<1x64xf32, #tpu.memory_space<vmem>>, %arg6: memref<2048x128xf32, #tpu.memory_space<vmem>>, %arg7: memref<32x128xf32, #tpu.memory_space<vmem>>) attributes {dimension_semantics = [], scalar_prefetch = 0 : i64, scratch_operands = 0 : i64, tpu.core_type = #tpu.core_type<tc>} {
    %get3A = arith.constant 0 : index
    %get3A_0 = arith.constant 0 : index
    %get3A_1 = arith.constant 0 : index
    %get3A_2 = vector.load %arg0[%get3A, %get3A_0, %get3A_1] : memref<2x2048x64xf32, #tpu.memory_space<vmem>>, vector<1x2048x64xf32>
    %get3A_3 = vector.shape_cast %get3A_2 : vector<1x2048x64xf32> to vector<2048x64xf32>
    %get3A_4 = arith.constant 1 : index
    %get3A_5 = arith.constant 0 : index
    %get3A_6 = arith.constant 0 : index
    %get3A_7 = vector.load %arg0[%get3A_4, %get3A_5, %get3A_6] : memref<2x2048x64xf32, #tpu.memory_space<vmem>>, vector<1x2048x64xf32>
    %get3A_8 = vector.shape_cast %get3A_7 : vector<1x2048x64xf32> to vector<2048x64xf32>
    %add3A = arith.addf %get3A_3, %get3A_8 : vector<2048x64xf32>
    %get3A_9 = arith.constant 0 : index
    %get3A_10 = arith.constant 0 : index
    %get3A_11 = vector.load %arg1[%get3A_9, %get3A_10] : memref<2048x128xf32, #tpu.memory_space<vmem>>, vector<2048x64xf32>
    %convert_element_type3A = arith.truncf %get3A_11 : vector<2048x64xf32> to vector<2048x64xbf16>
    %get3A_12 = arith.constant 0 : index
    %get3A_13 = arith.constant 0 : index
    %get3A_14 = vector.load %arg2[%get3A_12, %get3A_13] : memref<64x64xbf16, #tpu.memory_space<vmem>>, vector<64x64xbf16>
    %dot_general3A = arith.constant dense<0.000000e+00> : vector<2048x64xf32>
    %dot_general3A_15 = tpu.matmul %convert_element_type3A, %get3A_14, %dot_general3A {dimension_numbers = #tpu.dot_dimension_numbers<[1], [0], [0], [1], [0, 0, 1, 1], [], []>, transpose_lhs_hint = false} : vector<2048x64xbf16>, vector<64x64xbf16>, vector<2048x64xf32> -> vector<2048x64xf32>
    %add3A_16 = arith.addf %add3A, %dot_general3A_15 : vector<2048x64xf32>
    %get3A_17 = arith.constant 0 : index
    %get3A_18 = arith.constant 0 : index
    %get3A_19 = vector.load %arg3[%get3A_17, %get3A_18] : memref<1x64xf32, #tpu.memory_space<vmem>>, vector<1x64xf32>
    %add3A_20 = vector.broadcast %get3A_19 : vector<1x64xf32> to vector<2048x64xf32>
    %add3A_21 = arith.addf %add3A_16, %add3A_20 : vector<2048x64xf32>
    %reduce_sum3A = arith.constant dense<0.000000e+00> : vector<64xf32>
    %reduce_sum3A_22 = vector.multi_reduction <add>, %add3A_21, %reduce_sum3A [0] : vector<2048x64xf32> to vector<64xf32>
    %broadcast_in_dim3A = vector.shape_cast %reduce_sum3A_22 : vector<64xf32> to vector<1x64xf32>
    %div3A = arith.constant 2.048000e+03 : f32
    %div3A_23 = vector.broadcast %div3A : f32 to vector<1x64xf32>
    %div3A_24 = arith.divf %broadcast_in_dim3A, %div3A_23 : vector<1x64xf32>
    %sub3A = vector.broadcast %div3A_24 : vector<1x64xf32> to vector<2048x64xf32>
    %sub3A_25 = arith.subf %add3A_21, %sub3A : vector<2048x64xf32>
    %square3A = arith.mulf %sub3A_25, %sub3A_25 : vector<2048x64xf32>
    %reduce_sum3A_26 = arith.constant dense<0.000000e+00> : vector<64xf32>
    %reduce_sum3A_27 = vector.multi_reduction <add>, %square3A, %reduce_sum3A_26 [0] : vector<2048x64xf32> to vector<64xf32>
    %broadcast_in_dim3A_28 = vector.shape_cast %reduce_sum3A_27 : vector<64xf32> to vector<1x64xf32>
    %div3A_29 = arith.constant 2.048000e+03 : f32
    %div3A_30 = vector.broadcast %div3A_29 : f32 to vector<1x64xf32>
    %div3A_31 = arith.divf %broadcast_in_dim3A_28, %div3A_30 : vector<1x64xf32>
    %sub3A_32 = vector.broadcast %div3A_24 : vector<1x64xf32> to vector<2048x64xf32>
    %sub3A_33 = arith.subf %add3A_21, %sub3A_32 : vector<2048x64xf32>
    %add3A_34 = arith.constant 9.99999974E-6 : f32
    %add3A_35 = vector.broadcast %add3A_34 : f32 to vector<1x64xf32>
    %add3A_36 = arith.addf %div3A_31, %add3A_35 : vector<1x64xf32>
    %rsqrt3A = math.rsqrt %add3A_36 : vector<1x64xf32>
    %mul3A = vector.broadcast %rsqrt3A : vector<1x64xf32> to vector<2048x64xf32>
    %mul3A_37 = arith.mulf %sub3A_33, %mul3A : vector<2048x64xf32>
    %get3A_38 = arith.constant 0 : index
    %get3A_39 = arith.constant 0 : index
    %get3A_40 = vector.load %arg4[%get3A_38, %get3A_39] : memref<1x64xf32, #tpu.memory_space<vmem>>, vector<1x64xf32>
    %mul3A_41 = vector.broadcast %get3A_40 : vector<1x64xf32> to vector<2048x64xf32>
    %mul3A_42 = arith.mulf %mul3A_37, %mul3A_41 : vector<2048x64xf32>
    %get3A_43 = arith.constant 0 : index
    %get3A_44 = arith.constant 0 : index
    %get3A_45 = vector.load %arg5[%get3A_43, %get3A_44] : memref<1x64xf32, #tpu.memory_space<vmem>>, vector<1x64xf32>
    %add3A_46 = vector.broadcast %get3A_45 : vector<1x64xf32> to vector<2048x64xf32>
    %add3A_47 = arith.addf %mul3A_42, %add3A_46 : vector<2048x64xf32>
    %swap3A = arith.constant 0 : index
    %swap3A_48 = arith.constant 0 : index
    %swap3A_49 = vector.load %arg6[%swap3A, %swap3A_48] : memref<2048x128xf32, #tpu.memory_space<vmem>>, vector<2048x64xf32>
    tpu.vector_store %arg6[%swap3A, %swap3A_48], %add3A_47 {strides = array<i32>} : memref<2048x128xf32, #tpu.memory_space<vmem>>, vector<2048x64xf32>,
    %broadcast_in_dim3A_50 = arith.constant 0.000000e+00 : f32
    %broadcast_in_dim3A_51 = vector.broadcast %broadcast_in_dim3A_50 : f32 to vector<2048x64xf32>
    %swap3A_52 = arith.constant 0 : index
    %swap3A_53 = arith.constant 64 : index
    %swap3A_54 = vector.load %arg6[%swap3A_52, %swap3A_53] : memref<2048x128xf32, #tpu.memory_space<vmem>>, vector<2048x64xf32>
    tpu.vector_store %arg6[%swap3A_52, %swap3A_53], %broadcast_in_dim3A_51 {strides = array<i32>} : memref<2048x128xf32, #tpu.memory_space<vmem>>, vector<2048x64xf32>,
    %slice3A = vector.extract_strided_slice %add3A_47 {offsets = [0, 0], sizes = [64, 64], strides = [1, 1]} : vector<2048x64xf32> to vector<64x64xf32>
    %reduce_max3A = arith.constant dense<0xFF800000> : vector<64xf32>
    %reduce_max3A_55 = vector.multi_reduction <maximumf>, %slice3A, %reduce_max3A [0] : vector<64x64xf32> to vector<64xf32>
    %broadcast_in_dim3A_56 = vector.shape_cast %reduce_max3A_55 : vector<64xf32> to vector<1x64xf32>
    %swap3A_57 = arith.constant 0 : index
    %swap3A_58 = arith.constant 0 : index
    %swap3A_59 = vector.load %arg7[%swap3A_57, %swap3A_58] : memref<32x128xf32, #tpu.memory_space<vmem>>, vector<1x64xf32>
    tpu.vector_store %arg7[%swap3A_57, %swap3A_58], %broadcast_in_dim3A_56 {strides = array<i32>} : memref<32x128xf32, #tpu.memory_space<vmem>>, vector<1x64xf32>,
    %reduce_sum3A_60 = arith.constant dense<0.000000e+00> : vector<64xf32>
    %reduce_sum3A_61 = vector.multi_reduction <add>, %slice3A, %reduce_sum3A_60 [0] : vector<64x64xf32> to vector<64xf32>
    %broadcast_in_dim3A_62 = vector.shape_cast %reduce_sum3A_61 : vector<64xf32> to vector<1x64xf32>
    %div3A_63 = arith.constant 6.400000e+01 : f32
    %div3A_64 = vector.broadcast %div3A_63 : f32 to vector<1x64xf32>
    %div3A_65 = arith.divf %broadcast_in_dim3A_62, %div3A_64 : vector<1x64xf32>
    %swap3A_66 = arith.constant 0 : index
    %swap3A_67 = arith.constant 64 : index
    %swap3A_68 = vector.load %arg7[%swap3A_66, %swap3A_67] : memref<32x128xf32, #tpu.memory_space<vmem>>, vector<1x64xf32>
    tpu.vector_store %arg7[%swap3A_66, %swap3A_67], %div3A_65 {strides = array<i32>} : memref<32x128xf32, #tpu.memory_space<vmem>>, vector<1x64xf32>,
    %slice3A_69 = vector.extract_strided_slice %add3A_47 {offsets = [64, 0], sizes = [64, 64], strides = [1, 1]} : vector<2048x64xf32> to vector<64x64xf32>
    %reduce_max3A_70 = arith.constant dense<0xFF800000> : vector<64xf32>
    %reduce_max3A_71 = vector.multi_reduction <maximumf>, %slice3A_69, %reduce_max3A_70 [0] : vector<64x64xf32> to vector<64xf32>
    %broadcast_in_dim3A_72 = vector.shape_cast %reduce_max3A_71 : vector<64xf32> to vector<1x64xf32>
    %swap3A_73 = arith.constant 1 : index
    %swap3A_74 = arith.constant 0 : index
    %swap3A_75 = vector.load %arg7[%swap3A_73, %swap3A_74] : memref<32x128xf32, #tpu.memory_space<vmem>>, vector<1x64xf32>
    tpu.vector_store %arg7[%swap3A_73, %swap3A_74], %broadcast_in_dim3A_72 {strides = array<i32>} : memref<32x128xf32, #tpu.memory_space<vmem>>, vector<1x64xf32>,
    %reduce_sum3A_76 = arith.constant dense<0.000000e+00> : vector<64xf32>
    %reduce_sum3A_77 = vector.multi_reduction <add>, %slice3A_69, %reduce_sum3A_76 [0] : vector<64x64xf32> to vector<64xf32>
    %broadcast_in_dim3A_78 = vector.shape_cast %reduce_sum3A_77 : vector<64xf32> to vector<1x64xf32>
    %div3A_79 = arith.constant 6.400000e+01 : f32
    %div3A_80 = vector.broadcast %div3A_79 : f32 to vector<1x64xf32>
    %div3A_81 = arith.divf %broadcast_in_dim3A_78, %div3A_80 : vector<1x64xf32>
    %swap3A_82 = arith.constant 1 : index
    %swap3A_83 = arith.constant 64 : index
    %swap3A_84 = vector.load %arg7[%swap3A_82, %swap3A_83] : memref<32x128xf32, #tpu.memory_space<vmem>>, vector<1x64xf32>
    tpu.vector_store %arg7[%swap3A_82, %swap3A_83], %div3A_81 {strides = array<i32>} : memref<32x128xf32, #tpu.memory_space<vmem>>, vector<1x64xf32>,
    %slice3A_85 = vector.extract_strided_slice %add3A_47 {offsets = [128, 0], sizes = [64, 64], strides = [1, 1]} : vector<2048x64xf32> to vector<64x64xf32>
    %reduce_max3A_86 = arith.constant dense<0xFF800000> : vector<64xf32>
    %reduce_max3A_87 = vector.multi_reduction <maximumf>, %slice3A_85, %reduce_max3A_86 [0] : vector<64x64xf32> to vector<64xf32>
    %broadcast_in_dim3A_88 = vector.shape_cast %reduce_max3A_87 : vector<64xf32> to vector<1x64xf32>
    %swap3A_89 = arith.constant 2 : index
    %swap3A_90 = arith.constant 0 : index
    %swap3A_91 = vector.load %arg7[%swap3A_89, %swap3A_90] : memref<32x128xf32, #tpu.memory_space<vmem>>, vector<1x64xf32>
    tpu.vector_store %arg7[%swap3A_89, %swap3A_90], %broadcast_in_dim3A_88 {strides = array<i32>} : memref<32x128xf32, #tpu.memory_space<vmem>>, vector<1x64xf32>,
    %reduce_sum3A_92 = arith.constant dense<0.000000e+00> : vector<64xf32>
    %reduce_sum3A_93 = vector.multi_reduction <add>, %slice3A_85, %reduce_sum3A_92 [0] : vector<64x64xf32> to vector<64xf32>
    %broadcast_in_dim3A_94 = vector.shape_cast %reduce_sum3A_93 : vector<64xf32> to vector<1x64xf32>
    %div3A_95 = arith.constant 6.400000e+01 : f32
    %div3A_96 = vector.broadcast %div3A_95 : f32 to vector<1x64xf32>
    %div3A_97 = arith.divf %broadcast_in_dim3A_94, %div3A_96 : vector<1x64xf32>
    %swap3A_98 = arith.constant 2 : index
    %swap3A_99 = arith.constant 64 : index
    %swap3A_100 = vector.load %arg7[%swap3A_98, %swap3A_99] : memref<32x128xf32, #tpu.memory_space<vmem>>, vector<1x64xf32>
    tpu.vector_store %arg7[%swap3A_98, %swap3A_99], %div3A_97 {strides = array<i32>} : memref<32x128xf32, #tpu.memory_space<vmem>>, vector<1x64xf32>,
    %slice3A_101 = vector.extract_strided_slice %add3A_47 {offsets = [192, 0], sizes = [64, 64], strides = [1, 1]} : vector<2048x64xf32> to vector<64x64xf32>
    %reduce_max3A_102 = arith.constant dense<0xFF800000> : vector<64xf32>
    %reduce_max3A_103 = vector.multi_reduction <maximumf>, %slice3A_101, %reduce_max3A_102 [0] : vector<64x64xf32> to vector<64xf32>
    %broadcast_in_dim3A_104 = vector.shape_cast %reduce_max3A_103 : vector<64xf32> to vector<1x64xf32>
    %swap3A_105 = arith.constant 3 : index
    %swap3A_106 = arith.constant 0 : index
    %swap3A_107 = vector.load %arg7[%swap3A_105, %swap3A_106] : memref<32x128xf32, #tpu.memory_space<vmem>>, vector<1x64xf32>
    tpu.vector_store %arg7[%swap3A_105, %swap3A_106], %broadcast_in_dim3A_104 {strides = array<i32>} : memref<32x128xf32, #tpu.memory_space<vmem>>, vector<1x64xf32>,
    %reduce_sum3A_108 = arith.constant dense<0.000000e+00> : vector<64xf32>
    %reduce_sum3A_109 = vector.multi_reduction <add>, %slice3A_101, %reduce_sum3A_108 [0] : vector<64x64xf32> to vector<64xf32>
    %broadcast_in_dim3A_110 = vector.shape_cast %reduce_sum3A_109 : vector<64xf32> to vector<1x64xf32>
    %div3A_111 = arith.constant 6.400000e+01 : f32
    %div3A_112 = vector.broadcast %div3A_111 : f32 to vector<1x64xf32>
    %div3A_113 = arith.divf %broadcast_in_dim3A_110, %div3A_112 : vector<1x64xf32>
    %swap3A_114 = arith.constant 3 : index
    %swap3A_115 = arith.constant 64 : index
    %swap3A_116 = vector.load %arg7[%swap3A_114, %swap3A_115] : memref<32x128xf32, #tpu.memory_space<vmem>>, vector<1x64xf32>
    tpu.vector_store %arg7[%swap3A_114, %swap3A_115], %div3A_113 {strides = array<i32>} : memref<32x128xf32, #tpu.memory_space<vmem>>, vector<1x64xf32>,
    %slice3A_117 = vector.extract_strided_slice %add3A_47 {offsets = [256, 0], sizes = [64, 64], strides = [1, 1]} : vector<2048x64xf32> to vector<64x64xf32>
    %reduce_max3A_118 = arith.constant dense<0xFF800000> : vector<64xf32>
    %reduce_max3A_119 = vector.multi_reduction <maximumf>, %slice3A_117, %reduce_max3A_118 [0] : vector<64x64xf32> to vector<64xf32>
    %broadcast_in_dim3A_120 = vector.shape_cast %reduce_max3A_119 : vector<64xf32> to vector<1x64xf32>
    %swap3A_121 = arith.constant 4 : index
    %swap3A_122 = arith.constant 0 : index
    %swap3A_123 = vector.load %arg7[%swap3A_121, %swap3A_122] : memref<32x128xf32, #tpu.memory_space<vmem>>, vector<1x64xf32>
    tpu.vector_store %arg7[%swap3A_121, %swap3A_122], %broadcast_in_dim3A_120 {strides = array<i32>} : memref<32x128xf32, #tpu.memory_space<vmem>>, vector<1x64xf32>,
    %reduce_sum3A_124 = arith.constant dense<0.000000e+00> : vector<64xf32>
    %reduce_sum3A_125 = vector.multi_reduction <add>, %slice3A_117, %reduce_sum3A_124 [0] : vector<64x64xf32> to vector<64xf32>
    %broadcast_in_dim3A_126 = vector.shape_cast %reduce_sum3A_125 : vector<64xf32> to vector<1x64xf32>
    %div3A_127 = arith.constant 6.400000e+01 : f32
    %div3A_128 = vector.broadcast %div3A_127 : f32 to vector<1x64xf32>
    %div3A_129 = arith.divf %broadcast_in_dim3A_126, %div3A_128 : vector<1x64xf32>
    %swap3A_130 = arith.constant 4 : index
    %swap3A_131 = arith.constant 64 : index
    %swap3A_132 = vector.load %arg7[%swap3A_130, %swap3A_131] : memref<32x128xf32, #tpu.memory_space<vmem>>, vector<1x64xf32>
    tpu.vector_store %arg7[%swap3A_130, %swap3A_131], %div3A_129 {strides = array<i32>} : memref<32x128xf32, #tpu.memory_space<vmem>>, vector<1x64xf32>,
    %slice3A_133 = vector.extract_strided_slice %add3A_47 {offsets = [320, 0], sizes = [64, 64], strides = [1, 1]} : vector<2048x64xf32> to vector<64x64xf32>
    %reduce_max3A_134 = arith.constant dense<0xFF800000> : vector<64xf32>
    %reduce_max3A_135 = vector.multi_reduction <maximumf>, %slice3A_133, %reduce_max3A_134 [0] : vector<64x64xf32> to vector<64xf32>
    %broadcast_in_dim3A_136 = vector.shape_cast %reduce_max3A_135 : vector<64xf32> to vector<1x64xf32>
    %swap3A_137 = arith.constant 5 : index
    %swap3A_138 = arith.constant 0 : index
    %swap3A_139 = vector.load %arg7[%swap3A_137, %swap3A_138] : memref<32x128xf32, #tpu.memory_space<vmem>>, vector<1x64xf32>
    tpu.vector_store %arg7[%swap3A_137, %swap3A_138], %broadcast_in_dim3A_136 {strides = array<i32>} : memref<32x128xf32, #tpu.memory_space<vmem>>, vector<1x64xf32>,
    %reduce_sum3A_140 = arith.constant dense<0.000000e+00> : vector<64xf32>
    %reduce_sum3A_141 = vector.multi_reduction <add>, %slice3A_133, %reduce_sum3A_140 [0] : vector<64x64xf32> to vector<64xf32>
    %broadcast_in_dim3A_142 = vector.shape_cast %reduce_sum3A_141 : vector<64xf32> to vector<1x64xf32>
    %div3A_143 = arith.constant 6.400000e+01 : f32
    %div3A_144 = vector.broadcast %div3A_143 : f32 to vector<1x64xf32>
    %div3A_145 = arith.divf %broadcast_in_dim3A_142, %div3A_144 : vector<1x64xf32>
    %swap3A_146 = arith.constant 5 : index
    %swap3A_147 = arith.constant 64 : index
    %swap3A_148 = vector.load %arg7[%swap3A_146, %swap3A_147] : memref<32x128xf32, #tpu.memory_space<vmem>>, vector<1x64xf32>
    tpu.vector_store %arg7[%swap3A_146, %swap3A_147], %div3A_145 {strides = array<i32>} : memref<32x128xf32, #tpu.memory_space<vmem>>, vector<1x64xf32>,
    %slice3A_149 = vector.extract_strided_slice %add3A_47 {offsets = [384, 0], sizes = [64, 64], strides = [1, 1]} : vector<2048x64xf32> to vector<64x64xf32>
    %reduce_max3A_150 = arith.constant dense<0xFF800000> : vector<64xf32>
    %reduce_max3A_151 = vector.multi_reduction <maximumf>, %slice3A_149, %reduce_max3A_150 [0] : vector<64x64xf32> to vector<64xf32>
    %broadcast_in_dim3A_152 = vector.shape_cast %reduce_max3A_151 : vector<64xf32> to vector<1x64xf32>
    %swap3A_153 = arith.constant 6 : index
    %swap3A_154 = arith.constant 0 : index
    %swap3A_155 = vector.load %arg7[%swap3A_153, %swap3A_154] : memref<32x128xf32, #tpu.memory_space<vmem>>, vector<1x64xf32>
    tpu.vector_store %arg7[%swap3A_153, %swap3A_154], %broadcast_in_dim3A_152 {strides = array<i32>} : memref<32x128xf32, #tpu.memory_space<vmem>>, vector<1x64xf32>,
    %reduce_sum3A_156 = arith.constant dense<0.000000e+00> : vector<64xf32>
    %reduce_sum3A_157 = vector.multi_reduction <add>, %slice3A_149, %reduce_sum3A_156 [0] : vector<64x64xf32> to vector<64xf32>
    %broadcast_in_dim3A_158 = vector.shape_cast %reduce_sum3A_157 : vector<64xf32> to vector<1x64xf32>
    %div3A_159 = arith.constant 6.400000e+01 : f32
    %div3A_160 = vector.broadcast %div3A_159 : f32 to vector<1x64xf32>
    %div3A_161 = arith.divf %broadcast_in_dim3A_158, %div3A_160 : vector<1x64xf32>
    %swap3A_162 = arith.constant 6 : index
    %swap3A_163 = arith.constant 64 : index
    %swap3A_164 = vector.load %arg7[%swap3A_162, %swap3A_163] : memref<32x128xf32, #tpu.memory_space<vmem>>, vector<1x64xf32>
    tpu.vector_store %arg7[%swap3A_162, %swap3A_163], %div3A_161 {strides = array<i32>} : memref<32x128xf32, #tpu.memory_space<vmem>>, vector<1x64xf32>,
    %slice3A_165 = vector.extract_strided_slice %add3A_47 {offsets = [448, 0], sizes = [64, 64], strides = [1, 1]} : vector<2048x64xf32> to vector<64x64xf32>
    %reduce_max3A_166 = arith.constant dense<0xFF800000> : vector<64xf32>
    %reduce_max3A_167 = vector.multi_reduction <maximumf>, %slice3A_165, %reduce_max3A_166 [0] : vector<64x64xf32> to vector<64xf32>
    %broadcast_in_dim3A_168 = vector.shape_cast %reduce_max3A_167 : vector<64xf32> to vector<1x64xf32>
    %swap3A_169 = arith.constant 7 : index
    %swap3A_170 = arith.constant 0 : index
    %swap3A_171 = vector.load %arg7[%swap3A_169, %swap3A_170] : memref<32x128xf32, #tpu.memory_space<vmem>>, vector<1x64xf32>
    tpu.vector_store %arg7[%swap3A_169, %swap3A_170], %broadcast_in_dim3A_168 {strides = array<i32>} : memref<32x128xf32, #tpu.memory_space<vmem>>, vector<1x64xf32>,
    %reduce_sum3A_172 = arith.constant dense<0.000000e+00> : vector<64xf32>
    %reduce_sum3A_173 = vector.multi_reduction <add>, %slice3A_165, %reduce_sum3A_172 [0] : vector<64x64xf32> to vector<64xf32>
    %broadcast_in_dim3A_174 = vector.shape_cast %reduce_sum3A_173 : vector<64xf32> to vector<1x64xf32>
    %div3A_175 = arith.constant 6.400000e+01 : f32
    %div3A_176 = vector.broadcast %div3A_175 : f32 to vector<1x64xf32>
    %div3A_177 = arith.divf %broadcast_in_dim3A_174, %div3A_176 : vector<1x64xf32>
    %swap3A_178 = arith.constant 7 : index
    %swap3A_179 = arith.constant 64 : index
    %swap3A_180 = vector.load %arg7[%swap3A_178, %swap3A_179] : memref<32x128xf32, #tpu.memory_space<vmem>>, vector<1x64xf32>
    tpu.vector_store %arg7[%swap3A_178, %swap3A_179], %div3A_177 {strides = array<i32>} : memref<32x128xf32, #tpu.memory_space<vmem>>, vector<1x64xf32>,
    %slice3A_181 = vector.extract_strided_slice %add3A_47 {offsets = [512, 0], sizes = [64, 64], strides = [1, 1]} : vector<2048x64xf32> to vector<64x64xf32>
    %reduce_max3A_182 = arith.constant dense<0xFF800000> : vector<64xf32>
    %reduce_max3A_183 = vector.multi_reduction <maximumf>, %slice3A_181, %reduce_max3A_182 [0] : vector<64x64xf32> to vector<64xf32>
    %broadcast_in_dim3A_184 = vector.shape_cast %reduce_max3A_183 : vector<64xf32> to vector<1x64xf32>
    %swap3A_185 = arith.constant 8 : index
    %swap3A_186 = arith.constant 0 : index
    %swap3A_187 = vector.load %arg7[%swap3A_185, %swap3A_186] : memref<32x128xf32, #tpu.memory_space<vmem>>, vector<1x64xf32>
    tpu.vector_store %arg7[%swap3A_185, %swap3A_186], %broadcast_in_dim3A_184 {strides = array<i32>} : memref<32x128xf32, #tpu.memory_space<vmem>>, vector<1x64xf32>,
    %reduce_sum3A_188 = arith.constant dense<0.000000e+00> : vector<64xf32>
    %reduce_sum3A_189 = vector.multi_reduction <add>, %slice3A_181, %reduce_sum3A_188 [0] : vector<64x64xf32> to vector<64xf32>
    %broadcast_in_dim3A_190 = vector.shape_cast %reduce_sum3A_189 : vector<64xf32> to vector<1x64xf32>
    %div3A_191 = arith.constant 6.400000e+01 : f32
    %div3A_192 = vector.broadcast %div3A_191 : f32 to vector<1x64xf32>
    %div3A_193 = arith.divf %broadcast_in_dim3A_190, %div3A_192 : vector<1x64xf32>
    %swap3A_194 = arith.constant 8 : index
    %swap3A_195 = arith.constant 64 : index
    %swap3A_196 = vector.load %arg7[%swap3A_194, %swap3A_195] : memref<32x128xf32, #tpu.memory_space<vmem>>, vector<1x64xf32>
    tpu.vector_store %arg7[%swap3A_194, %swap3A_195], %div3A_193 {strides = array<i32>} : memref<32x128xf32, #tpu.memory_space<vmem>>, vector<1x64xf32>,
    %slice3A_197 = vector.extract_strided_slice %add3A_47 {offsets = [576, 0], sizes = [64, 64], strides = [1, 1]} : vector<2048x64xf32> to vector<64x64xf32>
    %reduce_max3A_198 = arith.constant dense<0xFF800000> : vector<64xf32>
    %reduce_max3A_199 = vector.multi_reduction <maximumf>, %slice3A_197, %reduce_max3A_198 [0] : vector<64x64xf32> to vector<64xf32>
    %broadcast_in_dim3A_200 = vector.shape_cast %reduce_max3A_199 : vector<64xf32> to vector<1x64xf32>
    %swap3A_201 = arith.constant 9 : index
    %swap3A_202 = arith.constant 0 : index
    %swap3A_203 = vector.load %arg7[%swap3A_201, %swap3A_202] : memref<32x128xf32, #tpu.memory_space<vmem>>, vector<1x64xf32>
    tpu.vector_store %arg7[%swap3A_201, %swap3A_202], %broadcast_in_dim3A_200 {strides = array<i32>} : memref<32x128xf32, #tpu.memory_space<vmem>>, vector<1x64xf32>,
    %reduce_sum3A_204 = arith.constant dense<0.000000e+00> : vector<64xf32>
    %reduce_sum3A_205 = vector.multi_reduction <add>, %slice3A_197, %reduce_sum3A_204 [0] : vector<64x64xf32> to vector<64xf32>
    %broadcast_in_dim3A_206 = vector.shape_cast %reduce_sum3A_205 : vector<64xf32> to vector<1x64xf32>
    %div3A_207 = arith.constant 6.400000e+01 : f32
    %div3A_208 = vector.broadcast %div3A_207 : f32 to vector<1x64xf32>
    %div3A_209 = arith.divf %broadcast_in_dim3A_206, %div3A_208 : vector<1x64xf32>
    %swap3A_210 = arith.constant 9 : index
    %swap3A_211 = arith.constant 64 : index
    %swap3A_212 = vector.load %arg7[%swap3A_210, %swap3A_211] : memref<32x128xf32, #tpu.memory_space<vmem>>, vector<1x64xf32>
    tpu.vector_store %arg7[%swap3A_210, %swap3A_211], %div3A_209 {strides = array<i32>} : memref<32x128xf32, #tpu.memory_space<vmem>>, vector<1x64xf32>,
    %slice3A_213 = vector.extract_strided_slice %add3A_47 {offsets = [640, 0], sizes = [64, 64], strides = [1, 1]} : vector<2048x64xf32> to vector<64x64xf32>
    %reduce_max3A_214 = arith.constant dense<0xFF800000> : vector<64xf32>
    %reduce_max3A_215 = vector.multi_reduction <maximumf>, %slice3A_213, %reduce_max3A_214 [0] : vector<64x64xf32> to vector<64xf32>
    %broadcast_in_dim3A_216 = vector.shape_cast %reduce_max3A_215 : vector<64xf32> to vector<1x64xf32>
    %swap3A_217 = arith.constant 10 : index
    %swap3A_218 = arith.constant 0 : index
    %swap3A_219 = vector.load %arg7[%swap3A_217, %swap3A_218] : memref<32x128xf32, #tpu.memory_space<vmem>>, vector<1x64xf32>
    tpu.vector_store %arg7[%swap3A_217, %swap3A_218], %broadcast_in_dim3A_216 {strides = array<i32>} : memref<32x128xf32, #tpu.memory_space<vmem>>, vector<1x64xf32>,
    %reduce_sum3A_220 = arith.constant dense<0.000000e+00> : vector<64xf32>
    %reduce_sum3A_221 = vector.multi_reduction <add>, %slice3A_213, %reduce_sum3A_220 [0] : vector<64x64xf32> to vector<64xf32>
    %broadcast_in_dim3A_222 = vector.shape_cast %reduce_sum3A_221 : vector<64xf32> to vector<1x64xf32>
    %div3A_223 = arith.constant 6.400000e+01 : f32
    %div3A_224 = vector.broadcast %div3A_223 : f32 to vector<1x64xf32>
    %div3A_225 = arith.divf %broadcast_in_dim3A_222, %div3A_224 : vector<1x64xf32>
    %swap3A_226 = arith.constant 10 : index
    %swap3A_227 = arith.constant 64 : index
    %swap3A_228 = vector.load %arg7[%swap3A_226, %swap3A_227] : memref<32x128xf32, #tpu.memory_space<vmem>>, vector<1x64xf32>
    tpu.vector_store %arg7[%swap3A_226, %swap3A_227], %div3A_225 {strides = array<i32>} : memref<32x128xf32, #tpu.memory_space<vmem>>, vector<1x64xf32>,
    %slice3A_229 = vector.extract_strided_slice %add3A_47 {offsets = [704, 0], sizes = [64, 64], strides = [1, 1]} : vector<2048x64xf32> to vector<64x64xf32>
    %reduce_max3A_230 = arith.constant dense<0xFF800000> : vector<64xf32>
    %reduce_max3A_231 = vector.multi_reduction <maximumf>, %slice3A_229, %reduce_max3A_230 [0] : vector<64x64xf32> to vector<64xf32>
    %broadcast_in_dim3A_232 = vector.shape_cast %reduce_max3A_231 : vector<64xf32> to vector<1x64xf32>
    %swap3A_233 = arith.constant 11 : index
    %swap3A_234 = arith.constant 0 : index
    %swap3A_235 = vector.load %arg7[%swap3A_233, %swap3A_234] : memref<32x128xf32, #tpu.memory_space<vmem>>, vector<1x64xf32>
    tpu.vector_store %arg7[%swap3A_233, %swap3A_234], %broadcast_in_dim3A_232 {strides = array<i32>} : memref<32x128xf32, #tpu.memory_space<vmem>>, vector<1x64xf32>,
    %reduce_sum3A_236 = arith.constant dense<0.000000e+00> : vector<64xf32>
    %reduce_sum3A_237 = vector.multi_reduction <add>, %slice3A_229, %reduce_sum3A_236 [0] : vector<64x64xf32> to vector<64xf32>
    %broadcast_in_dim3A_238 = vector.shape_cast %reduce_sum3A_237 : vector<64xf32> to vector<1x64xf32>
    %div3A_239 = arith.constant 6.400000e+01 : f32
    %div3A_240 = vector.broadcast %div3A_239 : f32 to vector<1x64xf32>
    %div3A_241 = arith.divf %broadcast_in_dim3A_238, %div3A_240 : vector<1x64xf32>
    %swap3A_242 = arith.constant 11 : index
    %swap3A_243 = arith.constant 64 : index
    %swap3A_244 = vector.load %arg7[%swap3A_242, %swap3A_243] : memref<32x128xf32, #tpu.memory_space<vmem>>, vector<1x64xf32>
    tpu.vector_store %arg7[%swap3A_242, %swap3A_243], %div3A_241 {strides = array<i32>} : memref<32x128xf32, #tpu.memory_space<vmem>>, vector<1x64xf32>,
    %slice3A_245 = vector.extract_strided_slice %add3A_47 {offsets = [768, 0], sizes = [64, 64], strides = [1, 1]} : vector<2048x64xf32> to vector<64x64xf32>
    %reduce_max3A_246 = arith.constant dense<0xFF800000> : vector<64xf32>
    %reduce_max3A_247 = vector.multi_reduction <maximumf>, %slice3A_245, %reduce_max3A_246 [0] : vector<64x64xf32> to vector<64xf32>
    %broadcast_in_dim3A_248 = vector.shape_cast %reduce_max3A_247 : vector<64xf32> to vector<1x64xf32>
    %swap3A_249 = arith.constant 12 : index
    %swap3A_250 = arith.constant 0 : index
    %swap3A_251 = vector.load %arg7[%swap3A_249, %swap3A_250] : memref<32x128xf32, #tpu.memory_space<vmem>>, vector<1x64xf32>
    tpu.vector_store %arg7[%swap3A_249, %swap3A_250], %broadcast_in_dim3A_248 {strides = array<i32>} : memref<32x128xf32, #tpu.memory_space<vmem>>, vector<1x64xf32>,
    %reduce_sum3A_252 = arith.constant dense<0.000000e+00> : vector<64xf32>
    %reduce_sum3A_253 = vector.multi_reduction <add>, %slice3A_245, %reduce_sum3A_252 [0] : vector<64x64xf32> to vector<64xf32>
    %broadcast_in_dim3A_254 = vector.shape_cast %reduce_sum3A_253 : vector<64xf32> to vector<1x64xf32>
    %div3A_255 = arith.constant 6.400000e+01 : f32
    %div3A_256 = vector.broadcast %div3A_255 : f32 to vector<1x64xf32>
    %div3A_257 = arith.divf %broadcast_in_dim3A_254, %div3A_256 : vector<1x64xf32>
    %swap3A_258 = arith.constant 12 : index
    %swap3A_259 = arith.constant 64 : index
    %swap3A_260 = vector.load %arg7[%swap3A_258, %swap3A_259] : memref<32x128xf32, #tpu.memory_space<vmem>>, vector<1x64xf32>
    tpu.vector_store %arg7[%swap3A_258, %swap3A_259], %div3A_257 {strides = array<i32>} : memref<32x128xf32, #tpu.memory_space<vmem>>, vector<1x64xf32>,
    %slice3A_261 = vector.extract_strided_slice %add3A_47 {offsets = [832, 0], sizes = [64, 64], strides = [1, 1]} : vector<2048x64xf32> to vector<64x64xf32>
    %reduce_max3A_262 = arith.constant dense<0xFF800000> : vector<64xf32>
    %reduce_max3A_263 = vector.multi_reduction <maximumf>, %slice3A_261, %reduce_max3A_262 [0] : vector<64x64xf32> to vector<64xf32>
    %broadcast_in_dim3A_264 = vector.shape_cast %reduce_max3A_263 : vector<64xf32> to vector<1x64xf32>
    %swap3A_265 = arith.constant 13 : index
    %swap3A_266 = arith.constant 0 : index
    %swap3A_267 = vector.load %arg7[%swap3A_265, %swap3A_266] : memref<32x128xf32, #tpu.memory_space<vmem>>, vector<1x64xf32>
    tpu.vector_store %arg7[%swap3A_265, %swap3A_266], %broadcast_in_dim3A_264 {strides = array<i32>} : memref<32x128xf32, #tpu.memory_space<vmem>>, vector<1x64xf32>,
    %reduce_sum3A_268 = arith.constant dense<0.000000e+00> : vector<64xf32>
    %reduce_sum3A_269 = vector.multi_reduction <add>, %slice3A_261, %reduce_sum3A_268 [0] : vector<64x64xf32> to vector<64xf32>
    %broadcast_in_dim3A_270 = vector.shape_cast %reduce_sum3A_269 : vector<64xf32> to vector<1x64xf32>
    %div3A_271 = arith.constant 6.400000e+01 : f32
    %div3A_272 = vector.broadcast %div3A_271 : f32 to vector<1x64xf32>
    %div3A_273 = arith.divf %broadcast_in_dim3A_270, %div3A_272 : vector<1x64xf32>
    %swap3A_274 = arith.constant 13 : index
    %swap3A_275 = arith.constant 64 : index
    %swap3A_276 = vector.load %arg7[%swap3A_274, %swap3A_275] : memref<32x128xf32, #tpu.memory_space<vmem>>, vector<1x64xf32>
    tpu.vector_store %arg7[%swap3A_274, %swap3A_275], %div3A_273 {strides = array<i32>} : memref<32x128xf32, #tpu.memory_space<vmem>>, vector<1x64xf32>,
    %slice3A_277 = vector.extract_strided_slice %add3A_47 {offsets = [896, 0], sizes = [64, 64], strides = [1, 1]} : vector<2048x64xf32> to vector<64x64xf32>
    %reduce_max3A_278 = arith.constant dense<0xFF800000> : vector<64xf32>
    %reduce_max3A_279 = vector.multi_reduction <maximumf>, %slice3A_277, %reduce_max3A_278 [0] : vector<64x64xf32> to vector<64xf32>
    %broadcast_in_dim3A_280 = vector.shape_cast %reduce_max3A_279 : vector<64xf32> to vector<1x64xf32>
    %swap3A_281 = arith.constant 14 : index
    %swap3A_282 = arith.constant 0 : index
    %swap3A_283 = vector.load %arg7[%swap3A_281, %swap3A_282] : memref<32x128xf32, #tpu.memory_space<vmem>>, vector<1x64xf32>
    tpu.vector_store %arg7[%swap3A_281, %swap3A_282], %broadcast_in_dim3A_280 {strides = array<i32>} : memref<32x128xf32, #tpu.memory_space<vmem>>, vector<1x64xf32>,
    %reduce_sum3A_284 = arith.constant dense<0.000000e+00> : vector<64xf32>
    %reduce_sum3A_285 = vector.multi_reduction <add>, %slice3A_277, %reduce_sum3A_284 [0] : vector<64x64xf32> to vector<64xf32>
    %broadcast_in_dim3A_286 = vector.shape_cast %reduce_sum3A_285 : vector<64xf32> to vector<1x64xf32>
    %div3A_287 = arith.constant 6.400000e+01 : f32
    %div3A_288 = vector.broadcast %div3A_287 : f32 to vector<1x64xf32>
    %div3A_289 = arith.divf %broadcast_in_dim3A_286, %div3A_288 : vector<1x64xf32>
    %swap3A_290 = arith.constant 14 : index
    %swap3A_291 = arith.constant 64 : index
    %swap3A_292 = vector.load %arg7[%swap3A_290, %swap3A_291] : memref<32x128xf32, #tpu.memory_space<vmem>>, vector<1x64xf32>
    tpu.vector_store %arg7[%swap3A_290, %swap3A_291], %div3A_289 {strides = array<i32>} : memref<32x128xf32, #tpu.memory_space<vmem>>, vector<1x64xf32>,
    %slice3A_293 = vector.extract_strided_slice %add3A_47 {offsets = [960, 0], sizes = [64, 64], strides = [1, 1]} : vector<2048x64xf32> to vector<64x64xf32>
    %reduce_max3A_294 = arith.constant dense<0xFF800000> : vector<64xf32>
    %reduce_max3A_295 = vector.multi_reduction <maximumf>, %slice3A_293, %reduce_max3A_294 [0] : vector<64x64xf32> to vector<64xf32>
    %broadcast_in_dim3A_296 = vector.shape_cast %reduce_max3A_295 : vector<64xf32> to vector<1x64xf32>
    %swap3A_297 = arith.constant 15 : index
    %swap3A_298 = arith.constant 0 : index
    %swap3A_299 = vector.load %arg7[%swap3A_297, %swap3A_298] : memref<32x128xf32, #tpu.memory_space<vmem>>, vector<1x64xf32>
    tpu.vector_store %arg7[%swap3A_297, %swap3A_298], %broadcast_in_dim3A_296 {strides = array<i32>} : memref<32x128xf32, #tpu.memory_space<vmem>>, vector<1x64xf32>,
    %reduce_sum3A_300 = arith.constant dense<0.000000e+00> : vector<64xf32>
    %reduce_sum3A_301 = vector.multi_reduction <add>, %slice3A_293, %reduce_sum3A_300 [0] : vector<64x64xf32> to vector<64xf32>
    %broadcast_in_dim3A_302 = vector.shape_cast %reduce_sum3A_301 : vector<64xf32> to vector<1x64xf32>
    %div3A_303 = arith.constant 6.400000e+01 : f32
    %div3A_304 = vector.broadcast %div3A_303 : f32 to vector<1x64xf32>
    %div3A_305 = arith.divf %broadcast_in_dim3A_302, %div3A_304 : vector<1x64xf32>
    %swap3A_306 = arith.constant 15 : index
    %swap3A_307 = arith.constant 64 : index
    %swap3A_308 = vector.load %arg7[%swap3A_306, %swap3A_307] : memref<32x128xf32, #tpu.memory_space<vmem>>, vector<1x64xf32>
    tpu.vector_store %arg7[%swap3A_306, %swap3A_307], %div3A_305 {strides = array<i32>} : memref<32x128xf32, #tpu.memory_space<vmem>>, vector<1x64xf32>,
    %slice3A_309 = vector.extract_strided_slice %add3A_47 {offsets = [1024, 0], sizes = [64, 64], strides = [1, 1]} : vector<2048x64xf32> to vector<64x64xf32>
    %reduce_max3A_310 = arith.constant dense<0xFF800000> : vector<64xf32>
    %reduce_max3A_311 = vector.multi_reduction <maximumf>, %slice3A_309, %reduce_max3A_310 [0] : vector<64x64xf32> to vector<64xf32>
    %broadcast_in_dim3A_312 = vector.shape_cast %reduce_max3A_311 : vector<64xf32> to vector<1x64xf32>
    %swap3A_313 = arith.constant 16 : index
    %swap3A_314 = arith.constant 0 : index
    %swap3A_315 = vector.load %arg7[%swap3A_313, %swap3A_314] : memref<32x128xf32, #tpu.memory_space<vmem>>, vector<1x64xf32>
    tpu.vector_store %arg7[%swap3A_313, %swap3A_314], %broadcast_in_dim3A_312 {strides = array<i32>} : memref<32x128xf32, #tpu.memory_space<vmem>>, vector<1x64xf32>,
    %reduce_sum3A_316 = arith.constant dense<0.000000e+00> : vector<64xf32>
    %reduce_sum3A_317 = vector.multi_reduction <add>, %slice3A_309, %reduce_sum3A_316 [0] : vector<64x64xf32> to vector<64xf32>
    %broadcast_in_dim3A_318 = vector.shape_cast %reduce_sum3A_317 : vector<64xf32> to vector<1x64xf32>
    %div3A_319 = arith.constant 6.400000e+01 : f32
    %div3A_320 = vector.broadcast %div3A_319 : f32 to vector<1x64xf32>
    %div3A_321 = arith.divf %broadcast_in_dim3A_318, %div3A_320 : vector<1x64xf32>
    %swap3A_322 = arith.constant 16 : index
    %swap3A_323 = arith.constant 64 : index
    %swap3A_324 = vector.load %arg7[%swap3A_322, %swap3A_323] : memref<32x128xf32, #tpu.memory_space<vmem>>, vector<1x64xf32>
    tpu.vector_store %arg7[%swap3A_322, %swap3A_323], %div3A_321 {strides = array<i32>} : memref<32x128xf32, #tpu.memory_space<vmem>>, vector<1x64xf32>,
    %slice3A_325 = vector.extract_strided_slice %add3A_47 {offsets = [1088, 0], sizes = [64, 64], strides = [1, 1]} : vector<2048x64xf32> to vector<64x64xf32>
    %reduce_max3A_326 = arith.constant dense<0xFF800000> : vector<64xf32>
    %reduce_max3A_327 = vector.multi_reduction <maximumf>, %slice3A_325, %reduce_max3A_326 [0] : vector<64x64xf32> to vector<64xf32>
    %broadcast_in_dim3A_328 = vector.shape_cast %reduce_max3A_327 : vector<64xf32> to vector<1x64xf32>
    %swap3A_329 = arith.constant 17 : index
    %swap3A_330 = arith.constant 0 : index
    %swap3A_331 = vector.load %arg7[%swap3A_329, %swap3A_330] : memref<32x128xf32, #tpu.memory_space<vmem>>, vector<1x64xf32>
    tpu.vector_store %arg7[%swap3A_329, %swap3A_330], %broadcast_in_dim3A_328 {strides = array<i32>} : memref<32x128xf32, #tpu.memory_space<vmem>>, vector<1x64xf32>,
    %reduce_sum3A_332 = arith.constant dense<0.000000e+00> : vector<64xf32>
    %reduce_sum3A_333 = vector.multi_reduction <add>, %slice3A_325, %reduce_sum3A_332 [0] : vector<64x64xf32> to vector<64xf32>
    %broadcast_in_dim3A_334 = vector.shape_cast %reduce_sum3A_333 : vector<64xf32> to vector<1x64xf32>
    %div3A_335 = arith.constant 6.400000e+01 : f32
    %div3A_336 = vector.broadcast %div3A_335 : f32 to vector<1x64xf32>
    %div3A_337 = arith.divf %broadcast_in_dim3A_334, %div3A_336 : vector<1x64xf32>
    %swap3A_338 = arith.constant 17 : index
    %swap3A_339 = arith.constant 64 : index
    %swap3A_340 = vector.load %arg7[%swap3A_338, %swap3A_339] : memref<32x128xf32, #tpu.memory_space<vmem>>, vector<1x64xf32>
    tpu.vector_store %arg7[%swap3A_338, %swap3A_339], %div3A_337 {strides = array<i32>} : memref<32x128xf32, #tpu.memory_space<vmem>>, vector<1x64xf32>,
    %slice3A_341 = vector.extract_strided_slice %add3A_47 {offsets = [1152, 0], sizes = [64, 64], strides = [1, 1]} : vector<2048x64xf32> to vector<64x64xf32>
    %reduce_max3A_342 = arith.constant dense<0xFF800000> : vector<64xf32>
    %reduce_max3A_343 = vector.multi_reduction <maximumf>, %slice3A_341, %reduce_max3A_342 [0] : vector<64x64xf32> to vector<64xf32>
    %broadcast_in_dim3A_344 = vector.shape_cast %reduce_max3A_343 : vector<64xf32> to vector<1x64xf32>
    %swap3A_345 = arith.constant 18 : index
    %swap3A_346 = arith.constant 0 : index
    %swap3A_347 = vector.load %arg7[%swap3A_345, %swap3A_346] : memref<32x128xf32, #tpu.memory_space<vmem>>, vector<1x64xf32>
    tpu.vector_store %arg7[%swap3A_345, %swap3A_346], %broadcast_in_dim3A_344 {strides = array<i32>} : memref<32x128xf32, #tpu.memory_space<vmem>>, vector<1x64xf32>,
    %reduce_sum3A_348 = arith.constant dense<0.000000e+00> : vector<64xf32>
    %reduce_sum3A_349 = vector.multi_reduction <add>, %slice3A_341, %reduce_sum3A_348 [0] : vector<64x64xf32> to vector<64xf32>
    %broadcast_in_dim3A_350 = vector.shape_cast %reduce_sum3A_349 : vector<64xf32> to vector<1x64xf32>
    %div3A_351 = arith.constant 6.400000e+01 : f32
    %div3A_352 = vector.broadcast %div3A_351 : f32 to vector<1x64xf32>
    %div3A_353 = arith.divf %broadcast_in_dim3A_350, %div3A_352 : vector<1x64xf32>
    %swap3A_354 = arith.constant 18 : index
    %swap3A_355 = arith.constant 64 : index
    %swap3A_356 = vector.load %arg7[%swap3A_354, %swap3A_355] : memref<32x128xf32, #tpu.memory_space<vmem>>, vector<1x64xf32>
    tpu.vector_store %arg7[%swap3A_354, %swap3A_355], %div3A_353 {strides = array<i32>} : memref<32x128xf32, #tpu.memory_space<vmem>>, vector<1x64xf32>,
    %slice3A_357 = vector.extract_strided_slice %add3A_47 {offsets = [1216, 0], sizes = [64, 64], strides = [1, 1]} : vector<2048x64xf32> to vector<64x64xf32>
    %reduce_max3A_358 = arith.constant dense<0xFF800000> : vector<64xf32>
    %reduce_max3A_359 = vector.multi_reduction <maximumf>, %slice3A_357, %reduce_max3A_358 [0] : vector<64x64xf32> to vector<64xf32>
    %broadcast_in_dim3A_360 = vector.shape_cast %reduce_max3A_359 : vector<64xf32> to vector<1x64xf32>
    %swap3A_361 = arith.constant 19 : index
    %swap3A_362 = arith.constant 0 : index
    %swap3A_363 = vector.load %arg7[%swap3A_361, %swap3A_362] : memref<32x128xf32, #tpu.memory_space<vmem>>, vector<1x64xf32>
    tpu.vector_store %arg7[%swap3A_361, %swap3A_362], %broadcast_in_dim3A_360 {strides = array<i32>} : memref<32x128xf32, #tpu.memory_space<vmem>>, vector<1x64xf32>,
    %reduce_sum3A_364 = arith.constant dense<0.000000e+00> : vector<64xf32>
    %reduce_sum3A_365 = vector.multi_reduction <add>, %slice3A_357, %reduce_sum3A_364 [0] : vector<64x64xf32> to vector<64xf32>
    %broadcast_in_dim3A_366 = vector.shape_cast %reduce_sum3A_365 : vector<64xf32> to vector<1x64xf32>
    %div3A_367 = arith.constant 6.400000e+01 : f32
    %div3A_368 = vector.broadcast %div3A_367 : f32 to vector<1x64xf32>
    %div3A_369 = arith.divf %broadcast_in_dim3A_366, %div3A_368 : vector<1x64xf32>
    %swap3A_370 = arith.constant 19 : index
    %swap3A_371 = arith.constant 64 : index
    %swap3A_372 = vector.load %arg7[%swap3A_370, %swap3A_371] : memref<32x128xf32, #tpu.memory_space<vmem>>, vector<1x64xf32>
    tpu.vector_store %arg7[%swap3A_370, %swap3A_371], %div3A_369 {strides = array<i32>} : memref<32x128xf32, #tpu.memory_space<vmem>>, vector<1x64xf32>,
    %slice3A_373 = vector.extract_strided_slice %add3A_47 {offsets = [1280, 0], sizes = [64, 64], strides = [1, 1]} : vector<2048x64xf32> to vector<64x64xf32>
    %reduce_max3A_374 = arith.constant dense<0xFF800000> : vector<64xf32>
    %reduce_max3A_375 = vector.multi_reduction <maximumf>, %slice3A_373, %reduce_max3A_374 [0] : vector<64x64xf32> to vector<64xf32>
    %broadcast_in_dim3A_376 = vector.shape_cast %reduce_max3A_375 : vector<64xf32> to vector<1x64xf32>
    %swap3A_377 = arith.constant 20 : index
    %swap3A_378 = arith.constant 0 : index
    %swap3A_379 = vector.load %arg7[%swap3A_377, %swap3A_378] : memref<32x128xf32, #tpu.memory_space<vmem>>, vector<1x64xf32>
    tpu.vector_store %arg7[%swap3A_377, %swap3A_378], %broadcast_in_dim3A_376 {strides = array<i32>} : memref<32x128xf32, #tpu.memory_space<vmem>>, vector<1x64xf32>,
    %reduce_sum3A_380 = arith.constant dense<0.000000e+00> : vector<64xf32>
    %reduce_sum3A_381 = vector.multi_reduction <add>, %slice3A_373, %reduce_sum3A_380 [0] : vector<64x64xf32> to vector<64xf32>
    %broadcast_in_dim3A_382 = vector.shape_cast %reduce_sum3A_381 : vector<64xf32> to vector<1x64xf32>
    %div3A_383 = arith.constant 6.400000e+01 : f32
    %div3A_384 = vector.broadcast %div3A_383 : f32 to vector<1x64xf32>
    %div3A_385 = arith.divf %broadcast_in_dim3A_382, %div3A_384 : vector<1x64xf32>
    %swap3A_386 = arith.constant 20 : index
    %swap3A_387 = arith.constant 64 : index
    %swap3A_388 = vector.load %arg7[%swap3A_386, %swap3A_387] : memref<32x128xf32, #tpu.memory_space<vmem>>, vector<1x64xf32>
    tpu.vector_store %arg7[%swap3A_386, %swap3A_387], %div3A_385 {strides = array<i32>} : memref<32x128xf32, #tpu.memory_space<vmem>>, vector<1x64xf32>,
    %slice3A_389 = vector.extract_strided_slice %add3A_47 {offsets = [1344, 0], sizes = [64, 64], strides = [1, 1]} : vector<2048x64xf32> to vector<64x64xf32>
    %reduce_max3A_390 = arith.constant dense<0xFF800000> : vector<64xf32>
    %reduce_max3A_391 = vector.multi_reduction <maximumf>, %slice3A_389, %reduce_max3A_390 [0] : vector<64x64xf32> to vector<64xf32>
    %broadcast_in_dim3A_392 = vector.shape_cast %reduce_max3A_391 : vector<64xf32> to vector<1x64xf32>
    %swap3A_393 = arith.constant 21 : index
    %swap3A_394 = arith.constant 0 : index
    %swap3A_395 = vector.load %arg7[%swap3A_393, %swap3A_394] : memref<32x128xf32, #tpu.memory_space<vmem>>, vector<1x64xf32>
    tpu.vector_store %arg7[%swap3A_393, %swap3A_394], %broadcast_in_dim3A_392 {strides = array<i32>} : memref<32x128xf32, #tpu.memory_space<vmem>>, vector<1x64xf32>,
    %reduce_sum3A_396 = arith.constant dense<0.000000e+00> : vector<64xf32>
    %reduce_sum3A_397 = vector.multi_reduction <add>, %slice3A_389, %reduce_sum3A_396 [0] : vector<64x64xf32> to vector<64xf32>
    %broadcast_in_dim3A_398 = vector.shape_cast %reduce_sum3A_397 : vector<64xf32> to vector<1x64xf32>
    %div3A_399 = arith.constant 6.400000e+01 : f32
    %div3A_400 = vector.broadcast %div3A_399 : f32 to vector<1x64xf32>
    %div3A_401 = arith.divf %broadcast_in_dim3A_398, %div3A_400 : vector<1x64xf32>
    %swap3A_402 = arith.constant 21 : index
    %swap3A_403 = arith.constant 64 : index
    %swap3A_404 = vector.load %arg7[%swap3A_402, %swap3A_403] : memref<32x128xf32, #tpu.memory_space<vmem>>, vector<1x64xf32>
    tpu.vector_store %arg7[%swap3A_402, %swap3A_403], %div3A_401 {strides = array<i32>} : memref<32x128xf32, #tpu.memory_space<vmem>>, vector<1x64xf32>,
    %slice3A_405 = vector.extract_strided_slice %add3A_47 {offsets = [1408, 0], sizes = [64, 64], strides = [1, 1]} : vector<2048x64xf32> to vector<64x64xf32>
    %reduce_max3A_406 = arith.constant dense<0xFF800000> : vector<64xf32>
    %reduce_max3A_407 = vector.multi_reduction <maximumf>, %slice3A_405, %reduce_max3A_406 [0] : vector<64x64xf32> to vector<64xf32>
    %broadcast_in_dim3A_408 = vector.shape_cast %reduce_max3A_407 : vector<64xf32> to vector<1x64xf32>
    %swap3A_409 = arith.constant 22 : index
    %swap3A_410 = arith.constant 0 : index
    %swap3A_411 = vector.load %arg7[%swap3A_409, %swap3A_410] : memref<32x128xf32, #tpu.memory_space<vmem>>, vector<1x64xf32>
    tpu.vector_store %arg7[%swap3A_409, %swap3A_410], %broadcast_in_dim3A_408 {strides = array<i32>} : memref<32x128xf32, #tpu.memory_space<vmem>>, vector<1x64xf32>,
    %reduce_sum3A_412 = arith.constant dense<0.000000e+00> : vector<64xf32>
    %reduce_sum3A_413 = vector.multi_reduction <add>, %slice3A_405, %reduce_sum3A_412 [0] : vector<64x64xf32> to vector<64xf32>
    %broadcast_in_dim3A_414 = vector.shape_cast %reduce_sum3A_413 : vector<64xf32> to vector<1x64xf32>
    %div3A_415 = arith.constant 6.400000e+01 : f32
    %div3A_416 = vector.broadcast %div3A_415 : f32 to vector<1x64xf32>
    %div3A_417 = arith.divf %broadcast_in_dim3A_414, %div3A_416 : vector<1x64xf32>
    %swap3A_418 = arith.constant 22 : index
    %swap3A_419 = arith.constant 64 : index
    %swap3A_420 = vector.load %arg7[%swap3A_418, %swap3A_419] : memref<32x128xf32, #tpu.memory_space<vmem>>, vector<1x64xf32>
    tpu.vector_store %arg7[%swap3A_418, %swap3A_419], %div3A_417 {strides = array<i32>} : memref<32x128xf32, #tpu.memory_space<vmem>>, vector<1x64xf32>,
    %slice3A_421 = vector.extract_strided_slice %add3A_47 {offsets = [1472, 0], sizes = [64, 64], strides = [1, 1]} : vector<2048x64xf32> to vector<64x64xf32>
    %reduce_max3A_422 = arith.constant dense<0xFF800000> : vector<64xf32>
    %reduce_max3A_423 = vector.multi_reduction <maximumf>, %slice3A_421, %reduce_max3A_422 [0] : vector<64x64xf32> to vector<64xf32>
    %broadcast_in_dim3A_424 = vector.shape_cast %reduce_max3A_423 : vector<64xf32> to vector<1x64xf32>
    %swap3A_425 = arith.constant 23 : index
    %swap3A_426 = arith.constant 0 : index
    %swap3A_427 = vector.load %arg7[%swap3A_425, %swap3A_426] : memref<32x128xf32, #tpu.memory_space<vmem>>, vector<1x64xf32>
    tpu.vector_store %arg7[%swap3A_425, %swap3A_426], %broadcast_in_dim3A_424 {strides = array<i32>} : memref<32x128xf32, #tpu.memory_space<vmem>>, vector<1x64xf32>,
    %reduce_sum3A_428 = arith.constant dense<0.000000e+00> : vector<64xf32>
    %reduce_sum3A_429 = vector.multi_reduction <add>, %slice3A_421, %reduce_sum3A_428 [0] : vector<64x64xf32> to vector<64xf32>
    %broadcast_in_dim3A_430 = vector.shape_cast %reduce_sum3A_429 : vector<64xf32> to vector<1x64xf32>
    %div3A_431 = arith.constant 6.400000e+01 : f32
    %div3A_432 = vector.broadcast %div3A_431 : f32 to vector<1x64xf32>
    %div3A_433 = arith.divf %broadcast_in_dim3A_430, %div3A_432 : vector<1x64xf32>
    %swap3A_434 = arith.constant 23 : index
    %swap3A_435 = arith.constant 64 : index
    %swap3A_436 = vector.load %arg7[%swap3A_434, %swap3A_435] : memref<32x128xf32, #tpu.memory_space<vmem>>, vector<1x64xf32>
    tpu.vector_store %arg7[%swap3A_434, %swap3A_435], %div3A_433 {strides = array<i32>} : memref<32x128xf32, #tpu.memory_space<vmem>>, vector<1x64xf32>,
    %slice3A_437 = vector.extract_strided_slice %add3A_47 {offsets = [1536, 0], sizes = [64, 64], strides = [1, 1]} : vector<2048x64xf32> to vector<64x64xf32>
    %reduce_max3A_438 = arith.constant dense<0xFF800000> : vector<64xf32>
    %reduce_max3A_439 = vector.multi_reduction <maximumf>, %slice3A_437, %reduce_max3A_438 [0] : vector<64x64xf32> to vector<64xf32>
    %broadcast_in_dim3A_440 = vector.shape_cast %reduce_max3A_439 : vector<64xf32> to vector<1x64xf32>
    %swap3A_441 = arith.constant 24 : index
    %swap3A_442 = arith.constant 0 : index
    %swap3A_443 = vector.load %arg7[%swap3A_441, %swap3A_442] : memref<32x128xf32, #tpu.memory_space<vmem>>, vector<1x64xf32>
    tpu.vector_store %arg7[%swap3A_441, %swap3A_442], %broadcast_in_dim3A_440 {strides = array<i32>} : memref<32x128xf32, #tpu.memory_space<vmem>>, vector<1x64xf32>,
    %reduce_sum3A_444 = arith.constant dense<0.000000e+00> : vector<64xf32>
    %reduce_sum3A_445 = vector.multi_reduction <add>, %slice3A_437, %reduce_sum3A_444 [0] : vector<64x64xf32> to vector<64xf32>
    %broadcast_in_dim3A_446 = vector.shape_cast %reduce_sum3A_445 : vector<64xf32> to vector<1x64xf32>
    %div3A_447 = arith.constant 6.400000e+01 : f32
    %div3A_448 = vector.broadcast %div3A_447 : f32 to vector<1x64xf32>
    %div3A_449 = arith.divf %broadcast_in_dim3A_446, %div3A_448 : vector<1x64xf32>
    %swap3A_450 = arith.constant 24 : index
    %swap3A_451 = arith.constant 64 : index
    %swap3A_452 = vector.load %arg7[%swap3A_450, %swap3A_451] : memref<32x128xf32, #tpu.memory_space<vmem>>, vector<1x64xf32>
    tpu.vector_store %arg7[%swap3A_450, %swap3A_451], %div3A_449 {strides = array<i32>} : memref<32x128xf32, #tpu.memory_space<vmem>>, vector<1x64xf32>,
    %slice3A_453 = vector.extract_strided_slice %add3A_47 {offsets = [1600, 0], sizes = [64, 64], strides = [1, 1]} : vector<2048x64xf32> to vector<64x64xf32>
    %reduce_max3A_454 = arith.constant dense<0xFF800000> : vector<64xf32>
    %reduce_max3A_455 = vector.multi_reduction <maximumf>, %slice3A_453, %reduce_max3A_454 [0] : vector<64x64xf32> to vector<64xf32>
    %broadcast_in_dim3A_456 = vector.shape_cast %reduce_max3A_455 : vector<64xf32> to vector<1x64xf32>
    %swap3A_457 = arith.constant 25 : index
    %swap3A_458 = arith.constant 0 : index
    %swap3A_459 = vector.load %arg7[%swap3A_457, %swap3A_458] : memref<32x128xf32, #tpu.memory_space<vmem>>, vector<1x64xf32>
    tpu.vector_store %arg7[%swap3A_457, %swap3A_458], %broadcast_in_dim3A_456 {strides = array<i32>} : memref<32x128xf32, #tpu.memory_space<vmem>>, vector<1x64xf32>,
    %reduce_sum3A_460 = arith.constant dense<0.000000e+00> : vector<64xf32>
    %reduce_sum3A_461 = vector.multi_reduction <add>, %slice3A_453, %reduce_sum3A_460 [0] : vector<64x64xf32> to vector<64xf32>
    %broadcast_in_dim3A_462 = vector.shape_cast %reduce_sum3A_461 : vector<64xf32> to vector<1x64xf32>
    %div3A_463 = arith.constant 6.400000e+01 : f32
    %div3A_464 = vector.broadcast %div3A_463 : f32 to vector<1x64xf32>
    %div3A_465 = arith.divf %broadcast_in_dim3A_462, %div3A_464 : vector<1x64xf32>
    %swap3A_466 = arith.constant 25 : index
    %swap3A_467 = arith.constant 64 : index
    %swap3A_468 = vector.load %arg7[%swap3A_466, %swap3A_467] : memref<32x128xf32, #tpu.memory_space<vmem>>, vector<1x64xf32>
    tpu.vector_store %arg7[%swap3A_466, %swap3A_467], %div3A_465 {strides = array<i32>} : memref<32x128xf32, #tpu.memory_space<vmem>>, vector<1x64xf32>,
    %slice3A_469 = vector.extract_strided_slice %add3A_47 {offsets = [1664, 0], sizes = [64, 64], strides = [1, 1]} : vector<2048x64xf32> to vector<64x64xf32>
    %reduce_max3A_470 = arith.constant dense<0xFF800000> : vector<64xf32>
    %reduce_max3A_471 = vector.multi_reduction <maximumf>, %slice3A_469, %reduce_max3A_470 [0] : vector<64x64xf32> to vector<64xf32>
    %broadcast_in_dim3A_472 = vector.shape_cast %reduce_max3A_471 : vector<64xf32> to vector<1x64xf32>
    %swap3A_473 = arith.constant 26 : index
    %swap3A_474 = arith.constant 0 : index
    %swap3A_475 = vector.load %arg7[%swap3A_473, %swap3A_474] : memref<32x128xf32, #tpu.memory_space<vmem>>, vector<1x64xf32>
    tpu.vector_store %arg7[%swap3A_473, %swap3A_474], %broadcast_in_dim3A_472 {strides = array<i32>} : memref<32x128xf32, #tpu.memory_space<vmem>>, vector<1x64xf32>,
    %reduce_sum3A_476 = arith.constant dense<0.000000e+00> : vector<64xf32>
    %reduce_sum3A_477 = vector.multi_reduction <add>, %slice3A_469, %reduce_sum3A_476 [0] : vector<64x64xf32> to vector<64xf32>
    %broadcast_in_dim3A_478 = vector.shape_cast %reduce_sum3A_477 : vector<64xf32> to vector<1x64xf32>
    %div3A_479 = arith.constant 6.400000e+01 : f32
    %div3A_480 = vector.broadcast %div3A_479 : f32 to vector<1x64xf32>
    %div3A_481 = arith.divf %broadcast_in_dim3A_478, %div3A_480 : vector<1x64xf32>
    %swap3A_482 = arith.constant 26 : index
    %swap3A_483 = arith.constant 64 : index
    %swap3A_484 = vector.load %arg7[%swap3A_482, %swap3A_483] : memref<32x128xf32, #tpu.memory_space<vmem>>, vector<1x64xf32>
    tpu.vector_store %arg7[%swap3A_482, %swap3A_483], %div3A_481 {strides = array<i32>} : memref<32x128xf32, #tpu.memory_space<vmem>>, vector<1x64xf32>,
    %slice3A_485 = vector.extract_strided_slice %add3A_47 {offsets = [1728, 0], sizes = [64, 64], strides = [1, 1]} : vector<2048x64xf32> to vector<64x64xf32>
    %reduce_max3A_486 = arith.constant dense<0xFF800000> : vector<64xf32>
    %reduce_max3A_487 = vector.multi_reduction <maximumf>, %slice3A_485, %reduce_max3A_486 [0] : vector<64x64xf32> to vector<64xf32>
    %broadcast_in_dim3A_488 = vector.shape_cast %reduce_max3A_487 : vector<64xf32> to vector<1x64xf32>
    %swap3A_489 = arith.constant 27 : index
    %swap3A_490 = arith.constant 0 : index
    %swap3A_491 = vector.load %arg7[%swap3A_489, %swap3A_490] : memref<32x128xf32, #tpu.memory_space<vmem>>, vector<1x64xf32>
    tpu.vector_store %arg7[%swap3A_489, %swap3A_490], %broadcast_in_dim3A_488 {strides = array<i32>} : memref<32x128xf32, #tpu.memory_space<vmem>>, vector<1x64xf32>,
    %reduce_sum3A_492 = arith.constant dense<0.000000e+00> : vector<64xf32>
    %reduce_sum3A_493 = vector.multi_reduction <add>, %slice3A_485, %reduce_sum3A_492 [0] : vector<64x64xf32> to vector<64xf32>
    %broadcast_in_dim3A_494 = vector.shape_cast %reduce_sum3A_493 : vector<64xf32> to vector<1x64xf32>
    %div3A_495 = arith.constant 6.400000e+01 : f32
    %div3A_496 = vector.broadcast %div3A_495 : f32 to vector<1x64xf32>
    %div3A_497 = arith.divf %broadcast_in_dim3A_494, %div3A_496 : vector<1x64xf32>
    %swap3A_498 = arith.constant 27 : index
    %swap3A_499 = arith.constant 64 : index
    %swap3A_500 = vector.load %arg7[%swap3A_498, %swap3A_499] : memref<32x128xf32, #tpu.memory_space<vmem>>, vector<1x64xf32>
    tpu.vector_store %arg7[%swap3A_498, %swap3A_499], %div3A_497 {strides = array<i32>} : memref<32x128xf32, #tpu.memory_space<vmem>>, vector<1x64xf32>,
    %slice3A_501 = vector.extract_strided_slice %add3A_47 {offsets = [1792, 0], sizes = [64, 64], strides = [1, 1]} : vector<2048x64xf32> to vector<64x64xf32>
    %reduce_max3A_502 = arith.constant dense<0xFF800000> : vector<64xf32>
    %reduce_max3A_503 = vector.multi_reduction <maximumf>, %slice3A_501, %reduce_max3A_502 [0] : vector<64x64xf32> to vector<64xf32>
    %broadcast_in_dim3A_504 = vector.shape_cast %reduce_max3A_503 : vector<64xf32> to vector<1x64xf32>
    %swap3A_505 = arith.constant 28 : index
    %swap3A_506 = arith.constant 0 : index
    %swap3A_507 = vector.load %arg7[%swap3A_505, %swap3A_506] : memref<32x128xf32, #tpu.memory_space<vmem>>, vector<1x64xf32>
    tpu.vector_store %arg7[%swap3A_505, %swap3A_506], %broadcast_in_dim3A_504 {strides = array<i32>} : memref<32x128xf32, #tpu.memory_space<vmem>>, vector<1x64xf32>,
    %reduce_sum3A_508 = arith.constant dense<0.000000e+00> : vector<64xf32>
    %reduce_sum3A_509 = vector.multi_reduction <add>, %slice3A_501, %reduce_sum3A_508 [0] : vector<64x64xf32> to vector<64xf32>
    %broadcast_in_dim3A_510 = vector.shape_cast %reduce_sum3A_509 : vector<64xf32> to vector<1x64xf32>
    %div3A_511 = arith.constant 6.400000e+01 : f32
    %div3A_512 = vector.broadcast %div3A_511 : f32 to vector<1x64xf32>
    %div3A_513 = arith.divf %broadcast_in_dim3A_510, %div3A_512 : vector<1x64xf32>
    %swap3A_514 = arith.constant 28 : index
    %swap3A_515 = arith.constant 64 : index
    %swap3A_516 = vector.load %arg7[%swap3A_514, %swap3A_515] : memref<32x128xf32, #tpu.memory_space<vmem>>, vector<1x64xf32>
    tpu.vector_store %arg7[%swap3A_514, %swap3A_515], %div3A_513 {strides = array<i32>} : memref<32x128xf32, #tpu.memory_space<vmem>>, vector<1x64xf32>,
    %slice3A_517 = vector.extract_strided_slice %add3A_47 {offsets = [1856, 0], sizes = [64, 64], strides = [1, 1]} : vector<2048x64xf32> to vector<64x64xf32>
    %reduce_max3A_518 = arith.constant dense<0xFF800000> : vector<64xf32>
    %reduce_max3A_519 = vector.multi_reduction <maximumf>, %slice3A_517, %reduce_max3A_518 [0] : vector<64x64xf32> to vector<64xf32>
    %broadcast_in_dim3A_520 = vector.shape_cast %reduce_max3A_519 : vector<64xf32> to vector<1x64xf32>
    %swap3A_521 = arith.constant 29 : index
    %swap3A_522 = arith.constant 0 : index
    %swap3A_523 = vector.load %arg7[%swap3A_521, %swap3A_522] : memref<32x128xf32, #tpu.memory_space<vmem>>, vector<1x64xf32>
    tpu.vector_store %arg7[%swap3A_521, %swap3A_522], %broadcast_in_dim3A_520 {strides = array<i32>} : memref<32x128xf32, #tpu.memory_space<vmem>>, vector<1x64xf32>,
    %reduce_sum3A_524 = arith.constant dense<0.000000e+00> : vector<64xf32>
    %reduce_sum3A_525 = vector.multi_reduction <add>, %slice3A_517, %reduce_sum3A_524 [0] : vector<64x64xf32> to vector<64xf32>
    %broadcast_in_dim3A_526 = vector.shape_cast %reduce_sum3A_525 : vector<64xf32> to vector<1x64xf32>
    %div3A_527 = arith.constant 6.400000e+01 : f32
    %div3A_528 = vector.broadcast %div3A_527 : f32 to vector<1x64xf32>
    %div3A_529 = arith.divf %broadcast_in_dim3A_526, %div3A_528 : vector<1x64xf32>
    %swap3A_530 = arith.constant 29 : index
    %swap3A_531 = arith.constant 64 : index
    %swap3A_532 = vector.load %arg7[%swap3A_530, %swap3A_531] : memref<32x128xf32, #tpu.memory_space<vmem>>, vector<1x64xf32>
    tpu.vector_store %arg7[%swap3A_530, %swap3A_531], %div3A_529 {strides = array<i32>} : memref<32x128xf32, #tpu.memory_space<vmem>>, vector<1x64xf32>,
    %slice3A_533 = vector.extract_strided_slice %add3A_47 {offsets = [1920, 0], sizes = [64, 64], strides = [1, 1]} : vector<2048x64xf32> to vector<64x64xf32>
    %reduce_max3A_534 = arith.constant dense<0xFF800000> : vector<64xf32>
    %reduce_max3A_535 = vector.multi_reduction <maximumf>, %slice3A_533, %reduce_max3A_534 [0] : vector<64x64xf32> to vector<64xf32>
    %broadcast_in_dim3A_536 = vector.shape_cast %reduce_max3A_535 : vector<64xf32> to vector<1x64xf32>
    %swap3A_537 = arith.constant 30 : index
    %swap3A_538 = arith.constant 0 : index
    %swap3A_539 = vector.load %arg7[%swap3A_537, %swap3A_538] : memref<32x128xf32, #tpu.memory_space<vmem>>, vector<1x64xf32>
    tpu.vector_store %arg7[%swap3A_537, %swap3A_538], %broadcast_in_dim3A_536 {strides = array<i32>} : memref<32x128xf32, #tpu.memory_space<vmem>>, vector<1x64xf32>,
    %reduce_sum3A_540 = arith.constant dense<0.000000e+00> : vector<64xf32>
    %reduce_sum3A_541 = vector.multi_reduction <add>, %slice3A_533, %reduce_sum3A_540 [0] : vector<64x64xf32> to vector<64xf32>
    %broadcast_in_dim3A_542 = vector.shape_cast %reduce_sum3A_541 : vector<64xf32> to vector<1x64xf32>
    %div3A_543 = arith.constant 6.400000e+01 : f32
    %div3A_544 = vector.broadcast %div3A_543 : f32 to vector<1x64xf32>
    %div3A_545 = arith.divf %broadcast_in_dim3A_542, %div3A_544 : vector<1x64xf32>
    %swap3A_546 = arith.constant 30 : index
    %swap3A_547 = arith.constant 64 : index
    %swap3A_548 = vector.load %arg7[%swap3A_546, %swap3A_547] : memref<32x128xf32, #tpu.memory_space<vmem>>, vector<1x64xf32>
    tpu.vector_store %arg7[%swap3A_546, %swap3A_547], %div3A_545 {strides = array<i32>} : memref<32x128xf32, #tpu.memory_space<vmem>>, vector<1x64xf32>,
    %slice3A_549 = vector.extract_strided_slice %add3A_47 {offsets = [1984, 0], sizes = [64, 64], strides = [1, 1]} : vector<2048x64xf32> to vector<64x64xf32>
    %reduce_max3A_550 = arith.constant dense<0xFF800000> : vector<64xf32>
    %reduce_max3A_551 = vector.multi_reduction <maximumf>, %slice3A_549, %reduce_max3A_550 [0] : vector<64x64xf32> to vector<64xf32>
    %broadcast_in_dim3A_552 = vector.shape_cast %reduce_max3A_551 : vector<64xf32> to vector<1x64xf32>
    %swap3A_553 = arith.constant 31 : index
    %swap3A_554 = arith.constant 0 : index
    %swap3A_555 = vector.load %arg7[%swap3A_553, %swap3A_554] : memref<32x128xf32, #tpu.memory_space<vmem>>, vector<1x64xf32>
    tpu.vector_store %arg7[%swap3A_553, %swap3A_554], %broadcast_in_dim3A_552 {strides = array<i32>} : memref<32x128xf32, #tpu.memory_space<vmem>>, vector<1x64xf32>,
    %reduce_sum3A_556 = arith.constant dense<0.000000e+00> : vector<64xf32>
    %reduce_sum3A_557 = vector.multi_reduction <add>, %slice3A_549, %reduce_sum3A_556 [0] : vector<64x64xf32> to vector<64xf32>
    %broadcast_in_dim3A_558 = vector.shape_cast %reduce_sum3A_557 : vector<64xf32> to vector<1x64xf32>
    %div3A_559 = arith.constant 6.400000e+01 : f32
    %div3A_560 = vector.broadcast %div3A_559 : f32 to vector<1x64xf32>
    %div3A_561 = arith.divf %broadcast_in_dim3A_558, %div3A_560 : vector<1x64xf32>
    %swap3A_562 = arith.constant 31 : index
    %swap3A_563 = arith.constant 64 : index
    %swap3A_564 = vector.load %arg7[%swap3A_562, %swap3A_563] : memref<32x128xf32, #tpu.memory_space<vmem>>, vector<1x64xf32>
    tpu.vector_store %arg7[%swap3A_562, %swap3A_563], %div3A_561 {strides = array<i32>} : memref<32x128xf32, #tpu.memory_space<vmem>>, vector<1x64xf32>,
    return
  }
}

module attributes {stable_mosaic.version = 14 : i64} {
  func.func @_epi_body(%arg0: memref<2x2048x64xf32, #tpu.memory_space<vmem>>, %arg1: memref<2048x128xf32, #tpu.memory_space<vmem>>, %arg2: memref<64x64xbf16, #tpu.memory_space<vmem>>, %arg3: memref<1x64xf32, #tpu.memory_space<vmem>>, %arg4: memref<1x64xf32, #tpu.memory_space<vmem>>, %arg5: memref<1x64xf32, #tpu.memory_space<vmem>>, %arg6: memref<2048x128xf32, #tpu.memory_space<vmem>>, %arg7: memref<32x128xf32, #tpu.memory_space<vmem>>) attributes {dimension_semantics = [], scalar_prefetch = 0 : i64, scratch_operands = 0 : i64, tpu.core_type = #tpu.core_type<tc>} {
    %get3A = arith.constant 0 : index
    %get3A_0 = arith.constant 0 : index
    %get3A_1 = arith.constant 0 : index
    %get3A_2 = vector.load %arg0[%get3A, %get3A_0, %get3A_1] : memref<2x2048x64xf32, #tpu.memory_space<vmem>>, vector<1x2048x64xf32>
    %get3A_3 = vector.shape_cast %get3A_2 : vector<1x2048x64xf32> to vector<2048x64xf32>
    %get3A_4 = arith.constant 1 : index
    %get3A_5 = arith.constant 0 : index
    %get3A_6 = arith.constant 0 : index
    %get3A_7 = vector.load %arg0[%get3A_4, %get3A_5, %get3A_6] : memref<2x2048x64xf32, #tpu.memory_space<vmem>>, vector<1x2048x64xf32>
    %get3A_8 = vector.shape_cast %get3A_7 : vector<1x2048x64xf32> to vector<2048x64xf32>
    %add3A = arith.addf %get3A_3, %get3A_8 : vector<2048x64xf32>
    %get3A_9 = arith.constant 0 : index
    %get3A_10 = arith.constant 0 : index
    %get3A_11 = vector.load %arg1[%get3A_9, %get3A_10] : memref<2048x128xf32, #tpu.memory_space<vmem>>, vector<2048x64xf32>
    %convert_element_type3A = arith.truncf %get3A_11 : vector<2048x64xf32> to vector<2048x64xbf16>
    %get3A_12 = arith.constant 0 : index
    %get3A_13 = arith.constant 0 : index
    %get3A_14 = vector.load %arg2[%get3A_12, %get3A_13] : memref<64x64xbf16, #tpu.memory_space<vmem>>, vector<64x64xbf16>
    %dot_general3A = arith.constant dense<0.000000e+00> : vector<2048x64xf32>
    %dot_general3A_15 = tpu.matmul %convert_element_type3A, %get3A_14, %dot_general3A {dimension_numbers = #tpu.dot_dimension_numbers<[1], [0], [0], [1], [0, 0, 1, 1], [], []>, transpose_lhs_hint = false} : vector<2048x64xbf16>, vector<64x64xbf16>, vector<2048x64xf32> -> vector<2048x64xf32>
    %add3A_16 = arith.addf %add3A, %dot_general3A_15 : vector<2048x64xf32>
    %get3A_17 = arith.constant 0 : index
    %get3A_18 = arith.constant 0 : index
    %get3A_19 = vector.load %arg3[%get3A_17, %get3A_18] : memref<1x64xf32, #tpu.memory_space<vmem>>, vector<1x64xf32>
    %add3A_20 = vector.broadcast %get3A_19 : vector<1x64xf32> to vector<2048x64xf32>
    %add3A_21 = arith.addf %add3A_16, %add3A_20 : vector<2048x64xf32>
    %reduce_sum3A = arith.constant dense<0.000000e+00> : vector<64xf32>
    %reduce_sum3A_22 = vector.multi_reduction <add>, %add3A_21, %reduce_sum3A [0] : vector<2048x64xf32> to vector<64xf32>
    %broadcast_in_dim3A = vector.shape_cast %reduce_sum3A_22 : vector<64xf32> to vector<1x64xf32>
    %div3A = arith.constant 2.048000e+03 : f32
    %div3A_23 = vector.broadcast %div3A : f32 to vector<1x64xf32>
    %div3A_24 = arith.divf %broadcast_in_dim3A, %div3A_23 : vector<1x64xf32>
    %sub3A = vector.broadcast %div3A_24 : vector<1x64xf32> to vector<2048x64xf32>
    %sub3A_25 = arith.subf %add3A_21, %sub3A : vector<2048x64xf32>
    %square3A = arith.mulf %sub3A_25, %sub3A_25 : vector<2048x64xf32>
    %reduce_sum3A_26 = arith.constant dense<0.000000e+00> : vector<64xf32>
    %reduce_sum3A_27 = vector.multi_reduction <add>, %square3A, %reduce_sum3A_26 [0] : vector<2048x64xf32> to vector<64xf32>
    %broadcast_in_dim3A_28 = vector.shape_cast %reduce_sum3A_27 : vector<64xf32> to vector<1x64xf32>
    %div3A_29 = arith.constant 2.048000e+03 : f32
    %div3A_30 = vector.broadcast %div3A_29 : f32 to vector<1x64xf32>
    %div3A_31 = arith.divf %broadcast_in_dim3A_28, %div3A_30 : vector<1x64xf32>
    %sub3A_32 = vector.broadcast %div3A_24 : vector<1x64xf32> to vector<2048x64xf32>
    %sub3A_33 = arith.subf %add3A_21, %sub3A_32 : vector<2048x64xf32>
    %add3A_34 = arith.constant 9.99999974E-6 : f32
    %add3A_35 = vector.broadcast %add3A_34 : f32 to vector<1x64xf32>
    %add3A_36 = arith.addf %div3A_31, %add3A_35 : vector<1x64xf32>
    %rsqrt3A = math.rsqrt %add3A_36 : vector<1x64xf32>
    %mul3A = vector.broadcast %rsqrt3A : vector<1x64xf32> to vector<2048x64xf32>
    %mul3A_37 = arith.mulf %sub3A_33, %mul3A : vector<2048x64xf32>
    %get3A_38 = arith.constant 0 : index
    %get3A_39 = arith.constant 0 : index
    %get3A_40 = vector.load %arg4[%get3A_38, %get3A_39] : memref<1x64xf32, #tpu.memory_space<vmem>>, vector<1x64xf32>
    %mul3A_41 = vector.broadcast %get3A_40 : vector<1x64xf32> to vector<2048x64xf32>
    %mul3A_42 = arith.mulf %mul3A_37, %mul3A_41 : vector<2048x64xf32>
    %get3A_43 = arith.constant 0 : index
    %get3A_44 = arith.constant 0 : index
    %get3A_45 = vector.load %arg5[%get3A_43, %get3A_44] : memref<1x64xf32, #tpu.memory_space<vmem>>, vector<1x64xf32>
    %add3A_46 = vector.broadcast %get3A_45 : vector<1x64xf32> to vector<2048x64xf32>
    %add3A_47 = arith.addf %mul3A_42, %add3A_46 : vector<2048x64xf32>
    %swap3A = arith.constant 0 : index
    %swap3A_48 = arith.constant 0 : index
    %swap3A_49 = vector.load %arg6[%swap3A, %swap3A_48] : memref<2048x128xf32, #tpu.memory_space<vmem>>, vector<2048x64xf32>
    tpu.vector_store %arg6[%swap3A, %swap3A_48], %add3A_47 {strides = array<i32>} : memref<2048x128xf32, #tpu.memory_space<vmem>>, vector<2048x64xf32>,
    %broadcast_in_dim3A_50 = arith.constant 0.000000e+00 : f32
    %broadcast_in_dim3A_51 = vector.broadcast %broadcast_in_dim3A_50 : f32 to vector<2048x64xf32>
    %swap3A_52 = arith.constant 0 : index
    %swap3A_53 = arith.constant 64 : index
    %swap3A_54 = vector.load %arg6[%swap3A_52, %swap3A_53] : memref<2048x128xf32, #tpu.memory_space<vmem>>, vector<2048x64xf32>
    tpu.vector_store %arg6[%swap3A_52, %swap3A_53], %broadcast_in_dim3A_51 {strides = array<i32>} : memref<2048x128xf32, #tpu.memory_space<vmem>>, vector<2048x64xf32>,
    %slice3A = vector.extract_strided_slice %add3A_47 {offsets = [0, 0], sizes = [64, 64], strides = [1, 1]} : vector<2048x64xf32> to vector<64x64xf32>
    %reduce_max3A = arith.constant dense<0xFF800000> : vector<64xf32>
    %reduce_max3A_55 = vector.multi_reduction <maximumf>, %slice3A, %reduce_max3A [0] : vector<64x64xf32> to vector<64xf32>
    %broadcast_in_dim3A_56 = vector.shape_cast %reduce_max3A_55 : vector<64xf32> to vector<1x64xf32>
    %swap3A_57 = arith.constant 0 : index
    %swap3A_58 = arith.constant 0 : index
    %swap3A_59 = vector.load %arg7[%swap3A_57, %swap3A_58] : memref<32x128xf32, #tpu.memory_space<vmem>>, vector<1x64xf32>
    tpu.vector_store %arg7[%swap3A_57, %swap3A_58], %broadcast_in_dim3A_56 {strides = array<i32>} : memref<32x128xf32, #tpu.memory_space<vmem>>, vector<1x64xf32>,
    %reduce_sum3A_60 = arith.constant dense<0.000000e+00> : vector<64xf32>
    %reduce_sum3A_61 = vector.multi_reduction <add>, %slice3A, %reduce_sum3A_60 [0] : vector<64x64xf32> to vector<64xf32>
    %broadcast_in_dim3A_62 = vector.shape_cast %reduce_sum3A_61 : vector<64xf32> to vector<1x64xf32>
    %div3A_63 = arith.constant 6.400000e+01 : f32
    %div3A_64 = vector.broadcast %div3A_63 : f32 to vector<1x64xf32>
    %div3A_65 = arith.divf %broadcast_in_dim3A_62, %div3A_64 : vector<1x64xf32>
    %swap3A_66 = arith.constant 0 : index
    %swap3A_67 = arith.constant 64 : index
    %swap3A_68 = vector.load %arg7[%swap3A_66, %swap3A_67] : memref<32x128xf32, #tpu.memory_space<vmem>>, vector<1x64xf32>
    tpu.vector_store %arg7[%swap3A_66, %swap3A_67], %div3A_65 {strides = array<i32>} : memref<32x128xf32, #tpu.memory_space<vmem>>, vector<1x64xf32>,
    %slice3A_69 = vector.extract_strided_slice %add3A_47 {offsets = [64, 0], sizes = [64, 64], strides = [1, 1]} : vector<2048x64xf32> to vector<64x64xf32>
    %reduce_max3A_70 = arith.constant dense<0xFF800000> : vector<64xf32>
    %reduce_max3A_71 = vector.multi_reduction <maximumf>, %slice3A_69, %reduce_max3A_70 [0] : vector<64x64xf32> to vector<64xf32>
    %broadcast_in_dim3A_72 = vector.shape_cast %reduce_max3A_71 : vector<64xf32> to vector<1x64xf32>
    %swap3A_73 = arith.constant 1 : index
    %swap3A_74 = arith.constant 0 : index
    %swap3A_75 = vector.load %arg7[%swap3A_73, %swap3A_74] : memref<32x128xf32, #tpu.memory_space<vmem>>, vector<1x64xf32>
    tpu.vector_store %arg7[%swap3A_73, %swap3A_74], %broadcast_in_dim3A_72 {strides = array<i32>} : memref<32x128xf32, #tpu.memory_space<vmem>>, vector<1x64xf32>,
    %reduce_sum3A_76 = arith.constant dense<0.000000e+00> : vector<64xf32>
    %reduce_sum3A_77 = vector.multi_reduction <add>, %slice3A_69, %reduce_sum3A_76 [0] : vector<64x64xf32> to vector<64xf32>
    %broadcast_in_dim3A_78 = vector.shape_cast %reduce_sum3A_77 : vector<64xf32> to vector<1x64xf32>
    %div3A_79 = arith.constant 6.400000e+01 : f32
    %div3A_80 = vector.broadcast %div3A_79 : f32 to vector<1x64xf32>
    %div3A_81 = arith.divf %broadcast_in_dim3A_78, %div3A_80 : vector<1x64xf32>
    %swap3A_82 = arith.constant 1 : index
    %swap3A_83 = arith.constant 64 : index
    %swap3A_84 = vector.load %arg7[%swap3A_82, %swap3A_83] : memref<32x128xf32, #tpu.memory_space<vmem>>, vector<1x64xf32>
    tpu.vector_store %arg7[%swap3A_82, %swap3A_83], %div3A_81 {strides = array<i32>} : memref<32x128xf32, #tpu.memory_space<vmem>>, vector<1x64xf32>,
    %slice3A_85 = vector.extract_strided_slice %add3A_47 {offsets = [128, 0], sizes = [64, 64], strides = [1, 1]} : vector<2048x64xf32> to vector<64x64xf32>
    %reduce_max3A_86 = arith.constant dense<0xFF800000> : vector<64xf32>
    %reduce_max3A_87 = vector.multi_reduction <maximumf>, %slice3A_85, %reduce_max3A_86 [0] : vector<64x64xf32> to vector<64xf32>
    %broadcast_in_dim3A_88 = vector.shape_cast %reduce_max3A_87 : vector<64xf32> to vector<1x64xf32>
    %swap3A_89 = arith.constant 2 : index
    %swap3A_90 = arith.constant 0 : index
    %swap3A_91 = vector.load %arg7[%swap3A_89, %swap3A_90] : memref<32x128xf32, #tpu.memory_space<vmem>>, vector<1x64xf32>
    tpu.vector_store %arg7[%swap3A_89, %swap3A_90], %broadcast_in_dim3A_88 {strides = array<i32>} : memref<32x128xf32, #tpu.memory_space<vmem>>, vector<1x64xf32>,
    %reduce_sum3A_92 = arith.constant dense<0.000000e+00> : vector<64xf32>
    %reduce_sum3A_93 = vector.multi_reduction <add>, %slice3A_85, %reduce_sum3A_92 [0] : vector<64x64xf32> to vector<64xf32>
    %broadcast_in_dim3A_94 = vector.shape_cast %reduce_sum3A_93 : vector<64xf32> to vector<1x64xf32>
    %div3A_95 = arith.constant 6.400000e+01 : f32
    %div3A_96 = vector.broadcast %div3A_95 : f32 to vector<1x64xf32>
    %div3A_97 = arith.divf %broadcast_in_dim3A_94, %div3A_96 : vector<1x64xf32>
    %swap3A_98 = arith.constant 2 : index
    %swap3A_99 = arith.constant 64 : index
    %swap3A_100 = vector.load %arg7[%swap3A_98, %swap3A_99] : memref<32x128xf32, #tpu.memory_space<vmem>>, vector<1x64xf32>
    tpu.vector_store %arg7[%swap3A_98, %swap3A_99], %div3A_97 {strides = array<i32>} : memref<32x128xf32, #tpu.memory_space<vmem>>, vector<1x64xf32>,
    %slice3A_101 = vector.extract_strided_slice %add3A_47 {offsets = [192, 0], sizes = [64, 64], strides = [1, 1]} : vector<2048x64xf32> to vector<64x64xf32>
    %reduce_max3A_102 = arith.constant dense<0xFF800000> : vector<64xf32>
    %reduce_max3A_103 = vector.multi_reduction <maximumf>, %slice3A_101, %reduce_max3A_102 [0] : vector<64x64xf32> to vector<64xf32>
    %broadcast_in_dim3A_104 = vector.shape_cast %reduce_max3A_103 : vector<64xf32> to vector<1x64xf32>
    %swap3A_105 = arith.constant 3 : index
    %swap3A_106 = arith.constant 0 : index
    %swap3A_107 = vector.load %arg7[%swap3A_105, %swap3A_106] : memref<32x128xf32, #tpu.memory_space<vmem>>, vector<1x64xf32>
    tpu.vector_store %arg7[%swap3A_105, %swap3A_106], %broadcast_in_dim3A_104 {strides = array<i32>} : memref<32x128xf32, #tpu.memory_space<vmem>>, vector<1x64xf32>,
    %reduce_sum3A_108 = arith.constant dense<0.000000e+00> : vector<64xf32>
    %reduce_sum3A_109 = vector.multi_reduction <add>, %slice3A_101, %reduce_sum3A_108 [0] : vector<64x64xf32> to vector<64xf32>
    %broadcast_in_dim3A_110 = vector.shape_cast %reduce_sum3A_109 : vector<64xf32> to vector<1x64xf32>
    %div3A_111 = arith.constant 6.400000e+01 : f32
    %div3A_112 = vector.broadcast %div3A_111 : f32 to vector<1x64xf32>
    %div3A_113 = arith.divf %broadcast_in_dim3A_110, %div3A_112 : vector<1x64xf32>
    %swap3A_114 = arith.constant 3 : index
    %swap3A_115 = arith.constant 64 : index
    %swap3A_116 = vector.load %arg7[%swap3A_114, %swap3A_115] : memref<32x128xf32, #tpu.memory_space<vmem>>, vector<1x64xf32>
    tpu.vector_store %arg7[%swap3A_114, %swap3A_115], %div3A_113 {strides = array<i32>} : memref<32x128xf32, #tpu.memory_space<vmem>>, vector<1x64xf32>,
    %slice3A_117 = vector.extract_strided_slice %add3A_47 {offsets = [256, 0], sizes = [64, 64], strides = [1, 1]} : vector<2048x64xf32> to vector<64x64xf32>
    %reduce_max3A_118 = arith.constant dense<0xFF800000> : vector<64xf32>
    %reduce_max3A_119 = vector.multi_reduction <maximumf>, %slice3A_117, %reduce_max3A_118 [0] : vector<64x64xf32> to vector<64xf32>
    %broadcast_in_dim3A_120 = vector.shape_cast %reduce_max3A_119 : vector<64xf32> to vector<1x64xf32>
    %swap3A_121 = arith.constant 4 : index
    %swap3A_122 = arith.constant 0 : index
    %swap3A_123 = vector.load %arg7[%swap3A_121, %swap3A_122] : memref<32x128xf32, #tpu.memory_space<vmem>>, vector<1x64xf32>
    tpu.vector_store %arg7[%swap3A_121, %swap3A_122], %broadcast_in_dim3A_120 {strides = array<i32>} : memref<32x128xf32, #tpu.memory_space<vmem>>, vector<1x64xf32>,
    %reduce_sum3A_124 = arith.constant dense<0.000000e+00> : vector<64xf32>
    %reduce_sum3A_125 = vector.multi_reduction <add>, %slice3A_117, %reduce_sum3A_124 [0] : vector<64x64xf32> to vector<64xf32>
    %broadcast_in_dim3A_126 = vector.shape_cast %reduce_sum3A_125 : vector<64xf32> to vector<1x64xf32>
    %div3A_127 = arith.constant 6.400000e+01 : f32
    %div3A_128 = vector.broadcast %div3A_127 : f32 to vector<1x64xf32>
    %div3A_129 = arith.divf %broadcast_in_dim3A_126, %div3A_128 : vector<1x64xf32>
    %swap3A_130 = arith.constant 4 : index
    %swap3A_131 = arith.constant 64 : index
    %swap3A_132 = vector.load %arg7[%swap3A_130, %swap3A_131] : memref<32x128xf32, #tpu.memory_space<vmem>>, vector<1x64xf32>
    tpu.vector_store %arg7[%swap3A_130, %swap3A_131], %div3A_129 {strides = array<i32>} : memref<32x128xf32, #tpu.memory_space<vmem>>, vector<1x64xf32>,
    %slice3A_133 = vector.extract_strided_slice %add3A_47 {offsets = [320, 0], sizes = [64, 64], strides = [1, 1]} : vector<2048x64xf32> to vector<64x64xf32>
    %reduce_max3A_134 = arith.constant dense<0xFF800000> : vector<64xf32>
    %reduce_max3A_135 = vector.multi_reduction <maximumf>, %slice3A_133, %reduce_max3A_134 [0] : vector<64x64xf32> to vector<64xf32>
    %broadcast_in_dim3A_136 = vector.shape_cast %reduce_max3A_135 : vector<64xf32> to vector<1x64xf32>
    %swap3A_137 = arith.constant 5 : index
    %swap3A_138 = arith.constant 0 : index
    %swap3A_139 = vector.load %arg7[%swap3A_137, %swap3A_138] : memref<32x128xf32, #tpu.memory_space<vmem>>, vector<1x64xf32>
    tpu.vector_store %arg7[%swap3A_137, %swap3A_138], %broadcast_in_dim3A_136 {strides = array<i32>} : memref<32x128xf32, #tpu.memory_space<vmem>>, vector<1x64xf32>,
    %reduce_sum3A_140 = arith.constant dense<0.000000e+00> : vector<64xf32>
    %reduce_sum3A_141 = vector.multi_reduction <add>, %slice3A_133, %reduce_sum3A_140 [0] : vector<64x64xf32> to vector<64xf32>
    %broadcast_in_dim3A_142 = vector.shape_cast %reduce_sum3A_141 : vector<64xf32> to vector<1x64xf32>
    %div3A_143 = arith.constant 6.400000e+01 : f32
    %div3A_144 = vector.broadcast %div3A_143 : f32 to vector<1x64xf32>
    %div3A_145 = arith.divf %broadcast_in_dim3A_142, %div3A_144 : vector<1x64xf32>
    %swap3A_146 = arith.constant 5 : index
    %swap3A_147 = arith.constant 64 : index
    %swap3A_148 = vector.load %arg7[%swap3A_146, %swap3A_147] : memref<32x128xf32, #tpu.memory_space<vmem>>, vector<1x64xf32>
    tpu.vector_store %arg7[%swap3A_146, %swap3A_147], %div3A_145 {strides = array<i32>} : memref<32x128xf32, #tpu.memory_space<vmem>>, vector<1x64xf32>,
    %slice3A_149 = vector.extract_strided_slice %add3A_47 {offsets = [384, 0], sizes = [64, 64], strides = [1, 1]} : vector<2048x64xf32> to vector<64x64xf32>
    %reduce_max3A_150 = arith.constant dense<0xFF800000> : vector<64xf32>
    %reduce_max3A_151 = vector.multi_reduction <maximumf>, %slice3A_149, %reduce_max3A_150 [0] : vector<64x64xf32> to vector<64xf32>
    %broadcast_in_dim3A_152 = vector.shape_cast %reduce_max3A_151 : vector<64xf32> to vector<1x64xf32>
    %swap3A_153 = arith.constant 6 : index
    %swap3A_154 = arith.constant 0 : index
    %swap3A_155 = vector.load %arg7[%swap3A_153, %swap3A_154] : memref<32x128xf32, #tpu.memory_space<vmem>>, vector<1x64xf32>
    tpu.vector_store %arg7[%swap3A_153, %swap3A_154], %broadcast_in_dim3A_152 {strides = array<i32>} : memref<32x128xf32, #tpu.memory_space<vmem>>, vector<1x64xf32>,
    %reduce_sum3A_156 = arith.constant dense<0.000000e+00> : vector<64xf32>
    %reduce_sum3A_157 = vector.multi_reduction <add>, %slice3A_149, %reduce_sum3A_156 [0] : vector<64x64xf32> to vector<64xf32>
    %broadcast_in_dim3A_158 = vector.shape_cast %reduce_sum3A_157 : vector<64xf32> to vector<1x64xf32>
    %div3A_159 = arith.constant 6.400000e+01 : f32
    %div3A_160 = vector.broadcast %div3A_159 : f32 to vector<1x64xf32>
    %div3A_161 = arith.divf %broadcast_in_dim3A_158, %div3A_160 : vector<1x64xf32>
    %swap3A_162 = arith.constant 6 : index
    %swap3A_163 = arith.constant 64 : index
    %swap3A_164 = vector.load %arg7[%swap3A_162, %swap3A_163] : memref<32x128xf32, #tpu.memory_space<vmem>>, vector<1x64xf32>
    tpu.vector_store %arg7[%swap3A_162, %swap3A_163], %div3A_161 {strides = array<i32>} : memref<32x128xf32, #tpu.memory_space<vmem>>, vector<1x64xf32>,
    %slice3A_165 = vector.extract_strided_slice %add3A_47 {offsets = [448, 0], sizes = [64, 64], strides = [1, 1]} : vector<2048x64xf32> to vector<64x64xf32>
    %reduce_max3A_166 = arith.constant dense<0xFF800000> : vector<64xf32>
    %reduce_max3A_167 = vector.multi_reduction <maximumf>, %slice3A_165, %reduce_max3A_166 [0] : vector<64x64xf32> to vector<64xf32>
    %broadcast_in_dim3A_168 = vector.shape_cast %reduce_max3A_167 : vector<64xf32> to vector<1x64xf32>
    %swap3A_169 = arith.constant 7 : index
    %swap3A_170 = arith.constant 0 : index
    %swap3A_171 = vector.load %arg7[%swap3A_169, %swap3A_170] : memref<32x128xf32, #tpu.memory_space<vmem>>, vector<1x64xf32>
    tpu.vector_store %arg7[%swap3A_169, %swap3A_170], %broadcast_in_dim3A_168 {strides = array<i32>} : memref<32x128xf32, #tpu.memory_space<vmem>>, vector<1x64xf32>,
    %reduce_sum3A_172 = arith.constant dense<0.000000e+00> : vector<64xf32>
    %reduce_sum3A_173 = vector.multi_reduction <add>, %slice3A_165, %reduce_sum3A_172 [0] : vector<64x64xf32> to vector<64xf32>
    %broadcast_in_dim3A_174 = vector.shape_cast %reduce_sum3A_173 : vector<64xf32> to vector<1x64xf32>
    %div3A_175 = arith.constant 6.400000e+01 : f32
    %div3A_176 = vector.broadcast %div3A_175 : f32 to vector<1x64xf32>
    %div3A_177 = arith.divf %broadcast_in_dim3A_174, %div3A_176 : vector<1x64xf32>
    %swap3A_178 = arith.constant 7 : index
    %swap3A_179 = arith.constant 64 : index
    %swap3A_180 = vector.load %arg7[%swap3A_178, %swap3A_179] : memref<32x128xf32, #tpu.memory_space<vmem>>, vector<1x64xf32>
    tpu.vector_store %arg7[%swap3A_178, %swap3A_179], %div3A_177 {strides = array<i32>} : memref<32x128xf32, #tpu.memory_space<vmem>>, vector<1x64xf32>,
    %slice3A_181 = vector.extract_strided_slice %add3A_47 {offsets = [512, 0], sizes = [64, 64], strides = [1, 1]} : vector<2048x64xf32> to vector<64x64xf32>
    %reduce_max3A_182 = arith.constant dense<0xFF800000> : vector<64xf32>
    %reduce_max3A_183 = vector.multi_reduction <maximumf>, %slice3A_181, %reduce_max3A_182 [0] : vector<64x64xf32> to vector<64xf32>
    %broadcast_in_dim3A_184 = vector.shape_cast %reduce_max3A_183 : vector<64xf32> to vector<1x64xf32>
    %swap3A_185 = arith.constant 8 : index
    %swap3A_186 = arith.constant 0 : index
    %swap3A_187 = vector.load %arg7[%swap3A_185, %swap3A_186] : memref<32x128xf32, #tpu.memory_space<vmem>>, vector<1x64xf32>
    tpu.vector_store %arg7[%swap3A_185, %swap3A_186], %broadcast_in_dim3A_184 {strides = array<i32>} : memref<32x128xf32, #tpu.memory_space<vmem>>, vector<1x64xf32>,
    %reduce_sum3A_188 = arith.constant dense<0.000000e+00> : vector<64xf32>
    %reduce_sum3A_189 = vector.multi_reduction <add>, %slice3A_181, %reduce_sum3A_188 [0] : vector<64x64xf32> to vector<64xf32>
    %broadcast_in_dim3A_190 = vector.shape_cast %reduce_sum3A_189 : vector<64xf32> to vector<1x64xf32>
    %div3A_191 = arith.constant 6.400000e+01 : f32
    %div3A_192 = vector.broadcast %div3A_191 : f32 to vector<1x64xf32>
    %div3A_193 = arith.divf %broadcast_in_dim3A_190, %div3A_192 : vector<1x64xf32>
    %swap3A_194 = arith.constant 8 : index
    %swap3A_195 = arith.constant 64 : index
    %swap3A_196 = vector.load %arg7[%swap3A_194, %swap3A_195] : memref<32x128xf32, #tpu.memory_space<vmem>>, vector<1x64xf32>
    tpu.vector_store %arg7[%swap3A_194, %swap3A_195], %div3A_193 {strides = array<i32>} : memref<32x128xf32, #tpu.memory_space<vmem>>, vector<1x64xf32>,
    %slice3A_197 = vector.extract_strided_slice %add3A_47 {offsets = [576, 0], sizes = [64, 64], strides = [1, 1]} : vector<2048x64xf32> to vector<64x64xf32>
    %reduce_max3A_198 = arith.constant dense<0xFF800000> : vector<64xf32>
    %reduce_max3A_199 = vector.multi_reduction <maximumf>, %slice3A_197, %reduce_max3A_198 [0] : vector<64x64xf32> to vector<64xf32>
    %broadcast_in_dim3A_200 = vector.shape_cast %reduce_max3A_199 : vector<64xf32> to vector<1x64xf32>
    %swap3A_201 = arith.constant 9 : index
    %swap3A_202 = arith.constant 0 : index
    %swap3A_203 = vector.load %arg7[%swap3A_201, %swap3A_202] : memref<32x128xf32, #tpu.memory_space<vmem>>, vector<1x64xf32>
    tpu.vector_store %arg7[%swap3A_201, %swap3A_202], %broadcast_in_dim3A_200 {strides = array<i32>} : memref<32x128xf32, #tpu.memory_space<vmem>>, vector<1x64xf32>,
    %reduce_sum3A_204 = arith.constant dense<0.000000e+00> : vector<64xf32>
    %reduce_sum3A_205 = vector.multi_reduction <add>, %slice3A_197, %reduce_sum3A_204 [0] : vector<64x64xf32> to vector<64xf32>
    %broadcast_in_dim3A_206 = vector.shape_cast %reduce_sum3A_205 : vector<64xf32> to vector<1x64xf32>
    %div3A_207 = arith.constant 6.400000e+01 : f32
    %div3A_208 = vector.broadcast %div3A_207 : f32 to vector<1x64xf32>
    %div3A_209 = arith.divf %broadcast_in_dim3A_206, %div3A_208 : vector<1x64xf32>
    %swap3A_210 = arith.constant 9 : index
    %swap3A_211 = arith.constant 64 : index
    %swap3A_212 = vector.load %arg7[%swap3A_210, %swap3A_211] : memref<32x128xf32, #tpu.memory_space<vmem>>, vector<1x64xf32>
    tpu.vector_store %arg7[%swap3A_210, %swap3A_211], %div3A_209 {strides = array<i32>} : memref<32x128xf32, #tpu.memory_space<vmem>>, vector<1x64xf32>,
    %slice3A_213 = vector.extract_strided_slice %add3A_47 {offsets = [640, 0], sizes = [64, 64], strides = [1, 1]} : vector<2048x64xf32> to vector<64x64xf32>
    %reduce_max3A_214 = arith.constant dense<0xFF800000> : vector<64xf32>
    %reduce_max3A_215 = vector.multi_reduction <maximumf>, %slice3A_213, %reduce_max3A_214 [0] : vector<64x64xf32> to vector<64xf32>
    %broadcast_in_dim3A_216 = vector.shape_cast %reduce_max3A_215 : vector<64xf32> to vector<1x64xf32>
    %swap3A_217 = arith.constant 10 : index
    %swap3A_218 = arith.constant 0 : index
    %swap3A_219 = vector.load %arg7[%swap3A_217, %swap3A_218] : memref<32x128xf32, #tpu.memory_space<vmem>>, vector<1x64xf32>
    tpu.vector_store %arg7[%swap3A_217, %swap3A_218], %broadcast_in_dim3A_216 {strides = array<i32>} : memref<32x128xf32, #tpu.memory_space<vmem>>, vector<1x64xf32>,
    %reduce_sum3A_220 = arith.constant dense<0.000000e+00> : vector<64xf32>
    %reduce_sum3A_221 = vector.multi_reduction <add>, %slice3A_213, %reduce_sum3A_220 [0] : vector<64x64xf32> to vector<64xf32>
    %broadcast_in_dim3A_222 = vector.shape_cast %reduce_sum3A_221 : vector<64xf32> to vector<1x64xf32>
    %div3A_223 = arith.constant 6.400000e+01 : f32
    %div3A_224 = vector.broadcast %div3A_223 : f32 to vector<1x64xf32>
    %div3A_225 = arith.divf %broadcast_in_dim3A_222, %div3A_224 : vector<1x64xf32>
    %swap3A_226 = arith.constant 10 : index
    %swap3A_227 = arith.constant 64 : index
    %swap3A_228 = vector.load %arg7[%swap3A_226, %swap3A_227] : memref<32x128xf32, #tpu.memory_space<vmem>>, vector<1x64xf32>
    tpu.vector_store %arg7[%swap3A_226, %swap3A_227], %div3A_225 {strides = array<i32>} : memref<32x128xf32, #tpu.memory_space<vmem>>, vector<1x64xf32>,
    %slice3A_229 = vector.extract_strided_slice %add3A_47 {offsets = [704, 0], sizes = [64, 64], strides = [1, 1]} : vector<2048x64xf32> to vector<64x64xf32>
    %reduce_max3A_230 = arith.constant dense<0xFF800000> : vector<64xf32>
    %reduce_max3A_231 = vector.multi_reduction <maximumf>, %slice3A_229, %reduce_max3A_230 [0] : vector<64x64xf32> to vector<64xf32>
    %broadcast_in_dim3A_232 = vector.shape_cast %reduce_max3A_231 : vector<64xf32> to vector<1x64xf32>
    %swap3A_233 = arith.constant 11 : index
    %swap3A_234 = arith.constant 0 : index
    %swap3A_235 = vector.load %arg7[%swap3A_233, %swap3A_234] : memref<32x128xf32, #tpu.memory_space<vmem>>, vector<1x64xf32>
    tpu.vector_store %arg7[%swap3A_233, %swap3A_234], %broadcast_in_dim3A_232 {strides = array<i32>} : memref<32x128xf32, #tpu.memory_space<vmem>>, vector<1x64xf32>,
    %reduce_sum3A_236 = arith.constant dense<0.000000e+00> : vector<64xf32>
    %reduce_sum3A_237 = vector.multi_reduction <add>, %slice3A_229, %reduce_sum3A_236 [0] : vector<64x64xf32> to vector<64xf32>
    %broadcast_in_dim3A_238 = vector.shape_cast %reduce_sum3A_237 : vector<64xf32> to vector<1x64xf32>
    %div3A_239 = arith.constant 6.400000e+01 : f32
    %div3A_240 = vector.broadcast %div3A_239 : f32 to vector<1x64xf32>
    %div3A_241 = arith.divf %broadcast_in_dim3A_238, %div3A_240 : vector<1x64xf32>
    %swap3A_242 = arith.constant 11 : index
    %swap3A_243 = arith.constant 64 : index
    %swap3A_244 = vector.load %arg7[%swap3A_242, %swap3A_243] : memref<32x128xf32, #tpu.memory_space<vmem>>, vector<1x64xf32>
    tpu.vector_store %arg7[%swap3A_242, %swap3A_243], %div3A_241 {strides = array<i32>} : memref<32x128xf32, #tpu.memory_space<vmem>>, vector<1x64xf32>,
    %slice3A_245 = vector.extract_strided_slice %add3A_47 {offsets = [768, 0], sizes = [64, 64], strides = [1, 1]} : vector<2048x64xf32> to vector<64x64xf32>
    %reduce_max3A_246 = arith.constant dense<0xFF800000> : vector<64xf32>
    %reduce_max3A_247 = vector.multi_reduction <maximumf>, %slice3A_245, %reduce_max3A_246 [0] : vector<64x64xf32> to vector<64xf32>
    %broadcast_in_dim3A_248 = vector.shape_cast %reduce_max3A_247 : vector<64xf32> to vector<1x64xf32>
    %swap3A_249 = arith.constant 12 : index
    %swap3A_250 = arith.constant 0 : index
    %swap3A_251 = vector.load %arg7[%swap3A_249, %swap3A_250] : memref<32x128xf32, #tpu.memory_space<vmem>>, vector<1x64xf32>
    tpu.vector_store %arg7[%swap3A_249, %swap3A_250], %broadcast_in_dim3A_248 {strides = array<i32>} : memref<32x128xf32, #tpu.memory_space<vmem>>, vector<1x64xf32>,
    %reduce_sum3A_252 = arith.constant dense<0.000000e+00> : vector<64xf32>
    %reduce_sum3A_253 = vector.multi_reduction <add>, %slice3A_245, %reduce_sum3A_252 [0] : vector<64x64xf32> to vector<64xf32>
    %broadcast_in_dim3A_254 = vector.shape_cast %reduce_sum3A_253 : vector<64xf32> to vector<1x64xf32>
    %div3A_255 = arith.constant 6.400000e+01 : f32
    %div3A_256 = vector.broadcast %div3A_255 : f32 to vector<1x64xf32>
    %div3A_257 = arith.divf %broadcast_in_dim3A_254, %div3A_256 : vector<1x64xf32>
    %swap3A_258 = arith.constant 12 : index
    %swap3A_259 = arith.constant 64 : index
    %swap3A_260 = vector.load %arg7[%swap3A_258, %swap3A_259] : memref<32x128xf32, #tpu.memory_space<vmem>>, vector<1x64xf32>
    tpu.vector_store %arg7[%swap3A_258, %swap3A_259], %div3A_257 {strides = array<i32>} : memref<32x128xf32, #tpu.memory_space<vmem>>, vector<1x64xf32>,
    %slice3A_261 = vector.extract_strided_slice %add3A_47 {offsets = [832, 0], sizes = [64, 64], strides = [1, 1]} : vector<2048x64xf32> to vector<64x64xf32>
    %reduce_max3A_262 = arith.constant dense<0xFF800000> : vector<64xf32>
    %reduce_max3A_263 = vector.multi_reduction <maximumf>, %slice3A_261, %reduce_max3A_262 [0] : vector<64x64xf32> to vector<64xf32>
    %broadcast_in_dim3A_264 = vector.shape_cast %reduce_max3A_263 : vector<64xf32> to vector<1x64xf32>
    %swap3A_265 = arith.constant 13 : index
    %swap3A_266 = arith.constant 0 : index
    %swap3A_267 = vector.load %arg7[%swap3A_265, %swap3A_266] : memref<32x128xf32, #tpu.memory_space<vmem>>, vector<1x64xf32>
    tpu.vector_store %arg7[%swap3A_265, %swap3A_266], %broadcast_in_dim3A_264 {strides = array<i32>} : memref<32x128xf32, #tpu.memory_space<vmem>>, vector<1x64xf32>,
    %reduce_sum3A_268 = arith.constant dense<0.000000e+00> : vector<64xf32>
    %reduce_sum3A_269 = vector.multi_reduction <add>, %slice3A_261, %reduce_sum3A_268 [0] : vector<64x64xf32> to vector<64xf32>
    %broadcast_in_dim3A_270 = vector.shape_cast %reduce_sum3A_269 : vector<64xf32> to vector<1x64xf32>
    %div3A_271 = arith.constant 6.400000e+01 : f32
    %div3A_272 = vector.broadcast %div3A_271 : f32 to vector<1x64xf32>
    %div3A_273 = arith.divf %broadcast_in_dim3A_270, %div3A_272 : vector<1x64xf32>
    %swap3A_274 = arith.constant 13 : index
    %swap3A_275 = arith.constant 64 : index
    %swap3A_276 = vector.load %arg7[%swap3A_274, %swap3A_275] : memref<32x128xf32, #tpu.memory_space<vmem>>, vector<1x64xf32>
    tpu.vector_store %arg7[%swap3A_274, %swap3A_275], %div3A_273 {strides = array<i32>} : memref<32x128xf32, #tpu.memory_space<vmem>>, vector<1x64xf32>,
    %slice3A_277 = vector.extract_strided_slice %add3A_47 {offsets = [896, 0], sizes = [64, 64], strides = [1, 1]} : vector<2048x64xf32> to vector<64x64xf32>
    %reduce_max3A_278 = arith.constant dense<0xFF800000> : vector<64xf32>
    %reduce_max3A_279 = vector.multi_reduction <maximumf>, %slice3A_277, %reduce_max3A_278 [0] : vector<64x64xf32> to vector<64xf32>
    %broadcast_in_dim3A_280 = vector.shape_cast %reduce_max3A_279 : vector<64xf32> to vector<1x64xf32>
    %swap3A_281 = arith.constant 14 : index
    %swap3A_282 = arith.constant 0 : index
    %swap3A_283 = vector.load %arg7[%swap3A_281, %swap3A_282] : memref<32x128xf32, #tpu.memory_space<vmem>>, vector<1x64xf32>
    tpu.vector_store %arg7[%swap3A_281, %swap3A_282], %broadcast_in_dim3A_280 {strides = array<i32>} : memref<32x128xf32, #tpu.memory_space<vmem>>, vector<1x64xf32>,
    %reduce_sum3A_284 = arith.constant dense<0.000000e+00> : vector<64xf32>
    %reduce_sum3A_285 = vector.multi_reduction <add>, %slice3A_277, %reduce_sum3A_284 [0] : vector<64x64xf32> to vector<64xf32>
    %broadcast_in_dim3A_286 = vector.shape_cast %reduce_sum3A_285 : vector<64xf32> to vector<1x64xf32>
    %div3A_287 = arith.constant 6.400000e+01 : f32
    %div3A_288 = vector.broadcast %div3A_287 : f32 to vector<1x64xf32>
    %div3A_289 = arith.divf %broadcast_in_dim3A_286, %div3A_288 : vector<1x64xf32>
    %swap3A_290 = arith.constant 14 : index
    %swap3A_291 = arith.constant 64 : index
    %swap3A_292 = vector.load %arg7[%swap3A_290, %swap3A_291] : memref<32x128xf32, #tpu.memory_space<vmem>>, vector<1x64xf32>
    tpu.vector_store %arg7[%swap3A_290, %swap3A_291], %div3A_289 {strides = array<i32>} : memref<32x128xf32, #tpu.memory_space<vmem>>, vector<1x64xf32>,
    %slice3A_293 = vector.extract_strided_slice %add3A_47 {offsets = [960, 0], sizes = [64, 64], strides = [1, 1]} : vector<2048x64xf32> to vector<64x64xf32>
    %reduce_max3A_294 = arith.constant dense<0xFF800000> : vector<64xf32>
    %reduce_max3A_295 = vector.multi_reduction <maximumf>, %slice3A_293, %reduce_max3A_294 [0] : vector<64x64xf32> to vector<64xf32>
    %broadcast_in_dim3A_296 = vector.shape_cast %reduce_max3A_295 : vector<64xf32> to vector<1x64xf32>
    %swap3A_297 = arith.constant 15 : index
    %swap3A_298 = arith.constant 0 : index
    %swap3A_299 = vector.load %arg7[%swap3A_297, %swap3A_298] : memref<32x128xf32, #tpu.memory_space<vmem>>, vector<1x64xf32>
    tpu.vector_store %arg7[%swap3A_297, %swap3A_298], %broadcast_in_dim3A_296 {strides = array<i32>} : memref<32x128xf32, #tpu.memory_space<vmem>>, vector<1x64xf32>,
    %reduce_sum3A_300 = arith.constant dense<0.000000e+00> : vector<64xf32>
    %reduce_sum3A_301 = vector.multi_reduction <add>, %slice3A_293, %reduce_sum3A_300 [0] : vector<64x64xf32> to vector<64xf32>
    %broadcast_in_dim3A_302 = vector.shape_cast %reduce_sum3A_301 : vector<64xf32> to vector<1x64xf32>
    %div3A_303 = arith.constant 6.400000e+01 : f32
    %div3A_304 = vector.broadcast %div3A_303 : f32 to vector<1x64xf32>
    %div3A_305 = arith.divf %broadcast_in_dim3A_302, %div3A_304 : vector<1x64xf32>
    %swap3A_306 = arith.constant 15 : index
    %swap3A_307 = arith.constant 64 : index
    %swap3A_308 = vector.load %arg7[%swap3A_306, %swap3A_307] : memref<32x128xf32, #tpu.memory_space<vmem>>, vector<1x64xf32>
    tpu.vector_store %arg7[%swap3A_306, %swap3A_307], %div3A_305 {strides = array<i32>} : memref<32x128xf32, #tpu.memory_space<vmem>>, vector<1x64xf32>,
    %slice3A_309 = vector.extract_strided_slice %add3A_47 {offsets = [1024, 0], sizes = [64, 64], strides = [1, 1]} : vector<2048x64xf32> to vector<64x64xf32>
    %reduce_max3A_310 = arith.constant dense<0xFF800000> : vector<64xf32>
    %reduce_max3A_311 = vector.multi_reduction <maximumf>, %slice3A_309, %reduce_max3A_310 [0] : vector<64x64xf32> to vector<64xf32>
    %broadcast_in_dim3A_312 = vector.shape_cast %reduce_max3A_311 : vector<64xf32> to vector<1x64xf32>
    %swap3A_313 = arith.constant 16 : index
    %swap3A_314 = arith.constant 0 : index
    %swap3A_315 = vector.load %arg7[%swap3A_313, %swap3A_314] : memref<32x128xf32, #tpu.memory_space<vmem>>, vector<1x64xf32>
    tpu.vector_store %arg7[%swap3A_313, %swap3A_314], %broadcast_in_dim3A_312 {strides = array<i32>} : memref<32x128xf32, #tpu.memory_space<vmem>>, vector<1x64xf32>,
    %reduce_sum3A_316 = arith.constant dense<0.000000e+00> : vector<64xf32>
    %reduce_sum3A_317 = vector.multi_reduction <add>, %slice3A_309, %reduce_sum3A_316 [0] : vector<64x64xf32> to vector<64xf32>
    %broadcast_in_dim3A_318 = vector.shape_cast %reduce_sum3A_317 : vector<64xf32> to vector<1x64xf32>
    %div3A_319 = arith.constant 6.400000e+01 : f32
    %div3A_320 = vector.broadcast %div3A_319 : f32 to vector<1x64xf32>
    %div3A_321 = arith.divf %broadcast_in_dim3A_318, %div3A_320 : vector<1x64xf32>
    %swap3A_322 = arith.constant 16 : index
    %swap3A_323 = arith.constant 64 : index
    %swap3A_324 = vector.load %arg7[%swap3A_322, %swap3A_323] : memref<32x128xf32, #tpu.memory_space<vmem>>, vector<1x64xf32>
    tpu.vector_store %arg7[%swap3A_322, %swap3A_323], %div3A_321 {strides = array<i32>} : memref<32x128xf32, #tpu.memory_space<vmem>>, vector<1x64xf32>,
    %slice3A_325 = vector.extract_strided_slice %add3A_47 {offsets = [1088, 0], sizes = [64, 64], strides = [1, 1]} : vector<2048x64xf32> to vector<64x64xf32>
    %reduce_max3A_326 = arith.constant dense<0xFF800000> : vector<64xf32>
    %reduce_max3A_327 = vector.multi_reduction <maximumf>, %slice3A_325, %reduce_max3A_326 [0] : vector<64x64xf32> to vector<64xf32>
    %broadcast_in_dim3A_328 = vector.shape_cast %reduce_max3A_327 : vector<64xf32> to vector<1x64xf32>
    %swap3A_329 = arith.constant 17 : index
    %swap3A_330 = arith.constant 0 : index
    %swap3A_331 = vector.load %arg7[%swap3A_329, %swap3A_330] : memref<32x128xf32, #tpu.memory_space<vmem>>, vector<1x64xf32>
    tpu.vector_store %arg7[%swap3A_329, %swap3A_330], %broadcast_in_dim3A_328 {strides = array<i32>} : memref<32x128xf32, #tpu.memory_space<vmem>>, vector<1x64xf32>,
    %reduce_sum3A_332 = arith.constant dense<0.000000e+00> : vector<64xf32>
    %reduce_sum3A_333 = vector.multi_reduction <add>, %slice3A_325, %reduce_sum3A_332 [0] : vector<64x64xf32> to vector<64xf32>
    %broadcast_in_dim3A_334 = vector.shape_cast %reduce_sum3A_333 : vector<64xf32> to vector<1x64xf32>
    %div3A_335 = arith.constant 6.400000e+01 : f32
    %div3A_336 = vector.broadcast %div3A_335 : f32 to vector<1x64xf32>
    %div3A_337 = arith.divf %broadcast_in_dim3A_334, %div3A_336 : vector<1x64xf32>
    %swap3A_338 = arith.constant 17 : index
    %swap3A_339 = arith.constant 64 : index
    %swap3A_340 = vector.load %arg7[%swap3A_338, %swap3A_339] : memref<32x128xf32, #tpu.memory_space<vmem>>, vector<1x64xf32>
    tpu.vector_store %arg7[%swap3A_338, %swap3A_339], %div3A_337 {strides = array<i32>} : memref<32x128xf32, #tpu.memory_space<vmem>>, vector<1x64xf32>,
    %slice3A_341 = vector.extract_strided_slice %add3A_47 {offsets = [1152, 0], sizes = [64, 64], strides = [1, 1]} : vector<2048x64xf32> to vector<64x64xf32>
    %reduce_max3A_342 = arith.constant dense<0xFF800000> : vector<64xf32>
    %reduce_max3A_343 = vector.multi_reduction <maximumf>, %slice3A_341, %reduce_max3A_342 [0] : vector<64x64xf32> to vector<64xf32>
    %broadcast_in_dim3A_344 = vector.shape_cast %reduce_max3A_343 : vector<64xf32> to vector<1x64xf32>
    %swap3A_345 = arith.constant 18 : index
    %swap3A_346 = arith.constant 0 : index
    %swap3A_347 = vector.load %arg7[%swap3A_345, %swap3A_346] : memref<32x128xf32, #tpu.memory_space<vmem>>, vector<1x64xf32>
    tpu.vector_store %arg7[%swap3A_345, %swap3A_346], %broadcast_in_dim3A_344 {strides = array<i32>} : memref<32x128xf32, #tpu.memory_space<vmem>>, vector<1x64xf32>,
    %reduce_sum3A_348 = arith.constant dense<0.000000e+00> : vector<64xf32>
    %reduce_sum3A_349 = vector.multi_reduction <add>, %slice3A_341, %reduce_sum3A_348 [0] : vector<64x64xf32> to vector<64xf32>
    %broadcast_in_dim3A_350 = vector.shape_cast %reduce_sum3A_349 : vector<64xf32> to vector<1x64xf32>
    %div3A_351 = arith.constant 6.400000e+01 : f32
    %div3A_352 = vector.broadcast %div3A_351 : f32 to vector<1x64xf32>
    %div3A_353 = arith.divf %broadcast_in_dim3A_350, %div3A_352 : vector<1x64xf32>
    %swap3A_354 = arith.constant 18 : index
    %swap3A_355 = arith.constant 64 : index
    %swap3A_356 = vector.load %arg7[%swap3A_354, %swap3A_355] : memref<32x128xf32, #tpu.memory_space<vmem>>, vector<1x64xf32>
    tpu.vector_store %arg7[%swap3A_354, %swap3A_355], %div3A_353 {strides = array<i32>} : memref<32x128xf32, #tpu.memory_space<vmem>>, vector<1x64xf32>,
    %slice3A_357 = vector.extract_strided_slice %add3A_47 {offsets = [1216, 0], sizes = [64, 64], strides = [1, 1]} : vector<2048x64xf32> to vector<64x64xf32>
    %reduce_max3A_358 = arith.constant dense<0xFF800000> : vector<64xf32>
    %reduce_max3A_359 = vector.multi_reduction <maximumf>, %slice3A_357, %reduce_max3A_358 [0] : vector<64x64xf32> to vector<64xf32>
    %broadcast_in_dim3A_360 = vector.shape_cast %reduce_max3A_359 : vector<64xf32> to vector<1x64xf32>
    %swap3A_361 = arith.constant 19 : index
    %swap3A_362 = arith.constant 0 : index
    %swap3A_363 = vector.load %arg7[%swap3A_361, %swap3A_362] : memref<32x128xf32, #tpu.memory_space<vmem>>, vector<1x64xf32>
    tpu.vector_store %arg7[%swap3A_361, %swap3A_362], %broadcast_in_dim3A_360 {strides = array<i32>} : memref<32x128xf32, #tpu.memory_space<vmem>>, vector<1x64xf32>,
    %reduce_sum3A_364 = arith.constant dense<0.000000e+00> : vector<64xf32>
    %reduce_sum3A_365 = vector.multi_reduction <add>, %slice3A_357, %reduce_sum3A_364 [0] : vector<64x64xf32> to vector<64xf32>
    %broadcast_in_dim3A_366 = vector.shape_cast %reduce_sum3A_365 : vector<64xf32> to vector<1x64xf32>
    %div3A_367 = arith.constant 6.400000e+01 : f32
    %div3A_368 = vector.broadcast %div3A_367 : f32 to vector<1x64xf32>
    %div3A_369 = arith.divf %broadcast_in_dim3A_366, %div3A_368 : vector<1x64xf32>
    %swap3A_370 = arith.constant 19 : index
    %swap3A_371 = arith.constant 64 : index
    %swap3A_372 = vector.load %arg7[%swap3A_370, %swap3A_371] : memref<32x128xf32, #tpu.memory_space<vmem>>, vector<1x64xf32>
    tpu.vector_store %arg7[%swap3A_370, %swap3A_371], %div3A_369 {strides = array<i32>} : memref<32x128xf32, #tpu.memory_space<vmem>>, vector<1x64xf32>,
    %slice3A_373 = vector.extract_strided_slice %add3A_47 {offsets = [1280, 0], sizes = [64, 64], strides = [1, 1]} : vector<2048x64xf32> to vector<64x64xf32>
    %reduce_max3A_374 = arith.constant dense<0xFF800000> : vector<64xf32>
    %reduce_max3A_375 = vector.multi_reduction <maximumf>, %slice3A_373, %reduce_max3A_374 [0] : vector<64x64xf32> to vector<64xf32>
    %broadcast_in_dim3A_376 = vector.shape_cast %reduce_max3A_375 : vector<64xf32> to vector<1x64xf32>
    %swap3A_377 = arith.constant 20 : index
    %swap3A_378 = arith.constant 0 : index
    %swap3A_379 = vector.load %arg7[%swap3A_377, %swap3A_378] : memref<32x128xf32, #tpu.memory_space<vmem>>, vector<1x64xf32>
    tpu.vector_store %arg7[%swap3A_377, %swap3A_378], %broadcast_in_dim3A_376 {strides = array<i32>} : memref<32x128xf32, #tpu.memory_space<vmem>>, vector<1x64xf32>,
    %reduce_sum3A_380 = arith.constant dense<0.000000e+00> : vector<64xf32>
    %reduce_sum3A_381 = vector.multi_reduction <add>, %slice3A_373, %reduce_sum3A_380 [0] : vector<64x64xf32> to vector<64xf32>
    %broadcast_in_dim3A_382 = vector.shape_cast %reduce_sum3A_381 : vector<64xf32> to vector<1x64xf32>
    %div3A_383 = arith.constant 6.400000e+01 : f32
    %div3A_384 = vector.broadcast %div3A_383 : f32 to vector<1x64xf32>
    %div3A_385 = arith.divf %broadcast_in_dim3A_382, %div3A_384 : vector<1x64xf32>
    %swap3A_386 = arith.constant 20 : index
    %swap3A_387 = arith.constant 64 : index
    %swap3A_388 = vector.load %arg7[%swap3A_386, %swap3A_387] : memref<32x128xf32, #tpu.memory_space<vmem>>, vector<1x64xf32>
    tpu.vector_store %arg7[%swap3A_386, %swap3A_387], %div3A_385 {strides = array<i32>} : memref<32x128xf32, #tpu.memory_space<vmem>>, vector<1x64xf32>,
    %slice3A_389 = vector.extract_strided_slice %add3A_47 {offsets = [1344, 0], sizes = [64, 64], strides = [1, 1]} : vector<2048x64xf32> to vector<64x64xf32>
    %reduce_max3A_390 = arith.constant dense<0xFF800000> : vector<64xf32>
    %reduce_max3A_391 = vector.multi_reduction <maximumf>, %slice3A_389, %reduce_max3A_390 [0] : vector<64x64xf32> to vector<64xf32>
    %broadcast_in_dim3A_392 = vector.shape_cast %reduce_max3A_391 : vector<64xf32> to vector<1x64xf32>
    %swap3A_393 = arith.constant 21 : index
    %swap3A_394 = arith.constant 0 : index
    %swap3A_395 = vector.load %arg7[%swap3A_393, %swap3A_394] : memref<32x128xf32, #tpu.memory_space<vmem>>, vector<1x64xf32>
    tpu.vector_store %arg7[%swap3A_393, %swap3A_394], %broadcast_in_dim3A_392 {strides = array<i32>} : memref<32x128xf32, #tpu.memory_space<vmem>>, vector<1x64xf32>,
    %reduce_sum3A_396 = arith.constant dense<0.000000e+00> : vector<64xf32>
    %reduce_sum3A_397 = vector.multi_reduction <add>, %slice3A_389, %reduce_sum3A_396 [0] : vector<64x64xf32> to vector<64xf32>
    %broadcast_in_dim3A_398 = vector.shape_cast %reduce_sum3A_397 : vector<64xf32> to vector<1x64xf32>
    %div3A_399 = arith.constant 6.400000e+01 : f32
    %div3A_400 = vector.broadcast %div3A_399 : f32 to vector<1x64xf32>
    %div3A_401 = arith.divf %broadcast_in_dim3A_398, %div3A_400 : vector<1x64xf32>
    %swap3A_402 = arith.constant 21 : index
    %swap3A_403 = arith.constant 64 : index
    %swap3A_404 = vector.load %arg7[%swap3A_402, %swap3A_403] : memref<32x128xf32, #tpu.memory_space<vmem>>, vector<1x64xf32>
    tpu.vector_store %arg7[%swap3A_402, %swap3A_403], %div3A_401 {strides = array<i32>} : memref<32x128xf32, #tpu.memory_space<vmem>>, vector<1x64xf32>,
    %slice3A_405 = vector.extract_strided_slice %add3A_47 {offsets = [1408, 0], sizes = [64, 64], strides = [1, 1]} : vector<2048x64xf32> to vector<64x64xf32>
    %reduce_max3A_406 = arith.constant dense<0xFF800000> : vector<64xf32>
    %reduce_max3A_407 = vector.multi_reduction <maximumf>, %slice3A_405, %reduce_max3A_406 [0] : vector<64x64xf32> to vector<64xf32>
    %broadcast_in_dim3A_408 = vector.shape_cast %reduce_max3A_407 : vector<64xf32> to vector<1x64xf32>
    %swap3A_409 = arith.constant 22 : index
    %swap3A_410 = arith.constant 0 : index
    %swap3A_411 = vector.load %arg7[%swap3A_409, %swap3A_410] : memref<32x128xf32, #tpu.memory_space<vmem>>, vector<1x64xf32>
    tpu.vector_store %arg7[%swap3A_409, %swap3A_410], %broadcast_in_dim3A_408 {strides = array<i32>} : memref<32x128xf32, #tpu.memory_space<vmem>>, vector<1x64xf32>,
    %reduce_sum3A_412 = arith.constant dense<0.000000e+00> : vector<64xf32>
    %reduce_sum3A_413 = vector.multi_reduction <add>, %slice3A_405, %reduce_sum3A_412 [0] : vector<64x64xf32> to vector<64xf32>
    %broadcast_in_dim3A_414 = vector.shape_cast %reduce_sum3A_413 : vector<64xf32> to vector<1x64xf32>
    %div3A_415 = arith.constant 6.400000e+01 : f32
    %div3A_416 = vector.broadcast %div3A_415 : f32 to vector<1x64xf32>
    %div3A_417 = arith.divf %broadcast_in_dim3A_414, %div3A_416 : vector<1x64xf32>
    %swap3A_418 = arith.constant 22 : index
    %swap3A_419 = arith.constant 64 : index
    %swap3A_420 = vector.load %arg7[%swap3A_418, %swap3A_419] : memref<32x128xf32, #tpu.memory_space<vmem>>, vector<1x64xf32>
    tpu.vector_store %arg7[%swap3A_418, %swap3A_419], %div3A_417 {strides = array<i32>} : memref<32x128xf32, #tpu.memory_space<vmem>>, vector<1x64xf32>,
    %slice3A_421 = vector.extract_strided_slice %add3A_47 {offsets = [1472, 0], sizes = [64, 64], strides = [1, 1]} : vector<2048x64xf32> to vector<64x64xf32>
    %reduce_max3A_422 = arith.constant dense<0xFF800000> : vector<64xf32>
    %reduce_max3A_423 = vector.multi_reduction <maximumf>, %slice3A_421, %reduce_max3A_422 [0] : vector<64x64xf32> to vector<64xf32>
    %broadcast_in_dim3A_424 = vector.shape_cast %reduce_max3A_423 : vector<64xf32> to vector<1x64xf32>
    %swap3A_425 = arith.constant 23 : index
    %swap3A_426 = arith.constant 0 : index
    %swap3A_427 = vector.load %arg7[%swap3A_425, %swap3A_426] : memref<32x128xf32, #tpu.memory_space<vmem>>, vector<1x64xf32>
    tpu.vector_store %arg7[%swap3A_425, %swap3A_426], %broadcast_in_dim3A_424 {strides = array<i32>} : memref<32x128xf32, #tpu.memory_space<vmem>>, vector<1x64xf32>,
    %reduce_sum3A_428 = arith.constant dense<0.000000e+00> : vector<64xf32>
    %reduce_sum3A_429 = vector.multi_reduction <add>, %slice3A_421, %reduce_sum3A_428 [0] : vector<64x64xf32> to vector<64xf32>
    %broadcast_in_dim3A_430 = vector.shape_cast %reduce_sum3A_429 : vector<64xf32> to vector<1x64xf32>
    %div3A_431 = arith.constant 6.400000e+01 : f32
    %div3A_432 = vector.broadcast %div3A_431 : f32 to vector<1x64xf32>
    %div3A_433 = arith.divf %broadcast_in_dim3A_430, %div3A_432 : vector<1x64xf32>
    %swap3A_434 = arith.constant 23 : index
    %swap3A_435 = arith.constant 64 : index
    %swap3A_436 = vector.load %arg7[%swap3A_434, %swap3A_435] : memref<32x128xf32, #tpu.memory_space<vmem>>, vector<1x64xf32>
    tpu.vector_store %arg7[%swap3A_434, %swap3A_435], %div3A_433 {strides = array<i32>} : memref<32x128xf32, #tpu.memory_space<vmem>>, vector<1x64xf32>,
    %slice3A_437 = vector.extract_strided_slice %add3A_47 {offsets = [1536, 0], sizes = [64, 64], strides = [1, 1]} : vector<2048x64xf32> to vector<64x64xf32>
    %reduce_max3A_438 = arith.constant dense<0xFF800000> : vector<64xf32>
    %reduce_max3A_439 = vector.multi_reduction <maximumf>, %slice3A_437, %reduce_max3A_438 [0] : vector<64x64xf32> to vector<64xf32>
    %broadcast_in_dim3A_440 = vector.shape_cast %reduce_max3A_439 : vector<64xf32> to vector<1x64xf32>
    %swap3A_441 = arith.constant 24 : index
    %swap3A_442 = arith.constant 0 : index
    %swap3A_443 = vector.load %arg7[%swap3A_441, %swap3A_442] : memref<32x128xf32, #tpu.memory_space<vmem>>, vector<1x64xf32>
    tpu.vector_store %arg7[%swap3A_441, %swap3A_442], %broadcast_in_dim3A_440 {strides = array<i32>} : memref<32x128xf32, #tpu.memory_space<vmem>>, vector<1x64xf32>,
    %reduce_sum3A_444 = arith.constant dense<0.000000e+00> : vector<64xf32>
    %reduce_sum3A_445 = vector.multi_reduction <add>, %slice3A_437, %reduce_sum3A_444 [0] : vector<64x64xf32> to vector<64xf32>
    %broadcast_in_dim3A_446 = vector.shape_cast %reduce_sum3A_445 : vector<64xf32> to vector<1x64xf32>
    %div3A_447 = arith.constant 6.400000e+01 : f32
    %div3A_448 = vector.broadcast %div3A_447 : f32 to vector<1x64xf32>
    %div3A_449 = arith.divf %broadcast_in_dim3A_446, %div3A_448 : vector<1x64xf32>
    %swap3A_450 = arith.constant 24 : index
    %swap3A_451 = arith.constant 64 : index
    %swap3A_452 = vector.load %arg7[%swap3A_450, %swap3A_451] : memref<32x128xf32, #tpu.memory_space<vmem>>, vector<1x64xf32>
    tpu.vector_store %arg7[%swap3A_450, %swap3A_451], %div3A_449 {strides = array<i32>} : memref<32x128xf32, #tpu.memory_space<vmem>>, vector<1x64xf32>,
    %slice3A_453 = vector.extract_strided_slice %add3A_47 {offsets = [1600, 0], sizes = [64, 64], strides = [1, 1]} : vector<2048x64xf32> to vector<64x64xf32>
    %reduce_max3A_454 = arith.constant dense<0xFF800000> : vector<64xf32>
    %reduce_max3A_455 = vector.multi_reduction <maximumf>, %slice3A_453, %reduce_max3A_454 [0] : vector<64x64xf32> to vector<64xf32>
    %broadcast_in_dim3A_456 = vector.shape_cast %reduce_max3A_455 : vector<64xf32> to vector<1x64xf32>
    %swap3A_457 = arith.constant 25 : index
    %swap3A_458 = arith.constant 0 : index
    %swap3A_459 = vector.load %arg7[%swap3A_457, %swap3A_458] : memref<32x128xf32, #tpu.memory_space<vmem>>, vector<1x64xf32>
    tpu.vector_store %arg7[%swap3A_457, %swap3A_458], %broadcast_in_dim3A_456 {strides = array<i32>} : memref<32x128xf32, #tpu.memory_space<vmem>>, vector<1x64xf32>,
    %reduce_sum3A_460 = arith.constant dense<0.000000e+00> : vector<64xf32>
    %reduce_sum3A_461 = vector.multi_reduction <add>, %slice3A_453, %reduce_sum3A_460 [0] : vector<64x64xf32> to vector<64xf32>
    %broadcast_in_dim3A_462 = vector.shape_cast %reduce_sum3A_461 : vector<64xf32> to vector<1x64xf32>
    %div3A_463 = arith.constant 6.400000e+01 : f32
    %div3A_464 = vector.broadcast %div3A_463 : f32 to vector<1x64xf32>
    %div3A_465 = arith.divf %broadcast_in_dim3A_462, %div3A_464 : vector<1x64xf32>
    %swap3A_466 = arith.constant 25 : index
    %swap3A_467 = arith.constant 64 : index
    %swap3A_468 = vector.load %arg7[%swap3A_466, %swap3A_467] : memref<32x128xf32, #tpu.memory_space<vmem>>, vector<1x64xf32>
    tpu.vector_store %arg7[%swap3A_466, %swap3A_467], %div3A_465 {strides = array<i32>} : memref<32x128xf32, #tpu.memory_space<vmem>>, vector<1x64xf32>,
    %slice3A_469 = vector.extract_strided_slice %add3A_47 {offsets = [1664, 0], sizes = [64, 64], strides = [1, 1]} : vector<2048x64xf32> to vector<64x64xf32>
    %reduce_max3A_470 = arith.constant dense<0xFF800000> : vector<64xf32>
    %reduce_max3A_471 = vector.multi_reduction <maximumf>, %slice3A_469, %reduce_max3A_470 [0] : vector<64x64xf32> to vector<64xf32>
    %broadcast_in_dim3A_472 = vector.shape_cast %reduce_max3A_471 : vector<64xf32> to vector<1x64xf32>
    %swap3A_473 = arith.constant 26 : index
    %swap3A_474 = arith.constant 0 : index
    %swap3A_475 = vector.load %arg7[%swap3A_473, %swap3A_474] : memref<32x128xf32, #tpu.memory_space<vmem>>, vector<1x64xf32>
    tpu.vector_store %arg7[%swap3A_473, %swap3A_474], %broadcast_in_dim3A_472 {strides = array<i32>} : memref<32x128xf32, #tpu.memory_space<vmem>>, vector<1x64xf32>,
    %reduce_sum3A_476 = arith.constant dense<0.000000e+00> : vector<64xf32>
    %reduce_sum3A_477 = vector.multi_reduction <add>, %slice3A_469, %reduce_sum3A_476 [0] : vector<64x64xf32> to vector<64xf32>
    %broadcast_in_dim3A_478 = vector.shape_cast %reduce_sum3A_477 : vector<64xf32> to vector<1x64xf32>
    %div3A_479 = arith.constant 6.400000e+01 : f32
    %div3A_480 = vector.broadcast %div3A_479 : f32 to vector<1x64xf32>
    %div3A_481 = arith.divf %broadcast_in_dim3A_478, %div3A_480 : vector<1x64xf32>
    %swap3A_482 = arith.constant 26 : index
    %swap3A_483 = arith.constant 64 : index
    %swap3A_484 = vector.load %arg7[%swap3A_482, %swap3A_483] : memref<32x128xf32, #tpu.memory_space<vmem>>, vector<1x64xf32>
    tpu.vector_store %arg7[%swap3A_482, %swap3A_483], %div3A_481 {strides = array<i32>} : memref<32x128xf32, #tpu.memory_space<vmem>>, vector<1x64xf32>,
    %slice3A_485 = vector.extract_strided_slice %add3A_47 {offsets = [1728, 0], sizes = [64, 64], strides = [1, 1]} : vector<2048x64xf32> to vector<64x64xf32>
    %reduce_max3A_486 = arith.constant dense<0xFF800000> : vector<64xf32>
    %reduce_max3A_487 = vector.multi_reduction <maximumf>, %slice3A_485, %reduce_max3A_486 [0] : vector<64x64xf32> to vector<64xf32>
    %broadcast_in_dim3A_488 = vector.shape_cast %reduce_max3A_487 : vector<64xf32> to vector<1x64xf32>
    %swap3A_489 = arith.constant 27 : index
    %swap3A_490 = arith.constant 0 : index
    %swap3A_491 = vector.load %arg7[%swap3A_489, %swap3A_490] : memref<32x128xf32, #tpu.memory_space<vmem>>, vector<1x64xf32>
    tpu.vector_store %arg7[%swap3A_489, %swap3A_490], %broadcast_in_dim3A_488 {strides = array<i32>} : memref<32x128xf32, #tpu.memory_space<vmem>>, vector<1x64xf32>,
    %reduce_sum3A_492 = arith.constant dense<0.000000e+00> : vector<64xf32>
    %reduce_sum3A_493 = vector.multi_reduction <add>, %slice3A_485, %reduce_sum3A_492 [0] : vector<64x64xf32> to vector<64xf32>
    %broadcast_in_dim3A_494 = vector.shape_cast %reduce_sum3A_493 : vector<64xf32> to vector<1x64xf32>
    %div3A_495 = arith.constant 6.400000e+01 : f32
    %div3A_496 = vector.broadcast %div3A_495 : f32 to vector<1x64xf32>
    %div3A_497 = arith.divf %broadcast_in_dim3A_494, %div3A_496 : vector<1x64xf32>
    %swap3A_498 = arith.constant 27 : index
    %swap3A_499 = arith.constant 64 : index
    %swap3A_500 = vector.load %arg7[%swap3A_498, %swap3A_499] : memref<32x128xf32, #tpu.memory_space<vmem>>, vector<1x64xf32>
    tpu.vector_store %arg7[%swap3A_498, %swap3A_499], %div3A_497 {strides = array<i32>} : memref<32x128xf32, #tpu.memory_space<vmem>>, vector<1x64xf32>,
    %slice3A_501 = vector.extract_strided_slice %add3A_47 {offsets = [1792, 0], sizes = [64, 64], strides = [1, 1]} : vector<2048x64xf32> to vector<64x64xf32>
    %reduce_max3A_502 = arith.constant dense<0xFF800000> : vector<64xf32>
    %reduce_max3A_503 = vector.multi_reduction <maximumf>, %slice3A_501, %reduce_max3A_502 [0] : vector<64x64xf32> to vector<64xf32>
    %broadcast_in_dim3A_504 = vector.shape_cast %reduce_max3A_503 : vector<64xf32> to vector<1x64xf32>
    %swap3A_505 = arith.constant 28 : index
    %swap3A_506 = arith.constant 0 : index
    %swap3A_507 = vector.load %arg7[%swap3A_505, %swap3A_506] : memref<32x128xf32, #tpu.memory_space<vmem>>, vector<1x64xf32>
    tpu.vector_store %arg7[%swap3A_505, %swap3A_506], %broadcast_in_dim3A_504 {strides = array<i32>} : memref<32x128xf32, #tpu.memory_space<vmem>>, vector<1x64xf32>,
    %reduce_sum3A_508 = arith.constant dense<0.000000e+00> : vector<64xf32>
    %reduce_sum3A_509 = vector.multi_reduction <add>, %slice3A_501, %reduce_sum3A_508 [0] : vector<64x64xf32> to vector<64xf32>
    %broadcast_in_dim3A_510 = vector.shape_cast %reduce_sum3A_509 : vector<64xf32> to vector<1x64xf32>
    %div3A_511 = arith.constant 6.400000e+01 : f32
    %div3A_512 = vector.broadcast %div3A_511 : f32 to vector<1x64xf32>
    %div3A_513 = arith.divf %broadcast_in_dim3A_510, %div3A_512 : vector<1x64xf32>
    %swap3A_514 = arith.constant 28 : index
    %swap3A_515 = arith.constant 64 : index
    %swap3A_516 = vector.load %arg7[%swap3A_514, %swap3A_515] : memref<32x128xf32, #tpu.memory_space<vmem>>, vector<1x64xf32>
    tpu.vector_store %arg7[%swap3A_514, %swap3A_515], %div3A_513 {strides = array<i32>} : memref<32x128xf32, #tpu.memory_space<vmem>>, vector<1x64xf32>,
    %slice3A_517 = vector.extract_strided_slice %add3A_47 {offsets = [1856, 0], sizes = [64, 64], strides = [1, 1]} : vector<2048x64xf32> to vector<64x64xf32>
    %reduce_max3A_518 = arith.constant dense<0xFF800000> : vector<64xf32>
    %reduce_max3A_519 = vector.multi_reduction <maximumf>, %slice3A_517, %reduce_max3A_518 [0] : vector<64x64xf32> to vector<64xf32>
    %broadcast_in_dim3A_520 = vector.shape_cast %reduce_max3A_519 : vector<64xf32> to vector<1x64xf32>
    %swap3A_521 = arith.constant 29 : index
    %swap3A_522 = arith.constant 0 : index
    %swap3A_523 = vector.load %arg7[%swap3A_521, %swap3A_522] : memref<32x128xf32, #tpu.memory_space<vmem>>, vector<1x64xf32>
    tpu.vector_store %arg7[%swap3A_521, %swap3A_522], %broadcast_in_dim3A_520 {strides = array<i32>} : memref<32x128xf32, #tpu.memory_space<vmem>>, vector<1x64xf32>,
    %reduce_sum3A_524 = arith.constant dense<0.000000e+00> : vector<64xf32>
    %reduce_sum3A_525 = vector.multi_reduction <add>, %slice3A_517, %reduce_sum3A_524 [0] : vector<64x64xf32> to vector<64xf32>
    %broadcast_in_dim3A_526 = vector.shape_cast %reduce_sum3A_525 : vector<64xf32> to vector<1x64xf32>
    %div3A_527 = arith.constant 6.400000e+01 : f32
    %div3A_528 = vector.broadcast %div3A_527 : f32 to vector<1x64xf32>
    %div3A_529 = arith.divf %broadcast_in_dim3A_526, %div3A_528 : vector<1x64xf32>
    %swap3A_530 = arith.constant 29 : index
    %swap3A_531 = arith.constant 64 : index
    %swap3A_532 = vector.load %arg7[%swap3A_530, %swap3A_531] : memref<32x128xf32, #tpu.memory_space<vmem>>, vector<1x64xf32>
    tpu.vector_store %arg7[%swap3A_530, %swap3A_531], %div3A_529 {strides = array<i32>} : memref<32x128xf32, #tpu.memory_space<vmem>>, vector<1x64xf32>,
    %slice3A_533 = vector.extract_strided_slice %add3A_47 {offsets = [1920, 0], sizes = [64, 64], strides = [1, 1]} : vector<2048x64xf32> to vector<64x64xf32>
    %reduce_max3A_534 = arith.constant dense<0xFF800000> : vector<64xf32>
    %reduce_max3A_535 = vector.multi_reduction <maximumf>, %slice3A_533, %reduce_max3A_534 [0] : vector<64x64xf32> to vector<64xf32>
    %broadcast_in_dim3A_536 = vector.shape_cast %reduce_max3A_535 : vector<64xf32> to vector<1x64xf32>
    %swap3A_537 = arith.constant 30 : index
    %swap3A_538 = arith.constant 0 : index
    %swap3A_539 = vector.load %arg7[%swap3A_537, %swap3A_538] : memref<32x128xf32, #tpu.memory_space<vmem>>, vector<1x64xf32>
    tpu.vector_store %arg7[%swap3A_537, %swap3A_538], %broadcast_in_dim3A_536 {strides = array<i32>} : memref<32x128xf32, #tpu.memory_space<vmem>>, vector<1x64xf32>,
    %reduce_sum3A_540 = arith.constant dense<0.000000e+00> : vector<64xf32>
    %reduce_sum3A_541 = vector.multi_reduction <add>, %slice3A_533, %reduce_sum3A_540 [0] : vector<64x64xf32> to vector<64xf32>
    %broadcast_in_dim3A_542 = vector.shape_cast %reduce_sum3A_541 : vector<64xf32> to vector<1x64xf32>
    %div3A_543 = arith.constant 6.400000e+01 : f32
    %div3A_544 = vector.broadcast %div3A_543 : f32 to vector<1x64xf32>
    %div3A_545 = arith.divf %broadcast_in_dim3A_542, %div3A_544 : vector<1x64xf32>
    %swap3A_546 = arith.constant 30 : index
    %swap3A_547 = arith.constant 64 : index
    %swap3A_548 = vector.load %arg7[%swap3A_546, %swap3A_547] : memref<32x128xf32, #tpu.memory_space<vmem>>, vector<1x64xf32>
    tpu.vector_store %arg7[%swap3A_546, %swap3A_547], %div3A_545 {strides = array<i32>} : memref<32x128xf32, #tpu.memory_space<vmem>>, vector<1x64xf32>,
    %slice3A_549 = vector.extract_strided_slice %add3A_47 {offsets = [1984, 0], sizes = [64, 64], strides = [1, 1]} : vector<2048x64xf32> to vector<64x64xf32>
    %reduce_max3A_550 = arith.constant dense<0xFF800000> : vector<64xf32>
    %reduce_max3A_551 = vector.multi_reduction <maximumf>, %slice3A_549, %reduce_max3A_550 [0] : vector<64x64xf32> to vector<64xf32>
    %broadcast_in_dim3A_552 = vector.shape_cast %reduce_max3A_551 : vector<64xf32> to vector<1x64xf32>
    %swap3A_553 = arith.constant 31 : index
    %swap3A_554 = arith.constant 0 : index
    %swap3A_555 = vector.load %arg7[%swap3A_553, %swap3A_554] : memref<32x128xf32, #tpu.memory_space<vmem>>, vector<1x64xf32>
    tpu.vector_store %arg7[%swap3A_553, %swap3A_554], %broadcast_in_dim3A_552 {strides = array<i32>} : memref<32x128xf32, #tpu.memory_space<vmem>>, vector<1x64xf32>,
    %reduce_sum3A_556 = arith.constant dense<0.000000e+00> : vector<64xf32>
    %reduce_sum3A_557 = vector.multi_reduction <add>, %slice3A_549, %reduce_sum3A_556 [0] : vector<64x64xf32> to vector<64xf32>
    %broadcast_in_dim3A_558 = vector.shape_cast %reduce_sum3A_557 : vector<64xf32> to vector<1x64xf32>
    %div3A_559 = arith.constant 6.400000e+01 : f32
    %div3A_560 = vector.broadcast %div3A_559 : f32 to vector<1x64xf32>
    %div3A_561 = arith.divf %broadcast_in_dim3A_558, %div3A_560 : vector<1x64xf32>
    %swap3A_562 = arith.constant 31 : index
    %swap3A_563 = arith.constant 64 : index
    %swap3A_564 = vector.load %arg7[%swap3A_562, %swap3A_563] : memref<32x128xf32, #tpu.memory_space<vmem>>, vector<1x64xf32>
    tpu.vector_store %arg7[%swap3A_562, %swap3A_563], %div3A_561 {strides = array<i32>} : memref<32x128xf32, #tpu.memory_space<vmem>>, vector<1x64xf32>,
    return
  }
}

module attributes {stable_mosaic.version = 14 : i64} {
  func.func @_head_body(%arg0: memref<32x128xf32, #tpu.memory_space<vmem>>, %arg1: memref<32x128xf32, #tpu.memory_space<vmem>>, %arg2: memref<32x128xf32, #tpu.memory_space<vmem>>, %arg3: memref<128x512xbf16, #tpu.memory_space<vmem>>, %arg4: memref<1x512xf32, #tpu.memory_space<vmem>>, %arg5: memref<1x512xf32, #tpu.memory_space<vmem>>, %arg6: memref<1x512xf32, #tpu.memory_space<vmem>>, %arg7: memref<512x256xbf16, #tpu.memory_space<vmem>>, %arg8: memref<1x256xf32, #tpu.memory_space<vmem>>, %arg9: memref<1x256xf32, #tpu.memory_space<vmem>>, %arg10: memref<1x256xf32, #tpu.memory_space<vmem>>, %arg11: memref<256x4096xbf16, #tpu.memory_space<vmem>>, %arg12: memref<1x4096xf32, #tpu.memory_space<vmem>>, %arg13: memref<32x4096xf32, #tpu.memory_space<vmem>>) attributes {dimension_semantics = [], scalar_prefetch = 0 : i64, scratch_operands = 0 : i64, tpu.core_type = #tpu.core_type<tc>} {
    %get3A = arith.constant 0 : index
    %get3A_0 = arith.constant 0 : index
    %get3A_1 = vector.load %arg0[%get3A, %get3A_0] : memref<32x128xf32, #tpu.memory_space<vmem>>, vector<32x128xf32>
    %get3A_2 = arith.constant 0 : index
    %get3A_3 = arith.constant 0 : index
    %get3A_4 = vector.load %arg1[%get3A_2, %get3A_3] : memref<32x128xf32, #tpu.memory_space<vmem>>, vector<32x128xf32>
    %add3A = arith.addf %get3A_1, %get3A_4 : vector<32x128xf32>
    %get3A_5 = arith.constant 0 : index
    %get3A_6 = arith.constant 0 : index
    %get3A_7 = vector.load %arg2[%get3A_5, %get3A_6] : memref<32x128xf32, #tpu.memory_space<vmem>>, vector<32x128xf32>
    %add3A_8 = arith.addf %add3A, %get3A_7 : vector<32x128xf32>
    %convert_element_type3A = arith.truncf %add3A_8 : vector<32x128xf32> to vector<32x128xbf16>
    %get3A_9 = arith.constant 0 : index
    %get3A_10 = arith.constant 0 : index
    %get3A_11 = vector.load %arg3[%get3A_9, %get3A_10] : memref<128x512xbf16, #tpu.memory_space<vmem>>, vector<128x512xbf16>
    %dot_general3A = arith.constant dense<0.000000e+00> : vector<32x512xf32>
    %dot_general3A_12 = tpu.matmul %convert_element_type3A, %get3A_11, %dot_general3A {dimension_numbers = #tpu.dot_dimension_numbers<[1], [0], [0], [1], [0, 0, 1, 1], [], []>, transpose_lhs_hint = false} : vector<32x128xbf16>, vector<128x512xbf16>, vector<32x512xf32> -> vector<32x512xf32>
    %get3A_13 = arith.constant 0 : index
    %get3A_14 = arith.constant 0 : index
    %get3A_15 = vector.load %arg4[%get3A_13, %get3A_14] : memref<1x512xf32, #tpu.memory_space<vmem>>, vector<1x512xf32>
    %add3A_16 = vector.broadcast %get3A_15 : vector<1x512xf32> to vector<32x512xf32>
    %add3A_17 = arith.addf %dot_general3A_12, %add3A_16 : vector<32x512xf32>
    %reduce_sum3A = arith.constant dense<0.000000e+00> : vector<512xf32>
    %reduce_sum3A_18 = vector.multi_reduction <add>, %add3A_17, %reduce_sum3A [0] : vector<32x512xf32> to vector<512xf32>
    %broadcast_in_dim3A = vector.shape_cast %reduce_sum3A_18 : vector<512xf32> to vector<1x512xf32>
    %div3A = arith.constant 3.200000e+01 : f32
    %div3A_19 = vector.broadcast %div3A : f32 to vector<1x512xf32>
    %div3A_20 = arith.divf %broadcast_in_dim3A, %div3A_19 : vector<1x512xf32>
    %sub3A = vector.broadcast %div3A_20 : vector<1x512xf32> to vector<32x512xf32>
    %sub3A_21 = arith.subf %add3A_17, %sub3A : vector<32x512xf32>
    %square3A = arith.mulf %sub3A_21, %sub3A_21 : vector<32x512xf32>
    %reduce_sum3A_22 = arith.constant dense<0.000000e+00> : vector<512xf32>
    %reduce_sum3A_23 = vector.multi_reduction <add>, %square3A, %reduce_sum3A_22 [0] : vector<32x512xf32> to vector<512xf32>
    %broadcast_in_dim3A_24 = vector.shape_cast %reduce_sum3A_23 : vector<512xf32> to vector<1x512xf32>
    %div3A_25 = arith.constant 3.200000e+01 : f32
    %div3A_26 = vector.broadcast %div3A_25 : f32 to vector<1x512xf32>
    %div3A_27 = arith.divf %broadcast_in_dim3A_24, %div3A_26 : vector<1x512xf32>
    %sub3A_28 = vector.broadcast %div3A_20 : vector<1x512xf32> to vector<32x512xf32>
    %sub3A_29 = arith.subf %add3A_17, %sub3A_28 : vector<32x512xf32>
    %add3A_30 = arith.constant 9.99999974E-6 : f32
    %add3A_31 = vector.broadcast %add3A_30 : f32 to vector<1x512xf32>
    %add3A_32 = arith.addf %div3A_27, %add3A_31 : vector<1x512xf32>
    %rsqrt3A = math.rsqrt %add3A_32 : vector<1x512xf32>
    %mul3A = vector.broadcast %rsqrt3A : vector<1x512xf32> to vector<32x512xf32>
    %mul3A_33 = arith.mulf %sub3A_29, %mul3A : vector<32x512xf32>
    %get3A_34 = arith.constant 0 : index
    %get3A_35 = arith.constant 0 : index
    %get3A_36 = vector.load %arg5[%get3A_34, %get3A_35] : memref<1x512xf32, #tpu.memory_space<vmem>>, vector<1x512xf32>
    %mul3A_37 = vector.broadcast %get3A_36 : vector<1x512xf32> to vector<32x512xf32>
    %mul3A_38 = arith.mulf %mul3A_33, %mul3A_37 : vector<32x512xf32>
    %get3A_39 = arith.constant 0 : index
    %get3A_40 = arith.constant 0 : index
    %get3A_41 = vector.load %arg6[%get3A_39, %get3A_40] : memref<1x512xf32, #tpu.memory_space<vmem>>, vector<1x512xf32>
    %add3A_42 = vector.broadcast %get3A_41 : vector<1x512xf32> to vector<32x512xf32>
    %add3A_43 = arith.addf %mul3A_38, %add3A_42 : vector<32x512xf32>
    %convert_element_type3A_44 = arith.truncf %add3A_43 : vector<32x512xf32> to vector<32x512xbf16>
    %get3A_45 = arith.constant 0 : index
    %get3A_46 = arith.constant 0 : index
    %get3A_47 = vector.load %arg7[%get3A_45, %get3A_46] : memref<512x256xbf16, #tpu.memory_space<vmem>>, vector<512x256xbf16>
    %dot_general3A_48 = arith.constant dense<0.000000e+00> : vector<32x256xf32>
    %dot_general3A_49 = tpu.matmul %convert_element_type3A_44, %get3A_47, %dot_general3A_48 {dimension_numbers = #tpu.dot_dimension_numbers<[1], [0], [0], [1], [0, 0, 1, 1], [], []>, transpose_lhs_hint = false} : vector<32x512xbf16>, vector<512x256xbf16>, vector<32x256xf32> -> vector<32x256xf32>
    %get3A_50 = arith.constant 0 : index
    %get3A_51 = arith.constant 0 : index
    %get3A_52 = vector.load %arg8[%get3A_50, %get3A_51] : memref<1x256xf32, #tpu.memory_space<vmem>>, vector<1x256xf32>
    %add3A_53 = vector.broadcast %get3A_52 : vector<1x256xf32> to vector<32x256xf32>
    %add3A_54 = arith.addf %dot_general3A_49, %add3A_53 : vector<32x256xf32>
    %reduce_sum3A_55 = arith.constant dense<0.000000e+00> : vector<256xf32>
    %reduce_sum3A_56 = vector.multi_reduction <add>, %add3A_54, %reduce_sum3A_55 [0] : vector<32x256xf32> to vector<256xf32>
    %broadcast_in_dim3A_57 = vector.shape_cast %reduce_sum3A_56 : vector<256xf32> to vector<1x256xf32>
    %div3A_58 = arith.constant 3.200000e+01 : f32
    %div3A_59 = vector.broadcast %div3A_58 : f32 to vector<1x256xf32>
    %div3A_60 = arith.divf %broadcast_in_dim3A_57, %div3A_59 : vector<1x256xf32>
    %sub3A_61 = vector.broadcast %div3A_60 : vector<1x256xf32> to vector<32x256xf32>
    %sub3A_62 = arith.subf %add3A_54, %sub3A_61 : vector<32x256xf32>
    %square3A_63 = arith.mulf %sub3A_62, %sub3A_62 : vector<32x256xf32>
    %reduce_sum3A_64 = arith.constant dense<0.000000e+00> : vector<256xf32>
    %reduce_sum3A_65 = vector.multi_reduction <add>, %square3A_63, %reduce_sum3A_64 [0] : vector<32x256xf32> to vector<256xf32>
    %broadcast_in_dim3A_66 = vector.shape_cast %reduce_sum3A_65 : vector<256xf32> to vector<1x256xf32>
    %div3A_67 = arith.constant 3.200000e+01 : f32
    %div3A_68 = vector.broadcast %div3A_67 : f32 to vector<1x256xf32>
    %div3A_69 = arith.divf %broadcast_in_dim3A_66, %div3A_68 : vector<1x256xf32>
    %sub3A_70 = vector.broadcast %div3A_60 : vector<1x256xf32> to vector<32x256xf32>
    %sub3A_71 = arith.subf %add3A_54, %sub3A_70 : vector<32x256xf32>
    %add3A_72 = arith.constant 9.99999974E-6 : f32
    %add3A_73 = vector.broadcast %add3A_72 : f32 to vector<1x256xf32>
    %add3A_74 = arith.addf %div3A_69, %add3A_73 : vector<1x256xf32>
    %rsqrt3A_75 = math.rsqrt %add3A_74 : vector<1x256xf32>
    %mul3A_76 = vector.broadcast %rsqrt3A_75 : vector<1x256xf32> to vector<32x256xf32>
    %mul3A_77 = arith.mulf %sub3A_71, %mul3A_76 : vector<32x256xf32>
    %get3A_78 = arith.constant 0 : index
    %get3A_79 = arith.constant 0 : index
    %get3A_80 = vector.load %arg9[%get3A_78, %get3A_79] : memref<1x256xf32, #tpu.memory_space<vmem>>, vector<1x256xf32>
    %mul3A_81 = vector.broadcast %get3A_80 : vector<1x256xf32> to vector<32x256xf32>
    %mul3A_82 = arith.mulf %mul3A_77, %mul3A_81 : vector<32x256xf32>
    %get3A_83 = arith.constant 0 : index
    %get3A_84 = arith.constant 0 : index
    %get3A_85 = vector.load %arg10[%get3A_83, %get3A_84] : memref<1x256xf32, #tpu.memory_space<vmem>>, vector<1x256xf32>
    %add3A_86 = vector.broadcast %get3A_85 : vector<1x256xf32> to vector<32x256xf32>
    %add3A_87 = arith.addf %mul3A_82, %add3A_86 : vector<32x256xf32>
    %convert_element_type3A_88 = arith.truncf %add3A_87 : vector<32x256xf32> to vector<32x256xbf16>
    %get3A_89 = arith.constant 0 : index
    %get3A_90 = arith.constant 0 : index
    %get3A_91 = vector.load %arg11[%get3A_89, %get3A_90] : memref<256x4096xbf16, #tpu.memory_space<vmem>>, vector<256x4096xbf16>
    %dot_general3A_92 = arith.constant dense<0.000000e+00> : vector<32x4096xf32>
    %dot_general3A_93 = tpu.matmul %convert_element_type3A_88, %get3A_91, %dot_general3A_92 {dimension_numbers = #tpu.dot_dimension_numbers<[1], [0], [0], [1], [0, 0, 1, 1], [], []>, transpose_lhs_hint = false} : vector<32x256xbf16>, vector<256x4096xbf16>, vector<32x4096xf32> -> vector<32x4096xf32>
    %get3A_94 = arith.constant 0 : index
    %get3A_95 = arith.constant 0 : index
    %get3A_96 = vector.load %arg12[%get3A_94, %get3A_95] : memref<1x4096xf32, #tpu.memory_space<vmem>>, vector<1x4096xf32>
    %add3A_97 = vector.broadcast %get3A_96 : vector<1x4096xf32> to vector<32x4096xf32>
    %add3A_98 = arith.addf %dot_general3A_93, %add3A_97 : vector<32x4096xf32>
    %max3A = arith.constant 0.000000e+00 : f32
    %max3A_99 = vector.broadcast %max3A : f32 to vector<32x4096xf32>
    %max3A_100 = arith.maximumf %add3A_98, %max3A_99 : vector<32x4096xf32>
    %swap3A = arith.constant 0 : index
    %swap3A_101 = arith.constant 0 : index
    %swap3A_102 = vector.load %arg13[%swap3A, %swap3A_101] : memref<32x4096xf32, #tpu.memory_space<vmem>>, vector<32x4096xf32>
    tpu.vector_store %arg13[%swap3A, %swap3A_101], %max3A_100 {strides = array<i32>} : memref<32x4096xf32, #tpu.memory_space<vmem>>, vector<32x4096xf32>,
    return
  }
}

</mosaic_0001>

<sc_bundles>
// kernel: kernel.15.cloned.1.call-start
scs
__scs_entry_jumppad:
0x0: {  	(pc) =	sbr.rel $0x88, $3  }
0x1: {  	(tag) =	ssettag $0x0;
	lr =	simm.s32 $0x1  }
0x2: {  	[smem:$0x3F7C] =	sst lr;
	_ =	strace $0xD0000000  }
0x3: {  	_ = 	snop  }
0x4: {  	_ = 	snop  }
0x5: {  	_ = 	snop  }
0x6: {  	_ = 	snop  }
0x7: {  	_ = 	snop  }
__scs_overlays_trampoline_lowered:
0x8: {  	[smem:$0x3F8B] =	sst s0  }
0x9: {  	[smem:$0x3F8C] =	sst s1  }
0xa: {  	[smem:$0x3F8D] =	sst s2  }
0xb: {  	[smem:$0x3F8E] =	sst s3  }
0xc: {  	[smem:$0x3F8F] =	sst s4  }
0xd: {  	[smem:$0x3F90] =	sst s5  }
0xe: {  	[smem:$0x3F91] =	sst s6  }
0xf: {  	[smem:$0x3F92] =	sst s7  }
0x10: {  	[smem:$0x3F93] =	sst s8  }
0x11: {  	[smem:$0x3F94] =	sst s9;
	s0 =	simm.s32 @!p0 $0x0  }
0x12: {  	s1 =	sld [smem:$0x3F7A];
	s0 =	simm.s32 @p0 $0x1  }
0x13: {  	[smem:$0x3F95] =	sst s0;
	s0 =	simm.s32 @!p1 $0x0  }
0x14: {  	s2 =	sld [smem:$0x3F79];
	s0 =	simm.s32 @p1 $0x1  }
0x15: {  	[smem:$0x3F96] =	sst s0;
	s0 =	simm.s32 @!p2 $0x0  }
0x16: {  	s3 =	sld [smem:$0x3FDB];
	s0 =	simm.s32 @p2 $0x1  }
0x17: {  	s4 =	simm.s32 $0x1BF5;
	[smem:$0x3F98] =	sst s0  }
0x18: {  	s0 =	sld [smem:$0x3F7B];
	_ =	swait.ge [sflag:s4], $0x0  }
0x19: {  	s7 =	sld [smem:$0x3F7C]  }
0x1a: {  	s8 =	sadd.s32 $0xFFFFE003, lr  }
0x1b: {  	s9 =	sadd.s32 $0xFFFFFEF7, lr;
	s5 =	simm.s32 $0xFFFFFFFF;
	p2 =	slt.u32 s8, $0xFFFFF086  }
0x1c: {  	p1 =	slt.u32 s9, $0xF7A;
	s5 =	simm.s32 @!p2 $0x0  }
0x1d: {  	s5 =	simm.s32 @p1 $0x1;
	p0 =	seq.s32 s7, s2  }
0x1e: {  	s7 =	smul.u32 @!p0 $0xF7A, s2;
	p2 =	seq.s32 @!p0 s5, $0x0  }
0x1f: {  	s9 =	smul.u32 $0xF7A, s1;
	s8 =	simm.s32 @!p0 $0x1BF5;
	p2 =	por !p2, p0  }
0x20: {  	[sflag:s8] =	ssyncset.s32 @!p0 $0xFFFFF086;
	s6 =	sadd.s32 @!p0 s3, s7;
	s7 =	simm.s32 @!p0 $0x108  }
0x21: {  	s3 =	sadd.s32 s3, s9;
	s6 =	sadd.s32 @!p0 $0x88, s6;
	s7 =	simm.s32 @p2 $0x1082  }
0x22: {  	[simem:s7], [sflag:s8] =	dma.local @!p0 [hbm:s6], $0xF7A  }
0x23: {  	s9 =	sor.u32 $0xD0000000, s2;
	s6 =	simm.s32 $0x108;
	_ =	swait.ge @!p0 [sflag:s8], $0x0  }
0x24: {  	s3 =	sadd.s32 $0x88, s3;
	s6 =	simm.s32 @!p1 $0x1082;
	[sflag:s4] =	ssyncset.s32 $0xFFFFF086  }
0x25: {  	[simem:s6], [sflag:s4] =	dma.local [hbm:s3], $0xF7A  }
0x26: {  	[smem:$0x3F7C] =	sst s1;
	(tag) =	ssettag s2;
	_ =	strace s9  }
0x27: {  	s1 =	sld [smem:$0x3F8C]  }
0x28: {  	s2 =	sld [smem:$0x3F8D]  }
0x29: {  	s4 =	sld [smem:$0x3F8F]  }
0x2a: {  	p0 =	seq.s32 s5, $0x0;
	s5 =	sld [smem:$0x3F90]  }
0x2b: {  	s6 =	sld [smem:$0x3F91]  }
0x2c: {  	s7 =	sld [smem:$0x3F92]  }
0x2d: {  	s3 =	simm.s32 $0x108;
	s8 =	sld [smem:$0x3F93]  }
0x2e: {  	s3 =	simm.s32 @!p0 $0x1082;
	s9 =	sld [smem:$0x3F94]  }
0x2f: {  	lr =	sadd.s32 s0, s3;
	s0 =	sld [smem:$0x3F8B]  }
0x30: {  	s3 =	sld [smem:$0x3F8E]  }
0x31: {  	[smem:$0x3F97] =	sst s10  }
0x32: {  	s10 =	sld [smem:$0x3F95];
	_ =	sdelay $0x3  }
0x33: {  	p0 =	seq.s32 s10, $0x1;
	s10 =	sld [smem:$0x3F97];
	_ =	sdelay $0x3  }
0x34: {  	[smem:$0x3F97] =	sst s10  }
0x35: {  	s10 =	sld [smem:$0x3F96];
	_ =	sdelay $0x3  }
0x36: {  	p1 =	seq.s32 s10, $0x1;
	s10 =	sld [smem:$0x3F97];
	_ =	sdelay $0x3  }
0x37: {  	[smem:$0x3F97] =	sst s10  }
0x38: {  	s10 =	sld [smem:$0x3F98]  }
0x39: {  	_ = 	snop;
	(pc) =	sbr.ind lr, $3  }
0x3a: {  	_ = 	snop  }
0x3b: {  	_ = 	snop  }
0x3c: {  	p2 =	seq.s32 s10, $0x1;
	s10 =	sld [smem:$0x3F97]  }
0x3d: {  	_ =	shalt  }
0x3e: {  	_ =	shalt  }
0x3f: {  	_ =	shalt  }
0x40: {  	_ =	shalt  }
0x41: {  	_ =	shalt  }
0x42: {  	_ =	shalt  }
0x43: {  	_ =	shalt  }
0x44: {  	_ =	shalt  }
0x45: {  	_ =	shalt  }
0x46: {  	_ =	shalt  }
0x47: {  	_ =	shalt  }
0x48: {  	_ =	shalt  }
0x49: {  	_ =	shalt  }
0x4a: {  	_ =	shalt  }
0x4b: {  	_ =	shalt  }
0x4c: {  	_ =	shalt  }
0x4d: {  	_ =	shalt  }
0x4e: {  	_ =	shalt  }
0x4f: {  	_ =	shalt  }
0x50: {  	_ =	shalt  }
0x51: {  	_ =	shalt  }
0x52: {  	_ =	shalt  }
0x53: {  	_ =	shalt  }
0x54: {  	_ =	shalt  }
0x55: {  	_ =	shalt  }
0x56: {  	_ =	shalt  }
0x57: {  	_ =	shalt  }
0x58: {  	_ =	shalt  }
0x59: {  	_ =	shalt  }
0x5a: {  	_ =	shalt  }
0x5b: {  	_ =	shalt  }
0x5c: {  	_ =	shalt  }
0x5d: {  	_ =	shalt  }
0x5e: {  	_ =	shalt  }
0x5f: {  	_ =	shalt  }
0x60: {  	_ =	shalt  }
0x61: {  	_ =	shalt  }
0x62: {  	_ =	shalt  }
0x63: {  	_ =	shalt  }
0x64: {  	_ =	shalt  }
0x65: {  	_ =	shalt  }
0x66: {  	_ =	shalt  }
0x67: {  	_ =	shalt  }
0x68: {  	_ =	shalt  }
0x69: {  	_ =	shalt  }
0x6a: {  	_ =	shalt  }
0x6b: {  	_ =	shalt  }
0x6c: {  	_ =	shalt  }
0x6d: {  	_ =	shalt  }
0x6e: {  	_ =	shalt  }
0x6f: {  	_ =	shalt  }
0x70: {  	_ =	shalt  }
0x71: {  	_ =	shalt  }
0x72: {  	_ =	shalt  }
0x73: {  	_ =	shalt  }
0x74: {  	_ =	shalt  }
0x75: {  	_ =	shalt  }
0x76: {  	_ =	shalt  }
0x77: {  	_ =	shalt  }
0x78: {  	_ =	shalt  }
0x79: {  	_ =	shalt  }
0x7a: {  	_ =	shalt  }
0x7b: {  	_ =	shalt  }
0x7c: {  	_ =	shalt  }
0x7d: {  	_ =	shalt  }
0x7e: {  	_ =	shalt  }
0x7f: {  	_ =	shalt  }
0x80: {  	_ =	shalt  }
0x81: {  	_ =	shalt  }
0x82: {  	_ =	shalt  }
0x83: {  	_ =	shalt  }
0x84: {  	_ =	shalt  }
0x85: {  	_ =	shalt  }
0x86: {  	_ =	shalt  }
0x87: {  	_ =	shalt  }
.Lfunc_end0:
.L_simem_size_0:
called_computation_lowered:
.L_overlay_start_0:
0x88: {  	s2 =	sld [smem:$0x3FD9]  }
0x89: {  	s3 =	sld [smem:$0x3FFE];
	_ =	sdelay $0x1  }
0x8a: {  	s1 =	srdreg.scid  }
0x8b: {  	s0 =	sand.u32 $0x1, s1  }
0x8c: {  	s16 =	sshll.u32 s0, $0xA;
	s2 =	sadd.s32 s3, s2  }
0x8d: {  	s2 =	sadd.s32 s2, s16  }
0x8e: {  	[smem:$0x3FA3] =	sst s2  }
0x8f: {  	_ = 	snop  }
0x90: {  	(tm) =	ssettm $0x1  }
0x91: {  	s17 =	sld [smem:$0x3FFB];
	_ =	sdelay $0x3  }
0x92: {  	_ =	strace s17  }
0x93: {  	s2 =	sld [smem:$0x3FFC];
	_ =	sdelay $0x3  }
0x94: {  	_ =	strace s2  }
0x95: {  	s2 =	sld [smem:$0x3FFD];
	_ =	sdelay $0x3  }
0x96: {  	_ =	strace s2  }
0x97: {  	_ =	strace $0x8FFFFFFF  }
0x98: {  	s18 =	sld [smem:$0x3FDB];
	_ =	sdelay $0x1  }
0x99: {  	s19 =	simm.s32 $_scs_section_size  }
0x9a: {  	s4 =	simm.s32 $_size__tile_overlayer_lowered;
	s5 =	simm.s32 $_tile_overlayer_lowered  }
0x9b: {  	s22 =	simm.s32 $0x1BFF;
	s21 =	sshll.u32 s5, $0x1;
	s2 =	sadd.s32 s19, s18  }
0x9c: {  	s6 =	simm.s32 $0x0;
	s20 =	sshll.u32 s4, $0x1;
	s4 =	sadd.s32 s21, s2  }
0x9d: {  	[timem:s6], [sflag:s22] =	dma.local [hbm:s4], s20  }
0x9e: {  	_ =	swait.ge [sflag:s22], s20  }
0x9f: {  	s3 =	ssub.s32 $0x0, s20;
	[sflag:s22] =	ssyncset.done $0x0  }
0xa0: {  	[sflag:s22] =	ssyncadd.s32 s3;
	_ =	sdelay $0x1  }
0xa1: {  	s23 =	simm.s32 $0x1B8B  }
0xa2: {  	_ =	swait.ge [sflag:s23], $0x1  }
0xa3: {  	[sflag:s23] =	ssyncset.done $0x0  }
0xa4: {  	s25 =	simm.s32 $0x1B8E;
	s24 =	sld [smem:$0x3FFE];
	[sflag:s23] =	ssyncadd.s32 $0xFFFFFFFF  }
0xa5: {  	s26 =	simm.s32 $execute0_lowered;
	[smem:$0x3FD2] =	sst s25  }
0xa6: {  	s4 =	sshll.u32 s26, $0x1;
	_ =	strace $0x80000046;
	[dreg:$0x1] =	wrdreg $0xFFFFFFFF  }
0xa7: {  	s28 =	simm.s32 $_size_execute0_lowered;
	s2 =	sadd.s32 s2, s4;
	[dreg:$0x0] =	wrdreg $0x0  }
0xa8: {  	s4 =	sshll.u32 s28, $0x1;
	[dreg:$0x2] =	wrdreg s2  }
0xa9: {  	[dreg:$0x3] =	wrdreg s4  }
0xaa: {  	[dreg:$0x4] =	wrdreg $0xC0  }
0xab: {  	_ =	task [dreg:s6], $0x5FFFF  }
0xac: {  	[dreg:$0x1] =	wrdreg $0xFFFFFFFF  }
0xad: {  	[dreg:$0x0] =	wrdreg $0x60  }
0xae: {  	[dreg:$0x2] =	wrdreg s24  }
0xaf: {  	[dreg:$0x3] =	wrdreg $0x9  }
0xb0: {  	_ =	task.clear_ibuf [dreg:s6], $0x4FFFF;
	_ =	strace $0x90000046  }
0xb1: {  	s29 =	simm.s32 $0x9;
	_ =	strace $0x80000048  }
0xb2: {  	_ =	swait.ge [sflag:s29], $0x1  }
0xb3: {  	[sflag:s29] =	ssyncadd.s32 $0xFFFFFFFF  }
0xb4: {  	_ =	strace $0x90000048  }
0xb5: {  	_ =	sfence  }
0xb6: {  	s30 =	sld [smem:$0x0];
	_ =	sdelay $0x2  }
0xb7: {  	s31 =	sshll.u32 s1, $0xD;
	s1 =	sshrl.u32 s1, $0x2  }
0xb8: {  	s3 =	sand.u32 $0x4000, s31;
	s1 =	sadd.s32 s1, s30  }
0xb9: {  	s0 =	sor.u32 s3, s0;
	s1 =	sshll.u32 s1, $0x11  }
0xba: {  	s0 =	sor.u32 s1, s0  }
0xbb: {  	s0 =	sadd.s32 $0x8F2B, s0  }
0xbc: {  	[sflag:s0] =	ssyncadd.remote.s32 $0x1  }
0xbd: {  	_ =	sfence.sel $0xFFFF  }
0xbe: {  	[dreg:$0x0] =	wrdreg $0xFFFFFFFF;
	(pc) =	sbr.abs _section_cstart, $3  }
0xbf: {  	[dreg:$0x1] =	wrdreg $0xFFFFFFFF  }
0xc0: {  	_ =	task.clear_ibuf [dreg:s6], $0x2FFFF;
	_ =	strace $0x9FFFFFFF  }
0xc1: {  	(tm) =	ssettm $0x7FFFFFFF  }
tec
execute0_lowered:
.L_overlay_start_1:
0x0: {  	(tag) =	ssettag $0x1  }
0x1: {  	s1 =	srdreg.scid  }
0x2: {  	s0 =	stileid.u32;
	s10 =	sand.u32 $0x1, s1  }
0x3: {  	s29 =	sshll.u32 s0, $0x9;
	s2 =	sshll.u32 s10, $0x8  }
0x4: {  	s11 =	rddreg [dreg:$0x0];
	s12 =	sor.u32 s2, s29  }
0x5: {  	s1 =	rddreg [dreg:$0x1];
	s2 =	simm.s32 $0x0;
	s3 =	sshrl.u32 s12, $0x3  }
0x6: {  	[smem:$0x7FF] =	sst s2;
	s3 =	sadd.s32 s3, s11  }
0x7: {  	_ =	strace $0x80000047;
	s4 =	sadd.s32 $0x8800, s3;
	s3 =	simm.s32 $0x2  }
0x8: {  	[tilespmem:s2], [sflag:$0x2] =	stream.linear.gather [hbm4b:s4+s2], $0x100, $0x38;
	[tilespmem:$0x8100] =	vst v63  }
0x9: {  	_ =	swait.ge [sflag:s3], $0x100  }
0xa: {  	s6 =	simm.s32 $0x80;
	[sflag:s3] =	ssyncset.done $0x0  }
0xb: {  	s7 =	simm.s32 $0x100;
	s5 =	sadd.s32 $0x8C00, s11;
	[sflag:s3] =	ssyncadd.s32 $0xFFFFFF00  }
0xc: {  	[tilespmem:s7], [sflag:$0x1] =	stream.indirect.gather [hbm4b:s5+s6], $0x80, s2, s6, $0xb8;
	[tilespmem:$0x8100] =	vst v63  }
0xd: {  	s8 =	simm.s32 $0x4100;
	s9 =	simm.s32 $0x1;
	s10 =	ssub.s32 $0x2, s10  }
0xe: {  	[tilespmem:s8], [sflag:$0x1] =	stream.indirect.gather [hbm4b:s5+s6], $0x80, s6, s6, $0xb8;
	[tilespmem:$0x8100] =	vst v63  }
0xf: {  	s13 =	sshrl.u32 s10, $0x1;
	_ =	swait.ge [sflag:s9], $0x4000  }
0x10: {  	s30 =	ssub.s32 s10, s13;
	[sflag:s9] =	ssyncset.done $0x0  }
0x11: {  	s31 =	smax.u32 s30, $0x1;
	[sflag:s9] =	ssyncadd.s32 $0xFFFFC000  }
0x12: {  	s12 =	sshll.u32 s12, $0x4;
	p0 =	sne.s32 s31, $0x1;
	_ =	swait.ge [sflag:s9], $0x4000  }
.Ltmp0:
0x13: {  	s11 =	sadd.s32 s12, s11;
	[sflag:s9] =	ssyncset.done $0x0;
	(pc) =	sbr.rel @!p0 .LBB2_2-.Ltmp0, $4  }
0x14: {  	s10 =	sadd.s32 $0x10C00, s11;
	[sflag:s9] =	ssyncadd.s32 $0xFFFFC000  }
0x15: {  	[hbm4b:s10+s2] =	stream.linear.scatter [tilespmem:s7], [sflag:$0x2], $0x8000, $0x38;
	[tilespmem:$0x8100] =	vst v63  }
0x16: {  	_ =	swait.ge [sflag:s3], $0x8000  }
0x17: {  	s11 =	sadd.s32 $0xFFFFFFFF, s31;
	[sflag:s3] =	ssyncset.done $0x0  }
.LBB2_1:
0x18: {  	p0 =	sne.s32 s11, $0x1;
	s11 =	sadd.s32 $0xFFFFFFFF, s11;
	[sflag:s3] =	ssyncadd.s32 $0xFFFF8000  }
0x19: {  	[tilespmem:s2], [sflag:$0x2] =	stream.linear.gather [hbm4b:s4+s2], $0x100, $0x38;
	[tilespmem:$0x8100] =	vst v63  }
0x1a: {  	_ =	swait.ge [sflag:s3], $0x100  }
0x1b: {  	[sflag:s3] =	ssyncset.done $0x0  }
0x1c: {  	[sflag:s3] =	ssyncadd.s32 $0xFFFFFF00  }
0x1d: {  	[tilespmem:s7], [sflag:$0x1] =	stream.indirect.gather [hbm4b:s5+s6], $0x80, s2, s6, $0xb8;
	[tilespmem:$0x8100] =	vst v63  }
0x1e: {  	_ = 	snop  }
0x1f: {  	[tilespmem:s8], [sflag:$0x1] =	stream.indirect.gather [hbm4b:s5+s6], $0x80, s6, s6, $0xb8;
	[tilespmem:$0x8100] =	vst v63  }
0x20: {  	_ =	swait.ge [sflag:s9], $0x4000  }
0x21: {  	[sflag:s9] =	ssyncset.done $0x0  }
0x22: {  	[sflag:s9] =	ssyncadd.s32 $0xFFFFC000  }
0x23: {  	_ =	swait.ge [sflag:s9], $0x4000  }
.Ltmp1:
0x24: {  	[sflag:s9] =	ssyncset.done $0x0;
	(pc) =	sbr.rel @p0 .LBB2_1-.Ltmp1, $4  }
0x25: {  	[sflag:s9] =	ssyncadd.s32 $0xFFFFC000  }
0x26: {  	[hbm4b:s10+s2] =	stream.linear.scatter [tilespmem:s7], [sflag:$0x2], $0x8000, $0x38;
	[tilespmem:$0x8100] =	vst v63  }
0x27: {  	_ =	swait.ge [sflag:s3], $0x8000  }
0x28: {  	[sflag:s3] =	ssyncset.done $0x0  }
.LBB2_2:
0x29: {  	[sflag:s3] =	ssyncadd.s32 $0xFFFF8000  }
0x2a: {  	_ =	sfence.sel $0x180000  }
0x2b: {  	[bflag:$0x0] =	sbarrier.arrive $0xFFFF  }
0x2c: {  	p0 =	sne.s32 s0, $0x0;
	_ =	strace $0x90000047  }
0x2d: {  	s0 =	sadd.s32 @!p0 $0x100000, s1;
	[bflag:$0x2] =	sbarrier.arrive $0xFFFF  }
0x2e: {  	[sflag:s0] =	ssyncadd.tile.s32 @!p0 $0x1;
	_ =	shalt  }
.Lfunc_end2:
_tile_overlayer_lowered:
.L_overlay_start_2:
0x2f: {  	(tag) =	ssettag $0x2  }
0x30: {  	s0 =	rddreg [dreg:$0x0];
	s2 =	stileid.u32  }
0x31: {  	s1 =	rddreg [dreg:$0x1];
	p0 =	sne.s32 s2, $0x0  }
0x32: {  	s3 =	rddreg [dreg:$0x2];
	[bflag:$0x3] =	sbarrier.arrive $0xFFFF;
	s2 =	simm.s32 @!p0 $0x1C02  }
0x33: {  	[timem:s3], [sflag:s2] =	dma.local @!p0 [hbm:s0], s1  }
0x34: {  	s0 =	simm.s32 @!p0 $0x2  }
0x35: {  	_ =	swait.ge @!p0 [sflag:s0], s1  }
0x36: {  	s1 =	ssub.s32 @!p0 $0x0, s1;
	[sflag:s0] =	ssyncset.done @!p0 $0x0  }
0x37: {  	[sflag:s0] =	ssyncadd.s32 @!p0 s1  }
0x38: {  	[bflag:$0x3] =	sbarrier.arrive $0xFFFF  }
0x39: {  	_ =	shalt  }

// kernel: kernel.18.cloned.1.call-start
scs
__scs_entry_jumppad:
0x0: {  	(pc) =	sbr.rel $0x88, $3  }
0x1: {  	(tag) =	ssettag $0x0;
	lr =	simm.s32 $0x1  }
0x2: {  	[smem:$0x3F7C] =	sst lr;
	_ =	strace $0xD0000000  }
0x3: {  	_ = 	snop  }
0x4: {  	_ = 	snop  }
0x5: {  	_ = 	snop  }
0x6: {  	_ = 	snop  }
0x7: {  	_ = 	snop  }
__scs_overlays_trampoline_lowered:
0x8: {  	[smem:$0x3F8B] =	sst s0  }
0x9: {  	[smem:$0x3F8C] =	sst s1  }
0xa: {  	[smem:$0x3F8D] =	sst s2  }
0xb: {  	[smem:$0x3F8E] =	sst s3  }
0xc: {  	[smem:$0x3F8F] =	sst s4  }
0xd: {  	[smem:$0x3F90] =	sst s5  }
0xe: {  	[smem:$0x3F91] =	sst s6  }
0xf: {  	[smem:$0x3F92] =	sst s7  }
0x10: {  	[smem:$0x3F93] =	sst s8  }
0x11: {  	[smem:$0x3F94] =	sst s9;
	s0 =	simm.s32 @!p0 $0x0  }
0x12: {  	s1 =	sld [smem:$0x3F7A];
	s0 =	simm.s32 @p0 $0x1  }
0x13: {  	[smem:$0x3F95] =	sst s0;
	s0 =	simm.s32 @!p1 $0x0  }
0x14: {  	s2 =	sld [smem:$0x3F79];
	s0 =	simm.s32 @p1 $0x1  }
0x15: {  	[smem:$0x3F96] =	sst s0;
	s0 =	simm.s32 @!p2 $0x0  }
0x16: {  	s3 =	sld [smem:$0x3FDB];
	s0 =	simm.s32 @p2 $0x1  }
0x17: {  	s4 =	simm.s32 $0x1BF5;
	[smem:$0x3F98] =	sst s0  }
0x18: {  	s0 =	sld [smem:$0x3F7B];
	_ =	swait.ge [sflag:s4], $0x0  }
0x19: {  	s7 =	sld [smem:$0x3F7C]  }
0x1a: {  	s8 =	sadd.s32 $0xFFFFE003, lr  }
0x1b: {  	s9 =	sadd.s32 $0xFFFFFEF7, lr;
	s5 =	simm.s32 $0xFFFFFFFF;
	p2 =	slt.u32 s8, $0xFFFFF086  }
0x1c: {  	p1 =	slt.u32 s9, $0xF7A;
	s5 =	simm.s32 @!p2 $0x0  }
0x1d: {  	s5 =	simm.s32 @p1 $0x1;
	p0 =	seq.s32 s7, s2  }
0x1e: {  	s7 =	smul.u32 @!p0 $0xF7A, s2;
	p2 =	seq.s32 @!p0 s5, $0x0  }
0x1f: {  	s9 =	smul.u32 $0xF7A, s1;
	s8 =	simm.s32 @!p0 $0x1BF5;
	p2 =	por !p2, p0  }
0x20: {  	[sflag:s8] =	ssyncset.s32 @!p0 $0xFFFFF086;
	s6 =	sadd.s32 @!p0 s3, s7;
	s7 =	simm.s32 @!p0 $0x108  }
0x21: {  	s3 =	sadd.s32 s3, s9;
	s6 =	sadd.s32 @!p0 $0x88, s6;
	s7 =	simm.s32 @p2 $0x1082  }
0x22: {  	[simem:s7], [sflag:s8] =	dma.local @!p0 [hbm:s6], $0xF7A  }
0x23: {  	s9 =	sor.u32 $0xD0000000, s2;
	s6 =	simm.s32 $0x108;
	_ =	swait.ge @!p0 [sflag:s8], $0x0  }
0x24: {  	s3 =	sadd.s32 $0x88, s3;
	s6 =	simm.s32 @!p1 $0x1082;
	[sflag:s4] =	ssyncset.s32 $0xFFFFF086  }
0x25: {  	[simem:s6], [sflag:s4] =	dma.local [hbm:s3], $0xF7A  }
0x26: {  	[smem:$0x3F7C] =	sst s1;
	(tag) =	ssettag s2;
	_ =	strace s9  }
0x27: {  	s1 =	sld [smem:$0x3F8C]  }
0x28: {  	s2 =	sld [smem:$0x3F8D]  }
0x29: {  	s4 =	sld [smem:$0x3F8F]  }
0x2a: {  	p0 =	seq.s32 s5, $0x0;
	s5 =	sld [smem:$0x3F90]  }
0x2b: {  	s6 =	sld [smem:$0x3F91]  }
0x2c: {  	s7 =	sld [smem:$0x3F92]  }
0x2d: {  	s3 =	simm.s32 $0x108;
	s8 =	sld [smem:$0x3F93]  }
0x2e: {  	s3 =	simm.s32 @!p0 $0x1082;
	s9 =	sld [smem:$0x3F94]  }
0x2f: {  	lr =	sadd.s32 s0, s3;
	s0 =	sld [smem:$0x3F8B]  }
0x30: {  	s3 =	sld [smem:$0x3F8E]  }
0x31: {  	[smem:$0x3F97] =	sst s10  }
0x32: {  	s10 =	sld [smem:$0x3F95];
	_ =	sdelay $0x3  }
0x33: {  	p0 =	seq.s32 s10, $0x1;
	s10 =	sld [smem:$0x3F97];
	_ =	sdelay $0x3  }
0x34: {  	[smem:$0x3F97] =	sst s10  }
0x35: {  	s10 =	sld [smem:$0x3F96];
	_ =	sdelay $0x3  }
0x36: {  	p1 =	seq.s32 s10, $0x1;
	s10 =	sld [smem:$0x3F97];
	_ =	sdelay $0x3  }
0x37: {  	[smem:$0x3F97] =	sst s10  }
0x38: {  	s10 =	sld [smem:$0x3F98]  }
0x39: {  	_ = 	snop;
	(pc) =	sbr.ind lr, $3  }
0x3a: {  	_ = 	snop  }
0x3b: {  	_ = 	snop  }
0x3c: {  	p2 =	seq.s32 s10, $0x1;
	s10 =	sld [smem:$0x3F97]  }
0x3d: {  	_ =	shalt  }
0x3e: {  	_ =	shalt  }
0x3f: {  	_ =	shalt  }
0x40: {  	_ =	shalt  }
0x41: {  	_ =	shalt  }
0x42: {  	_ =	shalt  }
0x43: {  	_ =	shalt  }
0x44: {  	_ =	shalt  }
0x45: {  	_ =	shalt  }
0x46: {  	_ =	shalt  }
0x47: {  	_ =	shalt  }
0x48: {  	_ =	shalt  }
0x49: {  	_ =	shalt  }
0x4a: {  	_ =	shalt  }
0x4b: {  	_ =	shalt  }
0x4c: {  	_ =	shalt  }
0x4d: {  	_ =	shalt  }
0x4e: {  	_ =	shalt  }
0x4f: {  	_ =	shalt  }
0x50: {  	_ =	shalt  }
0x51: {  	_ =	shalt  }
0x52: {  	_ =	shalt  }
0x53: {  	_ =	shalt  }
0x54: {  	_ =	shalt  }
0x55: {  	_ =	shalt  }
0x56: {  	_ =	shalt  }
0x57: {  	_ =	shalt  }
0x58: {  	_ =	shalt  }
0x59: {  	_ =	shalt  }
0x5a: {  	_ =	shalt  }
0x5b: {  	_ =	shalt  }
0x5c: {  	_ =	shalt  }
0x5d: {  	_ =	shalt  }
0x5e: {  	_ =	shalt  }
0x5f: {  	_ =	shalt  }
0x60: {  	_ =	shalt  }
0x61: {  	_ =	shalt  }
0x62: {  	_ =	shalt  }
0x63: {  	_ =	shalt  }
0x64: {  	_ =	shalt  }
0x65: {  	_ =	shalt  }
0x66: {  	_ =	shalt  }
0x67: {  	_ =	shalt  }
0x68: {  	_ =	shalt  }
0x69: {  	_ =	shalt  }
0x6a: {  	_ =	shalt  }
0x6b: {  	_ =	shalt  }
0x6c: {  	_ =	shalt  }
0x6d: {  	_ =	shalt  }
0x6e: {  	_ =	shalt  }
0x6f: {  	_ =	shalt  }
0x70: {  	_ =	shalt  }
0x71: {  	_ =	shalt  }
0x72: {  	_ =	shalt  }
0x73: {  	_ =	shalt  }
0x74: {  	_ =	shalt  }
0x75: {  	_ =	shalt  }
0x76: {  	_ =	shalt  }
0x77: {  	_ =	shalt  }
0x78: {  	_ =	shalt  }
0x79: {  	_ =	shalt  }
0x7a: {  	_ =	shalt  }
0x7b: {  	_ =	shalt  }
0x7c: {  	_ =	shalt  }
0x7d: {  	_ =	shalt  }
0x7e: {  	_ =	shalt  }
0x7f: {  	_ =	shalt  }
0x80: {  	_ =	shalt  }
0x81: {  	_ =	shalt  }
0x82: {  	_ =	shalt  }
0x83: {  	_ =	shalt  }
0x84: {  	_ =	shalt  }
0x85: {  	_ =	shalt  }
0x86: {  	_ =	shalt  }
0x87: {  	_ =	shalt  }
.Lfunc_end0:
.L_simem_size_0:
called_computation.1_lowered:
.L_overlay_start_0:
0x88: {  	s2 =	sld [smem:$0x3FD9]  }
0x89: {  	s3 =	sld [smem:$0x3FFE];
	_ =	sdelay $0x1  }
0x8a: {  	s1 =	srdreg.scid  }
0x8b: {  	s0 =	sand.u32 $0x1, s1  }
0x8c: {  	s17 =	sshll.u32 s0, $0xA;
	s2 =	sadd.s32 s3, s2  }
0x8d: {  	s2 =	sadd.s32 s2, s17  }
0x8e: {  	[smem:$0x3FA3] =	sst s2  }
0x8f: {  	_ = 	snop  }
0x90: {  	s2 =	sld [smem:$0x3FD0];
	(tm) =	ssettm $0x1  }
0x91: {  	s18 =	sld [smem:$0x3FFB];
	_ =	sdelay $0x3  }
0x92: {  	_ =	strace s18  }
0x93: {  	s3 =	sld [smem:$0x3FFC];
	_ =	sdelay $0x3  }
0x94: {  	_ =	strace s3  }
0x95: {  	s3 =	sld [smem:$0x3FFD];
	_ =	sdelay $0x3  }
0x96: {  	_ =	strace s3  }
0x97: {  	_ =	strace $0x8FFFFFFF  }
0x98: {  	s19 =	sld [smem:$0x3FDB];
	_ =	sdelay $0x1  }
0x99: {  	s4 =	simm.s32 $_scs_section_size  }
0x9a: {  	s5 =	simm.s32 $_size__tile_overlayer_lowered;
	s6 =	simm.s32 $_tile_overlayer_lowered  }
0x9b: {  	s22 =	simm.s32 $0x1BFF;
	s21 =	sshll.u32 s6, $0x1;
	s3 =	sadd.s32 s4, s19  }
0x9c: {  	s7 =	simm.s32 $0x0;
	s20 =	sshll.u32 s5, $0x1;
	s5 =	sadd.s32 s21, s3  }
0x9d: {  	[timem:s7], [sflag:s22] =	dma.local [hbm:s5], s20  }
0x9e: {  	_ =	swait.ge [sflag:s22], s20  }
0x9f: {  	s4 =	ssub.s32 $0x0, s20;
	[sflag:s22] =	ssyncset.done $0x0  }
0xa0: {  	[sflag:s22] =	ssyncadd.s32 s4;
	_ =	sdelay $0x1  }
0xa1: {  	s23 =	simm.s32 $0x1B8B  }
0xa2: {  	_ =	swait.ge [sflag:s23], $0x1  }
0xa3: {  	[sflag:s23] =	ssyncset.done $0x0  }
0xa4: {  	s25 =	simm.s32 $0x1B8E;
	s24 =	sld [smem:$0x3FFE];
	[sflag:s23] =	ssyncadd.s32 $0xFFFFFFFF  }
0xa5: {  	s26 =	simm.s32 $execute0_lowered;
	[smem:$0x3FD2] =	sst s25  }
0xa6: {  	s5 =	sshll.u32 s26, $0x1;
	_ =	strace $0x80000049;
	[dreg:$0x1] =	wrdreg $0xFFFFFFFF  }
0xa7: {  	s28 =	simm.s32 $_size_execute0_lowered;
	s3 =	sadd.s32 s3, s5;
	[dreg:$0x0] =	wrdreg $0x0  }
0xa8: {  	s5 =	sshll.u32 s28, $0x1;
	[dreg:$0x2] =	wrdreg s3  }
0xa9: {  	[dreg:$0x3] =	wrdreg s5  }
0xaa: {  	[dreg:$0x4] =	wrdreg $0xC0  }
0xab: {  	_ =	task [dreg:s7], $0x5FFFF  }
0xac: {  	[dreg:$0x1] =	wrdreg $0xFFFFFFFF  }
0xad: {  	[dreg:$0x0] =	wrdreg $0x60  }
0xae: {  	[dreg:$0x2] =	wrdreg s24  }
0xaf: {  	[dreg:$0x3] =	wrdreg s2  }
0xb0: {  	[dreg:$0x4] =	wrdreg $0x81000  }
0xb1: {  	[dreg:$0x5] =	wrdreg $0x9  }
0xb2: {  	_ =	task.clear_ibuf [dreg:s7], $0x6FFFF;
	_ =	strace $0x90000049  }
0xb3: {  	s29 =	simm.s32 $0x9;
	_ =	strace $0x8000004B  }
0xb4: {  	_ =	swait.ge [sflag:s29], $0x1  }
0xb5: {  	[sflag:s29] =	ssyncadd.s32 $0xFFFFFFFF  }
0xb6: {  	_ =	strace $0x9000004B  }
0xb7: {  	_ =	sfence  }
0xb8: {  	s30 =	sld [smem:$0x0];
	_ =	sdelay $0x2  }
0xb9: {  	s31 =	sshll.u32 s1, $0xD;
	s1 =	sshrl.u32 s1, $0x2  }
0xba: {  	s3 =	sand.u32 $0x4000, s31;
	s1 =	sadd.s32 s1, s30  }
0xbb: {  	s0 =	sor.u32 s3, s0;
	s1 =	sshll.u32 s1, $0x11  }
0xbc: {  	s0 =	sor.u32 s1, s0  }
0xbd: {  	s0 =	sadd.s32 $0x8F2B, s0  }
0xbe: {  	[sflag:s0] =	ssyncadd.remote.s32 $0x1  }
0xbf: {  	_ =	sfence.sel $0xFFFF  }
0xc0: {  	[dreg:$0x0] =	wrdreg $0xFFFFFFFF;
	(pc) =	sbr.abs _section_cstart, $3  }
0xc1: {  	[dreg:$0x1] =	wrdreg $0xFFFFFFFF  }
0xc2: {  	_ =	task.clear_ibuf [dreg:s7], $0x2FFFF;
	_ =	strace $0x9FFFFFFF  }
0xc3: {  	(tm) =	ssettm $0x7FFFFFFF  }
tec
execute0_lowered:
.L_overlay_start_1:
0x0: {  	(tag) =	ssettag $0x1  }
0x1: {  	s4 =	rddreg [dreg:$0x0]  }
0x2: {  	s9 =	rddreg [dreg:$0x1]  }
0x3: {  	s2 =	rddreg [dreg:$0x2]  }
0x4: {  	s3 =	srdreg.scid;
	s0 =	rddreg [dreg:$0x3]  }
0x5: {  	s1 =	stileid.u32;
	s14 =	sand.u32 $0x1, s3;
	s3 =	simm.s32 $0x0  }
0x6: {  	s5 =	sshll.u32 s1, $0x9;
	s31 =	sshll.u32 s1, $0xB;
	s8 =	sshll.u32 s1, $0xE  }
0x7: {  	s16 =	sshll.u32 s1, $0x6;
	s6 =	sshll.u32 s14, $0x8;
	[smem:$0x7FF] =	sst s3  }
0x8: {  	s15 =	sadd.s32 s31, s4;
	s8 =	sadd.s32 s8, s2;
	s7 =	sor.u32 s6, s5  }
0x9: {  	_ =	strace $0x8000004A;
	s5 =	sshll.u32 s7, $0x4;
	s10 =	sshrl.u32 s7, $0x3  }
0xa: {  	s7 =	sshrl.u32 s8, $0x3;
	s8 =	simm.s32 $0x100;
	s30 =	sadd.s32 s5, s4  }
0xb: {  	s4 =	sadd.s32 $0x30C00, s15;
	s5 =	sor.u32 $0x1C01, s16;
	s6 =	sadd.s32 $0x10C00, s30  }
0xc: {  	[spmem:s7], [sflag:s5] =	dma.local [hbm:s4], $0x800  }
0xd: {  	[tilespmem:s8], [sflag:$0x1] =	stream.linear.gather [hbm4b:s6+s3], $0x8000, $0x38;
	[tilespmem:$0xA100] =	vst v63  }
0xe: {  	s9 =	sadd.s32 s9, s10  }
0xf: {  	[tilespmem:s3], [sflag:$0x1] =	stream.linear.gather [hbm4b:s9+s3], $0x80, $0x38;
	[tilespmem:$0xA100] =	vst v63  }
0x10: {  	s11 =	simm.s32 $0x80;
	s12 =	simm.s32 $0x1;
	s10 =	sadd.s32 $0x10, s9  }
0x11: {  	[tilespmem:s11], [sflag:$0x1] =	stream.linear.gather [hbm4b:s10+s3], $0x80, $0x38;
	[tilespmem:$0xA100] =	vst v63  }
0x12: {  	_ =	swait.ge [sflag:s12], $0x800  }
0x13: {  	[sflag:s12] =	ssyncset.done $0x0  }
0x14: {  	[sflag:s12] =	ssyncadd.s32 $0xFFFFF800  }
0x15: {  	_ =	swait.ge [sflag:s12], $0x8000  }
0x16: {  	[sflag:s12] =	ssyncset.done $0x0  }
0x17: {  	[sflag:s12] =	ssyncadd.s32 $0xFFFF8000  }
0x18: {  	_ =	swait.ge [sflag:s12], $0x80  }
0x19: {  	[sflag:s12] =	ssyncset.done $0x0  }
0x1a: {  	[sflag:s12] =	ssyncadd.s32 $0xFFFFFF80  }
0x1b: {  	_ =	swait.ge [sflag:s12], $0x80  }
0x1c: {  	[sflag:s12] =	ssyncset.done $0x0  }
0x1d: {  	[sflag:s12] =	ssyncadd.s32 $0xFFFFFF80  }
0x1e: {  	[bflag:$0x0] =	sbarrier.arrive $0xFFFF  }
0x1f: {  	[spmem:s2] =	stream.indirect.scatter.add.f32 [tilespmem:s8], [sflag:$0x1], $0x40, s3, s11, $0xb8;
	[tilespmem:$0xA100] =	vst v63  }
0x20: {  	s13 =	simm.s32 $0x4100  }
0x21: {  	[spmem:s2] =	stream.indirect.scatter.add.f32 [tilespmem:s13], [sflag:$0x1], $0x40, s11, s11, $0xb8;
	[tilespmem:$0xA100] =	vst v63  }
0x22: {  	s17 =	ssub.s32 $0x2, s14;
	_ =	swait.ge [sflag:s12], $0x2000  }
0x23: {  	s18 =	sshrl.u32 s17, $0x1;
	[sflag:s12] =	ssyncset.done $0x0  }
0x24: {  	s17 =	ssub.s32 s17, s18;
	[sflag:s12] =	ssyncadd.s32 $0xFFFFE000  }
0x25: {  	s14 =	sshll.u32 s14, $0xF;
	s17 =	smax.u32 s17, $0x1;
	_ =	swait.ge [sflag:s12], $0x2000  }
0x26: {  	s14 =	sadd.s32 s14, s15;
	p0 =	sne.s32 s17, $0x1;
	[sflag:s12] =	ssyncset.done $0x0  }
.Ltmp0:
0x27: {  	s14 =	sadd.s32 $0x38C00, s14;
	[sflag:s12] =	ssyncadd.s32 $0xFFFFE000;
	(pc) =	sbr.rel @!p0 .LBB2_2-.Ltmp0, $4  }
0x28: {  	s16 =	sor.u32 $0x1C02, s16;
	s15 =	simm.s32 $0x2;
	[bflag:$0x0] =	sbarrier.arrive $0xFFFF  }
0x29: {  	[hbm:s14], [sflag:s16] =	dma.local [spmem:s7], $0x800  }
0x2a: {  	_ =	swait.ge [sflag:s15], $0x800  }
0x2b: {  	s17 =	sadd.s32 $0xFFFFFFFF, s17;
	[sflag:s15] =	ssyncset.done $0x0  }
.LBB2_1:
0x2c: {  	p0 =	sne.s32 s17, $0x1;
	s17 =	sadd.s32 $0xFFFFFFFF, s17;
	[sflag:s15] =	ssyncadd.s32 $0xFFFFF800  }
0x2d: {  	[spmem:s7], [sflag:s5] =	dma.local [hbm:s4], $0x800  }
0x2e: {  	[tilespmem:s8], [sflag:$0x1] =	stream.linear.gather [hbm4b:s6+s3], $0x8000, $0x38;
	[tilespmem:$0xA100] =	vst v63  }
0x2f: {  	_ = 	snop  }
0x30: {  	[tilespmem:s3], [sflag:$0x1] =	stream.linear.gather [hbm4b:s9+s3], $0x80, $0x38;
	[tilespmem:$0xA100] =	vst v63  }
0x31: {  	_ = 	snop  }
0x32: {  	[tilespmem:s11], [sflag:$0x1] =	stream.linear.gather [hbm4b:s10+s3], $0x80, $0x38;
	[tilespmem:$0xA100] =	vst v63  }
0x33: {  	_ =	swait.ge [sflag:s12], $0x800  }
0x34: {  	[sflag:s12] =	ssyncset.done $0x0  }
0x35: {  	[sflag:s12] =	ssyncadd.s32 $0xFFFFF800  }
0x36: {  	_ =	swait.ge [sflag:s12], $0x8000  }
0x37: {  	[sflag:s12] =	ssyncset.done $0x0  }
0x38: {  	[sflag:s12] =	ssyncadd.s32 $0xFFFF8000  }
0x39: {  	_ =	swait.ge [sflag:s12], $0x80  }
0x3a: {  	[sflag:s12] =	ssyncset.done $0x0  }
0x3b: {  	[sflag:s12] =	ssyncadd.s32 $0xFFFFFF80  }
0x3c: {  	_ =	swait.ge [sflag:s12], $0x80  }
0x3d: {  	[sflag:s12] =	ssyncset.done $0x0  }
0x3e: {  	[sflag:s12] =	ssyncadd.s32 $0xFFFFFF80  }
0x3f: {  	[bflag:$0x0] =	sbarrier.arrive $0xFFFF  }
0x40: {  	[spmem:s2] =	stream.indirect.scatter.add.f32 [tilespmem:s8], [sflag:$0x1], $0x40, s3, s11, $0xb8;
	[tilespmem:$0xA100] =	vst v63  }
0x41: {  	_ = 	snop  }
0x42: {  	[spmem:s2] =	stream.indirect.scatter.add.f32 [tilespmem:s13], [sflag:$0x1], $0x40, s11, s11, $0xb8;
	[tilespmem:$0xA100] =	vst v63  }
0x43: {  	_ =	swait.ge [sflag:s12], $0x2000  }
0x44: {  	[sflag:s12] =	ssyncset.done $0x0  }
0x45: {  	[sflag:s12] =	ssyncadd.s32 $0xFFFFE000  }
0x46: {  	_ =	swait.ge [sflag:s12], $0x2000  }
0x47: {  	[sflag:s12] =	ssyncset.done $0x0  }
.Ltmp1:
0x48: {  	[sflag:s12] =	ssyncadd.s32 $0xFFFFE000;
	(pc) =	sbr.rel @p0 .LBB2_1-.Ltmp1, $4  }
0x49: {  	[bflag:$0x0] =	sbarrier.arrive $0xFFFF  }
0x4a: {  	[hbm:s14], [sflag:s16] =	dma.local [spmem:s7], $0x800  }
0x4b: {  	_ =	swait.ge [sflag:s15], $0x800  }
0x4c: {  	[sflag:s15] =	ssyncset.done $0x0  }
.LBB2_2:
0x4d: {  	[sflag:s15] =	ssyncadd.s32 $0xFFFFF800  }
0x4e: {  	_ =	sfence.sel $0x180000  }
0x4f: {  	[bflag:$0x0] =	sbarrier.arrive $0xFFFF  }
0x50: {  	p0 =	sne.s32 s1, $0x0;
	_ =	strace $0x9000004A  }
0x51: {  	s0 =	sadd.s32 @!p0 $0x100000, s0;
	[bflag:$0x2] =	sbarrier.arrive $0xFFFF  }
0x52: {  	[sflag:s0] =	ssyncadd.tile.s32 @!p0 $0x1;
	_ =	shalt  }
.Lfunc_end2:
_tile_overlayer_lowered:
.L_overlay_start_2:
0x53: {  	(tag) =	ssettag $0x2  }
0x54: {  	s0 =	rddreg [dreg:$0x0];
	s2 =	stileid.u32  }
0x55: {  	s1 =	rddreg [dreg:$0x1];
	p0 =	sne.s32 s2, $0x0  }
0x56: {  	s3 =	rddreg [dreg:$0x2];
	[bflag:$0x3] =	sbarrier.arrive $0xFFFF;
	s2 =	simm.s32 @!p0 $0x1C02  }
0x57: {  	[timem:s3], [sflag:s2] =	dma.local @!p0 [hbm:s0], s1  }
0x58: {  	s0 =	simm.s32 @!p0 $0x2  }
0x59: {  	_ =	swait.ge @!p0 [sflag:s0], s1  }
0x5a: {  	s1 =	ssub.s32 @!p0 $0x0, s1;
	[sflag:s0] =	ssyncset.done @!p0 $0x0  }
0x5b: {  	[sflag:s0] =	ssyncadd.s32 @!p0 s1  }
0x5c: {  	[bflag:$0x3] =	sbarrier.arrive $0xFFFF  }
0x5d: {  	_ =	shalt  }

// kernel: kernel.21.cloned.1.call-start
scs
__scs_entry_jumppad:
0x0: {  	(pc) =	sbr.rel $0x88, $3  }
0x1: {  	(tag) =	ssettag $0x0;
	lr =	simm.s32 $0x1  }
0x2: {  	[smem:$0x3F7C] =	sst lr;
	_ =	strace $0xD0000000  }
0x3: {  	_ = 	snop  }
0x4: {  	_ = 	snop  }
0x5: {  	_ = 	snop  }
0x6: {  	_ = 	snop  }
0x7: {  	_ = 	snop  }
__scs_overlays_trampoline_lowered:
0x8: {  	[smem:$0x3F8B] =	sst s0  }
0x9: {  	[smem:$0x3F8C] =	sst s1  }
0xa: {  	[smem:$0x3F8D] =	sst s2  }
0xb: {  	[smem:$0x3F8E] =	sst s3  }
0xc: {  	[smem:$0x3F8F] =	sst s4  }
0xd: {  	[smem:$0x3F90] =	sst s5  }
0xe: {  	[smem:$0x3F91] =	sst s6  }
0xf: {  	[smem:$0x3F92] =	sst s7  }
0x10: {  	[smem:$0x3F93] =	sst s8  }
0x11: {  	[smem:$0x3F94] =	sst s9;
	s0 =	simm.s32 @!p0 $0x0  }
0x12: {  	s1 =	sld [smem:$0x3F7A];
	s0 =	simm.s32 @p0 $0x1  }
0x13: {  	[smem:$0x3F95] =	sst s0;
	s0 =	simm.s32 @!p1 $0x0  }
0x14: {  	s2 =	sld [smem:$0x3F79];
	s0 =	simm.s32 @p1 $0x1  }
0x15: {  	[smem:$0x3F96] =	sst s0;
	s0 =	simm.s32 @!p2 $0x0  }
0x16: {  	s3 =	sld [smem:$0x3FDB];
	s0 =	simm.s32 @p2 $0x1  }
0x17: {  	s4 =	simm.s32 $0x1BF5;
	[smem:$0x3F98] =	sst s0  }
0x18: {  	s0 =	sld [smem:$0x3F7B];
	_ =	swait.ge [sflag:s4], $0x0  }
0x19: {  	s7 =	sld [smem:$0x3F7C]  }
0x1a: {  	s8 =	sadd.s32 $0xFFFFE003, lr  }
0x1b: {  	s9 =	sadd.s32 $0xFFFFFEF7, lr;
	s5 =	simm.s32 $0xFFFFFFFF;
	p2 =	slt.u32 s8, $0xFFFFF086  }
0x1c: {  	p1 =	slt.u32 s9, $0xF7A;
	s5 =	simm.s32 @!p2 $0x0  }
0x1d: {  	s5 =	simm.s32 @p1 $0x1;
	p0 =	seq.s32 s7, s2  }
0x1e: {  	s7 =	smul.u32 @!p0 $0xF7A, s2;
	p2 =	seq.s32 @!p0 s5, $0x0  }
0x1f: {  	s9 =	smul.u32 $0xF7A, s1;
	s8 =	simm.s32 @!p0 $0x1BF5;
	p2 =	por !p2, p0  }
0x20: {  	[sflag:s8] =	ssyncset.s32 @!p0 $0xFFFFF086;
	s6 =	sadd.s32 @!p0 s3, s7;
	s7 =	simm.s32 @!p0 $0x108  }
0x21: {  	s3 =	sadd.s32 s3, s9;
	s6 =	sadd.s32 @!p0 $0x88, s6;
	s7 =	simm.s32 @p2 $0x1082  }
0x22: {  	[simem:s7], [sflag:s8] =	dma.local @!p0 [hbm:s6], $0xF7A  }
0x23: {  	s9 =	sor.u32 $0xD0000000, s2;
	s6 =	simm.s32 $0x108;
	_ =	swait.ge @!p0 [sflag:s8], $0x0  }
0x24: {  	s3 =	sadd.s32 $0x88, s3;
	s6 =	simm.s32 @!p1 $0x1082;
	[sflag:s4] =	ssyncset.s32 $0xFFFFF086  }
0x25: {  	[simem:s6], [sflag:s4] =	dma.local [hbm:s3], $0xF7A  }
0x26: {  	[smem:$0x3F7C] =	sst s1;
	(tag) =	ssettag s2;
	_ =	strace s9  }
0x27: {  	s1 =	sld [smem:$0x3F8C]  }
0x28: {  	s2 =	sld [smem:$0x3F8D]  }
0x29: {  	s4 =	sld [smem:$0x3F8F]  }
0x2a: {  	p0 =	seq.s32 s5, $0x0;
	s5 =	sld [smem:$0x3F90]  }
0x2b: {  	s6 =	sld [smem:$0x3F91]  }
0x2c: {  	s7 =	sld [smem:$0x3F92]  }
0x2d: {  	s3 =	simm.s32 $0x108;
	s8 =	sld [smem:$0x3F93]  }
0x2e: {  	s3 =	simm.s32 @!p0 $0x1082;
	s9 =	sld [smem:$0x3F94]  }
0x2f: {  	lr =	sadd.s32 s0, s3;
	s0 =	sld [smem:$0x3F8B]  }
0x30: {  	s3 =	sld [smem:$0x3F8E]  }
0x31: {  	[smem:$0x3F97] =	sst s10  }
0x32: {  	s10 =	sld [smem:$0x3F95];
	_ =	sdelay $0x3  }
0x33: {  	p0 =	seq.s32 s10, $0x1;
	s10 =	sld [smem:$0x3F97];
	_ =	sdelay $0x3  }
0x34: {  	[smem:$0x3F97] =	sst s10  }
0x35: {  	s10 =	sld [smem:$0x3F96];
	_ =	sdelay $0x3  }
0x36: {  	p1 =	seq.s32 s10, $0x1;
	s10 =	sld [smem:$0x3F97];
	_ =	sdelay $0x3  }
0x37: {  	[smem:$0x3F97] =	sst s10  }
0x38: {  	s10 =	sld [smem:$0x3F98]  }
0x39: {  	_ = 	snop;
	(pc) =	sbr.ind lr, $3  }
0x3a: {  	_ = 	snop  }
0x3b: {  	_ = 	snop  }
0x3c: {  	p2 =	seq.s32 s10, $0x1;
	s10 =	sld [smem:$0x3F97]  }
0x3d: {  	_ =	shalt  }
0x3e: {  	_ =	shalt  }
0x3f: {  	_ =	shalt  }
0x40: {  	_ =	shalt  }
0x41: {  	_ =	shalt  }
0x42: {  	_ =	shalt  }
0x43: {  	_ =	shalt  }
0x44: {  	_ =	shalt  }
0x45: {  	_ =	shalt  }
0x46: {  	_ =	shalt  }
0x47: {  	_ =	shalt  }
0x48: {  	_ =	shalt  }
0x49: {  	_ =	shalt  }
0x4a: {  	_ =	shalt  }
0x4b: {  	_ =	shalt  }
0x4c: {  	_ =	shalt  }
0x4d: {  	_ =	shalt  }
0x4e: {  	_ =	shalt  }
0x4f: {  	_ =	shalt  }
0x50: {  	_ =	shalt  }
0x51: {  	_ =	shalt  }
0x52: {  	_ =	shalt  }
0x53: {  	_ =	shalt  }
0x54: {  	_ =	shalt  }
0x55: {  	_ =	shalt  }
0x56: {  	_ =	shalt  }
0x57: {  	_ =	shalt  }
0x58: {  	_ =	shalt  }
0x59: {  	_ =	shalt  }
0x5a: {  	_ =	shalt  }
0x5b: {  	_ =	shalt  }
0x5c: {  	_ =	shalt  }
0x5d: {  	_ =	shalt  }
0x5e: {  	_ =	shalt  }
0x5f: {  	_ =	shalt  }
0x60: {  	_ =	shalt  }
0x61: {  	_ =	shalt  }
0x62: {  	_ =	shalt  }
0x63: {  	_ =	shalt  }
0x64: {  	_ =	shalt  }
0x65: {  	_ =	shalt  }
0x66: {  	_ =	shalt  }
0x67: {  	_ =	shalt  }
0x68: {  	_ =	shalt  }
0x69: {  	_ =	shalt  }
0x6a: {  	_ =	shalt  }
0x6b: {  	_ =	shalt  }
0x6c: {  	_ =	shalt  }
0x6d: {  	_ =	shalt  }
0x6e: {  	_ =	shalt  }
0x6f: {  	_ =	shalt  }
0x70: {  	_ =	shalt  }
0x71: {  	_ =	shalt  }
0x72: {  	_ =	shalt  }
0x73: {  	_ =	shalt  }
0x74: {  	_ =	shalt  }
0x75: {  	_ =	shalt  }
0x76: {  	_ =	shalt  }
0x77: {  	_ =	shalt  }
0x78: {  	_ =	shalt  }
0x79: {  	_ =	shalt  }
0x7a: {  	_ =	shalt  }
0x7b: {  	_ =	shalt  }
0x7c: {  	_ =	shalt  }
0x7d: {  	_ =	shalt  }
0x7e: {  	_ =	shalt  }
0x7f: {  	_ =	shalt  }
0x80: {  	_ =	shalt  }
0x81: {  	_ =	shalt  }
0x82: {  	_ =	shalt  }
0x83: {  	_ =	shalt  }
0x84: {  	_ =	shalt  }
0x85: {  	_ =	shalt  }
0x86: {  	_ =	shalt  }
0x87: {  	_ =	shalt  }
.Lfunc_end0:
.L_simem_size_0:
called_computation.2_lowered:
.L_overlay_start_0:
0x88: {  	s2 =	sld [smem:$0x3FD9]  }
0x89: {  	s3 =	sld [smem:$0x3FFE];
	_ =	sdelay $0x1  }
0x8a: {  	s1 =	srdreg.scid  }
0x8b: {  	s0 =	sand.u32 $0x1, s1  }
0x8c: {  	s16 =	sshll.u32 s0, $0xA;
	s2 =	sadd.s32 s3, s2  }
0x8d: {  	s2 =	sadd.s32 s2, s16  }
0x8e: {  	[smem:$0x3FA3] =	sst s2  }
0x8f: {  	_ = 	snop  }
0x90: {  	(tm) =	ssettm $0x1  }
0x91: {  	s17 =	sld [smem:$0x3FFB];
	_ =	sdelay $0x3  }
0x92: {  	_ =	strace s17  }
0x93: {  	s2 =	sld [smem:$0x3FFC];
	_ =	sdelay $0x3  }
0x94: {  	_ =	strace s2  }
0x95: {  	s2 =	sld [smem:$0x3FFD];
	_ =	sdelay $0x3  }
0x96: {  	_ =	strace s2  }
0x97: {  	_ =	strace $0x8FFFFFFF  }
0x98: {  	s18 =	sld [smem:$0x3FDB];
	_ =	sdelay $0x1  }
0x99: {  	s19 =	simm.s32 $_scs_section_size  }
0x9a: {  	s4 =	simm.s32 $_size__tile_overlayer_lowered;
	s5 =	simm.s32 $_tile_overlayer_lowered  }
0x9b: {  	s22 =	simm.s32 $0x1BFF;
	s21 =	sshll.u32 s5, $0x1;
	s2 =	sadd.s32 s19, s18  }
0x9c: {  	s6 =	simm.s32 $0x0;
	s20 =	sshll.u32 s4, $0x1;
	s4 =	sadd.s32 s21, s2  }
0x9d: {  	[timem:s6], [sflag:s22] =	dma.local [hbm:s4], s20  }
0x9e: {  	_ =	swait.ge [sflag:s22], s20  }
0x9f: {  	s3 =	ssub.s32 $0x0, s20;
	[sflag:s22] =	ssyncset.done $0x0  }
0xa0: {  	[sflag:s22] =	ssyncadd.s32 s3;
	_ =	sdelay $0x1  }
0xa1: {  	s23 =	simm.s32 $0x1B8B  }
0xa2: {  	_ =	swait.ge [sflag:s23], $0x1  }
0xa3: {  	[sflag:s23] =	ssyncset.done $0x0  }
0xa4: {  	s25 =	simm.s32 $0x1B8E;
	s24 =	sld [smem:$0x3FFE];
	[sflag:s23] =	ssyncadd.s32 $0xFFFFFFFF  }
0xa5: {  	s26 =	simm.s32 $execute0_lowered;
	[smem:$0x3FD2] =	sst s25  }
0xa6: {  	s4 =	sshll.u32 s26, $0x1;
	_ =	strace $0x8000004C;
	[dreg:$0x1] =	wrdreg $0xFFFFFFFF  }
0xa7: {  	s28 =	simm.s32 $_size_execute0_lowered;
	s2 =	sadd.s32 s2, s4;
	[dreg:$0x0] =	wrdreg $0x0  }
0xa8: {  	s4 =	sshll.u32 s28, $0x1;
	[dreg:$0x2] =	wrdreg s2  }
0xa9: {  	[dreg:$0x3] =	wrdreg s4  }
0xaa: {  	[dreg:$0x4] =	wrdreg $0xC0  }
0xab: {  	_ =	task [dreg:s6], $0x5FFFF  }
0xac: {  	[dreg:$0x1] =	wrdreg $0xFFFFFFFF  }
0xad: {  	[dreg:$0x0] =	wrdreg $0x60  }
0xae: {  	[dreg:$0x2] =	wrdreg s24  }
0xaf: {  	[dreg:$0x3] =	wrdreg $0x9  }
0xb0: {  	_ =	task.clear_ibuf [dreg:s6], $0x4FFFF;
	_ =	strace $0x9000004C  }
0xb1: {  	s29 =	simm.s32 $0x9;
	_ =	strace $0x8000004E  }
0xb2: {  	_ =	swait.ge [sflag:s29], $0x1  }
0xb3: {  	[sflag:s29] =	ssyncadd.s32 $0xFFFFFFFF  }
0xb4: {  	_ =	strace $0x9000004E  }
0xb5: {  	_ =	sfence  }
0xb6: {  	s30 =	sld [smem:$0x0];
	_ =	sdelay $0x2  }
0xb7: {  	s31 =	sshll.u32 s1, $0xD;
	s1 =	sshrl.u32 s1, $0x2  }
0xb8: {  	s3 =	sand.u32 $0x4000, s31;
	s1 =	sadd.s32 s1, s30  }
0xb9: {  	s0 =	sor.u32 s3, s0;
	s1 =	sshll.u32 s1, $0x11  }
0xba: {  	s0 =	sor.u32 s1, s0  }
0xbb: {  	s0 =	sadd.s32 $0x8F2B, s0  }
0xbc: {  	[sflag:s0] =	ssyncadd.remote.s32 $0x1  }
0xbd: {  	_ =	sfence.sel $0xFFFF  }
0xbe: {  	[dreg:$0x0] =	wrdreg $0xFFFFFFFF;
	(pc) =	sbr.abs _section_cstart, $3  }
0xbf: {  	[dreg:$0x1] =	wrdreg $0xFFFFFFFF  }
0xc0: {  	_ =	task.clear_ibuf [dreg:s6], $0x2FFFF;
	_ =	strace $0x9FFFFFFF  }
0xc1: {  	(tm) =	ssettm $0x7FFFFFFF  }
tec
execute0_lowered:
.L_overlay_start_1:
0x0: {  	(tag) =	ssettag $0x1  }
0x1: {  	s1 =	srdreg.scid  }
0x2: {  	s0 =	stileid.u32;
	s10 =	sand.u32 $0x1, s1  }
0x3: {  	s29 =	sshll.u32 s0, $0x9;
	s2 =	sshll.u32 s10, $0x8  }
0x4: {  	s11 =	rddreg [dreg:$0x0];
	s12 =	sor.u32 s2, s29  }
0x5: {  	s1 =	rddreg [dreg:$0x1];
	s2 =	simm.s32 $0x0;
	s3 =	sshrl.u32 s12, $0x3  }
0x6: {  	[smem:$0x7FF] =	sst s2;
	s3 =	sadd.s32 s3, s11  }
0x7: {  	_ =	strace $0x8000004D;
	s4 =	sadd.s32 $0x8800, s3;
	s3 =	simm.s32 $0x2  }
0x8: {  	[tilespmem:s2], [sflag:$0x2] =	stream.linear.gather [hbm4b:s4+s2], $0x100, $0x38;
	[tilespmem:$0x8100] =	vst v63  }
0x9: {  	_ =	swait.ge [sflag:s3], $0x100  }
0xa: {  	s6 =	simm.s32 $0x80;
	[sflag:s3] =	ssyncset.done $0x0  }
0xb: {  	s7 =	simm.s32 $0x100;
	s5 =	sadd.s32 $0x8C00, s11;
	[sflag:s3] =	ssyncadd.s32 $0xFFFFFF00  }
0xc: {  	[tilespmem:s7], [sflag:$0x1] =	stream.indirect.gather [hbm4b:s5+s6], $0x80, s2, s6, $0xb8;
	[tilespmem:$0x8100] =	vst v63  }
0xd: {  	s8 =	simm.s32 $0x4100;
	s9 =	simm.s32 $0x1;
	s10 =	ssub.s32 $0x2, s10  }
0xe: {  	[tilespmem:s8], [sflag:$0x1] =	stream.indirect.gather [hbm4b:s5+s6], $0x80, s6, s6, $0xb8;
	[tilespmem:$0x8100] =	vst v63  }
0xf: {  	s13 =	sshrl.u32 s10, $0x1;
	_ =	swait.ge [sflag:s9], $0x4000  }
0x10: {  	s30 =	ssub.s32 s10, s13;
	[sflag:s9] =	ssyncset.done $0x0  }
0x11: {  	s31 =	smax.u32 s30, $0x1;
	[sflag:s9] =	ssyncadd.s32 $0xFFFFC000  }
0x12: {  	s12 =	sshll.u32 s12, $0x4;
	p0 =	sne.s32 s31, $0x1;
	_ =	swait.ge [sflag:s9], $0x4000  }
.Ltmp0:
0x13: {  	s11 =	sadd.s32 s12, s11;
	[sflag:s9] =	ssyncset.done $0x0;
	(pc) =	sbr.rel @!p0 .LBB2_2-.Ltmp0, $4  }
0x14: {  	s10 =	sadd.s32 $0x10C00, s11;
	[sflag:s9] =	ssyncadd.s32 $0xFFFFC000  }
0x15: {  	[hbm4b:s10+s2] =	stream.linear.scatter [tilespmem:s7], [sflag:$0x2], $0x8000, $0x38;
	[tilespmem:$0x8100] =	vst v63  }
0x16: {  	_ =	swait.ge [sflag:s3], $0x8000  }
0x17: {  	s11 =	sadd.s32 $0xFFFFFFFF, s31;
	[sflag:s3] =	ssyncset.done $0x0  }
.LBB2_1:
0x18: {  	p0 =	sne.s32 s11, $0x1;
	s11 =	sadd.s32 $0xFFFFFFFF, s11;
	[sflag:s3] =	ssyncadd.s32 $0xFFFF8000  }
0x19: {  	[tilespmem:s2], [sflag:$0x2] =	stream.linear.gather [hbm4b:s4+s2], $0x100, $0x38;
	[tilespmem:$0x8100] =	vst v63  }
0x1a: {  	_ =	swait.ge [sflag:s3], $0x100  }
0x1b: {  	[sflag:s3] =	ssyncset.done $0x0  }
0x1c: {  	[sflag:s3] =	ssyncadd.s32 $0xFFFFFF00  }
0x1d: {  	[tilespmem:s7], [sflag:$0x1] =	stream.indirect.gather [hbm4b:s5+s6], $0x80, s2, s6, $0xb8;
	[tilespmem:$0x8100] =	vst v63  }
0x1e: {  	_ = 	snop  }
0x1f: {  	[tilespmem:s8], [sflag:$0x1] =	stream.indirect.gather [hbm4b:s5+s6], $0x80, s6, s6, $0xb8;
	[tilespmem:$0x8100] =	vst v63  }
0x20: {  	_ =	swait.ge [sflag:s9], $0x4000  }
0x21: {  	[sflag:s9] =	ssyncset.done $0x0  }
0x22: {  	[sflag:s9] =	ssyncadd.s32 $0xFFFFC000  }
0x23: {  	_ =	swait.ge [sflag:s9], $0x4000  }
.Ltmp1:
0x24: {  	[sflag:s9] =	ssyncset.done $0x0;
	(pc) =	sbr.rel @p0 .LBB2_1-.Ltmp1, $4  }
0x25: {  	[sflag:s9] =	ssyncadd.s32 $0xFFFFC000  }
0x26: {  	[hbm4b:s10+s2] =	stream.linear.scatter [tilespmem:s7], [sflag:$0x2], $0x8000, $0x38;
	[tilespmem:$0x8100] =	vst v63  }
0x27: {  	_ =	swait.ge [sflag:s3], $0x8000  }
0x28: {  	[sflag:s3] =	ssyncset.done $0x0  }
.LBB2_2:
0x29: {  	[sflag:s3] =	ssyncadd.s32 $0xFFFF8000  }
0x2a: {  	_ =	sfence.sel $0x180000  }
0x2b: {  	[bflag:$0x0] =	sbarrier.arrive $0xFFFF  }
0x2c: {  	p0 =	sne.s32 s0, $0x0;
	_ =	strace $0x9000004D  }
0x2d: {  	s0 =	sadd.s32 @!p0 $0x100000, s1;
	[bflag:$0x2] =	sbarrier.arrive $0xFFFF  }
0x2e: {  	[sflag:s0] =	ssyncadd.tile.s32 @!p0 $0x1;
	_ =	shalt  }
.Lfunc_end2:
_tile_overlayer_lowered:
.L_overlay_start_2:
0x2f: {  	(tag) =	ssettag $0x2  }
0x30: {  	s0 =	rddreg [dreg:$0x0];
	s2 =	stileid.u32  }
0x31: {  	s1 =	rddreg [dreg:$0x1];
	p0 =	sne.s32 s2, $0x0  }
0x32: {  	s3 =	rddreg [dreg:$0x2];
	[bflag:$0x3] =	sbarrier.arrive $0xFFFF;
	s2 =	simm.s32 @!p0 $0x1C02  }
0x33: {  	[timem:s3], [sflag:s2] =	dma.local @!p0 [hbm:s0], s1  }
0x34: {  	s0 =	simm.s32 @!p0 $0x2  }
0x35: {  	_ =	swait.ge @!p0 [sflag:s0], s1  }
0x36: {  	s1 =	ssub.s32 @!p0 $0x0, s1;
	[sflag:s0] =	ssyncset.done @!p0 $0x0  }
0x37: {  	[sflag:s0] =	ssyncadd.s32 @!p0 s1  }
0x38: {  	[bflag:$0x3] =	sbarrier.arrive $0xFFFF  }
0x39: {  	_ =	shalt  }

// kernel: kernel.24.cloned.1.call-start
scs
__scs_entry_jumppad:
0x0: {  	(pc) =	sbr.rel $0x88, $3  }
0x1: {  	(tag) =	ssettag $0x0;
	lr =	simm.s32 $0x1  }
0x2: {  	[smem:$0x3F7C] =	sst lr;
	_ =	strace $0xD0000000  }
0x3: {  	_ = 	snop  }
0x4: {  	_ = 	snop  }
0x5: {  	_ = 	snop  }
0x6: {  	_ = 	snop  }
0x7: {  	_ = 	snop  }
__scs_overlays_trampoline_lowered:
0x8: {  	[smem:$0x3F8B] =	sst s0  }
0x9: {  	[smem:$0x3F8C] =	sst s1  }
0xa: {  	[smem:$0x3F8D] =	sst s2  }
0xb: {  	[smem:$0x3F8E] =	sst s3  }
0xc: {  	[smem:$0x3F8F] =	sst s4  }
0xd: {  	[smem:$0x3F90] =	sst s5  }
0xe: {  	[smem:$0x3F91] =	sst s6  }
0xf: {  	[smem:$0x3F92] =	sst s7  }
0x10: {  	[smem:$0x3F93] =	sst s8  }
0x11: {  	[smem:$0x3F94] =	sst s9;
	s0 =	simm.s32 @!p0 $0x0  }
0x12: {  	s1 =	sld [smem:$0x3F7A];
	s0 =	simm.s32 @p0 $0x1  }
0x13: {  	[smem:$0x3F95] =	sst s0;
	s0 =	simm.s32 @!p1 $0x0  }
0x14: {  	s2 =	sld [smem:$0x3F79];
	s0 =	simm.s32 @p1 $0x1  }
0x15: {  	[smem:$0x3F96] =	sst s0;
	s0 =	simm.s32 @!p2 $0x0  }
0x16: {  	s3 =	sld [smem:$0x3FDB];
	s0 =	simm.s32 @p2 $0x1  }
0x17: {  	s4 =	simm.s32 $0x1BF5;
	[smem:$0x3F98] =	sst s0  }
0x18: {  	s0 =	sld [smem:$0x3F7B];
	_ =	swait.ge [sflag:s4], $0x0  }
0x19: {  	s7 =	sld [smem:$0x3F7C]  }
0x1a: {  	s8 =	sadd.s32 $0xFFFFE003, lr  }
0x1b: {  	s9 =	sadd.s32 $0xFFFFFEF7, lr;
	s5 =	simm.s32 $0xFFFFFFFF;
	p2 =	slt.u32 s8, $0xFFFFF086  }
0x1c: {  	p1 =	slt.u32 s9, $0xF7A;
	s5 =	simm.s32 @!p2 $0x0  }
0x1d: {  	s5 =	simm.s32 @p1 $0x1;
	p0 =	seq.s32 s7, s2  }
0x1e: {  	s7 =	smul.u32 @!p0 $0xF7A, s2;
	p2 =	seq.s32 @!p0 s5, $0x0  }
0x1f: {  	s9 =	smul.u32 $0xF7A, s1;
	s8 =	simm.s32 @!p0 $0x1BF5;
	p2 =	por !p2, p0  }
0x20: {  	[sflag:s8] =	ssyncset.s32 @!p0 $0xFFFFF086;
	s6 =	sadd.s32 @!p0 s3, s7;
	s7 =	simm.s32 @!p0 $0x108  }
0x21: {  	s3 =	sadd.s32 s3, s9;
	s6 =	sadd.s32 @!p0 $0x88, s6;
	s7 =	simm.s32 @p2 $0x1082  }
0x22: {  	[simem:s7], [sflag:s8] =	dma.local @!p0 [hbm:s6], $0xF7A  }
0x23: {  	s9 =	sor.u32 $0xD0000000, s2;
	s6 =	simm.s32 $0x108;
	_ =	swait.ge @!p0 [sflag:s8], $0x0  }
0x24: {  	s3 =	sadd.s32 $0x88, s3;
	s6 =	simm.s32 @!p1 $0x1082;
	[sflag:s4] =	ssyncset.s32 $0xFFFFF086  }
0x25: {  	[simem:s6], [sflag:s4] =	dma.local [hbm:s3], $0xF7A  }
0x26: {  	[smem:$0x3F7C] =	sst s1;
	(tag) =	ssettag s2;
	_ =	strace s9  }
0x27: {  	s1 =	sld [smem:$0x3F8C]  }
0x28: {  	s2 =	sld [smem:$0x3F8D]  }
0x29: {  	s4 =	sld [smem:$0x3F8F]  }
0x2a: {  	p0 =	seq.s32 s5, $0x0;
	s5 =	sld [smem:$0x3F90]  }
0x2b: {  	s6 =	sld [smem:$0x3F91]  }
0x2c: {  	s7 =	sld [smem:$0x3F92]  }
0x2d: {  	s3 =	simm.s32 $0x108;
	s8 =	sld [smem:$0x3F93]  }
0x2e: {  	s3 =	simm.s32 @!p0 $0x1082;
	s9 =	sld [smem:$0x3F94]  }
0x2f: {  	lr =	sadd.s32 s0, s3;
	s0 =	sld [smem:$0x3F8B]  }
0x30: {  	s3 =	sld [smem:$0x3F8E]  }
0x31: {  	[smem:$0x3F97] =	sst s10  }
0x32: {  	s10 =	sld [smem:$0x3F95];
	_ =	sdelay $0x3  }
0x33: {  	p0 =	seq.s32 s10, $0x1;
	s10 =	sld [smem:$0x3F97];
	_ =	sdelay $0x3  }
0x34: {  	[smem:$0x3F97] =	sst s10  }
0x35: {  	s10 =	sld [smem:$0x3F96];
	_ =	sdelay $0x3  }
0x36: {  	p1 =	seq.s32 s10, $0x1;
	s10 =	sld [smem:$0x3F97];
	_ =	sdelay $0x3  }
0x37: {  	[smem:$0x3F97] =	sst s10  }
0x38: {  	s10 =	sld [smem:$0x3F98]  }
0x39: {  	_ = 	snop;
	(pc) =	sbr.ind lr, $3  }
0x3a: {  	_ = 	snop  }
0x3b: {  	_ = 	snop  }
0x3c: {  	p2 =	seq.s32 s10, $0x1;
	s10 =	sld [smem:$0x3F97]  }
0x3d: {  	_ =	shalt  }
0x3e: {  	_ =	shalt  }
0x3f: {  	_ =	shalt  }
0x40: {  	_ =	shalt  }
0x41: {  	_ =	shalt  }
0x42: {  	_ =	shalt  }
0x43: {  	_ =	shalt  }
0x44: {  	_ =	shalt  }
0x45: {  	_ =	shalt  }
0x46: {  	_ =	shalt  }
0x47: {  	_ =	shalt  }
0x48: {  	_ =	shalt  }
0x49: {  	_ =	shalt  }
0x4a: {  	_ =	shalt  }
0x4b: {  	_ =	shalt  }
0x4c: {  	_ =	shalt  }
0x4d: {  	_ =	shalt  }
0x4e: {  	_ =	shalt  }
0x4f: {  	_ =	shalt  }
0x50: {  	_ =	shalt  }
0x51: {  	_ =	shalt  }
0x52: {  	_ =	shalt  }
0x53: {  	_ =	shalt  }
0x54: {  	_ =	shalt  }
0x55: {  	_ =	shalt  }
0x56: {  	_ =	shalt  }
0x57: {  	_ =	shalt  }
0x58: {  	_ =	shalt  }
0x59: {  	_ =	shalt  }
0x5a: {  	_ =	shalt  }
0x5b: {  	_ =	shalt  }
0x5c: {  	_ =	shalt  }
0x5d: {  	_ =	shalt  }
0x5e: {  	_ =	shalt  }
0x5f: {  	_ =	shalt  }
0x60: {  	_ =	shalt  }
0x61: {  	_ =	shalt  }
0x62: {  	_ =	shalt  }
0x63: {  	_ =	shalt  }
0x64: {  	_ =	shalt  }
0x65: {  	_ =	shalt  }
0x66: {  	_ =	shalt  }
0x67: {  	_ =	shalt  }
0x68: {  	_ =	shalt  }
0x69: {  	_ =	shalt  }
0x6a: {  	_ =	shalt  }
0x6b: {  	_ =	shalt  }
0x6c: {  	_ =	shalt  }
0x6d: {  	_ =	shalt  }
0x6e: {  	_ =	shalt  }
0x6f: {  	_ =	shalt  }
0x70: {  	_ =	shalt  }
0x71: {  	_ =	shalt  }
0x72: {  	_ =	shalt  }
0x73: {  	_ =	shalt  }
0x74: {  	_ =	shalt  }
0x75: {  	_ =	shalt  }
0x76: {  	_ =	shalt  }
0x77: {  	_ =	shalt  }
0x78: {  	_ =	shalt  }
0x79: {  	_ =	shalt  }
0x7a: {  	_ =	shalt  }
0x7b: {  	_ =	shalt  }
0x7c: {  	_ =	shalt  }
0x7d: {  	_ =	shalt  }
0x7e: {  	_ =	shalt  }
0x7f: {  	_ =	shalt  }
0x80: {  	_ =	shalt  }
0x81: {  	_ =	shalt  }
0x82: {  	_ =	shalt  }
0x83: {  	_ =	shalt  }
0x84: {  	_ =	shalt  }
0x85: {  	_ =	shalt  }
0x86: {  	_ =	shalt  }
0x87: {  	_ =	shalt  }
.Lfunc_end0:
.L_simem_size_0:
called_computation.3_lowered:
.L_overlay_start_0:
0x88: {  	s2 =	sld [smem:$0x3FD9]  }
0x89: {  	s3 =	sld [smem:$0x3FFE];
	_ =	sdelay $0x1  }
0x8a: {  	s1 =	srdreg.scid  }
0x8b: {  	s0 =	sand.u32 $0x1, s1  }
0x8c: {  	s17 =	sshll.u32 s0, $0xA;
	s2 =	sadd.s32 s3, s2  }
0x8d: {  	s2 =	sadd.s32 s2, s17  }
0x8e: {  	[smem:$0x3FA3] =	sst s2  }
0x8f: {  	_ = 	snop  }
0x90: {  	s2 =	sld [smem:$0x3FD0];
	(tm) =	ssettm $0x1  }
0x91: {  	s18 =	sld [smem:$0x3FFB];
	_ =	sdelay $0x3  }
0x92: {  	_ =	strace s18  }
0x93: {  	s3 =	sld [smem:$0x3FFC];
	_ =	sdelay $0x3  }
0x94: {  	_ =	strace s3  }
0x95: {  	s3 =	sld [smem:$0x3FFD];
	_ =	sdelay $0x3  }
0x96: {  	_ =	strace s3  }
0x97: {  	_ =	strace $0x8FFFFFFF  }
0x98: {  	s19 =	sld [smem:$0x3FDB];
	_ =	sdelay $0x1  }
0x99: {  	s4 =	simm.s32 $_scs_section_size  }
0x9a: {  	s5 =	simm.s32 $_size__tile_overlayer_lowered;
	s6 =	simm.s32 $_tile_overlayer_lowered  }
0x9b: {  	s22 =	simm.s32 $0x1BFF;
	s21 =	sshll.u32 s6, $0x1;
	s3 =	sadd.s32 s4, s19  }
0x9c: {  	s7 =	simm.s32 $0x0;
	s20 =	sshll.u32 s5, $0x1;
	s5 =	sadd.s32 s21, s3  }
0x9d: {  	[timem:s7], [sflag:s22] =	dma.local [hbm:s5], s20  }
0x9e: {  	_ =	swait.ge [sflag:s22], s20  }
0x9f: {  	s4 =	ssub.s32 $0x0, s20;
	[sflag:s22] =	ssyncset.done $0x0  }
0xa0: {  	[sflag:s22] =	ssyncadd.s32 s4;
	_ =	sdelay $0x1  }
0xa1: {  	s23 =	simm.s32 $0x1B8B  }
0xa2: {  	_ =	swait.ge [sflag:s23], $0x1  }
0xa3: {  	[sflag:s23] =	ssyncset.done $0x0  }
0xa4: {  	s25 =	simm.s32 $0x1B8E;
	s24 =	sld [smem:$0x3FFE];
	[sflag:s23] =	ssyncadd.s32 $0xFFFFFFFF  }
0xa5: {  	s26 =	simm.s32 $execute0_lowered;
	[smem:$0x3FD2] =	sst s25  }
0xa6: {  	s5 =	sshll.u32 s26, $0x1;
	_ =	strace $0x8000004F;
	[dreg:$0x1] =	wrdreg $0xFFFFFFFF  }
0xa7: {  	s28 =	simm.s32 $_size_execute0_lowered;
	s3 =	sadd.s32 s3, s5;
	[dreg:$0x0] =	wrdreg $0x0  }
0xa8: {  	s5 =	sshll.u32 s28, $0x1;
	[dreg:$0x2] =	wrdreg s3  }
0xa9: {  	[dreg:$0x3] =	wrdreg s5  }
0xaa: {  	[dreg:$0x4] =	wrdreg $0xC0  }
0xab: {  	_ =	task [dreg:s7], $0x5FFFF  }
0xac: {  	[dreg:$0x1] =	wrdreg $0xFFFFFFFF  }
0xad: {  	[dreg:$0x0] =	wrdreg $0x60  }
0xae: {  	[dreg:$0x2] =	wrdreg s24  }
0xaf: {  	[dreg:$0x3] =	wrdreg s2  }
0xb0: {  	[dreg:$0x4] =	wrdreg $0x81000  }
0xb1: {  	[dreg:$0x5] =	wrdreg $0x9  }
0xb2: {  	_ =	task.clear_ibuf [dreg:s7], $0x6FFFF;
	_ =	strace $0x9000004F  }
0xb3: {  	s29 =	simm.s32 $0x9;
	_ =	strace $0x80000051  }
0xb4: {  	_ =	swait.ge [sflag:s29], $0x1  }
0xb5: {  	[sflag:s29] =	ssyncadd.s32 $0xFFFFFFFF  }
0xb6: {  	_ =	strace $0x90000051  }
0xb7: {  	_ =	sfence  }
0xb8: {  	s30 =	sld [smem:$0x0];
	_ =	sdelay $0x2  }
0xb9: {  	s31 =	sshll.u32 s1, $0xD;
	s1 =	sshrl.u32 s1, $0x2  }
0xba: {  	s3 =	sand.u32 $0x4000, s31;
	s1 =	sadd.s32 s1, s30  }
0xbb: {  	s0 =	sor.u32 s3, s0;
	s1 =	sshll.u32 s1, $0x11  }
0xbc: {  	s0 =	sor.u32 s1, s0  }
0xbd: {  	s0 =	sadd.s32 $0x8F2B, s0  }
0xbe: {  	[sflag:s0] =	ssyncadd.remote.s32 $0x1  }
0xbf: {  	_ =	sfence.sel $0xFFFF  }
0xc0: {  	[dreg:$0x0] =	wrdreg $0xFFFFFFFF;
	(pc) =	sbr.abs _section_cstart, $3  }
0xc1: {  	[dreg:$0x1] =	wrdreg $0xFFFFFFFF  }
0xc2: {  	_ =	task.clear_ibuf [dreg:s7], $0x2FFFF;
	_ =	strace $0x9FFFFFFF  }
0xc3: {  	(tm) =	ssettm $0x7FFFFFFF  }
tec
execute0_lowered:
.L_overlay_start_1:
0x0: {  	(tag) =	ssettag $0x1  }
0x1: {  	s4 =	rddreg [dreg:$0x0]  }
0x2: {  	s9 =	rddreg [dreg:$0x1]  }
0x3: {  	s2 =	rddreg [dreg:$0x2]  }
0x4: {  	s3 =	srdreg.scid;
	s0 =	rddreg [dreg:$0x3]  }
0x5: {  	s1 =	stileid.u32;
	s14 =	sand.u32 $0x1, s3;
	s3 =	simm.s32 $0x0  }
0x6: {  	s5 =	sshll.u32 s1, $0x9;
	s31 =	sshll.u32 s1, $0xB;
	s8 =	sshll.u32 s1, $0xE  }
0x7: {  	s16 =	sshll.u32 s1, $0x6;
	s6 =	sshll.u32 s14, $0x8;
	[smem:$0x7FF] =	sst s3  }
0x8: {  	s15 =	sadd.s32 s31, s4;
	s8 =	sadd.s32 s8, s2;
	s7 =	sor.u32 s6, s5  }
0x9: {  	_ =	strace $0x80000050;
	s5 =	sshll.u32 s7, $0x4;
	s10 =	sshrl.u32 s7, $0x3  }
0xa: {  	s7 =	sshrl.u32 s8, $0x3;
	s8 =	simm.s32 $0x100;
	s30 =	sadd.s32 s5, s4  }
0xb: {  	s4 =	sadd.s32 $0x30C00, s15;
	s5 =	sor.u32 $0x1C01, s16;
	s6 =	sadd.s32 $0x10C00, s30  }
0xc: {  	[spmem:s7], [sflag:s5] =	dma.local [hbm:s4], $0x800  }
0xd: {  	[tilespmem:s8], [sflag:$0x1] =	stream.linear.gather [hbm4b:s6+s3], $0x8000, $0x38;
	[tilespmem:$0xA100] =	vst v63  }
0xe: {  	s9 =	sadd.s32 s9, s10  }
0xf: {  	[tilespmem:s3], [sflag:$0x1] =	stream.linear.gather [hbm4b:s9+s3], $0x80, $0x38;
	[tilespmem:$0xA100] =	vst v63  }
0x10: {  	s11 =	simm.s32 $0x80;
	s12 =	simm.s32 $0x1;
	s10 =	sadd.s32 $0x10, s9  }
0x11: {  	[tilespmem:s11], [sflag:$0x1] =	stream.linear.gather [hbm4b:s10+s3], $0x80, $0x38;
	[tilespmem:$0xA100] =	vst v63  }
0x12: {  	_ =	swait.ge [sflag:s12], $0x800  }
0x13: {  	[sflag:s12] =	ssyncset.done $0x0  }
0x14: {  	[sflag:s12] =	ssyncadd.s32 $0xFFFFF800  }
0x15: {  	_ =	swait.ge [sflag:s12], $0x8000  }
0x16: {  	[sflag:s12] =	ssyncset.done $0x0  }
0x17: {  	[sflag:s12] =	ssyncadd.s32 $0xFFFF8000  }
0x18: {  	_ =	swait.ge [sflag:s12], $0x80  }
0x19: {  	[sflag:s12] =	ssyncset.done $0x0  }
0x1a: {  	[sflag:s12] =	ssyncadd.s32 $0xFFFFFF80  }
0x1b: {  	_ =	swait.ge [sflag:s12], $0x80  }
0x1c: {  	[sflag:s12] =	ssyncset.done $0x0  }
0x1d: {  	[sflag:s12] =	ssyncadd.s32 $0xFFFFFF80  }
0x1e: {  	[bflag:$0x0] =	sbarrier.arrive $0xFFFF  }
0x1f: {  	[spmem:s2] =	stream.indirect.scatter.add.f32 [tilespmem:s8], [sflag:$0x1], $0x40, s3, s11, $0xb8;
	[tilespmem:$0xA100] =	vst v63  }
0x20: {  	s13 =	simm.s32 $0x4100  }
0x21: {  	[spmem:s2] =	stream.indirect.scatter.add.f32 [tilespmem:s13], [sflag:$0x1], $0x40, s11, s11, $0xb8;
	[tilespmem:$0xA100] =	vst v63  }
0x22: {  	s17 =	ssub.s32 $0x2, s14;
	_ =	swait.ge [sflag:s12], $0x2000  }
0x23: {  	s18 =	sshrl.u32 s17, $0x1;
	[sflag:s12] =	ssyncset.done $0x0  }
0x24: {  	s17 =	ssub.s32 s17, s18;
	[sflag:s12] =	ssyncadd.s32 $0xFFFFE000  }
0x25: {  	s14 =	sshll.u32 s14, $0xF;
	s17 =	smax.u32 s17, $0x1;
	_ =	swait.ge [sflag:s12], $0x2000  }
0x26: {  	s14 =	sadd.s32 s14, s15;
	p0 =	sne.s32 s17, $0x1;
	[sflag:s12] =	ssyncset.done $0x0  }
.Ltmp0:
0x27: {  	s14 =	sadd.s32 $0x38C00, s14;
	[sflag:s12] =	ssyncadd.s32 $0xFFFFE000;
	(pc) =	sbr.rel @!p0 .LBB2_2-.Ltmp0, $4  }
0x28: {  	s16 =	sor.u32 $0x1C02, s16;
	s15 =	simm.s32 $0x2;
	[bflag:$0x0] =	sbarrier.arrive $0xFFFF  }
0x29: {  	[hbm:s14], [sflag:s16] =	dma.local [spmem:s7], $0x800  }
0x2a: {  	_ =	swait.ge [sflag:s15], $0x800  }
0x2b: {  	s17 =	sadd.s32 $0xFFFFFFFF, s17;
	[sflag:s15] =	ssyncset.done $0x0  }
.LBB2_1:
0x2c: {  	p0 =	sne.s32 s17, $0x1;
	s17 =	sadd.s32 $0xFFFFFFFF, s17;
	[sflag:s15] =	ssyncadd.s32 $0xFFFFF800  }
0x2d: {  	[spmem:s7], [sflag:s5] =	dma.local [hbm:s4], $0x800  }
0x2e: {  	[tilespmem:s8], [sflag:$0x1] =	stream.linear.gather [hbm4b:s6+s3], $0x8000, $0x38;
	[tilespmem:$0xA100] =	vst v63  }
0x2f: {  	_ = 	snop  }
0x30: {  	[tilespmem:s3], [sflag:$0x1] =	stream.linear.gather [hbm4b:s9+s3], $0x80, $0x38;
	[tilespmem:$0xA100] =	vst v63  }
0x31: {  	_ = 	snop  }
0x32: {  	[tilespmem:s11], [sflag:$0x1] =	stream.linear.gather [hbm4b:s10+s3], $0x80, $0x38;
	[tilespmem:$0xA100] =	vst v63  }
0x33: {  	_ =	swait.ge [sflag:s12], $0x800  }
0x34: {  	[sflag:s12] =	ssyncset.done $0x0  }
0x35: {  	[sflag:s12] =	ssyncadd.s32 $0xFFFFF800  }
0x36: {  	_ =	swait.ge [sflag:s12], $0x8000  }
0x37: {  	[sflag:s12] =	ssyncset.done $0x0  }
0x38: {  	[sflag:s12] =	ssyncadd.s32 $0xFFFF8000  }
0x39: {  	_ =	swait.ge [sflag:s12], $0x80  }
0x3a: {  	[sflag:s12] =	ssyncset.done $0x0  }
0x3b: {  	[sflag:s12] =	ssyncadd.s32 $0xFFFFFF80  }
0x3c: {  	_ =	swait.ge [sflag:s12], $0x80  }
0x3d: {  	[sflag:s12] =	ssyncset.done $0x0  }
0x3e: {  	[sflag:s12] =	ssyncadd.s32 $0xFFFFFF80  }
0x3f: {  	[bflag:$0x0] =	sbarrier.arrive $0xFFFF  }
0x40: {  	[spmem:s2] =	stream.indirect.scatter.add.f32 [tilespmem:s8], [sflag:$0x1], $0x40, s3, s11, $0xb8;
	[tilespmem:$0xA100] =	vst v63  }
0x41: {  	_ = 	snop  }
0x42: {  	[spmem:s2] =	stream.indirect.scatter.add.f32 [tilespmem:s13], [sflag:$0x1], $0x40, s11, s11, $0xb8;
	[tilespmem:$0xA100] =	vst v63  }
0x43: {  	_ =	swait.ge [sflag:s12], $0x2000  }
0x44: {  	[sflag:s12] =	ssyncset.done $0x0  }
0x45: {  	[sflag:s12] =	ssyncadd.s32 $0xFFFFE000  }
0x46: {  	_ =	swait.ge [sflag:s12], $0x2000  }
0x47: {  	[sflag:s12] =	ssyncset.done $0x0  }
.Ltmp1:
0x48: {  	[sflag:s12] =	ssyncadd.s32 $0xFFFFE000;
	(pc) =	sbr.rel @p0 .LBB2_1-.Ltmp1, $4  }
0x49: {  	[bflag:$0x0] =	sbarrier.arrive $0xFFFF  }
0x4a: {  	[hbm:s14], [sflag:s16] =	dma.local [spmem:s7], $0x800  }
0x4b: {  	_ =	swait.ge [sflag:s15], $0x800  }
0x4c: {  	[sflag:s15] =	ssyncset.done $0x0  }
.LBB2_2:
0x4d: {  	[sflag:s15] =	ssyncadd.s32 $0xFFFFF800  }
0x4e: {  	_ =	sfence.sel $0x180000  }
0x4f: {  	[bflag:$0x0] =	sbarrier.arrive $0xFFFF  }
0x50: {  	p0 =	sne.s32 s1, $0x0;
	_ =	strace $0x90000050  }
0x51: {  	s0 =	sadd.s32 @!p0 $0x100000, s0;
	[bflag:$0x2] =	sbarrier.arrive $0xFFFF  }
0x52: {  	[sflag:s0] =	ssyncadd.tile.s32 @!p0 $0x1;
	_ =	shalt  }
.Lfunc_end2:
_tile_overlayer_lowered:
.L_overlay_start_2:
0x53: {  	(tag) =	ssettag $0x2  }
0x54: {  	s0 =	rddreg [dreg:$0x0];
	s2 =	stileid.u32  }
0x55: {  	s1 =	rddreg [dreg:$0x1];
	p0 =	sne.s32 s2, $0x0  }
0x56: {  	s3 =	rddreg [dreg:$0x2];
	[bflag:$0x3] =	sbarrier.arrive $0xFFFF;
	s2 =	simm.s32 @!p0 $0x1C02  }
0x57: {  	[timem:s3], [sflag:s2] =	dma.local @!p0 [hbm:s0], s1  }
0x58: {  	s0 =	simm.s32 @!p0 $0x2  }
0x59: {  	_ =	swait.ge @!p0 [sflag:s0], s1  }
0x5a: {  	s1 =	ssub.s32 @!p0 $0x0, s1;
	[sflag:s0] =	ssyncset.done @!p0 $0x0  }
0x5b: {  	[sflag:s0] =	ssyncadd.s32 @!p0 s1  }
0x5c: {  	[bflag:$0x3] =	sbarrier.arrive $0xFFFF  }
0x5d: {  	_ =	shalt  }

// kernel: kernel.27.cloned.1.call-start
scs
__scs_entry_jumppad:
0x0: {  	(pc) =	sbr.rel $0x88, $3  }
0x1: {  	(tag) =	ssettag $0x0;
	lr =	simm.s32 $0x1  }
0x2: {  	[smem:$0x3F7C] =	sst lr;
	_ =	strace $0xD0000000  }
0x3: {  	_ = 	snop  }
0x4: {  	_ = 	snop  }
0x5: {  	_ = 	snop  }
0x6: {  	_ = 	snop  }
0x7: {  	_ = 	snop  }
__scs_overlays_trampoline_lowered:
0x8: {  	[smem:$0x3F8B] =	sst s0  }
0x9: {  	[smem:$0x3F8C] =	sst s1  }
0xa: {  	[smem:$0x3F8D] =	sst s2  }
0xb: {  	[smem:$0x3F8E] =	sst s3  }
0xc: {  	[smem:$0x3F8F] =	sst s4  }
0xd: {  	[smem:$0x3F90] =	sst s5  }
0xe: {  	[smem:$0x3F91] =	sst s6  }
0xf: {  	[smem:$0x3F92] =	sst s7  }
0x10: {  	[smem:$0x3F93] =	sst s8  }
0x11: {  	[smem:$0x3F94] =	sst s9;
	s0 =	simm.s32 @!p0 $0x0  }
0x12: {  	s1 =	sld [smem:$0x3F7A];
	s0 =	simm.s32 @p0 $0x1  }
0x13: {  	[smem:$0x3F95] =	sst s0;
	s0 =	simm.s32 @!p1 $0x0  }
0x14: {  	s2 =	sld [smem:$0x3F79];
	s0 =	simm.s32 @p1 $0x1  }
0x15: {  	[smem:$0x3F96] =	sst s0;
	s0 =	simm.s32 @!p2 $0x0  }
0x16: {  	s3 =	sld [smem:$0x3FDB];
	s0 =	simm.s32 @p2 $0x1  }
0x17: {  	s4 =	simm.s32 $0x1BF5;
	[smem:$0x3F98] =	sst s0  }
0x18: {  	s0 =	sld [smem:$0x3F7B];
	_ =	swait.ge [sflag:s4], $0x0  }
0x19: {  	s7 =	sld [smem:$0x3F7C]  }
0x1a: {  	s8 =	sadd.s32 $0xFFFFE003, lr  }
0x1b: {  	s9 =	sadd.s32 $0xFFFFFEF7, lr;
	s5 =	simm.s32 $0xFFFFFFFF;
	p2 =	slt.u32 s8, $0xFFFFF086  }
0x1c: {  	p1 =	slt.u32 s9, $0xF7A;
	s5 =	simm.s32 @!p2 $0x0  }
0x1d: {  	s5 =	simm.s32 @p1 $0x1;
	p0 =	seq.s32 s7, s2  }
0x1e: {  	s7 =	smul.u32 @!p0 $0xF7A, s2;
	p2 =	seq.s32 @!p0 s5, $0x0  }
0x1f: {  	s9 =	smul.u32 $0xF7A, s1;
	s8 =	simm.s32 @!p0 $0x1BF5;
	p2 =	por !p2, p0  }
0x20: {  	[sflag:s8] =	ssyncset.s32 @!p0 $0xFFFFF086;
	s6 =	sadd.s32 @!p0 s3, s7;
	s7 =	simm.s32 @!p0 $0x108  }
0x21: {  	s3 =	sadd.s32 s3, s9;
	s6 =	sadd.s32 @!p0 $0x88, s6;
	s7 =	simm.s32 @p2 $0x1082  }
0x22: {  	[simem:s7], [sflag:s8] =	dma.local @!p0 [hbm:s6], $0xF7A  }
0x23: {  	s9 =	sor.u32 $0xD0000000, s2;
	s6 =	simm.s32 $0x108;
	_ =	swait.ge @!p0 [sflag:s8], $0x0  }
0x24: {  	s3 =	sadd.s32 $0x88, s3;
	s6 =	simm.s32 @!p1 $0x1082;
	[sflag:s4] =	ssyncset.s32 $0xFFFFF086  }
0x25: {  	[simem:s6], [sflag:s4] =	dma.local [hbm:s3], $0xF7A  }
0x26: {  	[smem:$0x3F7C] =	sst s1;
	(tag) =	ssettag s2;
	_ =	strace s9  }
0x27: {  	s1 =	sld [smem:$0x3F8C]  }
0x28: {  	s2 =	sld [smem:$0x3F8D]  }
0x29: {  	s4 =	sld [smem:$0x3F8F]  }
0x2a: {  	p0 =	seq.s32 s5, $0x0;
	s5 =	sld [smem:$0x3F90]  }
0x2b: {  	s6 =	sld [smem:$0x3F91]  }
0x2c: {  	s7 =	sld [smem:$0x3F92]  }
0x2d: {  	s3 =	simm.s32 $0x108;
	s8 =	sld [smem:$0x3F93]  }
0x2e: {  	s3 =	simm.s32 @!p0 $0x1082;
	s9 =	sld [smem:$0x3F94]  }
0x2f: {  	lr =	sadd.s32 s0, s3;
	s0 =	sld [smem:$0x3F8B]  }
0x30: {  	s3 =	sld [smem:$0x3F8E]  }
0x31: {  	[smem:$0x3F97] =	sst s10  }
0x32: {  	s10 =	sld [smem:$0x3F95];
	_ =	sdelay $0x3  }
0x33: {  	p0 =	seq.s32 s10, $0x1;
	s10 =	sld [smem:$0x3F97];
	_ =	sdelay $0x3  }
0x34: {  	[smem:$0x3F97] =	sst s10  }
0x35: {  	s10 =	sld [smem:$0x3F96];
	_ =	sdelay $0x3  }
0x36: {  	p1 =	seq.s32 s10, $0x1;
	s10 =	sld [smem:$0x3F97];
	_ =	sdelay $0x3  }
0x37: {  	[smem:$0x3F97] =	sst s10  }
0x38: {  	s10 =	sld [smem:$0x3F98]  }
0x39: {  	_ = 	snop;
	(pc) =	sbr.ind lr, $3  }
0x3a: {  	_ = 	snop  }
0x3b: {  	_ = 	snop  }
0x3c: {  	p2 =	seq.s32 s10, $0x1;
	s10 =	sld [smem:$0x3F97]  }
0x3d: {  	_ =	shalt  }
0x3e: {  	_ =	shalt  }
0x3f: {  	_ =	shalt  }
0x40: {  	_ =	shalt  }
0x41: {  	_ =	shalt  }
0x42: {  	_ =	shalt  }
0x43: {  	_ =	shalt  }
0x44: {  	_ =	shalt  }
0x45: {  	_ =	shalt  }
0x46: {  	_ =	shalt  }
0x47: {  	_ =	shalt  }
0x48: {  	_ =	shalt  }
0x49: {  	_ =	shalt  }
0x4a: {  	_ =	shalt  }
0x4b: {  	_ =	shalt  }
0x4c: {  	_ =	shalt  }
0x4d: {  	_ =	shalt  }
0x4e: {  	_ =	shalt  }
0x4f: {  	_ =	shalt  }
0x50: {  	_ =	shalt  }
0x51: {  	_ =	shalt  }
0x52: {  	_ =	shalt  }
0x53: {  	_ =	shalt  }
0x54: {  	_ =	shalt  }
0x55: {  	_ =	shalt  }
0x56: {  	_ =	shalt  }
0x57: {  	_ =	shalt  }
0x58: {  	_ =	shalt  }
0x59: {  	_ =	shalt  }
0x5a: {  	_ =	shalt  }
0x5b: {  	_ =	shalt  }
0x5c: {  	_ =	shalt  }
0x5d: {  	_ =	shalt  }
0x5e: {  	_ =	shalt  }
0x5f: {  	_ =	shalt  }
0x60: {  	_ =	shalt  }
0x61: {  	_ =	shalt  }
0x62: {  	_ =	shalt  }
0x63: {  	_ =	shalt  }
0x64: {  	_ =	shalt  }
0x65: {  	_ =	shalt  }
0x66: {  	_ =	shalt  }
0x67: {  	_ =	shalt  }
0x68: {  	_ =	shalt  }
0x69: {  	_ =	shalt  }
0x6a: {  	_ =	shalt  }
0x6b: {  	_ =	shalt  }
0x6c: {  	_ =	shalt  }
0x6d: {  	_ =	shalt  }
0x6e: {  	_ =	shalt  }
0x6f: {  	_ =	shalt  }
0x70: {  	_ =	shalt  }
0x71: {  	_ =	shalt  }
0x72: {  	_ =	shalt  }
0x73: {  	_ =	shalt  }
0x74: {  	_ =	shalt  }
0x75: {  	_ =	shalt  }
0x76: {  	_ =	shalt  }
0x77: {  	_ =	shalt  }
0x78: {  	_ =	shalt  }
0x79: {  	_ =	shalt  }
0x7a: {  	_ =	shalt  }
0x7b: {  	_ =	shalt  }
0x7c: {  	_ =	shalt  }
0x7d: {  	_ =	shalt  }
0x7e: {  	_ =	shalt  }
0x7f: {  	_ =	shalt  }
0x80: {  	_ =	shalt  }
0x81: {  	_ =	shalt  }
0x82: {  	_ =	shalt  }
0x83: {  	_ =	shalt  }
0x84: {  	_ =	shalt  }
0x85: {  	_ =	shalt  }
0x86: {  	_ =	shalt  }
0x87: {  	_ =	shalt  }
.Lfunc_end0:
.L_simem_size_0:
called_computation.4_lowered:
.L_overlay_start_0:
0x88: {  	s2 =	sld [smem:$0x3FD9]  }
0x89: {  	s3 =	sld [smem:$0x3FFE];
	_ =	sdelay $0x1  }
0x8a: {  	s1 =	srdreg.scid  }
0x8b: {  	s0 =	sand.u32 $0x1, s1  }
0x8c: {  	s16 =	sshll.u32 s0, $0xA;
	s2 =	sadd.s32 s3, s2  }
0x8d: {  	s2 =	sadd.s32 s2, s16  }
0x8e: {  	[smem:$0x3FA3] =	sst s2  }
0x8f: {  	_ = 	snop  }
0x90: {  	(tm) =	ssettm $0x1  }
0x91: {  	s17 =	sld [smem:$0x3FFB];
	_ =	sdelay $0x3  }
0x92: {  	_ =	strace s17  }
0x93: {  	s2 =	sld [smem:$0x3FFC];
	_ =	sdelay $0x3  }
0x94: {  	_ =	strace s2  }
0x95: {  	s2 =	sld [smem:$0x3FFD];
	_ =	sdelay $0x3  }
0x96: {  	_ =	strace s2  }
0x97: {  	_ =	strace $0x8FFFFFFF  }
0x98: {  	s18 =	sld [smem:$0x3FDB];
	_ =	sdelay $0x1  }
0x99: {  	s19 =	simm.s32 $_scs_section_size  }
0x9a: {  	s4 =	simm.s32 $_size__tile_overlayer_lowered;
	s5 =	simm.s32 $_tile_overlayer_lowered  }
0x9b: {  	s22 =	simm.s32 $0x1BFF;
	s21 =	sshll.u32 s5, $0x1;
	s2 =	sadd.s32 s19, s18  }
0x9c: {  	s6 =	simm.s32 $0x0;
	s20 =	sshll.u32 s4, $0x1;
	s4 =	sadd.s32 s21, s2  }
0x9d: {  	[timem:s6], [sflag:s22] =	dma.local [hbm:s4], s20  }
0x9e: {  	_ =	swait.ge [sflag:s22], s20  }
0x9f: {  	s3 =	ssub.s32 $0x0, s20;
	[sflag:s22] =	ssyncset.done $0x0  }
0xa0: {  	[sflag:s22] =	ssyncadd.s32 s3;
	_ =	sdelay $0x1  }
0xa1: {  	s23 =	simm.s32 $0x1B8B  }
0xa2: {  	_ =	swait.ge [sflag:s23], $0x1  }
0xa3: {  	[sflag:s23] =	ssyncset.done $0x0  }
0xa4: {  	s25 =	simm.s32 $0x1B8E;
	s24 =	sld [smem:$0x3FFE];
	[sflag:s23] =	ssyncadd.s32 $0xFFFFFFFF  }
0xa5: {  	s26 =	simm.s32 $execute0_lowered;
	[smem:$0x3FD2] =	sst s25  }
0xa6: {  	s4 =	sshll.u32 s26, $0x1;
	_ =	strace $0x80000052;
	[dreg:$0x1] =	wrdreg $0xFFFFFFFF  }
0xa7: {  	s28 =	simm.s32 $_size_execute0_lowered;
	s2 =	sadd.s32 s2, s4;
	[dreg:$0x0] =	wrdreg $0x0  }
0xa8: {  	s4 =	sshll.u32 s28, $0x1;
	[dreg:$0x2] =	wrdreg s2  }
0xa9: {  	[dreg:$0x3] =	wrdreg s4  }
0xaa: {  	[dreg:$0x4] =	wrdreg $0xC0  }
0xab: {  	_ =	task [dreg:s6], $0x5FFFF  }
0xac: {  	[dreg:$0x1] =	wrdreg $0xFFFFFFFF  }
0xad: {  	[dreg:$0x0] =	wrdreg $0x60  }
0xae: {  	[dreg:$0x2] =	wrdreg s24  }
0xaf: {  	[dreg:$0x3] =	wrdreg $0x9  }
0xb0: {  	_ =	task.clear_ibuf [dreg:s6], $0x4FFFF;
	_ =	strace $0x90000052  }
0xb1: {  	s29 =	simm.s32 $0x9;
	_ =	strace $0x80000054  }
0xb2: {  	_ =	swait.ge [sflag:s29], $0x1  }
0xb3: {  	[sflag:s29] =	ssyncadd.s32 $0xFFFFFFFF  }
0xb4: {  	_ =	strace $0x90000054  }
0xb5: {  	_ =	sfence  }
0xb6: {  	s30 =	sld [smem:$0x0];
	_ =	sdelay $0x2  }
0xb7: {  	s31 =	sshll.u32 s1, $0xD;
	s1 =	sshrl.u32 s1, $0x2  }
0xb8: {  	s3 =	sand.u32 $0x4000, s31;
	s1 =	sadd.s32 s1, s30  }
0xb9: {  	s0 =	sor.u32 s3, s0;
	s1 =	sshll.u32 s1, $0x11  }
0xba: {  	s0 =	sor.u32 s1, s0  }
0xbb: {  	s0 =	sadd.s32 $0x8F2B, s0  }
0xbc: {  	[sflag:s0] =	ssyncadd.remote.s32 $0x1  }
0xbd: {  	_ =	sfence.sel $0xFFFF  }
0xbe: {  	[dreg:$0x0] =	wrdreg $0xFFFFFFFF;
	(pc) =	sbr.abs _section_cstart, $3  }
0xbf: {  	[dreg:$0x1] =	wrdreg $0xFFFFFFFF  }
0xc0: {  	_ =	task.clear_ibuf [dreg:s6], $0x2FFFF;
	_ =	strace $0x9FFFFFFF  }
0xc1: {  	(tm) =	ssettm $0x7FFFFFFF  }
tec
execute0_lowered:
.L_overlay_start_1:
0x0: {  	(tag) =	ssettag $0x1  }
0x1: {  	s1 =	srdreg.scid  }
0x2: {  	s0 =	stileid.u32;
	s10 =	sand.u32 $0x1, s1  }
0x3: {  	s29 =	sshll.u32 s0, $0x9;
	s2 =	sshll.u32 s10, $0x8  }
0x4: {  	s11 =	rddreg [dreg:$0x0];
	s12 =	sor.u32 s2, s29  }
0x5: {  	s1 =	rddreg [dreg:$0x1];
	s2 =	simm.s32 $0x0;
	s3 =	sshrl.u32 s12, $0x3  }
0x6: {  	[smem:$0x7FF] =	sst s2;
	s3 =	sadd.s32 s3, s11  }
0x7: {  	_ =	strace $0x80000053;
	s4 =	sadd.s32 $0x8800, s3;
	s3 =	simm.s32 $0x2  }
0x8: {  	[tilespmem:s2], [sflag:$0x2] =	stream.linear.gather [hbm4b:s4+s2], $0x100, $0x38;
	[tilespmem:$0x8100] =	vst v63  }
0x9: {  	_ =	swait.ge [sflag:s3], $0x100  }
0xa: {  	s6 =	simm.s32 $0x80;
	[sflag:s3] =	ssyncset.done $0x0  }
0xb: {  	s7 =	simm.s32 $0x100;
	s5 =	sadd.s32 $0x8C00, s11;
	[sflag:s3] =	ssyncadd.s32 $0xFFFFFF00  }
0xc: {  	[tilespmem:s7], [sflag:$0x1] =	stream.indirect.gather [hbm4b:s5+s6], $0x80, s2, s6, $0xb8;
	[tilespmem:$0x8100] =	vst v63  }
0xd: {  	s8 =	simm.s32 $0x4100;
	s9 =	simm.s32 $0x1;
	s10 =	ssub.s32 $0x2, s10  }
0xe: {  	[tilespmem:s8], [sflag:$0x1] =	stream.indirect.gather [hbm4b:s5+s6], $0x80, s6, s6, $0xb8;
	[tilespmem:$0x8100] =	vst v63  }
0xf: {  	s13 =	sshrl.u32 s10, $0x1;
	_ =	swait.ge [sflag:s9], $0x4000  }
0x10: {  	s30 =	ssub.s32 s10, s13;
	[sflag:s9] =	ssyncset.done $0x0  }
0x11: {  	s31 =	smax.u32 s30, $0x1;
	[sflag:s9] =	ssyncadd.s32 $0xFFFFC000  }
0x12: {  	s12 =	sshll.u32 s12, $0x4;
	p0 =	sne.s32 s31, $0x1;
	_ =	swait.ge [sflag:s9], $0x4000  }
.Ltmp0:
0x13: {  	s11 =	sadd.s32 s12, s11;
	[sflag:s9] =	ssyncset.done $0x0;
	(pc) =	sbr.rel @!p0 .LBB2_2-.Ltmp0, $4  }
0x14: {  	s10 =	sadd.s32 $0x10C00, s11;
	[sflag:s9] =	ssyncadd.s32 $0xFFFFC000  }
0x15: {  	[hbm4b:s10+s2] =	stream.linear.scatter [tilespmem:s7], [sflag:$0x2], $0x8000, $0x38;
	[tilespmem:$0x8100] =	vst v63  }
0x16: {  	_ =	swait.ge [sflag:s3], $0x8000  }
0x17: {  	s11 =	sadd.s32 $0xFFFFFFFF, s31;
	[sflag:s3] =	ssyncset.done $0x0  }
.LBB2_1:
0x18: {  	p0 =	sne.s32 s11, $0x1;
	s11 =	sadd.s32 $0xFFFFFFFF, s11;
	[sflag:s3] =	ssyncadd.s32 $0xFFFF8000  }
0x19: {  	[tilespmem:s2], [sflag:$0x2] =	stream.linear.gather [hbm4b:s4+s2], $0x100, $0x38;
	[tilespmem:$0x8100] =	vst v63  }
0x1a: {  	_ =	swait.ge [sflag:s3], $0x100  }
0x1b: {  	[sflag:s3] =	ssyncset.done $0x0  }
0x1c: {  	[sflag:s3] =	ssyncadd.s32 $0xFFFFFF00  }
0x1d: {  	[tilespmem:s7], [sflag:$0x1] =	stream.indirect.gather [hbm4b:s5+s6], $0x80, s2, s6, $0xb8;
	[tilespmem:$0x8100] =	vst v63  }
0x1e: {  	_ = 	snop  }
0x1f: {  	[tilespmem:s8], [sflag:$0x1] =	stream.indirect.gather [hbm4b:s5+s6], $0x80, s6, s6, $0xb8;
	[tilespmem:$0x8100] =	vst v63  }
0x20: {  	_ =	swait.ge [sflag:s9], $0x4000  }
0x21: {  	[sflag:s9] =	ssyncset.done $0x0  }
0x22: {  	[sflag:s9] =	ssyncadd.s32 $0xFFFFC000  }
0x23: {  	_ =	swait.ge [sflag:s9], $0x4000  }
.Ltmp1:
0x24: {  	[sflag:s9] =	ssyncset.done $0x0;
	(pc) =	sbr.rel @p0 .LBB2_1-.Ltmp1, $4  }
0x25: {  	[sflag:s9] =	ssyncadd.s32 $0xFFFFC000  }
0x26: {  	[hbm4b:s10+s2] =	stream.linear.scatter [tilespmem:s7], [sflag:$0x2], $0x8000, $0x38;
	[tilespmem:$0x8100] =	vst v63  }
0x27: {  	_ =	swait.ge [sflag:s3], $0x8000  }
0x28: {  	[sflag:s3] =	ssyncset.done $0x0  }
.LBB2_2:
0x29: {  	[sflag:s3] =	ssyncadd.s32 $0xFFFF8000  }
0x2a: {  	_ =	sfence.sel $0x180000  }
0x2b: {  	[bflag:$0x0] =	sbarrier.arrive $0xFFFF  }
0x2c: {  	p0 =	sne.s32 s0, $0x0;
	_ =	strace $0x90000053  }
0x2d: {  	s0 =	sadd.s32 @!p0 $0x100000, s1;
	[bflag:$0x2] =	sbarrier.arrive $0xFFFF  }
0x2e: {  	[sflag:s0] =	ssyncadd.tile.s32 @!p0 $0x1;
	_ =	shalt  }
.Lfunc_end2:
_tile_overlayer_lowered:
.L_overlay_start_2:
0x2f: {  	(tag) =	ssettag $0x2  }
0x30: {  	s0 =	rddreg [dreg:$0x0];
	s2 =	stileid.u32  }
0x31: {  	s1 =	rddreg [dreg:$0x1];
	p0 =	sne.s32 s2, $0x0  }
0x32: {  	s3 =	rddreg [dreg:$0x2];
	[bflag:$0x3] =	sbarrier.arrive $0xFFFF;
	s2 =	simm.s32 @!p0 $0x1C02  }
0x33: {  	[timem:s3], [sflag:s2] =	dma.local @!p0 [hbm:s0], s1  }
0x34: {  	s0 =	simm.s32 @!p0 $0x2  }
0x35: {  	_ =	swait.ge @!p0 [sflag:s0], s1  }
0x36: {  	s1 =	ssub.s32 @!p0 $0x0, s1;
	[sflag:s0] =	ssyncset.done @!p0 $0x0  }
0x37: {  	[sflag:s0] =	ssyncadd.s32 @!p0 s1  }
0x38: {  	[bflag:$0x3] =	sbarrier.arrive $0xFFFF  }
0x39: {  	_ =	shalt  }

// kernel: kernel.30.cloned.1.call-start
scs
__scs_entry_jumppad:
0x0: {  	(pc) =	sbr.rel $0x88, $3  }
0x1: {  	(tag) =	ssettag $0x0;
	lr =	simm.s32 $0x1  }
0x2: {  	[smem:$0x3F7C] =	sst lr;
	_ =	strace $0xD0000000  }
0x3: {  	_ = 	snop  }
0x4: {  	_ = 	snop  }
0x5: {  	_ = 	snop  }
0x6: {  	_ = 	snop  }
0x7: {  	_ = 	snop  }
__scs_overlays_trampoline_lowered:
0x8: {  	[smem:$0x3F8B] =	sst s0  }
0x9: {  	[smem:$0x3F8C] =	sst s1  }
0xa: {  	[smem:$0x3F8D] =	sst s2  }
0xb: {  	[smem:$0x3F8E] =	sst s3  }
0xc: {  	[smem:$0x3F8F] =	sst s4  }
0xd: {  	[smem:$0x3F90] =	sst s5  }
0xe: {  	[smem:$0x3F91] =	sst s6  }
0xf: {  	[smem:$0x3F92] =	sst s7  }
0x10: {  	[smem:$0x3F93] =	sst s8  }
0x11: {  	[smem:$0x3F94] =	sst s9;
	s0 =	simm.s32 @!p0 $0x0  }
0x12: {  	s1 =	sld [smem:$0x3F7A];
	s0 =	simm.s32 @p0 $0x1  }
0x13: {  	[smem:$0x3F95] =	sst s0;
	s0 =	simm.s32 @!p1 $0x0  }
0x14: {  	s2 =	sld [smem:$0x3F79];
	s0 =	simm.s32 @p1 $0x1  }
0x15: {  	[smem:$0x3F96] =	sst s0;
	s0 =	simm.s32 @!p2 $0x0  }
0x16: {  	s3 =	sld [smem:$0x3FDB];
	s0 =	simm.s32 @p2 $0x1  }
0x17: {  	s4 =	simm.s32 $0x1BF5;
	[smem:$0x3F98] =	sst s0  }
0x18: {  	s0 =	sld [smem:$0x3F7B];
	_ =	swait.ge [sflag:s4], $0x0  }
0x19: {  	s7 =	sld [smem:$0x3F7C]  }
0x1a: {  	s8 =	sadd.s32 $0xFFFFE003, lr  }
0x1b: {  	s9 =	sadd.s32 $0xFFFFFEF7, lr;
	s5 =	simm.s32 $0xFFFFFFFF;
	p2 =	slt.u32 s8, $0xFFFFF086  }
0x1c: {  	p1 =	slt.u32 s9, $0xF7A;
	s5 =	simm.s32 @!p2 $0x0  }
0x1d: {  	s5 =	simm.s32 @p1 $0x1;
	p0 =	seq.s32 s7, s2  }
0x1e: {  	s7 =	smul.u32 @!p0 $0xF7A, s2;
	p2 =	seq.s32 @!p0 s5, $0x0  }
0x1f: {  	s9 =	smul.u32 $0xF7A, s1;
	s8 =	simm.s32 @!p0 $0x1BF5;
	p2 =	por !p2, p0  }
0x20: {  	[sflag:s8] =	ssyncset.s32 @!p0 $0xFFFFF086;
	s6 =	sadd.s32 @!p0 s3, s7;
	s7 =	simm.s32 @!p0 $0x108  }
0x21: {  	s3 =	sadd.s32 s3, s9;
	s6 =	sadd.s32 @!p0 $0x88, s6;
	s7 =	simm.s32 @p2 $0x1082  }
0x22: {  	[simem:s7], [sflag:s8] =	dma.local @!p0 [hbm:s6], $0xF7A  }
0x23: {  	s9 =	sor.u32 $0xD0000000, s2;
	s6 =	simm.s32 $0x108;
	_ =	swait.ge @!p0 [sflag:s8], $0x0  }
0x24: {  	s3 =	sadd.s32 $0x88, s3;
	s6 =	simm.s32 @!p1 $0x1082;
	[sflag:s4] =	ssyncset.s32 $0xFFFFF086  }
0x25: {  	[simem:s6], [sflag:s4] =	dma.local [hbm:s3], $0xF7A  }
0x26: {  	[smem:$0x3F7C] =	sst s1;
	(tag) =	ssettag s2;
	_ =	strace s9  }
0x27: {  	s1 =	sld [smem:$0x3F8C]  }
0x28: {  	s2 =	sld [smem:$0x3F8D]  }
0x29: {  	s4 =	sld [smem:$0x3F8F]  }
0x2a: {  	p0 =	seq.s32 s5, $0x0;
	s5 =	sld [smem:$0x3F90]  }
0x2b: {  	s6 =	sld [smem:$0x3F91]  }
0x2c: {  	s7 =	sld [smem:$0x3F92]  }
0x2d: {  	s3 =	simm.s32 $0x108;
	s8 =	sld [smem:$0x3F93]  }
0x2e: {  	s3 =	simm.s32 @!p0 $0x1082;
	s9 =	sld [smem:$0x3F94]  }
0x2f: {  	lr =	sadd.s32 s0, s3;
	s0 =	sld [smem:$0x3F8B]  }
0x30: {  	s3 =	sld [smem:$0x3F8E]  }
0x31: {  	[smem:$0x3F97] =	sst s10  }
0x32: {  	s10 =	sld [smem:$0x3F95];
	_ =	sdelay $0x3  }
0x33: {  	p0 =	seq.s32 s10, $0x1;
	s10 =	sld [smem:$0x3F97];
	_ =	sdelay $0x3  }
0x34: {  	[smem:$0x3F97] =	sst s10  }
0x35: {  	s10 =	sld [smem:$0x3F96];
	_ =	sdelay $0x3  }
0x36: {  	p1 =	seq.s32 s10, $0x1;
	s10 =	sld [smem:$0x3F97];
	_ =	sdelay $0x3  }
0x37: {  	[smem:$0x3F97] =	sst s10  }
0x38: {  	s10 =	sld [smem:$0x3F98]  }
0x39: {  	_ = 	snop;
	(pc) =	sbr.ind lr, $3  }
0x3a: {  	_ = 	snop  }
0x3b: {  	_ = 	snop  }
0x3c: {  	p2 =	seq.s32 s10, $0x1;
	s10 =	sld [smem:$0x3F97]  }
0x3d: {  	_ =	shalt  }
0x3e: {  	_ =	shalt  }
0x3f: {  	_ =	shalt  }
0x40: {  	_ =	shalt  }
0x41: {  	_ =	shalt  }
0x42: {  	_ =	shalt  }
0x43: {  	_ =	shalt  }
0x44: {  	_ =	shalt  }
0x45: {  	_ =	shalt  }
0x46: {  	_ =	shalt  }
0x47: {  	_ =	shalt  }
0x48: {  	_ =	shalt  }
0x49: {  	_ =	shalt  }
0x4a: {  	_ =	shalt  }
0x4b: {  	_ =	shalt  }
0x4c: {  	_ =	shalt  }
0x4d: {  	_ =	shalt  }
0x4e: {  	_ =	shalt  }
0x4f: {  	_ =	shalt  }
0x50: {  	_ =	shalt  }
0x51: {  	_ =	shalt  }
0x52: {  	_ =	shalt  }
0x53: {  	_ =	shalt  }
0x54: {  	_ =	shalt  }
0x55: {  	_ =	shalt  }
0x56: {  	_ =	shalt  }
0x57: {  	_ =	shalt  }
0x58: {  	_ =	shalt  }
0x59: {  	_ =	shalt  }
0x5a: {  	_ =	shalt  }
0x5b: {  	_ =	shalt  }
0x5c: {  	_ =	shalt  }
0x5d: {  	_ =	shalt  }
0x5e: {  	_ =	shalt  }
0x5f: {  	_ =	shalt  }
0x60: {  	_ =	shalt  }
0x61: {  	_ =	shalt  }
0x62: {  	_ =	shalt  }
0x63: {  	_ =	shalt  }
0x64: {  	_ =	shalt  }
0x65: {  	_ =	shalt  }
0x66: {  	_ =	shalt  }
0x67: {  	_ =	shalt  }
0x68: {  	_ =	shalt  }
0x69: {  	_ =	shalt  }
0x6a: {  	_ =	shalt  }
0x6b: {  	_ =	shalt  }
0x6c: {  	_ =	shalt  }
0x6d: {  	_ =	shalt  }
0x6e: {  	_ =	shalt  }
0x6f: {  	_ =	shalt  }
0x70: {  	_ =	shalt  }
0x71: {  	_ =	shalt  }
0x72: {  	_ =	shalt  }
0x73: {  	_ =	shalt  }
0x74: {  	_ =	shalt  }
0x75: {  	_ =	shalt  }
0x76: {  	_ =	shalt  }
0x77: {  	_ =	shalt  }
0x78: {  	_ =	shalt  }
0x79: {  	_ =	shalt  }
0x7a: {  	_ =	shalt  }
0x7b: {  	_ =	shalt  }
0x7c: {  	_ =	shalt  }
0x7d: {  	_ =	shalt  }
0x7e: {  	_ =	shalt  }
0x7f: {  	_ =	shalt  }
0x80: {  	_ =	shalt  }
0x81: {  	_ =	shalt  }
0x82: {  	_ =	shalt  }
0x83: {  	_ =	shalt  }
0x84: {  	_ =	shalt  }
0x85: {  	_ =	shalt  }
0x86: {  	_ =	shalt  }
0x87: {  	_ =	shalt  }
.Lfunc_end0:
.L_simem_size_0:
called_computation.5_lowered:
.L_overlay_start_0:
0x88: {  	s2 =	sld [smem:$0x3FD9]  }
0x89: {  	s3 =	sld [smem:$0x3FFE];
	_ =	sdelay $0x1  }
0x8a: {  	s1 =	srdreg.scid  }
0x8b: {  	s0 =	sand.u32 $0x1, s1  }
0x8c: {  	s17 =	sshll.u32 s0, $0xA;
	s2 =	sadd.s32 s3, s2  }
0x8d: {  	s2 =	sadd.s32 s2, s17  }
0x8e: {  	[smem:$0x3FA3] =	sst s2  }
0x8f: {  	_ = 	snop  }
0x90: {  	s2 =	sld [smem:$0x3FD0];
	(tm) =	ssettm $0x1  }
0x91: {  	s18 =	sld [smem:$0x3FFB];
	_ =	sdelay $0x3  }
0x92: {  	_ =	strace s18  }
0x93: {  	s3 =	sld [smem:$0x3FFC];
	_ =	sdelay $0x3  }
0x94: {  	_ =	strace s3  }
0x95: {  	s3 =	sld [smem:$0x3FFD];
	_ =	sdelay $0x3  }
0x96: {  	_ =	strace s3  }
0x97: {  	_ =	strace $0x8FFFFFFF  }
0x98: {  	s19 =	sld [smem:$0x3FDB];
	_ =	sdelay $0x1  }
0x99: {  	s4 =	simm.s32 $_scs_section_size  }
0x9a: {  	s5 =	simm.s32 $_size__tile_overlayer_lowered;
	s6 =	simm.s32 $_tile_overlayer_lowered  }
0x9b: {  	s22 =	simm.s32 $0x1BFF;
	s21 =	sshll.u32 s6, $0x1;
	s3 =	sadd.s32 s4, s19  }
0x9c: {  	s7 =	simm.s32 $0x0;
	s20 =	sshll.u32 s5, $0x1;
	s5 =	sadd.s32 s21, s3  }
0x9d: {  	[timem:s7], [sflag:s22] =	dma.local [hbm:s5], s20  }
0x9e: {  	_ =	swait.ge [sflag:s22], s20  }
0x9f: {  	s4 =	ssub.s32 $0x0, s20;
	[sflag:s22] =	ssyncset.done $0x0  }
0xa0: {  	[sflag:s22] =	ssyncadd.s32 s4;
	_ =	sdelay $0x1  }
0xa1: {  	s23 =	simm.s32 $0x1B8B  }
0xa2: {  	_ =	swait.ge [sflag:s23], $0x1  }
0xa3: {  	[sflag:s23] =	ssyncset.done $0x0  }
0xa4: {  	s25 =	simm.s32 $0x1B8E;
	s24 =	sld [smem:$0x3FFE];
	[sflag:s23] =	ssyncadd.s32 $0xFFFFFFFF  }
0xa5: {  	s26 =	simm.s32 $execute0_lowered;
	[smem:$0x3FD2] =	sst s25  }
0xa6: {  	s5 =	sshll.u32 s26, $0x1;
	_ =	strace $0x80000055;
	[dreg:$0x1] =	wrdreg $0xFFFFFFFF  }
0xa7: {  	s28 =	simm.s32 $_size_execute0_lowered;
	s3 =	sadd.s32 s3, s5;
	[dreg:$0x0] =	wrdreg $0x0  }
0xa8: {  	s5 =	sshll.u32 s28, $0x1;
	[dreg:$0x2] =	wrdreg s3  }
0xa9: {  	[dreg:$0x3] =	wrdreg s5  }
0xaa: {  	[dreg:$0x4] =	wrdreg $0xC0  }
0xab: {  	_ =	task [dreg:s7], $0x5FFFF  }
0xac: {  	[dreg:$0x1] =	wrdreg $0xFFFFFFFF  }
0xad: {  	[dreg:$0x0] =	wrdreg $0x60  }
0xae: {  	[dreg:$0x2] =	wrdreg s24  }
0xaf: {  	[dreg:$0x3] =	wrdreg s2  }
0xb0: {  	[dreg:$0x4] =	wrdreg $0x81000  }
0xb1: {  	[dreg:$0x5] =	wrdreg $0x9  }
0xb2: {  	_ =	task.clear_ibuf [dreg:s7], $0x6FFFF;
	_ =	strace $0x90000055  }
0xb3: {  	s29 =	simm.s32 $0x9;
	_ =	strace $0x80000057  }
0xb4: {  	_ =	swait.ge [sflag:s29], $0x1  }
0xb5: {  	[sflag:s29] =	ssyncadd.s32 $0xFFFFFFFF  }
0xb6: {  	_ =	strace $0x90000057  }
0xb7: {  	_ =	sfence  }
0xb8: {  	s30 =	sld [smem:$0x0];
	_ =	sdelay $0x2  }
0xb9: {  	s31 =	sshll.u32 s1, $0xD;
	s1 =	sshrl.u32 s1, $0x2  }
0xba: {  	s3 =	sand.u32 $0x4000, s31;
	s1 =	sadd.s32 s1, s30  }
0xbb: {  	s0 =	sor.u32 s3, s0;
	s1 =	sshll.u32 s1, $0x11  }
0xbc: {  	s0 =	sor.u32 s1, s0  }
0xbd: {  	s0 =	sadd.s32 $0x8F2B, s0  }
0xbe: {  	[sflag:s0] =	ssyncadd.remote.s32 $0x1  }
0xbf: {  	_ =	sfence.sel $0xFFFF  }
0xc0: {  	[dreg:$0x0] =	wrdreg $0xFFFFFFFF;
	(pc) =	sbr.abs _section_cstart, $3  }
0xc1: {  	[dreg:$0x1] =	wrdreg $0xFFFFFFFF  }
0xc2: {  	_ =	task.clear_ibuf [dreg:s7], $0x2FFFF;
	_ =	strace $0x9FFFFFFF  }
0xc3: {  	(tm) =	ssettm $0x7FFFFFFF  }
tec
execute0_lowered:
.L_overlay_start_1:
0x0: {  	(tag) =	ssettag $0x1  }
0x1: {  	s4 =	rddreg [dreg:$0x0]  }
0x2: {  	s9 =	rddreg [dreg:$0x1]  }
0x3: {  	s2 =	rddreg [dreg:$0x2]  }
0x4: {  	s3 =	srdreg.scid;
	s0 =	rddreg [dreg:$0x3]  }
0x5: {  	s1 =	stileid.u32;
	s14 =	sand.u32 $0x1, s3;
	s3 =	simm.s32 $0x0  }
0x6: {  	s5 =	sshll.u32 s1, $0x9;
	s31 =	sshll.u32 s1, $0xB;
	s8 =	sshll.u32 s1, $0xE  }
0x7: {  	s16 =	sshll.u32 s1, $0x6;
	s6 =	sshll.u32 s14, $0x8;
	[smem:$0x7FF] =	sst s3  }
0x8: {  	s15 =	sadd.s32 s31, s4;
	s8 =	sadd.s32 s8, s2;
	s7 =	sor.u32 s6, s5  }
0x9: {  	_ =	strace $0x80000056;
	s5 =	sshll.u32 s7, $0x4;
	s10 =	sshrl.u32 s7, $0x3  }
0xa: {  	s7 =	sshrl.u32 s8, $0x3;
	s8 =	simm.s32 $0x100;
	s30 =	sadd.s32 s5, s4  }
0xb: {  	s4 =	sadd.s32 $0x30C00, s15;
	s5 =	sor.u32 $0x1C01, s16;
	s6 =	sadd.s32 $0x10C00, s30  }
0xc: {  	[spmem:s7], [sflag:s5] =	dma.local [hbm:s4], $0x800  }
0xd: {  	[tilespmem:s8], [sflag:$0x1] =	stream.linear.gather [hbm4b:s6+s3], $0x8000, $0x38;
	[tilespmem:$0xA100] =	vst v63  }
0xe: {  	s9 =	sadd.s32 s9, s10  }
0xf: {  	[tilespmem:s3], [sflag:$0x1] =	stream.linear.gather [hbm4b:s9+s3], $0x80, $0x38;
	[tilespmem:$0xA100] =	vst v63  }
0x10: {  	s11 =	simm.s32 $0x80;
	s12 =	simm.s32 $0x1;
	s10 =	sadd.s32 $0x10, s9  }
0x11: {  	[tilespmem:s11], [sflag:$0x1] =	stream.linear.gather [hbm4b:s10+s3], $0x80, $0x38;
	[tilespmem:$0xA100] =	vst v63  }
0x12: {  	_ =	swait.ge [sflag:s12], $0x800  }
0x13: {  	[sflag:s12] =	ssyncset.done $0x0  }
0x14: {  	[sflag:s12] =	ssyncadd.s32 $0xFFFFF800  }
0x15: {  	_ =	swait.ge [sflag:s12], $0x8000  }
0x16: {  	[sflag:s12] =	ssyncset.done $0x0  }
0x17: {  	[sflag:s12] =	ssyncadd.s32 $0xFFFF8000  }
0x18: {  	_ =	swait.ge [sflag:s12], $0x80  }
0x19: {  	[sflag:s12] =	ssyncset.done $0x0  }
0x1a: {  	[sflag:s12] =	ssyncadd.s32 $0xFFFFFF80  }
0x1b: {  	_ =	swait.ge [sflag:s12], $0x80  }
0x1c: {  	[sflag:s12] =	ssyncset.done $0x0  }
0x1d: {  	[sflag:s12] =	ssyncadd.s32 $0xFFFFFF80  }
0x1e: {  	[bflag:$0x0] =	sbarrier.arrive $0xFFFF  }
0x1f: {  	[spmem:s2] =	stream.indirect.scatter.add.f32 [tilespmem:s8], [sflag:$0x1], $0x40, s3, s11, $0xb8;
	[tilespmem:$0xA100] =	vst v63  }
0x20: {  	s13 =	simm.s32 $0x4100  }
0x21: {  	[spmem:s2] =	stream.indirect.scatter.add.f32 [tilespmem:s13], [sflag:$0x1], $0x40, s11, s11, $0xb8;
	[tilespmem:$0xA100] =	vst v63  }
0x22: {  	s17 =	ssub.s32 $0x2, s14;
	_ =	swait.ge [sflag:s12], $0x2000  }
0x23: {  	s18 =	sshrl.u32 s17, $0x1;
	[sflag:s12] =	ssyncset.done $0x0  }
0x24: {  	s17 =	ssub.s32 s17, s18;
	[sflag:s12] =	ssyncadd.s32 $0xFFFFE000  }
0x25: {  	s14 =	sshll.u32 s14, $0xF;
	s17 =	smax.u32 s17, $0x1;
	_ =	swait.ge [sflag:s12], $0x2000  }
0x26: {  	s14 =	sadd.s32 s14, s15;
	p0 =	sne.s32 s17, $0x1;
	[sflag:s12] =	ssyncset.done $0x0  }
.Ltmp0:
0x27: {  	s14 =	sadd.s32 $0x38C00, s14;
	[sflag:s12] =	ssyncadd.s32 $0xFFFFE000;
	(pc) =	sbr.rel @!p0 .LBB2_2-.Ltmp0, $4  }
0x28: {  	s16 =	sor.u32 $0x1C02, s16;
	s15 =	simm.s32 $0x2;
	[bflag:$0x0] =	sbarrier.arrive $0xFFFF  }
0x29: {  	[hbm:s14], [sflag:s16] =	dma.local [spmem:s7], $0x800  }
0x2a: {  	_ =	swait.ge [sflag:s15], $0x800  }
0x2b: {  	s17 =	sadd.s32 $0xFFFFFFFF, s17;
	[sflag:s15] =	ssyncset.done $0x0  }
.LBB2_1:
0x2c: {  	p0 =	sne.s32 s17, $0x1;
	s17 =	sadd.s32 $0xFFFFFFFF, s17;
	[sflag:s15] =	ssyncadd.s32 $0xFFFFF800  }
0x2d: {  	[spmem:s7], [sflag:s5] =	dma.local [hbm:s4], $0x800  }
0x2e: {  	[tilespmem:s8], [sflag:$0x1] =	stream.linear.gather [hbm4b:s6+s3], $0x8000, $0x38;
	[tilespmem:$0xA100] =	vst v63  }
0x2f: {  	_ = 	snop  }
0x30: {  	[tilespmem:s3], [sflag:$0x1] =	stream.linear.gather [hbm4b:s9+s3], $0x80, $0x38;
	[tilespmem:$0xA100] =	vst v63  }
0x31: {  	_ = 	snop  }
0x32: {  	[tilespmem:s11], [sflag:$0x1] =	stream.linear.gather [hbm4b:s10+s3], $0x80, $0x38;
	[tilespmem:$0xA100] =	vst v63  }
0x33: {  	_ =	swait.ge [sflag:s12], $0x800  }
0x34: {  	[sflag:s12] =	ssyncset.done $0x0  }
0x35: {  	[sflag:s12] =	ssyncadd.s32 $0xFFFFF800  }
0x36: {  	_ =	swait.ge [sflag:s12], $0x8000  }
0x37: {  	[sflag:s12] =	ssyncset.done $0x0  }
0x38: {  	[sflag:s12] =	ssyncadd.s32 $0xFFFF8000  }
0x39: {  	_ =	swait.ge [sflag:s12], $0x80  }
0x3a: {  	[sflag:s12] =	ssyncset.done $0x0  }
0x3b: {  	[sflag:s12] =	ssyncadd.s32 $0xFFFFFF80  }
0x3c: {  	_ =	swait.ge [sflag:s12], $0x80  }
0x3d: {  	[sflag:s12] =	ssyncset.done $0x0  }
0x3e: {  	[sflag:s12] =	ssyncadd.s32 $0xFFFFFF80  }
0x3f: {  	[bflag:$0x0] =	sbarrier.arrive $0xFFFF  }
0x40: {  	[spmem:s2] =	stream.indirect.scatter.add.f32 [tilespmem:s8], [sflag:$0x1], $0x40, s3, s11, $0xb8;
	[tilespmem:$0xA100] =	vst v63  }
0x41: {  	_ = 	snop  }
0x42: {  	[spmem:s2] =	stream.indirect.scatter.add.f32 [tilespmem:s13], [sflag:$0x1], $0x40, s11, s11, $0xb8;
	[tilespmem:$0xA100] =	vst v63  }
0x43: {  	_ =	swait.ge [sflag:s12], $0x2000  }
0x44: {  	[sflag:s12] =	ssyncset.done $0x0  }
0x45: {  	[sflag:s12] =	ssyncadd.s32 $0xFFFFE000  }
0x46: {  	_ =	swait.ge [sflag:s12], $0x2000  }
0x47: {  	[sflag:s12] =	ssyncset.done $0x0  }
.Ltmp1:
0x48: {  	[sflag:s12] =	ssyncadd.s32 $0xFFFFE000;
	(pc) =	sbr.rel @p0 .LBB2_1-.Ltmp1, $4  }
0x49: {  	[bflag:$0x0] =	sbarrier.arrive $0xFFFF  }
0x4a: {  	[hbm:s14], [sflag:s16] =	dma.local [spmem:s7], $0x800  }
0x4b: {  	_ =	swait.ge [sflag:s15], $0x800  }
0x4c: {  	[sflag:s15] =	ssyncset.done $0x0  }
.LBB2_2:
0x4d: {  	[sflag:s15] =	ssyncadd.s32 $0xFFFFF800  }
0x4e: {  	_ =	sfence.sel $0x180000  }
0x4f: {  	[bflag:$0x0] =	sbarrier.arrive $0xFFFF  }
0x50: {  	p0 =	sne.s32 s1, $0x0;
	_ =	strace $0x90000056  }
0x51: {  	s0 =	sadd.s32 @!p0 $0x100000, s0;
	[bflag:$0x2] =	sbarrier.arrive $0xFFFF  }
0x52: {  	[sflag:s0] =	ssyncadd.tile.s32 @!p0 $0x1;
	_ =	shalt  }
.Lfunc_end2:
_tile_overlayer_lowered:
.L_overlay_start_2:
0x53: {  	(tag) =	ssettag $0x2  }
0x54: {  	s0 =	rddreg [dreg:$0x0];
	s2 =	stileid.u32  }
0x55: {  	s1 =	rddreg [dreg:$0x1];
	p0 =	sne.s32 s2, $0x0  }
0x56: {  	s3 =	rddreg [dreg:$0x2];
	[bflag:$0x3] =	sbarrier.arrive $0xFFFF;
	s2 =	simm.s32 @!p0 $0x1C02  }
0x57: {  	[timem:s3], [sflag:s2] =	dma.local @!p0 [hbm:s0], s1  }
0x58: {  	s0 =	simm.s32 @!p0 $0x2  }
0x59: {  	_ =	swait.ge @!p0 [sflag:s0], s1  }
0x5a: {  	s1 =	ssub.s32 @!p0 $0x0, s1;
	[sflag:s0] =	ssyncset.done @!p0 $0x0  }
0x5b: {  	[sflag:s0] =	ssyncadd.s32 @!p0 s1  }
0x5c: {  	[bflag:$0x3] =	sbarrier.arrive $0xFFFF  }
0x5d: {  	_ =	shalt  }

</sc_bundles>
